<compile_context>
chip_gen: v7x
topology: tpu7x:2x2x1
jax: 0.10.2.dev20260603
libtpu: 0.0.44.dev20260713+nightly
codegen_flags: <defaults>
</compile_context>

<pallas_src>
import functools

import jax
import jax.numpy as jnp
from jax import lax
from jax.experimental import pallas as pl
from jax.experimental.pallas import tpu as pltpu
from jax.experimental.pallas import tpu_sc as plsc

_L = 16
_NB = 1024
_CH = 8192
_G = 4

_NEG_INF_PAIR = -8323200


def _pack_rows(top, bot):
    t = lax.bitcast_convert_type(top.astype(jnp.bfloat16), jnp.uint16)
    b = lax.bitcast_convert_type(bot.astype(jnp.bfloat16), jnp.uint16)
    u = t.astype(jnp.uint32) | (b.astype(jnp.uint32) << 16)
    return lax.bitcast_convert_type(u, jnp.int32)


def _unpack_rows(p):
    u = lax.bitcast_convert_type(p, jnp.uint32)
    lo = lax.bitcast_convert_type((u & 0xFFFF).astype(jnp.uint16),
                                  jnp.bfloat16).astype(jnp.float32)
    hi = lax.bitcast_convert_type((u >> 16).astype(jnp.uint16),
                                  jnp.bfloat16).astype(jnp.float32)
    return jnp.concatenate([lo, hi], axis=0)



def _pack_edges_body(src_ref, dst_ref, out_ref):
    out_ref[...] = src_ref[...] | (dst_ref[...] << 16)


def _tc1_body(x_ref, u_ref, v_ref, b_ref, xT_ref, a_ref, bp_ref):
    xT = x_ref[...].T
    xT_ref[...] = xT
    C = xT.shape[0]
    a_ref[...] = jnp.dot(u_ref[...], xT, preferred_element_type=jnp.float32) + b_ref[...]
    bm = jnp.dot(v_ref[...], xT, preferred_element_type=jnp.float32)
    bp_ref[...] = _pack_rows(bm[:C // 2], bm[C // 2:])


def _lrelu_gate(sp, a):
    P = sp.shape[0] // 2
    s = jnp.maximum(_unpack_rows(sp[:P]), _unpack_rows(sp[P:]))
    z = a + s
    h = jnp.where(z >= 0, z, 0.2 * z)
    return jnp.where(s == -jnp.inf, 0.0, h)


def _tc2_body(xT_ref, sp_ref, a0_ref, u1x_ref, u1h_ref, v1x_ref, v1h_ref,
              b_ref, h0_ref, a1_ref, b1p_ref):
    h0 = _lrelu_gate(sp_ref[...], a0_ref[...])
    h0_ref[...] = h0
    xT = xT_ref[...]
    C = xT.shape[0]
    dot = lambda w, m: jnp.dot(w, m, preferred_element_type=jnp.float32)
    a1_ref[...] = dot(u1x_ref[...], xT) + dot(u1h_ref[...], h0) + b_ref[...]
    b1 = dot(v1x_ref[...], xT) + dot(v1h_ref[...], h0)
    b1p_ref[...] = _pack_rows(b1[:C // 2], b1[C // 2:])


def _tc3_body(xT_ref, h0_ref, sp_ref, a1_ref, wx_ref, wh0_ref, wh1_ref,
              b_ref, out_ref):
    h1 = _lrelu_gate(sp_ref[...], a1_ref[...])
    xT = xT_ref[...]
    dot = lambda w, m: jnp.dot(w, m, preferred_element_type=jnp.float32)
    resT = (dot(wx_ref[...], xT) + dot(wh0_ref[...], h0_ref[...])
            + dot(wh1_ref[...], h1) + b_ref[...] + xT)
    out_ref[...] = resT.T


def _make_tc_calls(N, C, interpret=False):
    g = N // _NB
    full = pl.BlockSpec((C, C), lambda i: (0, 0))
    bias = pl.BlockSpec((C, 1), lambda i: (0, 0))
    colT = pl.BlockSpec((C, _NB), lambda i: (0, i))
    colP = pl.BlockSpec((C // 2, _NB), lambda i: (0, i))
    colS = pl.BlockSpec((C, _NB), lambda i: (0, i))
    rows = pl.BlockSpec((_NB, C), lambda i: (i, 0))
    fTN = jax.ShapeDtypeStruct((C, N), jnp.float32)
    iPN = jax.ShapeDtypeStruct((C // 2, N), jnp.int32)

    tc1 = pl.pallas_call(
        _tc1_body, grid=(g,),
        in_specs=[rows, full, full, bias],
        out_specs=[colT, colT, colP],
        out_shape=[fTN, fTN, iPN],
        interpret=interpret)
    tc2 = pl.pallas_call(
        _tc2_body, grid=(g,),
        in_specs=[colT, colS, colT, full, full, full, full, bias],
        out_specs=[colT, colT, colP],
        out_shape=[fTN, fTN, iPN],
        interpret=interpret)
    tc3 = pl.pallas_call(
        _tc3_body, grid=(g,),
        in_specs=[colT, colT, colS, colT, full, full, full, bias],
        out_specs=rows,
        out_shape=jax.ShapeDtypeStruct((N, C), jnp.float32),
        interpret=interpret)
    return tc1, tc2, tc3



def _make_segmax(N, C, E):
    info = plsc.get_sparse_core_info()
    NC, NS = info.num_cores, info.num_subcores
    NW = NC * NS
    P = C // 2
    ES = 2
    FG = NW // ES
    assert P % FG == 0
    RPW = P // FG
    assert N % _L == 0 and (RPW * N) % 8 == 0
    assert E % (2 * ES * _CH) == 0 and _CH % (_G * _L) == 0
    mesh = plsc.VectorSubcoreMesh(core_axis_name="c", subcore_axis_name="s")

    NCH = E // _CH // ES
    assert NCH % 2 == 0

    @functools.partial(
        pl.kernel, mesh=mesh,
        out_type=jax.ShapeDtypeStruct((ES * P * N,), jnp.int32),
        compiler_params=pltpu.CompilerParams(needs_layout_passes=False),
        scratch_types=(
            [pltpu.VMEM((N,), jnp.int32)] * RPW
            + [pltpu.VMEM((N,), jnp.int32)] * RPW
            + [pltpu.VMEM((_CH,), jnp.int32)] * 2
            + [pltpu.SemaphoreType.DMA] * 2))
    def segmax(bp_hbm, e_hbm, out_hbm, *scratch):
        b_v = scratch[:RPW]
        s_v = scratch[RPW:2 * RPW]
        ebuf = scratch[2 * RPW:2 * RPW + 2]
        sem = scratch[2 * RPW + 2:2 * RPW + 4]
        wid = lax.axis_index("s") * NC + lax.axis_index("c")
        fgid = wid // ES
        egid = wid % ES
        fbase = fgid * RPW * N
        cbase = egid * NCH
        for b in range(2):
            pltpu.async_copy(
                e_hbm.at[pl.ds((cbase + b) * _CH, _CH)], ebuf[b], sem[b])
        for j in range(RPW):
            pltpu.sync_copy(bp_hbm.at[pl.ds(fbase + j * N, N)], b_v[j])

        ninf = jnp.full((_L,), _NEG_INF_PAIR, jnp.int32)

        def init_body(i, c):
            for j in range(RPW):
                s_v[j][pl.ds(i * _L, _L)] = ninf
            return c
        lax.fori_loop(0, N // _L, init_body, 0)

        def pairmax(cur_i, val_i):
            m = jnp.maximum(plsc.bitcast(cur_i, jnp.bfloat16),
                            plsc.bitcast(val_i, jnp.bfloat16))
            mi = plsc.bitcast(m, jnp.int32)
            return mi, mi != cur_i

        def unpack_idx(ev, off):
            v = ev[pl.ds(off, _L)]
            s_idx = v & 0xFFFF
            d_idx = lax.shift_right_logical(v, 16)
            return s_idx, d_idx

        def onepass(ev, off, s_v):
            s_idx, d_idx = unpack_idx(ev, off)
            vals = [plsc.load_gather(b_v[j], [s_idx]) for j in range(RPW)]
            cnt, last = plsc.scan_count(d_idx)
            dup = jnp.logical_or(jnp.logical_not(last), cnt > 0)
            curs = [plsc.load_gather(s_v[j], [d_idx]) for j in range(RPW)]
            chg = None
            for j in range(RPW):
                mi, ch = pairmax(curs[j], vals[j])
                plsc.store_scatter(s_v[j], [d_idx], mi, mask=ch)
                chg = ch if chg is None else jnp.logical_or(chg, ch)
            return jnp.logical_and(dup, chg)

        def fixpoint(ev, off, s_v):
            s_idx, d_idx = unpack_idx(ev, off)
            vals = [plsc.load_gather(b_v[j], [s_idx]) for j in range(RPW)]
            cnt, _ = plsc.scan_count(d_idx)
            hasdup = jnp.any(cnt > 0)

            def fix_body(_):
                chg = None
                for j in range(RPW):
                    cur = plsc.load_gather(s_v[j], [d_idx])
                    mi, ch = pairmax(cur, vals[j])
                    plsc.store_scatter(s_v[j], [d_idx], mi, mask=ch)
                    chg = ch if chg is None else jnp.logical_or(chg, ch)
                return jnp.logical_and(hasdup, jnp.any(chg))
            lax.while_loop(lambda r: r, fix_body, jnp.bool_(True))

        def make_group_body(ev):
            def group_body(gi, c):
                base = gi * (_G * _L)
                conflict = onepass(ev, base, s_v)
                for u in range(1, _G):
                    conflict = jnp.logical_or(
                        conflict, onepass(ev, base + u * _L, s_v))

                @pl.when(jnp.any(conflict))
                def _():
                    for u in range(_G):
                        fixpoint(ev, base + u * _L, s_v)
                return c
            return group_body

        group_bodies = [make_group_body(ebuf[b]) for b in range(2)]

        def pair_body(cp, c):
            for b in range(2):
                ci = cp * 2 + b
                pltpu.make_async_copy(
                    e_hbm.at[pl.ds(0, _CH)], ebuf[b], sem[b]).wait()
                lax.fori_loop(0, _CH // (_G * _L), group_bodies[b], 0)
                nxt = ci + 2

                @pl.when(nxt < NCH)
                def _():
                    pltpu.async_copy(
                        e_hbm.at[pl.ds((cbase + nxt) * _CH, _CH)],
                        ebuf[b], sem[b])
            return c
        lax.fori_loop(0, NCH // 2, pair_body, 0)

        obase = egid * P * N + fbase
        for j in range(RPW):
            pltpu.sync_copy(s_v[j], out_hbm.at[pl.ds(obase + j * N, N)])

    return segmax



def kernel(x, edge_index, W0, b0, W1, b1, Wd, bd):
    Nin, C = x.shape
    E = edge_index.shape[1]
    src = edge_index[0]
    dst = edge_index[1]
    N = ((Nin + _NB - 1) // _NB) * _NB
    if N != Nin:
        x = jnp.pad(x, ((0, N - Nin), (0, 0)))
    if E % (4 * _CH):
        pad = 4 * _CH - E % (4 * _CH)
        src = jnp.concatenate([src, jnp.broadcast_to(src[-1:], (pad,))])
        dst = jnp.concatenate([dst, jnp.broadcast_to(dst[-1:], (pad,))])
        E += pad

    U0t = (W0[:C] - W0[C:]).T
    V0t = W0[C:].T
    U1 = W1[:2 * C] - W1[2 * C:]
    V1 = W1[2 * C:]
    U1xt, U1ht = U1[:C].T, U1[C:].T
    V1xt, V1ht = V1[:C].T, V1[C:].T
    Wxt, Wh0t, Wh1t = Wd[:C].T, Wd[C:2 * C].T, Wd[2 * C:].T
    b0c = b0.reshape(C, 1)
    b1c = b1.reshape(C, 1)
    bdc = bd.reshape(C, 1)

    tc1, tc2, tc3 = _make_tc_calls(N, C)
    segmax = _make_segmax(N, C, E)

    er = E // 128
    pack = pl.pallas_call(
        _pack_edges_body,
        out_shape=jax.ShapeDtypeStruct((er, 128), jnp.int32))
    ep = pack(src.reshape(er, 128), dst.reshape(er, 128)).reshape(-1)

    xT, A0T, B0P = tc1(x, U0t, V0t, b0c)
    S0P = segmax(B0P.reshape(-1), ep).reshape(C, N)
    h0T, A1T, B1P = tc2(xT, S0P, A0T, U1xt, U1ht, V1xt, V1ht, b1c)
    S1P = segmax(B1P.reshape(-1), ep).reshape(C, N)
    out = tc3(xT, h0T, S1P, A1T, Wxt, Wh0t, Wh1t, bdc)
    return out[:Nin]

# --- scband reference (transcript-rebuilt; emitter-appended) ---
"""Pipeline reference for scband-inception-dense-gcn-89816356094626 (READ-ONLY COPY).

The authoritative reference and input builder live on the scoring server;
editing this copy changes nothing except your own understanding.
"""

import jax, jax.numpy as jnp
import numpy as np

N = 10000
E = 320000
C = 128          # in_channels == growth_rate == out_channels of DenseGCN
N_BLOCKS = 2


def setup_inputs(seed: int = 0) -> dict:
    key = jax.random.key(seed)
    ks = jax.random.split(key, 12)
    x = jax.random.normal(ks[0], (N, C), dtype=jnp.float32)
    edge_index = jax.random.randint(ks[1], (2, E), 0, N, dtype=jnp.int32)
    # DenseGraphBlock (EdgeConv) params: block i maps 2*(C + i*C) -> C
    W0 = jax.random.normal(ks[2], (2 * C, C), dtype=jnp.float32) * 0.05
    b0 = jnp.zeros((C,), dtype=jnp.float32)
    W1 = jax.random.normal(ks[3], (2 * (2 * C), C), dtype=jnp.float32) * 0.05
    b1 = jnp.zeros((C,), dtype=jnp.float32)
    # lin_down: (C + n_blocks*C) -> C
    Wd = jax.random.normal(ks[4], ((1 + N_BLOCKS) * C, C), dtype=jnp.float32) * 0.05
    bd = jnp.zeros((C,), dtype=jnp.float32)
    return {"x": x, "edge_index": edge_index, "W0": W0, "b0": b0,
            "W1": W1, "b1": b1, "Wd": Wd, "bd": bd}


def _dense_edge_block(x, edge_index, W, b):
    # EdgeConv message: nn(cat[x_i, x_j - x_i]) with leaky_relu, max aggregation at dst,
    # then dense concat: cat([x, h], -1)
    src = edge_index[0]
    dst = edge_index[1]
    xi = jnp.take(x, dst, axis=0)
    xj = jnp.take(x, src, axis=0)
    m = jnp.concatenate([xi, xj - xi], axis=-1) @ W + b
    m = jax.nn.leaky_relu(m, negative_slope=0.2)
    h = jax.ops.segment_max(m, dst, num_segments=x.shape[0])
    h = jnp.where(jnp.isneginf(h), 0.0, h)  # nodes with no in-edges -> 0
    return jnp.concatenate([x, h], axis=-1)


def reference(x, edge_index, W0, b0, W1, b1, Wd, bd):
    # InceptionDenseGCN with dilations=(1,), dynamic=False: Dilated(k, 1) is identity
    # on the provided edge_index; single parallel branch; use_residual=True.
    inputs = x
    h = _dense_edge_block(x, edge_index, W0, b0)
    h = _dense_edge_block(h, edge_index, W1, b1)
    res = h @ Wd + bd
    res = res + inputs
    return res

if __name__ == "__main__":
    import jax
    _d = setup_inputs()
    print(jax.jit(kernel)(*tuple(_d.values())))

</pallas_src>

<mosaic_0001>
#map = affine_map<(d0, d1) -> (0)>
module attributes {stable_mosaic.version = 14 : i64} {
  func.func @segmax(%arg0: i32, %arg1: i32, %arg2: memref<655360xi32, #tpu.memory_space<hbm>>, %arg3: memref<327680xi32, #tpu.memory_space<hbm>>, %arg4: memref<1310720xi32, #tpu.memory_space<hbm>>, %arg5: memref<10240xi32, #tpu.memory_space<vmem>>, %arg6: memref<10240xi32, #tpu.memory_space<vmem>>, %arg7: memref<10240xi32, #tpu.memory_space<vmem>>, %arg8: memref<10240xi32, #tpu.memory_space<vmem>>, %arg9: memref<10240xi32, #tpu.memory_space<vmem>>, %arg10: memref<10240xi32, #tpu.memory_space<vmem>>, %arg11: memref<10240xi32, #tpu.memory_space<vmem>>, %arg12: memref<10240xi32, #tpu.memory_space<vmem>>, %arg13: memref<8192xi32, #tpu.memory_space<vmem>>, %arg14: memref<8192xi32, #tpu.memory_space<vmem>>, %arg15: memref<!tpu.dma_semaphore, #tpu.memory_space<semaphore_mem>>, %arg16: memref<!tpu.dma_semaphore, #tpu.memory_space<semaphore_mem>>) attributes {dimension_semantics = [#tpu.dimension_semantics<core_parallel>, #tpu.dimension_semantics<subcore_parallel>], iteration_bounds = array<i64: 2, 16>, scalar_prefetch = 0 : i64, scratch_operands = 12 : i64, tpu.core_type = #tpu.core_type<sc_vector_subcore>, window_params = [{transform_indices = #map}, {transform_indices = #map}, {transform_indices = #map}]} {
    %mul3A = arith.constant 2 : i32
    %mul3A_0 = arith.muli %arg1, %mul3A : i32
    %add3A = arith.addi %mul3A_0, %arg0 : i32
    %jit3A = arith.constant 2 : i32
    %div3A = arith.divsi %add3A, %jit3A : i32
    %sign3A = arith.constant 0 : i32
    %sign3A_1 = arith.cmpi sgt, %add3A, %sign3A : i32
    %sign3A_2 = arith.extui %sign3A_1 : i1 to i32
    %sign3A_3 = arith.constant 0 : i32
    %sign3A_4 = arith.cmpi slt, %add3A, %sign3A_3 : i32
    %sign3A_5 = arith.extui %sign3A_4 : i1 to i32
    %sign3A_6 = arith.subi %sign3A_2, %sign3A_5 : i32
    %sign3A_7 = arith.constant 0 : i32
    %sign3A_8 = arith.cmpi sgt, %jit3A, %sign3A_7 : i32
    %sign3A_9 = arith.extui %sign3A_8 : i1 to i32
    %sign3A_10 = arith.constant 0 : i32
    %sign3A_11 = arith.cmpi slt, %jit3A, %sign3A_10 : i32
    %sign3A_12 = arith.extui %sign3A_11 : i1 to i32
    %sign3A_13 = arith.subi %sign3A_9, %sign3A_12 : i32
    %ne3A = arith.cmpi ne, %sign3A_6, %sign3A_13 : i32
    %rem3A = arith.remsi %add3A, %jit3A : i32
    %ne3A_14 = arith.constant 0 : i32
    %ne3A_15 = arith.cmpi ne, %rem3A, %ne3A_14 : i32
    %and3A = arith.andi %ne3A, %ne3A_15 : i1
    %sub3A = arith.constant 1 : i32
    %sub3A_16 = arith.subi %div3A, %sub3A : i32
    %select_n3A = arith.select %and3A, %sub3A_16, %div3A : i32
    %jit3A_17 = arith.constant 2 : i32
    %eq3A = arith.constant 0 : i32
    %eq3A_18 = arith.cmpi eq, %jit3A_17, %eq3A : i32
    %jit3A_19 = arith.constant 1 : i32
    %select_n3A_20 = arith.select %eq3A_18, %jit3A_19, %jit3A_17 : i32
    %rem3A_21 = arith.remsi %add3A, %select_n3A_20 : i32
    %ne3A_22 = arith.constant 0 : i32
    %ne3A_23 = arith.cmpi ne, %rem3A_21, %ne3A_22 : i32
    %lt3A = arith.constant 0 : i32
    %lt3A_24 = arith.cmpi slt, %rem3A_21, %lt3A : i32
    %lt3A_25 = arith.constant 0 : i32
    %lt3A_26 = arith.cmpi slt, %select_n3A_20, %lt3A_25 : i32
    %ne3A_27 = arith.xori %lt3A_24, %lt3A_26 : i1
    %and3A_28 = arith.andi %ne3A_27, %ne3A_23 : i1
    %add3A_29 = arith.addi %rem3A_21, %select_n3A_20 : i32
    %select_n3A_30 = arith.select %and3A_28, %add3A_29, %rem3A_21 : i32
    %mul3A_31 = arith.constant 4 : i32
    %mul3A_32 = arith.muli %select_n3A, %mul3A_31 : i32
    %mul3A_33 = arith.constant 10240 : i32
    %mul3A_34 = arith.muli %mul3A_32, %mul3A_33 : i32
    %mul3A_35 = arith.constant 20 : i32
    %mul3A_36 = arith.muli %select_n3A_30, %mul3A_35 : i32
    %add3A_37 = arith.constant 0 : i32
    %add3A_38 = arith.addi %mul3A_36, %add3A_37 : i32
    %mul3A_39 = arith.constant 8192 : i32
    %mul3A_40 = arith.muli %add3A_38, %mul3A_39 : i32
    %dma_start3A = tpu.memref_slice %arg3[%mul3A_40] : memref<327680xi32, #tpu.memory_space<hbm>> -> memref<8192xi32, #tpu.memory_space<hbm>>
    %dma_start3A_41 = tpu.memref_slice %arg3[%mul3A_40] : memref<327680xi32, #tpu.memory_space<hbm>> -> memref<8192xi32, #tpu.memory_space<hbm>>
    tpu.enqueue_dma source(%dma_start3A_41 : memref<8192xi32, #tpu.memory_space<hbm>>) target(%arg13 : memref<8192xi32, #tpu.memory_space<vmem>>) target_semaphore(%arg15 : memref<!tpu.dma_semaphore, #tpu.memory_space<semaphore_mem>>)
    %add3A_42 = arith.constant 1 : i32
    %add3A_43 = arith.addi %mul3A_36, %add3A_42 : i32
    %mul3A_44 = arith.constant 8192 : i32
    %mul3A_45 = arith.muli %add3A_43, %mul3A_44 : i32
    %dma_start3A_46 = tpu.memref_slice %arg3[%mul3A_45] : memref<327680xi32, #tpu.memory_space<hbm>> -> memref<8192xi32, #tpu.memory_space<hbm>>
    %dma_start3A_47 = tpu.memref_slice %arg3[%mul3A_45] : memref<327680xi32, #tpu.memory_space<hbm>> -> memref<8192xi32, #tpu.memory_space<hbm>>
    tpu.enqueue_dma source(%dma_start3A_47 : memref<8192xi32, #tpu.memory_space<hbm>>) target(%arg14 : memref<8192xi32, #tpu.memory_space<vmem>>) target_semaphore(%arg16 : memref<!tpu.dma_semaphore, #tpu.memory_space<semaphore_mem>>)
    %add3A_48 = arith.constant 0 : i32
    %add3A_49 = arith.addi %mul3A_34, %add3A_48 : i32
    "tpu.region"() ({
      %run_scoped3A = tpu.sem_alloc : memref<!tpu.dma_semaphore, #tpu.memory_space<semaphore_mem>>
      %dma_start3A_81 = tpu.memref_slice %arg2[%add3A_49] : memref<655360xi32, #tpu.memory_space<hbm>> -> memref<10240xi32, #tpu.memory_space<hbm>>
      %dma_start3A_82 = tpu.memref_slice %arg2[%add3A_49] : memref<655360xi32, #tpu.memory_space<hbm>> -> memref<10240xi32, #tpu.memory_space<hbm>>
      tpu.enqueue_dma source(%dma_start3A_82 : memref<10240xi32, #tpu.memory_space<hbm>>) target(%arg5 : memref<10240xi32, #tpu.memory_space<vmem>>) target_semaphore(%run_scoped3A : memref<!tpu.dma_semaphore, #tpu.memory_space<semaphore_mem>>)
      %dma_wait3A = tpu.memref_slice %arg2[%add3A_49] : memref<655360xi32, #tpu.memory_space<hbm>> -> memref<10240xi32, #tpu.memory_space<hbm>>
      %dma_wait3A_83 = tpu.memref_slice %arg2[%add3A_49] : memref<655360xi32, #tpu.memory_space<hbm>> -> memref<10240xi32, #tpu.memory_space<hbm>>
      tpu.wait_dma2 semaphore(%run_scoped3A : memref<!tpu.dma_semaphore, #tpu.memory_space<semaphore_mem>>) src(%dma_wait3A_83 : memref<10240xi32, #tpu.memory_space<hbm>>) dst(%arg5 : memref<10240xi32, #tpu.memory_space<vmem>>)
      tpu.yield
    }) : () -> ()
    %add3A_50 = arith.constant 10240 : i32
    %add3A_51 = arith.addi %mul3A_34, %add3A_50 : i32
    "tpu.region"() ({
      %run_scoped3A = tpu.sem_alloc : memref<!tpu.dma_semaphore, #tpu.memory_space<semaphore_mem>>
      %dma_start3A_81 = tpu.memref_slice %arg2[%add3A_51] : memref<655360xi32, #tpu.memory_space<hbm>> -> memref<10240xi32, #tpu.memory_space<hbm>>
      %dma_start3A_82 = tpu.memref_slice %arg2[%add3A_51] : memref<655360xi32, #tpu.memory_space<hbm>> -> memref<10240xi32, #tpu.memory_space<hbm>>
      tpu.enqueue_dma source(%dma_start3A_82 : memref<10240xi32, #tpu.memory_space<hbm>>) target(%arg6 : memref<10240xi32, #tpu.memory_space<vmem>>) target_semaphore(%run_scoped3A : memref<!tpu.dma_semaphore, #tpu.memory_space<semaphore_mem>>)
      %dma_wait3A = tpu.memref_slice %arg2[%add3A_51] : memref<655360xi32, #tpu.memory_space<hbm>> -> memref<10240xi32, #tpu.memory_space<hbm>>
      %dma_wait3A_83 = tpu.memref_slice %arg2[%add3A_51] : memref<655360xi32, #tpu.memory_space<hbm>> -> memref<10240xi32, #tpu.memory_space<hbm>>
      tpu.wait_dma2 semaphore(%run_scoped3A : memref<!tpu.dma_semaphore, #tpu.memory_space<semaphore_mem>>) src(%dma_wait3A_83 : memref<10240xi32, #tpu.memory_space<hbm>>) dst(%arg6 : memref<10240xi32, #tpu.memory_space<vmem>>)
      tpu.yield
    }) : () -> ()
    %add3A_52 = arith.constant 20480 : i32
    %add3A_53 = arith.addi %mul3A_34, %add3A_52 : i32
    "tpu.region"() ({
      %run_scoped3A = tpu.sem_alloc : memref<!tpu.dma_semaphore, #tpu.memory_space<semaphore_mem>>
      %dma_start3A_81 = tpu.memref_slice %arg2[%add3A_53] : memref<655360xi32, #tpu.memory_space<hbm>> -> memref<10240xi32, #tpu.memory_space<hbm>>
      %dma_start3A_82 = tpu.memref_slice %arg2[%add3A_53] : memref<655360xi32, #tpu.memory_space<hbm>> -> memref<10240xi32, #tpu.memory_space<hbm>>
      tpu.enqueue_dma source(%dma_start3A_82 : memref<10240xi32, #tpu.memory_space<hbm>>) target(%arg7 : memref<10240xi32, #tpu.memory_space<vmem>>) target_semaphore(%run_scoped3A : memref<!tpu.dma_semaphore, #tpu.memory_space<semaphore_mem>>)
      %dma_wait3A = tpu.memref_slice %arg2[%add3A_53] : memref<655360xi32, #tpu.memory_space<hbm>> -> memref<10240xi32, #tpu.memory_space<hbm>>
      %dma_wait3A_83 = tpu.memref_slice %arg2[%add3A_53] : memref<655360xi32, #tpu.memory_space<hbm>> -> memref<10240xi32, #tpu.memory_space<hbm>>
      tpu.wait_dma2 semaphore(%run_scoped3A : memref<!tpu.dma_semaphore, #tpu.memory_space<semaphore_mem>>) src(%dma_wait3A_83 : memref<10240xi32, #tpu.memory_space<hbm>>) dst(%arg7 : memref<10240xi32, #tpu.memory_space<vmem>>)
      tpu.yield
    }) : () -> ()
    %add3A_54 = arith.constant 30720 : i32
    %add3A_55 = arith.addi %mul3A_34, %add3A_54 : i32
    "tpu.region"() ({
      %run_scoped3A = tpu.sem_alloc : memref<!tpu.dma_semaphore, #tpu.memory_space<semaphore_mem>>
      %dma_start3A_81 = tpu.memref_slice %arg2[%add3A_55] : memref<655360xi32, #tpu.memory_space<hbm>> -> memref<10240xi32, #tpu.memory_space<hbm>>
      %dma_start3A_82 = tpu.memref_slice %arg2[%add3A_55] : memref<655360xi32, #tpu.memory_space<hbm>> -> memref<10240xi32, #tpu.memory_space<hbm>>
      tpu.enqueue_dma source(%dma_start3A_82 : memref<10240xi32, #tpu.memory_space<hbm>>) target(%arg8 : memref<10240xi32, #tpu.memory_space<vmem>>) target_semaphore(%run_scoped3A : memref<!tpu.dma_semaphore, #tpu.memory_space<semaphore_mem>>)
      %dma_wait3A = tpu.memref_slice %arg2[%add3A_55] : memref<655360xi32, #tpu.memory_space<hbm>> -> memref<10240xi32, #tpu.memory_space<hbm>>
      %dma_wait3A_83 = tpu.memref_slice %arg2[%add3A_55] : memref<655360xi32, #tpu.memory_space<hbm>> -> memref<10240xi32, #tpu.memory_space<hbm>>
      tpu.wait_dma2 semaphore(%run_scoped3A : memref<!tpu.dma_semaphore, #tpu.memory_space<semaphore_mem>>) src(%dma_wait3A_83 : memref<10240xi32, #tpu.memory_space<hbm>>) dst(%arg8 : memref<10240xi32, #tpu.memory_space<vmem>>)
      tpu.yield
    }) : () -> ()
    %broadcast_in_dim3A = arith.constant -8323200 : i32
    %broadcast_in_dim3A_56 = vector.broadcast %broadcast_in_dim3A : i32 to vector<16xi32>
    %scan3A = arith.constant 0 : i32
    %scan3A_57 = arith.constant 0 : i32
    %scan3A_58 = arith.constant 640 : i32
    %scan3A_59 = arith.addi %scan3A_57, %scan3A_58 : i32
    %scan3A_60 = arith.constant 1 : i32
    scf.for %scan3A_81 = %scan3A_57 to %scan3A_59 step %scan3A_60  : i32 {
      %mul3A_82 = arith.constant 16 : i32
      %mul3A_83 = arith.muli %scan3A_81, %mul3A_82 : i32
      %swap3A = arith.index_cast %mul3A_83 : i32 to index
      %swap3A_84 = tpu.vector_load %arg9[%swap3A] {strides = array<i32>} : memref<10240xi32, #tpu.memory_space<vmem>>, vector<16xi32>,
      tpu.vector_store %arg9[%swap3A], %broadcast_in_dim3A_56 {strides = array<i32>} : memref<10240xi32, #tpu.memory_space<vmem>>, vector<16xi32>,
      %mul3A_85 = arith.constant 16 : i32
      %mul3A_86 = arith.muli %scan3A_81, %mul3A_85 : i32
      %swap3A_87 = arith.index_cast %mul3A_86 : i32 to index
      %swap3A_88 = tpu.vector_load %arg10[%swap3A_87] {strides = array<i32>} : memref<10240xi32, #tpu.memory_space<vmem>>, vector<16xi32>,
      tpu.vector_store %arg10[%swap3A_87], %broadcast_in_dim3A_56 {strides = array<i32>} : memref<10240xi32, #tpu.memory_space<vmem>>, vector<16xi32>,
      %mul3A_89 = arith.constant 16 : i32
      %mul3A_90 = arith.muli %scan3A_81, %mul3A_89 : i32
      %swap3A_91 = arith.index_cast %mul3A_90 : i32 to index
      %swap3A_92 = tpu.vector_load %arg11[%swap3A_91] {strides = array<i32>} : memref<10240xi32, #tpu.memory_space<vmem>>, vector<16xi32>,
      tpu.vector_store %arg11[%swap3A_91], %broadcast_in_dim3A_56 {strides = array<i32>} : memref<10240xi32, #tpu.memory_space<vmem>>, vector<16xi32>,
      %mul3A_93 = arith.constant 16 : i32
      %mul3A_94 = arith.muli %scan3A_81, %mul3A_93 : i32
      %swap3A_95 = arith.index_cast %mul3A_94 : i32 to index
      %swap3A_96 = tpu.vector_load %arg12[%swap3A_95] {strides = array<i32>} : memref<10240xi32, #tpu.memory_space<vmem>>, vector<16xi32>,
      tpu.vector_store %arg12[%swap3A_95], %broadcast_in_dim3A_56 {strides = array<i32>} : memref<10240xi32, #tpu.memory_space<vmem>>, vector<16xi32>,
    }
    %scan3A_61 = arith.constant 640 : i32
    %scan3A_62 = arith.constant 0 : i32
    %scan3A_63 = arith.constant 0 : i32
    %scan3A_64 = arith.constant 10 : i32
    %scan3A_65 = arith.addi %scan3A_63, %scan3A_64 : i32
    %scan3A_66 = arith.constant 1 : i32
    scf.for %scan3A_81 = %scan3A_63 to %scan3A_65 step %scan3A_66  : i32 {
      %mul3A_82 = arith.constant 2 : i32
      %mul3A_83 = arith.muli %scan3A_81, %mul3A_82 : i32
      %add3A_84 = arith.constant 0 : i32
      %add3A_85 = arith.addi %mul3A_83, %add3A_84 : i32
      %dma_wait3A = arith.constant 0 : i32
      %dma_wait3A_86 = tpu.memref_slice %arg3[%dma_wait3A] : memref<327680xi32, #tpu.memory_space<hbm>> -> memref<8192xi32, #tpu.memory_space<hbm>>
      %dma_wait3A_87 = arith.constant 0 : i32
      %dma_wait3A_88 = tpu.memref_slice %arg3[%dma_wait3A_87] : memref<327680xi32, #tpu.memory_space<hbm>> -> memref<8192xi32, #tpu.memory_space<hbm>>
      tpu.wait_dma2 semaphore(%arg15 : memref<!tpu.dma_semaphore, #tpu.memory_space<semaphore_mem>>) src(%dma_wait3A_88 : memref<8192xi32, #tpu.memory_space<hbm>>) dst(%arg13 : memref<8192xi32, #tpu.memory_space<vmem>>)
      %scan3A_89 = arith.constant 0 : i32
      %scan3A_90 = arith.constant 0 : i32
      %scan3A_91 = arith.constant 128 : i32
      %scan3A_92 = arith.addi %scan3A_90, %scan3A_91 : i32
      %scan3A_93 = arith.constant 1 : i32
      scf.for %scan3A_121 = %scan3A_90 to %scan3A_92 step %scan3A_93  : i32 {
        %mul3A_122 = arith.constant 64 : i32
        %mul3A_123 = arith.muli %scan3A_121, %mul3A_122 : i32
        %get3A = arith.index_cast %mul3A_123 : i32 to index
        %get3A_124 = tpu.vector_load %arg13[%get3A] {strides = array<i32>} : memref<8192xi32, #tpu.memory_space<vmem>>, vector<16xi32>,
        %and3A_125 = arith.constant 65535 : i32
        %and3A_126 = vector.broadcast %and3A_125 : i32 to vector<16xi32>
        %and3A_127 = arith.andi %get3A_124, %and3A_126 : vector<16xi32>
        %shift_right_logical3A = arith.constant 16 : i32
        %shift_right_logical3A_128 = vector.broadcast %shift_right_logical3A : i32 to vector<16xi32>
        %shift_right_logical3A_129 = arith.shrui %get3A_124, %shift_right_logical3A_128 : vector<16xi32>
        %gather3A = tpu.vector_load_idx %arg5[%and3A_127] : memref<10240xi32, #tpu.memory_space<vmem>>[vector<16xi32>], vector<16xi32>,
        %gather3A_130 = tpu.vector_load_idx %arg6[%and3A_127] : memref<10240xi32, #tpu.memory_space<vmem>>[vector<16xi32>], vector<16xi32>,
        %gather3A_131 = tpu.vector_load_idx %arg7[%and3A_127] : memref<10240xi32, #tpu.memory_space<vmem>>[vector<16xi32>], vector<16xi32>,
        %gather3A_132 = tpu.vector_load_idx %arg8[%and3A_127] : memref<10240xi32, #tpu.memory_space<vmem>>[vector<16xi32>], vector<16xi32>,
        %broadcast_in_dim3A_133 = arith.constant true
        %broadcast_in_dim3A_134 = vector.broadcast %broadcast_in_dim3A_133 : i1 to vector<16xi1>
        %unique3A, %unique3A_135 = tpu.scan_count mask(%broadcast_in_dim3A_134 : vector<16xi1>) value(%shift_right_logical3A_129 : vector<16xi32>) : vector<16xi1>, vector<16xi32>
        %not3A = arith.constant dense<true> : vector<16xi1>
        %not3A_136 = arith.xori %unique3A, %not3A : vector<16xi1>
        %gt3A = arith.constant 0 : i32
        %gt3A_137 = vector.broadcast %gt3A : i32 to vector<16xi32>
        %gt3A_138 = arith.cmpi sgt, %unique3A_135, %gt3A_137 : vector<16xi32>
        %or3A = arith.ori %not3A_136, %gt3A_138 : vector<16xi1>
        %gather3A_139 = tpu.vector_load_idx %arg9[%shift_right_logical3A_129] : memref<10240xi32, #tpu.memory_space<vmem>>[vector<16xi32>], vector<16xi32>,
        %gather3A_140 = tpu.vector_load_idx %arg10[%shift_right_logical3A_129] : memref<10240xi32, #tpu.memory_space<vmem>>[vector<16xi32>], vector<16xi32>,
        %gather3A_141 = tpu.vector_load_idx %arg11[%shift_right_logical3A_129] : memref<10240xi32, #tpu.memory_space<vmem>>[vector<16xi32>], vector<16xi32>,
        %gather3A_142 = tpu.vector_load_idx %arg12[%shift_right_logical3A_129] : memref<10240xi32, #tpu.memory_space<vmem>>[vector<16xi32>], vector<16xi32>,
        %bitcast3A = vector.bitcast %gather3A_139 : vector<16xi32> to vector<32xbf16>
        %bitcast3A_143 = vector.bitcast %gather3A : vector<16xi32> to vector<32xbf16>
        %max3A = arith.maximumf %bitcast3A, %bitcast3A_143 : vector<32xbf16>
        %bitcast3A_144 = vector.bitcast %max3A : vector<32xbf16> to vector<16xi32>
        %ne3A_145 = arith.cmpi ne, %bitcast3A_144, %gather3A_139 : vector<16xi32>
        tpu.vector_store_idx %arg9[%shift_right_logical3A_129], %bitcast3A_144 masked %ne3A_145 : memref<10240xi32, #tpu.memory_space<vmem>>[vector<16xi32>], vector<16xi32>, vector<16xi1>
        %bitcast3A_146 = vector.bitcast %gather3A_140 : vector<16xi32> to vector<32xbf16>
        %bitcast3A_147 = vector.bitcast %gather3A_130 : vector<16xi32> to vector<32xbf16>
        %max3A_148 = arith.maximumf %bitcast3A_146, %bitcast3A_147 : vector<32xbf16>
        %bitcast3A_149 = vector.bitcast %max3A_148 : vector<32xbf16> to vector<16xi32>
        %ne3A_150 = arith.cmpi ne, %bitcast3A_149, %gather3A_140 : vector<16xi32>
        tpu.vector_store_idx %arg10[%shift_right_logical3A_129], %bitcast3A_149 masked %ne3A_150 : memref<10240xi32, #tpu.memory_space<vmem>>[vector<16xi32>], vector<16xi32>, vector<16xi1>
        %or3A_151 = arith.ori %ne3A_145, %ne3A_150 : vector<16xi1>
        %bitcast3A_152 = vector.bitcast %gather3A_141 : vector<16xi32> to vector<32xbf16>
        %bitcast3A_153 = vector.bitcast %gather3A_131 : vector<16xi32> to vector<32xbf16>
        %max3A_154 = arith.maximumf %bitcast3A_152, %bitcast3A_153 : vector<32xbf16>
        %bitcast3A_155 = vector.bitcast %max3A_154 : vector<32xbf16> to vector<16xi32>
        %ne3A_156 = arith.cmpi ne, %bitcast3A_155, %gather3A_141 : vector<16xi32>
        tpu.vector_store_idx %arg11[%shift_right_logical3A_129], %bitcast3A_155 masked %ne3A_156 : memref<10240xi32, #tpu.memory_space<vmem>>[vector<16xi32>], vector<16xi32>, vector<16xi1>
        %or3A_157 = arith.ori %or3A_151, %ne3A_156 : vector<16xi1>
        %bitcast3A_158 = vector.bitcast %gather3A_142 : vector<16xi32> to vector<32xbf16>
        %bitcast3A_159 = vector.bitcast %gather3A_132 : vector<16xi32> to vector<32xbf16>
        %max3A_160 = arith.maximumf %bitcast3A_158, %bitcast3A_159 : vector<32xbf16>
        %bitcast3A_161 = vector.bitcast %max3A_160 : vector<32xbf16> to vector<16xi32>
        %ne3A_162 = arith.cmpi ne, %bitcast3A_161, %gather3A_142 : vector<16xi32>
        tpu.vector_store_idx %arg12[%shift_right_logical3A_129], %bitcast3A_161 masked %ne3A_162 : memref<10240xi32, #tpu.memory_space<vmem>>[vector<16xi32>], vector<16xi32>, vector<16xi1>
        %or3A_163 = arith.ori %or3A_157, %ne3A_162 : vector<16xi1>
        %and3A_164 = arith.andi %or3A, %or3A_163 : vector<16xi1>
        %add3A_165 = arith.constant 16 : i32
        %add3A_166 = arith.addi %mul3A_123, %add3A_165 : i32
        %get3A_167 = arith.index_cast %add3A_166 : i32 to index
        %get3A_168 = tpu.vector_load %arg13[%get3A_167] {strides = array<i32>} : memref<8192xi32, #tpu.memory_space<vmem>>, vector<16xi32>,
        %and3A_169 = arith.constant 65535 : i32
        %and3A_170 = vector.broadcast %and3A_169 : i32 to vector<16xi32>
        %and3A_171 = arith.andi %get3A_168, %and3A_170 : vector<16xi32>
        %shift_right_logical3A_172 = arith.constant 16 : i32
        %shift_right_logical3A_173 = vector.broadcast %shift_right_logical3A_172 : i32 to vector<16xi32>
        %shift_right_logical3A_174 = arith.shrui %get3A_168, %shift_right_logical3A_173 : vector<16xi32>
        %gather3A_175 = tpu.vector_load_idx %arg5[%and3A_171] : memref<10240xi32, #tpu.memory_space<vmem>>[vector<16xi32>], vector<16xi32>,
        %gather3A_176 = tpu.vector_load_idx %arg6[%and3A_171] : memref<10240xi32, #tpu.memory_space<vmem>>[vector<16xi32>], vector<16xi32>,
        %gather3A_177 = tpu.vector_load_idx %arg7[%and3A_171] : memref<10240xi32, #tpu.memory_space<vmem>>[vector<16xi32>], vector<16xi32>,
        %gather3A_178 = tpu.vector_load_idx %arg8[%and3A_171] : memref<10240xi32, #tpu.memory_space<vmem>>[vector<16xi32>], vector<16xi32>,
        %broadcast_in_dim3A_179 = arith.constant true
        %broadcast_in_dim3A_180 = vector.broadcast %broadcast_in_dim3A_179 : i1 to vector<16xi1>
        %unique3A_181, %unique3A_182 = tpu.scan_count mask(%broadcast_in_dim3A_180 : vector<16xi1>) value(%shift_right_logical3A_174 : vector<16xi32>) : vector<16xi1>, vector<16xi32>
        %not3A_183 = arith.constant dense<true> : vector<16xi1>
        %not3A_184 = arith.xori %unique3A_181, %not3A_183 : vector<16xi1>
        %gt3A_185 = arith.constant 0 : i32
        %gt3A_186 = vector.broadcast %gt3A_185 : i32 to vector<16xi32>
        %gt3A_187 = arith.cmpi sgt, %unique3A_182, %gt3A_186 : vector<16xi32>
        %or3A_188 = arith.ori %not3A_184, %gt3A_187 : vector<16xi1>
        %gather3A_189 = tpu.vector_load_idx %arg9[%shift_right_logical3A_174] : memref<10240xi32, #tpu.memory_space<vmem>>[vector<16xi32>], vector<16xi32>,
        %gather3A_190 = tpu.vector_load_idx %arg10[%shift_right_logical3A_174] : memref<10240xi32, #tpu.memory_space<vmem>>[vector<16xi32>], vector<16xi32>,
        %gather3A_191 = tpu.vector_load_idx %arg11[%shift_right_logical3A_174] : memref<10240xi32, #tpu.memory_space<vmem>>[vector<16xi32>], vector<16xi32>,
        %gather3A_192 = tpu.vector_load_idx %arg12[%shift_right_logical3A_174] : memref<10240xi32, #tpu.memory_space<vmem>>[vector<16xi32>], vector<16xi32>,
        %bitcast3A_193 = vector.bitcast %gather3A_189 : vector<16xi32> to vector<32xbf16>
        %bitcast3A_194 = vector.bitcast %gather3A_175 : vector<16xi32> to vector<32xbf16>
        %max3A_195 = arith.maximumf %bitcast3A_193, %bitcast3A_194 : vector<32xbf16>
        %bitcast3A_196 = vector.bitcast %max3A_195 : vector<32xbf16> to vector<16xi32>
        %ne3A_197 = arith.cmpi ne, %bitcast3A_196, %gather3A_189 : vector<16xi32>
        tpu.vector_store_idx %arg9[%shift_right_logical3A_174], %bitcast3A_196 masked %ne3A_197 : memref<10240xi32, #tpu.memory_space<vmem>>[vector<16xi32>], vector<16xi32>, vector<16xi1>
        %bitcast3A_198 = vector.bitcast %gather3A_190 : vector<16xi32> to vector<32xbf16>
        %bitcast3A_199 = vector.bitcast %gather3A_176 : vector<16xi32> to vector<32xbf16>
        %max3A_200 = arith.maximumf %bitcast3A_198, %bitcast3A_199 : vector<32xbf16>
        %bitcast3A_201 = vector.bitcast %max3A_200 : vector<32xbf16> to vector<16xi32>
        %ne3A_202 = arith.cmpi ne, %bitcast3A_201, %gather3A_190 : vector<16xi32>
        tpu.vector_store_idx %arg10[%shift_right_logical3A_174], %bitcast3A_201 masked %ne3A_202 : memref<10240xi32, #tpu.memory_space<vmem>>[vector<16xi32>], vector<16xi32>, vector<16xi1>
        %or3A_203 = arith.ori %ne3A_197, %ne3A_202 : vector<16xi1>
        %bitcast3A_204 = vector.bitcast %gather3A_191 : vector<16xi32> to vector<32xbf16>
        %bitcast3A_205 = vector.bitcast %gather3A_177 : vector<16xi32> to vector<32xbf16>
        %max3A_206 = arith.maximumf %bitcast3A_204, %bitcast3A_205 : vector<32xbf16>
        %bitcast3A_207 = vector.bitcast %max3A_206 : vector<32xbf16> to vector<16xi32>
        %ne3A_208 = arith.cmpi ne, %bitcast3A_207, %gather3A_191 : vector<16xi32>
        tpu.vector_store_idx %arg11[%shift_right_logical3A_174], %bitcast3A_207 masked %ne3A_208 : memref<10240xi32, #tpu.memory_space<vmem>>[vector<16xi32>], vector<16xi32>, vector<16xi1>
        %or3A_209 = arith.ori %or3A_203, %ne3A_208 : vector<16xi1>
        %bitcast3A_210 = vector.bitcast %gather3A_192 : vector<16xi32> to vector<32xbf16>
        %bitcast3A_211 = vector.bitcast %gather3A_178 : vector<16xi32> to vector<32xbf16>
        %max3A_212 = arith.maximumf %bitcast3A_210, %bitcast3A_211 : vector<32xbf16>
        %bitcast3A_213 = vector.bitcast %max3A_212 : vector<32xbf16> to vector<16xi32>
        %ne3A_214 = arith.cmpi ne, %bitcast3A_213, %gather3A_192 : vector<16xi32>
        tpu.vector_store_idx %arg12[%shift_right_logical3A_174], %bitcast3A_213 masked %ne3A_214 : memref<10240xi32, #tpu.memory_space<vmem>>[vector<16xi32>], vector<16xi32>, vector<16xi1>
        %or3A_215 = arith.ori %or3A_209, %ne3A_214 : vector<16xi1>
        %and3A_216 = arith.andi %or3A_188, %or3A_215 : vector<16xi1>
        %or3A_217 = arith.ori %and3A_164, %and3A_216 : vector<16xi1>
        %add3A_218 = arith.constant 32 : i32
        %add3A_219 = arith.addi %mul3A_123, %add3A_218 : i32
        %get3A_220 = arith.index_cast %add3A_219 : i32 to index
        %get3A_221 = tpu.vector_load %arg13[%get3A_220] {strides = array<i32>} : memref<8192xi32, #tpu.memory_space<vmem>>, vector<16xi32>,
        %and3A_222 = arith.constant 65535 : i32
        %and3A_223 = vector.broadcast %and3A_222 : i32 to vector<16xi32>
        %and3A_224 = arith.andi %get3A_221, %and3A_223 : vector<16xi32>
        %shift_right_logical3A_225 = arith.constant 16 : i32
        %shift_right_logical3A_226 = vector.broadcast %shift_right_logical3A_225 : i32 to vector<16xi32>
        %shift_right_logical3A_227 = arith.shrui %get3A_221, %shift_right_logical3A_226 : vector<16xi32>
        %gather3A_228 = tpu.vector_load_idx %arg5[%and3A_224] : memref<10240xi32, #tpu.memory_space<vmem>>[vector<16xi32>], vector<16xi32>,
        %gather3A_229 = tpu.vector_load_idx %arg6[%and3A_224] : memref<10240xi32, #tpu.memory_space<vmem>>[vector<16xi32>], vector<16xi32>,
        %gather3A_230 = tpu.vector_load_idx %arg7[%and3A_224] : memref<10240xi32, #tpu.memory_space<vmem>>[vector<16xi32>], vector<16xi32>,
        %gather3A_231 = tpu.vector_load_idx %arg8[%and3A_224] : memref<10240xi32, #tpu.memory_space<vmem>>[vector<16xi32>], vector<16xi32>,
        %broadcast_in_dim3A_232 = arith.constant true
        %broadcast_in_dim3A_233 = vector.broadcast %broadcast_in_dim3A_232 : i1 to vector<16xi1>
        %unique3A_234, %unique3A_235 = tpu.scan_count mask(%broadcast_in_dim3A_233 : vector<16xi1>) value(%shift_right_logical3A_227 : vector<16xi32>) : vector<16xi1>, vector<16xi32>
        %not3A_236 = arith.constant dense<true> : vector<16xi1>
        %not3A_237 = arith.xori %unique3A_234, %not3A_236 : vector<16xi1>
        %gt3A_238 = arith.constant 0 : i32
        %gt3A_239 = vector.broadcast %gt3A_238 : i32 to vector<16xi32>
        %gt3A_240 = arith.cmpi sgt, %unique3A_235, %gt3A_239 : vector<16xi32>
        %or3A_241 = arith.ori %not3A_237, %gt3A_240 : vector<16xi1>
        %gather3A_242 = tpu.vector_load_idx %arg9[%shift_right_logical3A_227] : memref<10240xi32, #tpu.memory_space<vmem>>[vector<16xi32>], vector<16xi32>,
        %gather3A_243 = tpu.vector_load_idx %arg10[%shift_right_logical3A_227] : memref<10240xi32, #tpu.memory_space<vmem>>[vector<16xi32>], vector<16xi32>,
        %gather3A_244 = tpu.vector_load_idx %arg11[%shift_right_logical3A_227] : memref<10240xi32, #tpu.memory_space<vmem>>[vector<16xi32>], vector<16xi32>,
        %gather3A_245 = tpu.vector_load_idx %arg12[%shift_right_logical3A_227] : memref<10240xi32, #tpu.memory_space<vmem>>[vector<16xi32>], vector<16xi32>,
        %bitcast3A_246 = vector.bitcast %gather3A_242 : vector<16xi32> to vector<32xbf16>
        %bitcast3A_247 = vector.bitcast %gather3A_228 : vector<16xi32> to vector<32xbf16>
        %max3A_248 = arith.maximumf %bitcast3A_246, %bitcast3A_247 : vector<32xbf16>
        %bitcast3A_249 = vector.bitcast %max3A_248 : vector<32xbf16> to vector<16xi32>
        %ne3A_250 = arith.cmpi ne, %bitcast3A_249, %gather3A_242 : vector<16xi32>
        tpu.vector_store_idx %arg9[%shift_right_logical3A_227], %bitcast3A_249 masked %ne3A_250 : memref<10240xi32, #tpu.memory_space<vmem>>[vector<16xi32>], vector<16xi32>, vector<16xi1>
        %bitcast3A_251 = vector.bitcast %gather3A_243 : vector<16xi32> to vector<32xbf16>
        %bitcast3A_252 = vector.bitcast %gather3A_229 : vector<16xi32> to vector<32xbf16>
        %max3A_253 = arith.maximumf %bitcast3A_251, %bitcast3A_252 : vector<32xbf16>
        %bitcast3A_254 = vector.bitcast %max3A_253 : vector<32xbf16> to vector<16xi32>
        %ne3A_255 = arith.cmpi ne, %bitcast3A_254, %gather3A_243 : vector<16xi32>
        tpu.vector_store_idx %arg10[%shift_right_logical3A_227], %bitcast3A_254 masked %ne3A_255 : memref<10240xi32, #tpu.memory_space<vmem>>[vector<16xi32>], vector<16xi32>, vector<16xi1>
        %or3A_256 = arith.ori %ne3A_250, %ne3A_255 : vector<16xi1>
        %bitcast3A_257 = vector.bitcast %gather3A_244 : vector<16xi32> to vector<32xbf16>
        %bitcast3A_258 = vector.bitcast %gather3A_230 : vector<16xi32> to vector<32xbf16>
        %max3A_259 = arith.maximumf %bitcast3A_257, %bitcast3A_258 : vector<32xbf16>
        %bitcast3A_260 = vector.bitcast %max3A_259 : vector<32xbf16> to vector<16xi32>
        %ne3A_261 = arith.cmpi ne, %bitcast3A_260, %gather3A_244 : vector<16xi32>
        tpu.vector_store_idx %arg11[%shift_right_logical3A_227], %bitcast3A_260 masked %ne3A_261 : memref<10240xi32, #tpu.memory_space<vmem>>[vector<16xi32>], vector<16xi32>, vector<16xi1>
        %or3A_262 = arith.ori %or3A_256, %ne3A_261 : vector<16xi1>
        %bitcast3A_263 = vector.bitcast %gather3A_245 : vector<16xi32> to vector<32xbf16>
        %bitcast3A_264 = vector.bitcast %gather3A_231 : vector<16xi32> to vector<32xbf16>
        %max3A_265 = arith.maximumf %bitcast3A_263, %bitcast3A_264 : vector<32xbf16>
        %bitcast3A_266 = vector.bitcast %max3A_265 : vector<32xbf16> to vector<16xi32>
        %ne3A_267 = arith.cmpi ne, %bitcast3A_266, %gather3A_245 : vector<16xi32>
        tpu.vector_store_idx %arg12[%shift_right_logical3A_227], %bitcast3A_266 masked %ne3A_267 : memref<10240xi32, #tpu.memory_space<vmem>>[vector<16xi32>], vector<16xi32>, vector<16xi1>
        %or3A_268 = arith.ori %or3A_262, %ne3A_267 : vector<16xi1>
        %and3A_269 = arith.andi %or3A_241, %or3A_268 : vector<16xi1>
        %or3A_270 = arith.ori %or3A_217, %and3A_269 : vector<16xi1>
        %add3A_271 = arith.constant 48 : i32
        %add3A_272 = arith.addi %mul3A_123, %add3A_271 : i32
        %get3A_273 = arith.index_cast %add3A_272 : i32 to index
        %get3A_274 = tpu.vector_load %arg13[%get3A_273] {strides = array<i32>} : memref<8192xi32, #tpu.memory_space<vmem>>, vector<16xi32>,
        %and3A_275 = arith.constant 65535 : i32
        %and3A_276 = vector.broadcast %and3A_275 : i32 to vector<16xi32>
        %and3A_277 = arith.andi %get3A_274, %and3A_276 : vector<16xi32>
        %shift_right_logical3A_278 = arith.constant 16 : i32
        %shift_right_logical3A_279 = vector.broadcast %shift_right_logical3A_278 : i32 to vector<16xi32>
        %shift_right_logical3A_280 = arith.shrui %get3A_274, %shift_right_logical3A_279 : vector<16xi32>
        %gather3A_281 = tpu.vector_load_idx %arg5[%and3A_277] : memref<10240xi32, #tpu.memory_space<vmem>>[vector<16xi32>], vector<16xi32>,
        %gather3A_282 = tpu.vector_load_idx %arg6[%and3A_277] : memref<10240xi32, #tpu.memory_space<vmem>>[vector<16xi32>], vector<16xi32>,
        %gather3A_283 = tpu.vector_load_idx %arg7[%and3A_277] : memref<10240xi32, #tpu.memory_space<vmem>>[vector<16xi32>], vector<16xi32>,
        %gather3A_284 = tpu.vector_load_idx %arg8[%and3A_277] : memref<10240xi32, #tpu.memory_space<vmem>>[vector<16xi32>], vector<16xi32>,
        %broadcast_in_dim3A_285 = arith.constant true
        %broadcast_in_dim3A_286 = vector.broadcast %broadcast_in_dim3A_285 : i1 to vector<16xi1>
        %unique3A_287, %unique3A_288 = tpu.scan_count mask(%broadcast_in_dim3A_286 : vector<16xi1>) value(%shift_right_logical3A_280 : vector<16xi32>) : vector<16xi1>, vector<16xi32>
        %not3A_289 = arith.constant dense<true> : vector<16xi1>
        %not3A_290 = arith.xori %unique3A_287, %not3A_289 : vector<16xi1>
        %gt3A_291 = arith.constant 0 : i32
        %gt3A_292 = vector.broadcast %gt3A_291 : i32 to vector<16xi32>
        %gt3A_293 = arith.cmpi sgt, %unique3A_288, %gt3A_292 : vector<16xi32>
        %or3A_294 = arith.ori %not3A_290, %gt3A_293 : vector<16xi1>
        %gather3A_295 = tpu.vector_load_idx %arg9[%shift_right_logical3A_280] : memref<10240xi32, #tpu.memory_space<vmem>>[vector<16xi32>], vector<16xi32>,
        %gather3A_296 = tpu.vector_load_idx %arg10[%shift_right_logical3A_280] : memref<10240xi32, #tpu.memory_space<vmem>>[vector<16xi32>], vector<16xi32>,
        %gather3A_297 = tpu.vector_load_idx %arg11[%shift_right_logical3A_280] : memref<10240xi32, #tpu.memory_space<vmem>>[vector<16xi32>], vector<16xi32>,
        %gather3A_298 = tpu.vector_load_idx %arg12[%shift_right_logical3A_280] : memref<10240xi32, #tpu.memory_space<vmem>>[vector<16xi32>], vector<16xi32>,
        %bitcast3A_299 = vector.bitcast %gather3A_295 : vector<16xi32> to vector<32xbf16>
        %bitcast3A_300 = vector.bitcast %gather3A_281 : vector<16xi32> to vector<32xbf16>
        %max3A_301 = arith.maximumf %bitcast3A_299, %bitcast3A_300 : vector<32xbf16>
        %bitcast3A_302 = vector.bitcast %max3A_301 : vector<32xbf16> to vector<16xi32>
        %ne3A_303 = arith.cmpi ne, %bitcast3A_302, %gather3A_295 : vector<16xi32>
        tpu.vector_store_idx %arg9[%shift_right_logical3A_280], %bitcast3A_302 masked %ne3A_303 : memref<10240xi32, #tpu.memory_space<vmem>>[vector<16xi32>], vector<16xi32>, vector<16xi1>
        %bitcast3A_304 = vector.bitcast %gather3A_296 : vector<16xi32> to vector<32xbf16>
        %bitcast3A_305 = vector.bitcast %gather3A_282 : vector<16xi32> to vector<32xbf16>
        %max3A_306 = arith.maximumf %bitcast3A_304, %bitcast3A_305 : vector<32xbf16>
        %bitcast3A_307 = vector.bitcast %max3A_306 : vector<32xbf16> to vector<16xi32>
        %ne3A_308 = arith.cmpi ne, %bitcast3A_307, %gather3A_296 : vector<16xi32>
        tpu.vector_store_idx %arg10[%shift_right_logical3A_280], %bitcast3A_307 masked %ne3A_308 : memref<10240xi32, #tpu.memory_space<vmem>>[vector<16xi32>], vector<16xi32>, vector<16xi1>
        %or3A_309 = arith.ori %ne3A_303, %ne3A_308 : vector<16xi1>
        %bitcast3A_310 = vector.bitcast %gather3A_297 : vector<16xi32> to vector<32xbf16>
        %bitcast3A_311 = vector.bitcast %gather3A_283 : vector<16xi32> to vector<32xbf16>
        %max3A_312 = arith.maximumf %bitcast3A_310, %bitcast3A_311 : vector<32xbf16>
        %bitcast3A_313 = vector.bitcast %max3A_312 : vector<32xbf16> to vector<16xi32>
        %ne3A_314 = arith.cmpi ne, %bitcast3A_313, %gather3A_297 : vector<16xi32>
        tpu.vector_store_idx %arg11[%shift_right_logical3A_280], %bitcast3A_313 masked %ne3A_314 : memref<10240xi32, #tpu.memory_space<vmem>>[vector<16xi32>], vector<16xi32>, vector<16xi1>
        %or3A_315 = arith.ori %or3A_309, %ne3A_314 : vector<16xi1>
        %bitcast3A_316 = vector.bitcast %gather3A_298 : vector<16xi32> to vector<32xbf16>
        %bitcast3A_317 = vector.bitcast %gather3A_284 : vector<16xi32> to vector<32xbf16>
        %max3A_318 = arith.maximumf %bitcast3A_316, %bitcast3A_317 : vector<32xbf16>
        %bitcast3A_319 = vector.bitcast %max3A_318 : vector<32xbf16> to vector<16xi32>
        %ne3A_320 = arith.cmpi ne, %bitcast3A_319, %gather3A_298 : vector<16xi32>
        tpu.vector_store_idx %arg12[%shift_right_logical3A_280], %bitcast3A_319 masked %ne3A_320 : memref<10240xi32, #tpu.memory_space<vmem>>[vector<16xi32>], vector<16xi32>, vector<16xi1>
        %or3A_321 = arith.ori %or3A_315, %ne3A_320 : vector<16xi1>
        %and3A_322 = arith.andi %or3A_294, %or3A_321 : vector<16xi1>
        %or3A_323 = arith.ori %or3A_270, %and3A_322 : vector<16xi1>
        %reduce_or3A = arith.constant 1.000000e+00 : f32
        %reduce_or3A_324 = arith.constant 0.000000e+00 : f32
        %reduce_or3A_325 = vector.broadcast %reduce_or3A : f32 to vector<16xf32>
        %reduce_or3A_326 = vector.broadcast %reduce_or3A_324 : f32 to vector<16xf32>
        %reduce_or3A_327 = arith.select %or3A_323, %reduce_or3A_325, %reduce_or3A_326 : vector<16xi1>, vector<16xf32>
        %reduce_or3A_328 = arith.constant true
        %reduce_or3A_329 = vector.broadcast %reduce_or3A_328 : i1 to vector<16xi1>
        %reduce_or3A_330 = tpu.scan <max>, %reduce_or3A_327 masked %reduce_or3A_329 : vector<16xf32>, vector<16xi1> -> vector<16xf32>
        %reduce_or3A_331 = vector.extract %reduce_or3A_330[15] : f32 from vector<16xf32>
        %reduce_or3A_332 = arith.constant 0.000000e+00 : f32
        %reduce_or3A_333 = arith.cmpf ogt, %reduce_or3A_331, %reduce_or3A_332 : f32
        %convert_element_type3A_334 = arith.extui %reduce_or3A_333 : i1 to i32
        %cond3A_335 = arith.constant 0 : i32
        %cond3A_336 = arith.cmpi ne, %convert_element_type3A_334, %cond3A_335 : i32
        scf.if %cond3A_336 {
          %add3A_337 = arith.constant 0 : i32
          %add3A_338 = arith.addi %mul3A_123, %add3A_337 : i32
          %get3A_339 = arith.index_cast %add3A_338 : i32 to index
          %get3A_340 = tpu.vector_load %arg13[%get3A_339] {strides = array<i32>} : memref<8192xi32, #tpu.memory_space<vmem>>, vector<16xi32>,
          %and3A_341 = arith.constant 65535 : i32
          %and3A_342 = vector.broadcast %and3A_341 : i32 to vector<16xi32>
          %and3A_343 = arith.andi %get3A_340, %and3A_342 : vector<16xi32>
          %shift_right_logical3A_344 = arith.constant 16 : i32
          %shift_right_logical3A_345 = vector.broadcast %shift_right_logical3A_344 : i32 to vector<16xi32>
          %shift_right_logical3A_346 = arith.shrui %get3A_340, %shift_right_logical3A_345 : vector<16xi32>
          %gather3A_347 = tpu.vector_load_idx %arg5[%and3A_343] : memref<10240xi32, #tpu.memory_space<vmem>>[vector<16xi32>], vector<16xi32>,
          %gather3A_348 = tpu.vector_load_idx %arg6[%and3A_343] : memref<10240xi32, #tpu.memory_space<vmem>>[vector<16xi32>], vector<16xi32>,
          %gather3A_349 = tpu.vector_load_idx %arg7[%and3A_343] : memref<10240xi32, #tpu.memory_space<vmem>>[vector<16xi32>], vector<16xi32>,
          %gather3A_350 = tpu.vector_load_idx %arg8[%and3A_343] : memref<10240xi32, #tpu.memory_space<vmem>>[vector<16xi32>], vector<16xi32>,
          %broadcast_in_dim3A_351 = arith.constant true
          %broadcast_in_dim3A_352 = vector.broadcast %broadcast_in_dim3A_351 : i1 to vector<16xi1>
          %unique3A_353, %unique3A_354 = tpu.scan_count mask(%broadcast_in_dim3A_352 : vector<16xi1>) value(%shift_right_logical3A_346 : vector<16xi32>) : vector<16xi1>, vector<16xi32>
          %gt3A_355 = arith.constant 0 : i32
          %gt3A_356 = vector.broadcast %gt3A_355 : i32 to vector<16xi32>
          %gt3A_357 = arith.cmpi sgt, %unique3A_354, %gt3A_356 : vector<16xi32>
          %reduce_or3A_358 = arith.constant 1.000000e+00 : f32
          %reduce_or3A_359 = arith.constant 0.000000e+00 : f32
          %reduce_or3A_360 = vector.broadcast %reduce_or3A_358 : f32 to vector<16xf32>
          %reduce_or3A_361 = vector.broadcast %reduce_or3A_359 : f32 to vector<16xf32>
          %reduce_or3A_362 = arith.select %gt3A_357, %reduce_or3A_360, %reduce_or3A_361 : vector<16xi1>, vector<16xf32>
          %reduce_or3A_363 = arith.constant true
          %reduce_or3A_364 = vector.broadcast %reduce_or3A_363 : i1 to vector<16xi1>
          %reduce_or3A_365 = tpu.scan <max>, %reduce_or3A_362 masked %reduce_or3A_364 : vector<16xf32>, vector<16xi1> -> vector<16xf32>
          %reduce_or3A_366 = vector.extract %reduce_or3A_365[15] : f32 from vector<16xf32>
          %reduce_or3A_367 = arith.constant 0.000000e+00 : f32
          %reduce_or3A_368 = arith.cmpf ogt, %reduce_or3A_366, %reduce_or3A_367 : f32
          %while3A = arith.constant true
          %while3A_369 = scf.while (%while3A_472 = %while3A) : (i1) -> i1 {
            scf.condition(%while3A_472) %while3A_472 : i1
          } do {
          ^bb0(%while3A_472: i1):
            %gather3A_473 = tpu.vector_load_idx %arg9[%shift_right_logical3A_346] : memref<10240xi32, #tpu.memory_space<vmem>>[vector<16xi32>], vector<16xi32>,
            %bitcast3A_474 = vector.bitcast %gather3A_473 : vector<16xi32> to vector<32xbf16>
            %bitcast3A_475 = vector.bitcast %gather3A_347 : vector<16xi32> to vector<32xbf16>
            %max3A_476 = arith.maximumf %bitcast3A_474, %bitcast3A_475 : vector<32xbf16>
            %bitcast3A_477 = vector.bitcast %max3A_476 : vector<32xbf16> to vector<16xi32>
            %ne3A_478 = arith.cmpi ne, %bitcast3A_477, %gather3A_473 : vector<16xi32>
            tpu.vector_store_idx %arg9[%shift_right_logical3A_346], %bitcast3A_477 masked %ne3A_478 : memref<10240xi32, #tpu.memory_space<vmem>>[vector<16xi32>], vector<16xi32>, vector<16xi1>
            %gather3A_479 = tpu.vector_load_idx %arg10[%shift_right_logical3A_346] : memref<10240xi32, #tpu.memory_space<vmem>>[vector<16xi32>], vector<16xi32>,
            %bitcast3A_480 = vector.bitcast %gather3A_479 : vector<16xi32> to vector<32xbf16>
            %bitcast3A_481 = vector.bitcast %gather3A_348 : vector<16xi32> to vector<32xbf16>
            %max3A_482 = arith.maximumf %bitcast3A_480, %bitcast3A_481 : vector<32xbf16>
            %bitcast3A_483 = vector.bitcast %max3A_482 : vector<32xbf16> to vector<16xi32>
            %ne3A_484 = arith.cmpi ne, %bitcast3A_483, %gather3A_479 : vector<16xi32>
            tpu.vector_store_idx %arg10[%shift_right_logical3A_346], %bitcast3A_483 masked %ne3A_484 : memref<10240xi32, #tpu.memory_space<vmem>>[vector<16xi32>], vector<16xi32>, vector<16xi1>
            %or3A_485 = arith.ori %ne3A_478, %ne3A_484 : vector<16xi1>
            %gather3A_486 = tpu.vector_load_idx %arg11[%shift_right_logical3A_346] : memref<10240xi32, #tpu.memory_space<vmem>>[vector<16xi32>], vector<16xi32>,
            %bitcast3A_487 = vector.bitcast %gather3A_486 : vector<16xi32> to vector<32xbf16>
            %bitcast3A_488 = vector.bitcast %gather3A_349 : vector<16xi32> to vector<32xbf16>
            %max3A_489 = arith.maximumf %bitcast3A_487, %bitcast3A_488 : vector<32xbf16>
            %bitcast3A_490 = vector.bitcast %max3A_489 : vector<32xbf16> to vector<16xi32>
            %ne3A_491 = arith.cmpi ne, %bitcast3A_490, %gather3A_486 : vector<16xi32>
            tpu.vector_store_idx %arg11[%shift_right_logical3A_346], %bitcast3A_490 masked %ne3A_491 : memref<10240xi32, #tpu.memory_space<vmem>>[vector<16xi32>], vector<16xi32>, vector<16xi1>
            %or3A_492 = arith.ori %or3A_485, %ne3A_491 : vector<16xi1>
            %gather3A_493 = tpu.vector_load_idx %arg12[%shift_right_logical3A_346] : memref<10240xi32, #tpu.memory_space<vmem>>[vector<16xi32>], vector<16xi32>,
            %bitcast3A_494 = vector.bitcast %gather3A_493 : vector<16xi32> to vector<32xbf16>
            %bitcast3A_495 = vector.bitcast %gather3A_350 : vector<16xi32> to vector<32xbf16>
            %max3A_496 = arith.maximumf %bitcast3A_494, %bitcast3A_495 : vector<32xbf16>
            %bitcast3A_497 = vector.bitcast %max3A_496 : vector<32xbf16> to vector<16xi32>
            %ne3A_498 = arith.cmpi ne, %bitcast3A_497, %gather3A_493 : vector<16xi32>
            tpu.vector_store_idx %arg12[%shift_right_logical3A_346], %bitcast3A_497 masked %ne3A_498 : memref<10240xi32, #tpu.memory_space<vmem>>[vector<16xi32>], vector<16xi32>, vector<16xi1>
            %or3A_499 = arith.ori %or3A_492, %ne3A_498 : vector<16xi1>
            %reduce_or3A_500 = arith.constant 1.000000e+00 : f32
            %reduce_or3A_501 = arith.constant 0.000000e+00 : f32
            %reduce_or3A_502 = vector.broadcast %reduce_or3A_500 : f32 to vector<16xf32>
            %reduce_or3A_503 = vector.broadcast %reduce_or3A_501 : f32 to vector<16xf32>
            %reduce_or3A_504 = arith.select %or3A_499, %reduce_or3A_502, %reduce_or3A_503 : vector<16xi1>, vector<16xf32>
            %reduce_or3A_505 = arith.constant true
            %reduce_or3A_506 = vector.broadcast %reduce_or3A_505 : i1 to vector<16xi1>
            %reduce_or3A_507 = tpu.scan <max>, %reduce_or3A_504 masked %reduce_or3A_506 : vector<16xf32>, vector<16xi1> -> vector<16xf32>
            %reduce_or3A_508 = vector.extract %reduce_or3A_507[15] : f32 from vector<16xf32>
            %reduce_or3A_509 = arith.constant 0.000000e+00 : f32
            %reduce_or3A_510 = arith.cmpf ogt, %reduce_or3A_508, %reduce_or3A_509 : f32
            %and3A_511 = arith.andi %reduce_or3A_368, %reduce_or3A_510 : i1
            scf.yield %and3A_511 : i1
          }
          %add3A_370 = arith.constant 16 : i32
          %add3A_371 = arith.addi %mul3A_123, %add3A_370 : i32
          %get3A_372 = arith.index_cast %add3A_371 : i32 to index
          %get3A_373 = tpu.vector_load %arg13[%get3A_372] {strides = array<i32>} : memref<8192xi32, #tpu.memory_space<vmem>>, vector<16xi32>,
          %and3A_374 = arith.constant 65535 : i32
          %and3A_375 = vector.broadcast %and3A_374 : i32 to vector<16xi32>
          %and3A_376 = arith.andi %get3A_373, %and3A_375 : vector<16xi32>
          %shift_right_logical3A_377 = arith.constant 16 : i32
          %shift_right_logical3A_378 = vector.broadcast %shift_right_logical3A_377 : i32 to vector<16xi32>
          %shift_right_logical3A_379 = arith.shrui %get3A_373, %shift_right_logical3A_378 : vector<16xi32>
          %gather3A_380 = tpu.vector_load_idx %arg5[%and3A_376] : memref<10240xi32, #tpu.memory_space<vmem>>[vector<16xi32>], vector<16xi32>,
          %gather3A_381 = tpu.vector_load_idx %arg6[%and3A_376] : memref<10240xi32, #tpu.memory_space<vmem>>[vector<16xi32>], vector<16xi32>,
          %gather3A_382 = tpu.vector_load_idx %arg7[%and3A_376] : memref<10240xi32, #tpu.memory_space<vmem>>[vector<16xi32>], vector<16xi32>,
          %gather3A_383 = tpu.vector_load_idx %arg8[%and3A_376] : memref<10240xi32, #tpu.memory_space<vmem>>[vector<16xi32>], vector<16xi32>,
          %broadcast_in_dim3A_384 = arith.constant true
          %broadcast_in_dim3A_385 = vector.broadcast %broadcast_in_dim3A_384 : i1 to vector<16xi1>
          %unique3A_386, %unique3A_387 = tpu.scan_count mask(%broadcast_in_dim3A_385 : vector<16xi1>) value(%shift_right_logical3A_379 : vector<16xi32>) : vector<16xi1>, vector<16xi32>
          %gt3A_388 = arith.constant 0 : i32
          %gt3A_389 = vector.broadcast %gt3A_388 : i32 to vector<16xi32>
          %gt3A_390 = arith.cmpi sgt, %unique3A_387, %gt3A_389 : vector<16xi32>
          %reduce_or3A_391 = arith.constant 1.000000e+00 : f32
          %reduce_or3A_392 = arith.constant 0.000000e+00 : f32
          %reduce_or3A_393 = vector.broadcast %reduce_or3A_391 : f32 to vector<16xf32>
          %reduce_or3A_394 = vector.broadcast %reduce_or3A_392 : f32 to vector<16xf32>
          %reduce_or3A_395 = arith.select %gt3A_390, %reduce_or3A_393, %reduce_or3A_394 : vector<16xi1>, vector<16xf32>
          %reduce_or3A_396 = arith.constant true
          %reduce_or3A_397 = vector.broadcast %reduce_or3A_396 : i1 to vector<16xi1>
          %reduce_or3A_398 = tpu.scan <max>, %reduce_or3A_395 masked %reduce_or3A_397 : vector<16xf32>, vector<16xi1> -> vector<16xf32>
          %reduce_or3A_399 = vector.extract %reduce_or3A_398[15] : f32 from vector<16xf32>
          %reduce_or3A_400 = arith.constant 0.000000e+00 : f32
          %reduce_or3A_401 = arith.cmpf ogt, %reduce_or3A_399, %reduce_or3A_400 : f32
          %while3A_402 = arith.constant true
          %while3A_403 = scf.while (%while3A_472 = %while3A_402) : (i1) -> i1 {
            scf.condition(%while3A_472) %while3A_472 : i1
          } do {
          ^bb0(%while3A_472: i1):
            %gather3A_473 = tpu.vector_load_idx %arg9[%shift_right_logical3A_379] : memref<10240xi32, #tpu.memory_space<vmem>>[vector<16xi32>], vector<16xi32>,
            %bitcast3A_474 = vector.bitcast %gather3A_473 : vector<16xi32> to vector<32xbf16>
            %bitcast3A_475 = vector.bitcast %gather3A_380 : vector<16xi32> to vector<32xbf16>
            %max3A_476 = arith.maximumf %bitcast3A_474, %bitcast3A_475 : vector<32xbf16>
            %bitcast3A_477 = vector.bitcast %max3A_476 : vector<32xbf16> to vector<16xi32>
            %ne3A_478 = arith.cmpi ne, %bitcast3A_477, %gather3A_473 : vector<16xi32>
            tpu.vector_store_idx %arg9[%shift_right_logical3A_379], %bitcast3A_477 masked %ne3A_478 : memref<10240xi32, #tpu.memory_space<vmem>>[vector<16xi32>], vector<16xi32>, vector<16xi1>
            %gather3A_479 = tpu.vector_load_idx %arg10[%shift_right_logical3A_379] : memref<10240xi32, #tpu.memory_space<vmem>>[vector<16xi32>], vector<16xi32>,
            %bitcast3A_480 = vector.bitcast %gather3A_479 : vector<16xi32> to vector<32xbf16>
            %bitcast3A_481 = vector.bitcast %gather3A_381 : vector<16xi32> to vector<32xbf16>
            %max3A_482 = arith.maximumf %bitcast3A_480, %bitcast3A_481 : vector<32xbf16>
            %bitcast3A_483 = vector.bitcast %max3A_482 : vector<32xbf16> to vector<16xi32>
            %ne3A_484 = arith.cmpi ne, %bitcast3A_483, %gather3A_479 : vector<16xi32>
            tpu.vector_store_idx %arg10[%shift_right_logical3A_379], %bitcast3A_483 masked %ne3A_484 : memref<10240xi32, #tpu.memory_space<vmem>>[vector<16xi32>], vector<16xi32>, vector<16xi1>
            %or3A_485 = arith.ori %ne3A_478, %ne3A_484 : vector<16xi1>
            %gather3A_486 = tpu.vector_load_idx %arg11[%shift_right_logical3A_379] : memref<10240xi32, #tpu.memory_space<vmem>>[vector<16xi32>], vector<16xi32>,
            %bitcast3A_487 = vector.bitcast %gather3A_486 : vector<16xi32> to vector<32xbf16>
            %bitcast3A_488 = vector.bitcast %gather3A_382 : vector<16xi32> to vector<32xbf16>
            %max3A_489 = arith.maximumf %bitcast3A_487, %bitcast3A_488 : vector<32xbf16>
            %bitcast3A_490 = vector.bitcast %max3A_489 : vector<32xbf16> to vector<16xi32>
            %ne3A_491 = arith.cmpi ne, %bitcast3A_490, %gather3A_486 : vector<16xi32>
            tpu.vector_store_idx %arg11[%shift_right_logical3A_379], %bitcast3A_490 masked %ne3A_491 : memref<10240xi32, #tpu.memory_space<vmem>>[vector<16xi32>], vector<16xi32>, vector<16xi1>
            %or3A_492 = arith.ori %or3A_485, %ne3A_491 : vector<16xi1>
            %gather3A_493 = tpu.vector_load_idx %arg12[%shift_right_logical3A_379] : memref<10240xi32, #tpu.memory_space<vmem>>[vector<16xi32>], vector<16xi32>,
            %bitcast3A_494 = vector.bitcast %gather3A_493 : vector<16xi32> to vector<32xbf16>
            %bitcast3A_495 = vector.bitcast %gather3A_383 : vector<16xi32> to vector<32xbf16>
            %max3A_496 = arith.maximumf %bitcast3A_494, %bitcast3A_495 : vector<32xbf16>
            %bitcast3A_497 = vector.bitcast %max3A_496 : vector<32xbf16> to vector<16xi32>
            %ne3A_498 = arith.cmpi ne, %bitcast3A_497, %gather3A_493 : vector<16xi32>
            tpu.vector_store_idx %arg12[%shift_right_logical3A_379], %bitcast3A_497 masked %ne3A_498 : memref<10240xi32, #tpu.memory_space<vmem>>[vector<16xi32>], vector<16xi32>, vector<16xi1>
            %or3A_499 = arith.ori %or3A_492, %ne3A_498 : vector<16xi1>
            %reduce_or3A_500 = arith.constant 1.000000e+00 : f32
            %reduce_or3A_501 = arith.constant 0.000000e+00 : f32
            %reduce_or3A_502 = vector.broadcast %reduce_or3A_500 : f32 to vector<16xf32>
            %reduce_or3A_503 = vector.broadcast %reduce_or3A_501 : f32 to vector<16xf32>
            %reduce_or3A_504 = arith.select %or3A_499, %reduce_or3A_502, %reduce_or3A_503 : vector<16xi1>, vector<16xf32>
            %reduce_or3A_505 = arith.constant true
            %reduce_or3A_506 = vector.broadcast %reduce_or3A_505 : i1 to vector<16xi1>
            %reduce_or3A_507 = tpu.scan <max>, %reduce_or3A_504 masked %reduce_or3A_506 : vector<16xf32>, vector<16xi1> -> vector<16xf32>
            %reduce_or3A_508 = vector.extract %reduce_or3A_507[15] : f32 from vector<16xf32>
            %reduce_or3A_509 = arith.constant 0.000000e+00 : f32
            %reduce_or3A_510 = arith.cmpf ogt, %reduce_or3A_508, %reduce_or3A_509 : f32
            %and3A_511 = arith.andi %reduce_or3A_401, %reduce_or3A_510 : i1
            scf.yield %and3A_511 : i1
          }
          %add3A_404 = arith.constant 32 : i32
          %add3A_405 = arith.addi %mul3A_123, %add3A_404 : i32
          %get3A_406 = arith.index_cast %add3A_405 : i32 to index
          %get3A_407 = tpu.vector_load %arg13[%get3A_406] {strides = array<i32>} : memref<8192xi32, #tpu.memory_space<vmem>>, vector<16xi32>,
          %and3A_408 = arith.constant 65535 : i32
          %and3A_409 = vector.broadcast %and3A_408 : i32 to vector<16xi32>
          %and3A_410 = arith.andi %get3A_407, %and3A_409 : vector<16xi32>
          %shift_right_logical3A_411 = arith.constant 16 : i32
          %shift_right_logical3A_412 = vector.broadcast %shift_right_logical3A_411 : i32 to vector<16xi32>
          %shift_right_logical3A_413 = arith.shrui %get3A_407, %shift_right_logical3A_412 : vector<16xi32>
          %gather3A_414 = tpu.vector_load_idx %arg5[%and3A_410] : memref<10240xi32, #tpu.memory_space<vmem>>[vector<16xi32>], vector<16xi32>,
          %gather3A_415 = tpu.vector_load_idx %arg6[%and3A_410] : memref<10240xi32, #tpu.memory_space<vmem>>[vector<16xi32>], vector<16xi32>,
          %gather3A_416 = tpu.vector_load_idx %arg7[%and3A_410] : memref<10240xi32, #tpu.memory_space<vmem>>[vector<16xi32>], vector<16xi32>,
          %gather3A_417 = tpu.vector_load_idx %arg8[%and3A_410] : memref<10240xi32, #tpu.memory_space<vmem>>[vector<16xi32>], vector<16xi32>,
          %broadcast_in_dim3A_418 = arith.constant true
          %broadcast_in_dim3A_419 = vector.broadcast %broadcast_in_dim3A_418 : i1 to vector<16xi1>
          %unique3A_420, %unique3A_421 = tpu.scan_count mask(%broadcast_in_dim3A_419 : vector<16xi1>) value(%shift_right_logical3A_413 : vector<16xi32>) : vector<16xi1>, vector<16xi32>
          %gt3A_422 = arith.constant 0 : i32
          %gt3A_423 = vector.broadcast %gt3A_422 : i32 to vector<16xi32>
          %gt3A_424 = arith.cmpi sgt, %unique3A_421, %gt3A_423 : vector<16xi32>
          %reduce_or3A_425 = arith.constant 1.000000e+00 : f32
          %reduce_or3A_426 = arith.constant 0.000000e+00 : f32
          %reduce_or3A_427 = vector.broadcast %reduce_or3A_425 : f32 to vector<16xf32>
          %reduce_or3A_428 = vector.broadcast %reduce_or3A_426 : f32 to vector<16xf32>
          %reduce_or3A_429 = arith.select %gt3A_424, %reduce_or3A_427, %reduce_or3A_428 : vector<16xi1>, vector<16xf32>
          %reduce_or3A_430 = arith.constant true
          %reduce_or3A_431 = vector.broadcast %reduce_or3A_430 : i1 to vector<16xi1>
          %reduce_or3A_432 = tpu.scan <max>, %reduce_or3A_429 masked %reduce_or3A_431 : vector<16xf32>, vector<16xi1> -> vector<16xf32>
          %reduce_or3A_433 = vector.extract %reduce_or3A_432[15] : f32 from vector<16xf32>
          %reduce_or3A_434 = arith.constant 0.000000e+00 : f32
          %reduce_or3A_435 = arith.cmpf ogt, %reduce_or3A_433, %reduce_or3A_434 : f32
          %while3A_436 = arith.constant true
          %while3A_437 = scf.while (%while3A_472 = %while3A_436) : (i1) -> i1 {
            scf.condition(%while3A_472) %while3A_472 : i1
          } do {
          ^bb0(%while3A_472: i1):
            %gather3A_473 = tpu.vector_load_idx %arg9[%shift_right_logical3A_413] : memref<10240xi32, #tpu.memory_space<vmem>>[vector<16xi32>], vector<16xi32>,
            %bitcast3A_474 = vector.bitcast %gather3A_473 : vector<16xi32> to vector<32xbf16>
            %bitcast3A_475 = vector.bitcast %gather3A_414 : vector<16xi32> to vector<32xbf16>
            %max3A_476 = arith.maximumf %bitcast3A_474, %bitcast3A_475 : vector<32xbf16>
            %bitcast3A_477 = vector.bitcast %max3A_476 : vector<32xbf16> to vector<16xi32>
            %ne3A_478 = arith.cmpi ne, %bitcast3A_477, %gather3A_473 : vector<16xi32>
            tpu.vector_store_idx %arg9[%shift_right_logical3A_413], %bitcast3A_477 masked %ne3A_478 : memref<10240xi32, #tpu.memory_space<vmem>>[vector<16xi32>], vector<16xi32>, vector<16xi1>
            %gather3A_479 = tpu.vector_load_idx %arg10[%shift_right_logical3A_413] : memref<10240xi32, #tpu.memory_space<vmem>>[vector<16xi32>], vector<16xi32>,
            %bitcast3A_480 = vector.bitcast %gather3A_479 : vector<16xi32> to vector<32xbf16>
            %bitcast3A_481 = vector.bitcast %gather3A_415 : vector<16xi32> to vector<32xbf16>
            %max3A_482 = arith.maximumf %bitcast3A_480, %bitcast3A_481 : vector<32xbf16>
            %bitcast3A_483 = vector.bitcast %max3A_482 : vector<32xbf16> to vector<16xi32>
            %ne3A_484 = arith.cmpi ne, %bitcast3A_483, %gather3A_479 : vector<16xi32>
            tpu.vector_store_idx %arg10[%shift_right_logical3A_413], %bitcast3A_483 masked %ne3A_484 : memref<10240xi32, #tpu.memory_space<vmem>>[vector<16xi32>], vector<16xi32>, vector<16xi1>
            %or3A_485 = arith.ori %ne3A_478, %ne3A_484 : vector<16xi1>
            %gather3A_486 = tpu.vector_load_idx %arg11[%shift_right_logical3A_413] : memref<10240xi32, #tpu.memory_space<vmem>>[vector<16xi32>], vector<16xi32>,
            %bitcast3A_487 = vector.bitcast %gather3A_486 : vector<16xi32> to vector<32xbf16>
            %bitcast3A_488 = vector.bitcast %gather3A_416 : vector<16xi32> to vector<32xbf16>
            %max3A_489 = arith.maximumf %bitcast3A_487, %bitcast3A_488 : vector<32xbf16>
            %bitcast3A_490 = vector.bitcast %max3A_489 : vector<32xbf16> to vector<16xi32>
            %ne3A_491 = arith.cmpi ne, %bitcast3A_490, %gather3A_486 : vector<16xi32>
            tpu.vector_store_idx %arg11[%shift_right_logical3A_413], %bitcast3A_490 masked %ne3A_491 : memref<10240xi32, #tpu.memory_space<vmem>>[vector<16xi32>], vector<16xi32>, vector<16xi1>
            %or3A_492 = arith.ori %or3A_485, %ne3A_491 : vector<16xi1>
            %gather3A_493 = tpu.vector_load_idx %arg12[%shift_right_logical3A_413] : memref<10240xi32, #tpu.memory_space<vmem>>[vector<16xi32>], vector<16xi32>,
            %bitcast3A_494 = vector.bitcast %gather3A_493 : vector<16xi32> to vector<32xbf16>
            %bitcast3A_495 = vector.bitcast %gather3A_417 : vector<16xi32> to vector<32xbf16>
            %max3A_496 = arith.maximumf %bitcast3A_494, %bitcast3A_495 : vector<32xbf16>
            %bitcast3A_497 = vector.bitcast %max3A_496 : vector<32xbf16> to vector<16xi32>
            %ne3A_498 = arith.cmpi ne, %bitcast3A_497, %gather3A_493 : vector<16xi32>
            tpu.vector_store_idx %arg12[%shift_right_logical3A_413], %bitcast3A_497 masked %ne3A_498 : memref<10240xi32, #tpu.memory_space<vmem>>[vector<16xi32>], vector<16xi32>, vector<16xi1>
            %or3A_499 = arith.ori %or3A_492, %ne3A_498 : vector<16xi1>
            %reduce_or3A_500 = arith.constant 1.000000e+00 : f32
            %reduce_or3A_501 = arith.constant 0.000000e+00 : f32
            %reduce_or3A_502 = vector.broadcast %reduce_or3A_500 : f32 to vector<16xf32>
            %reduce_or3A_503 = vector.broadcast %reduce_or3A_501 : f32 to vector<16xf32>
            %reduce_or3A_504 = arith.select %or3A_499, %reduce_or3A_502, %reduce_or3A_503 : vector<16xi1>, vector<16xf32>
            %reduce_or3A_505 = arith.constant true
            %reduce_or3A_506 = vector.broadcast %reduce_or3A_505 : i1 to vector<16xi1>
            %reduce_or3A_507 = tpu.scan <max>, %reduce_or3A_504 masked %reduce_or3A_506 : vector<16xf32>, vector<16xi1> -> vector<16xf32>
            %reduce_or3A_508 = vector.extract %reduce_or3A_507[15] : f32 from vector<16xf32>
            %reduce_or3A_509 = arith.constant 0.000000e+00 : f32
            %reduce_or3A_510 = arith.cmpf ogt, %reduce_or3A_508, %reduce_or3A_509 : f32
            %and3A_511 = arith.andi %reduce_or3A_435, %reduce_or3A_510 : i1
            scf.yield %and3A_511 : i1
          }
          %add3A_438 = arith.constant 48 : i32
          %add3A_439 = arith.addi %mul3A_123, %add3A_438 : i32
          %get3A_440 = arith.index_cast %add3A_439 : i32 to index
          %get3A_441 = tpu.vector_load %arg13[%get3A_440] {strides = array<i32>} : memref<8192xi32, #tpu.memory_space<vmem>>, vector<16xi32>,
          %and3A_442 = arith.constant 65535 : i32
          %and3A_443 = vector.broadcast %and3A_442 : i32 to vector<16xi32>
          %and3A_444 = arith.andi %get3A_441, %and3A_443 : vector<16xi32>
          %shift_right_logical3A_445 = arith.constant 16 : i32
          %shift_right_logical3A_446 = vector.broadcast %shift_right_logical3A_445 : i32 to vector<16xi32>
          %shift_right_logical3A_447 = arith.shrui %get3A_441, %shift_right_logical3A_446 : vector<16xi32>
          %gather3A_448 = tpu.vector_load_idx %arg5[%and3A_444] : memref<10240xi32, #tpu.memory_space<vmem>>[vector<16xi32>], vector<16xi32>,
          %gather3A_449 = tpu.vector_load_idx %arg6[%and3A_444] : memref<10240xi32, #tpu.memory_space<vmem>>[vector<16xi32>], vector<16xi32>,
          %gather3A_450 = tpu.vector_load_idx %arg7[%and3A_444] : memref<10240xi32, #tpu.memory_space<vmem>>[vector<16xi32>], vector<16xi32>,
          %gather3A_451 = tpu.vector_load_idx %arg8[%and3A_444] : memref<10240xi32, #tpu.memory_space<vmem>>[vector<16xi32>], vector<16xi32>,
          %broadcast_in_dim3A_452 = arith.constant true
          %broadcast_in_dim3A_453 = vector.broadcast %broadcast_in_dim3A_452 : i1 to vector<16xi1>
          %unique3A_454, %unique3A_455 = tpu.scan_count mask(%broadcast_in_dim3A_453 : vector<16xi1>) value(%shift_right_logical3A_447 : vector<16xi32>) : vector<16xi1>, vector<16xi32>
          %gt3A_456 = arith.constant 0 : i32
          %gt3A_457 = vector.broadcast %gt3A_456 : i32 to vector<16xi32>
          %gt3A_458 = arith.cmpi sgt, %unique3A_455, %gt3A_457 : vector<16xi32>
          %reduce_or3A_459 = arith.constant 1.000000e+00 : f32
          %reduce_or3A_460 = arith.constant 0.000000e+00 : f32
          %reduce_or3A_461 = vector.broadcast %reduce_or3A_459 : f32 to vector<16xf32>
          %reduce_or3A_462 = vector.broadcast %reduce_or3A_460 : f32 to vector<16xf32>
          %reduce_or3A_463 = arith.select %gt3A_458, %reduce_or3A_461, %reduce_or3A_462 : vector<16xi1>, vector<16xf32>
          %reduce_or3A_464 = arith.constant true
          %reduce_or3A_465 = vector.broadcast %reduce_or3A_464 : i1 to vector<16xi1>
          %reduce_or3A_466 = tpu.scan <max>, %reduce_or3A_463 masked %reduce_or3A_465 : vector<16xf32>, vector<16xi1> -> vector<16xf32>
          %reduce_or3A_467 = vector.extract %reduce_or3A_466[15] : f32 from vector<16xf32>
          %reduce_or3A_468 = arith.constant 0.000000e+00 : f32
          %reduce_or3A_469 = arith.cmpf ogt, %reduce_or3A_467, %reduce_or3A_468 : f32
          %while3A_470 = arith.constant true
          %while3A_471 = scf.while (%while3A_472 = %while3A_470) : (i1) -> i1 {
            scf.condition(%while3A_472) %while3A_472 : i1
          } do {
          ^bb0(%while3A_472: i1):
            %gather3A_473 = tpu.vector_load_idx %arg9[%shift_right_logical3A_447] : memref<10240xi32, #tpu.memory_space<vmem>>[vector<16xi32>], vector<16xi32>,
            %bitcast3A_474 = vector.bitcast %gather3A_473 : vector<16xi32> to vector<32xbf16>
            %bitcast3A_475 = vector.bitcast %gather3A_448 : vector<16xi32> to vector<32xbf16>
            %max3A_476 = arith.maximumf %bitcast3A_474, %bitcast3A_475 : vector<32xbf16>
            %bitcast3A_477 = vector.bitcast %max3A_476 : vector<32xbf16> to vector<16xi32>
            %ne3A_478 = arith.cmpi ne, %bitcast3A_477, %gather3A_473 : vector<16xi32>
            tpu.vector_store_idx %arg9[%shift_right_logical3A_447], %bitcast3A_477 masked %ne3A_478 : memref<10240xi32, #tpu.memory_space<vmem>>[vector<16xi32>], vector<16xi32>, vector<16xi1>
            %gather3A_479 = tpu.vector_load_idx %arg10[%shift_right_logical3A_447] : memref<10240xi32, #tpu.memory_space<vmem>>[vector<16xi32>], vector<16xi32>,
            %bitcast3A_480 = vector.bitcast %gather3A_479 : vector<16xi32> to vector<32xbf16>
            %bitcast3A_481 = vector.bitcast %gather3A_449 : vector<16xi32> to vector<32xbf16>
            %max3A_482 = arith.maximumf %bitcast3A_480, %bitcast3A_481 : vector<32xbf16>
            %bitcast3A_483 = vector.bitcast %max3A_482 : vector<32xbf16> to vector<16xi32>
            %ne3A_484 = arith.cmpi ne, %bitcast3A_483, %gather3A_479 : vector<16xi32>
            tpu.vector_store_idx %arg10[%shift_right_logical3A_447], %bitcast3A_483 masked %ne3A_484 : memref<10240xi32, #tpu.memory_space<vmem>>[vector<16xi32>], vector<16xi32>, vector<16xi1>
            %or3A_485 = arith.ori %ne3A_478, %ne3A_484 : vector<16xi1>
            %gather3A_486 = tpu.vector_load_idx %arg11[%shift_right_logical3A_447] : memref<10240xi32, #tpu.memory_space<vmem>>[vector<16xi32>], vector<16xi32>,
            %bitcast3A_487 = vector.bitcast %gather3A_486 : vector<16xi32> to vector<32xbf16>
            %bitcast3A_488 = vector.bitcast %gather3A_450 : vector<16xi32> to vector<32xbf16>
            %max3A_489 = arith.maximumf %bitcast3A_487, %bitcast3A_488 : vector<32xbf16>
            %bitcast3A_490 = vector.bitcast %max3A_489 : vector<32xbf16> to vector<16xi32>
            %ne3A_491 = arith.cmpi ne, %bitcast3A_490, %gather3A_486 : vector<16xi32>
            tpu.vector_store_idx %arg11[%shift_right_logical3A_447], %bitcast3A_490 masked %ne3A_491 : memref<10240xi32, #tpu.memory_space<vmem>>[vector<16xi32>], vector<16xi32>, vector<16xi1>
            %or3A_492 = arith.ori %or3A_485, %ne3A_491 : vector<16xi1>
            %gather3A_493 = tpu.vector_load_idx %arg12[%shift_right_logical3A_447] : memref<10240xi32, #tpu.memory_space<vmem>>[vector<16xi32>], vector<16xi32>,
            %bitcast3A_494 = vector.bitcast %gather3A_493 : vector<16xi32> to vector<32xbf16>
            %bitcast3A_495 = vector.bitcast %gather3A_451 : vector<16xi32> to vector<32xbf16>
            %max3A_496 = arith.maximumf %bitcast3A_494, %bitcast3A_495 : vector<32xbf16>
            %bitcast3A_497 = vector.bitcast %max3A_496 : vector<32xbf16> to vector<16xi32>
            %ne3A_498 = arith.cmpi ne, %bitcast3A_497, %gather3A_493 : vector<16xi32>
            tpu.vector_store_idx %arg12[%shift_right_logical3A_447], %bitcast3A_497 masked %ne3A_498 : memref<10240xi32, #tpu.memory_space<vmem>>[vector<16xi32>], vector<16xi32>, vector<16xi1>
            %or3A_499 = arith.ori %or3A_492, %ne3A_498 : vector<16xi1>
            %reduce_or3A_500 = arith.constant 1.000000e+00 : f32
            %reduce_or3A_501 = arith.constant 0.000000e+00 : f32
            %reduce_or3A_502 = vector.broadcast %reduce_or3A_500 : f32 to vector<16xf32>
            %reduce_or3A_503 = vector.broadcast %reduce_or3A_501 : f32 to vector<16xf32>
            %reduce_or3A_504 = arith.select %or3A_499, %reduce_or3A_502, %reduce_or3A_503 : vector<16xi1>, vector<16xf32>
            %reduce_or3A_505 = arith.constant true
            %reduce_or3A_506 = vector.broadcast %reduce_or3A_505 : i1 to vector<16xi1>
            %reduce_or3A_507 = tpu.scan <max>, %reduce_or3A_504 masked %reduce_or3A_506 : vector<16xf32>, vector<16xi1> -> vector<16xf32>
            %reduce_or3A_508 = vector.extract %reduce_or3A_507[15] : f32 from vector<16xf32>
            %reduce_or3A_509 = arith.constant 0.000000e+00 : f32
            %reduce_or3A_510 = arith.cmpf ogt, %reduce_or3A_508, %reduce_or3A_509 : f32
            %and3A_511 = arith.andi %reduce_or3A_469, %reduce_or3A_510 : i1
            scf.yield %and3A_511 : i1
          }
        } else {
        }
      }
      %scan3A_94 = arith.constant 128 : i32
      %add3A_95 = arith.constant 2 : i32
      %add3A_96 = arith.addi %add3A_85, %add3A_95 : i32
      %lt3A_97 = arith.constant 20 : i32
      %lt3A_98 = arith.cmpi slt, %add3A_96, %lt3A_97 : i32
      %convert_element_type3A = arith.extui %lt3A_98 : i1 to i32
      %cond3A = arith.constant 0 : i32
      %cond3A_99 = arith.cmpi ne, %convert_element_type3A, %cond3A : i32
      scf.if %cond3A_99 {
        %add3A_121 = arith.addi %mul3A_36, %add3A_96 : i32
        %mul3A_122 = arith.constant 8192 : i32
        %mul3A_123 = arith.muli %add3A_121, %mul3A_122 : i32
        %dma_start3A_124 = tpu.memref_slice %arg3[%mul3A_123] : memref<327680xi32, #tpu.memory_space<hbm>> -> memref<8192xi32, #tpu.memory_space<hbm>>
        %dma_start3A_125 = tpu.memref_slice %arg3[%mul3A_123] : memref<327680xi32, #tpu.memory_space<hbm>> -> memref<8192xi32, #tpu.memory_space<hbm>>
        tpu.enqueue_dma source(%dma_start3A_125 : memref<8192xi32, #tpu.memory_space<hbm>>) target(%arg13 : memref<8192xi32, #tpu.memory_space<vmem>>) target_semaphore(%arg15 : memref<!tpu.dma_semaphore, #tpu.memory_space<semaphore_mem>>)
      } else {
      }
      %mul3A_100 = arith.constant 2 : i32
      %mul3A_101 = arith.muli %scan3A_81, %mul3A_100 : i32
      %add3A_102 = arith.constant 1 : i32
      %add3A_103 = arith.addi %mul3A_101, %add3A_102 : i32
      %dma_wait3A_104 = arith.constant 0 : i32
      %dma_wait3A_105 = tpu.memref_slice %arg3[%dma_wait3A_104] : memref<327680xi32, #tpu.memory_space<hbm>> -> memref<8192xi32, #tpu.memory_space<hbm>>
      %dma_wait3A_106 = arith.constant 0 : i32
      %dma_wait3A_107 = tpu.memref_slice %arg3[%dma_wait3A_106] : memref<327680xi32, #tpu.memory_space<hbm>> -> memref<8192xi32, #tpu.memory_space<hbm>>
      tpu.wait_dma2 semaphore(%arg16 : memref<!tpu.dma_semaphore, #tpu.memory_space<semaphore_mem>>) src(%dma_wait3A_107 : memref<8192xi32, #tpu.memory_space<hbm>>) dst(%arg14 : memref<8192xi32, #tpu.memory_space<vmem>>)
      %scan3A_108 = arith.constant 0 : i32
      %scan3A_109 = arith.constant 0 : i32
      %scan3A_110 = arith.constant 128 : i32
      %scan3A_111 = arith.addi %scan3A_109, %scan3A_110 : i32
      %scan3A_112 = arith.constant 1 : i32
      scf.for %scan3A_121 = %scan3A_109 to %scan3A_111 step %scan3A_112  : i32 {
        %mul3A_122 = arith.constant 64 : i32
        %mul3A_123 = arith.muli %scan3A_121, %mul3A_122 : i32
        %get3A = arith.index_cast %mul3A_123 : i32 to index
        %get3A_124 = tpu.vector_load %arg14[%get3A] {strides = array<i32>} : memref<8192xi32, #tpu.memory_space<vmem>>, vector<16xi32>,
        %and3A_125 = arith.constant 65535 : i32
        %and3A_126 = vector.broadcast %and3A_125 : i32 to vector<16xi32>
        %and3A_127 = arith.andi %get3A_124, %and3A_126 : vector<16xi32>
        %shift_right_logical3A = arith.constant 16 : i32
        %shift_right_logical3A_128 = vector.broadcast %shift_right_logical3A : i32 to vector<16xi32>
        %shift_right_logical3A_129 = arith.shrui %get3A_124, %shift_right_logical3A_128 : vector<16xi32>
        %gather3A = tpu.vector_load_idx %arg5[%and3A_127] : memref<10240xi32, #tpu.memory_space<vmem>>[vector<16xi32>], vector<16xi32>,
        %gather3A_130 = tpu.vector_load_idx %arg6[%and3A_127] : memref<10240xi32, #tpu.memory_space<vmem>>[vector<16xi32>], vector<16xi32>,
        %gather3A_131 = tpu.vector_load_idx %arg7[%and3A_127] : memref<10240xi32, #tpu.memory_space<vmem>>[vector<16xi32>], vector<16xi32>,
        %gather3A_132 = tpu.vector_load_idx %arg8[%and3A_127] : memref<10240xi32, #tpu.memory_space<vmem>>[vector<16xi32>], vector<16xi32>,
        %broadcast_in_dim3A_133 = arith.constant true
        %broadcast_in_dim3A_134 = vector.broadcast %broadcast_in_dim3A_133 : i1 to vector<16xi1>
        %unique3A, %unique3A_135 = tpu.scan_count mask(%broadcast_in_dim3A_134 : vector<16xi1>) value(%shift_right_logical3A_129 : vector<16xi32>) : vector<16xi1>, vector<16xi32>
        %not3A = arith.constant dense<true> : vector<16xi1>
        %not3A_136 = arith.xori %unique3A, %not3A : vector<16xi1>
        %gt3A = arith.constant 0 : i32
        %gt3A_137 = vector.broadcast %gt3A : i32 to vector<16xi32>
        %gt3A_138 = arith.cmpi sgt, %unique3A_135, %gt3A_137 : vector<16xi32>
        %or3A = arith.ori %not3A_136, %gt3A_138 : vector<16xi1>
        %gather3A_139 = tpu.vector_load_idx %arg9[%shift_right_logical3A_129] : memref<10240xi32, #tpu.memory_space<vmem>>[vector<16xi32>], vector<16xi32>,
        %gather3A_140 = tpu.vector_load_idx %arg10[%shift_right_logical3A_129] : memref<10240xi32, #tpu.memory_space<vmem>>[vector<16xi32>], vector<16xi32>,
        %gather3A_141 = tpu.vector_load_idx %arg11[%shift_right_logical3A_129] : memref<10240xi32, #tpu.memory_space<vmem>>[vector<16xi32>], vector<16xi32>,
        %gather3A_142 = tpu.vector_load_idx %arg12[%shift_right_logical3A_129] : memref<10240xi32, #tpu.memory_space<vmem>>[vector<16xi32>], vector<16xi32>,
        %bitcast3A = vector.bitcast %gather3A_139 : vector<16xi32> to vector<32xbf16>
        %bitcast3A_143 = vector.bitcast %gather3A : vector<16xi32> to vector<32xbf16>
        %max3A = arith.maximumf %bitcast3A, %bitcast3A_143 : vector<32xbf16>
        %bitcast3A_144 = vector.bitcast %max3A : vector<32xbf16> to vector<16xi32>
        %ne3A_145 = arith.cmpi ne, %bitcast3A_144, %gather3A_139 : vector<16xi32>
        tpu.vector_store_idx %arg9[%shift_right_logical3A_129], %bitcast3A_144 masked %ne3A_145 : memref<10240xi32, #tpu.memory_space<vmem>>[vector<16xi32>], vector<16xi32>, vector<16xi1>
        %bitcast3A_146 = vector.bitcast %gather3A_140 : vector<16xi32> to vector<32xbf16>
        %bitcast3A_147 = vector.bitcast %gather3A_130 : vector<16xi32> to vector<32xbf16>
        %max3A_148 = arith.maximumf %bitcast3A_146, %bitcast3A_147 : vector<32xbf16>
        %bitcast3A_149 = vector.bitcast %max3A_148 : vector<32xbf16> to vector<16xi32>
        %ne3A_150 = arith.cmpi ne, %bitcast3A_149, %gather3A_140 : vector<16xi32>
        tpu.vector_store_idx %arg10[%shift_right_logical3A_129], %bitcast3A_149 masked %ne3A_150 : memref<10240xi32, #tpu.memory_space<vmem>>[vector<16xi32>], vector<16xi32>, vector<16xi1>
        %or3A_151 = arith.ori %ne3A_145, %ne3A_150 : vector<16xi1>
        %bitcast3A_152 = vector.bitcast %gather3A_141 : vector<16xi32> to vector<32xbf16>
        %bitcast3A_153 = vector.bitcast %gather3A_131 : vector<16xi32> to vector<32xbf16>
        %max3A_154 = arith.maximumf %bitcast3A_152, %bitcast3A_153 : vector<32xbf16>
        %bitcast3A_155 = vector.bitcast %max3A_154 : vector<32xbf16> to vector<16xi32>
        %ne3A_156 = arith.cmpi ne, %bitcast3A_155, %gather3A_141 : vector<16xi32>
        tpu.vector_store_idx %arg11[%shift_right_logical3A_129], %bitcast3A_155 masked %ne3A_156 : memref<10240xi32, #tpu.memory_space<vmem>>[vector<16xi32>], vector<16xi32>, vector<16xi1>
        %or3A_157 = arith.ori %or3A_151, %ne3A_156 : vector<16xi1>
        %bitcast3A_158 = vector.bitcast %gather3A_142 : vector<16xi32> to vector<32xbf16>
        %bitcast3A_159 = vector.bitcast %gather3A_132 : vector<16xi32> to vector<32xbf16>
        %max3A_160 = arith.maximumf %bitcast3A_158, %bitcast3A_159 : vector<32xbf16>
        %bitcast3A_161 = vector.bitcast %max3A_160 : vector<32xbf16> to vector<16xi32>
        %ne3A_162 = arith.cmpi ne, %bitcast3A_161, %gather3A_142 : vector<16xi32>
        tpu.vector_store_idx %arg12[%shift_right_logical3A_129], %bitcast3A_161 masked %ne3A_162 : memref<10240xi32, #tpu.memory_space<vmem>>[vector<16xi32>], vector<16xi32>, vector<16xi1>
        %or3A_163 = arith.ori %or3A_157, %ne3A_162 : vector<16xi1>
        %and3A_164 = arith.andi %or3A, %or3A_163 : vector<16xi1>
        %add3A_165 = arith.constant 16 : i32
        %add3A_166 = arith.addi %mul3A_123, %add3A_165 : i32
        %get3A_167 = arith.index_cast %add3A_166 : i32 to index
        %get3A_168 = tpu.vector_load %arg14[%get3A_167] {strides = array<i32>} : memref<8192xi32, #tpu.memory_space<vmem>>, vector<16xi32>,
        %and3A_169 = arith.constant 65535 : i32
        %and3A_170 = vector.broadcast %and3A_169 : i32 to vector<16xi32>
        %and3A_171 = arith.andi %get3A_168, %and3A_170 : vector<16xi32>
        %shift_right_logical3A_172 = arith.constant 16 : i32
        %shift_right_logical3A_173 = vector.broadcast %shift_right_logical3A_172 : i32 to vector<16xi32>
        %shift_right_logical3A_174 = arith.shrui %get3A_168, %shift_right_logical3A_173 : vector<16xi32>
        %gather3A_175 = tpu.vector_load_idx %arg5[%and3A_171] : memref<10240xi32, #tpu.memory_space<vmem>>[vector<16xi32>], vector<16xi32>,
        %gather3A_176 = tpu.vector_load_idx %arg6[%and3A_171] : memref<10240xi32, #tpu.memory_space<vmem>>[vector<16xi32>], vector<16xi32>,
        %gather3A_177 = tpu.vector_load_idx %arg7[%and3A_171] : memref<10240xi32, #tpu.memory_space<vmem>>[vector<16xi32>], vector<16xi32>,
        %gather3A_178 = tpu.vector_load_idx %arg8[%and3A_171] : memref<10240xi32, #tpu.memory_space<vmem>>[vector<16xi32>], vector<16xi32>,
        %broadcast_in_dim3A_179 = arith.constant true
        %broadcast_in_dim3A_180 = vector.broadcast %broadcast_in_dim3A_179 : i1 to vector<16xi1>
        %unique3A_181, %unique3A_182 = tpu.scan_count mask(%broadcast_in_dim3A_180 : vector<16xi1>) value(%shift_right_logical3A_174 : vector<16xi32>) : vector<16xi1>, vector<16xi32>
        %not3A_183 = arith.constant dense<true> : vector<16xi1>
        %not3A_184 = arith.xori %unique3A_181, %not3A_183 : vector<16xi1>
        %gt3A_185 = arith.constant 0 : i32
        %gt3A_186 = vector.broadcast %gt3A_185 : i32 to vector<16xi32>
        %gt3A_187 = arith.cmpi sgt, %unique3A_182, %gt3A_186 : vector<16xi32>
        %or3A_188 = arith.ori %not3A_184, %gt3A_187 : vector<16xi1>
        %gather3A_189 = tpu.vector_load_idx %arg9[%shift_right_logical3A_174] : memref<10240xi32, #tpu.memory_space<vmem>>[vector<16xi32>], vector<16xi32>,
        %gather3A_190 = tpu.vector_load_idx %arg10[%shift_right_logical3A_174] : memref<10240xi32, #tpu.memory_space<vmem>>[vector<16xi32>], vector<16xi32>,
        %gather3A_191 = tpu.vector_load_idx %arg11[%shift_right_logical3A_174] : memref<10240xi32, #tpu.memory_space<vmem>>[vector<16xi32>], vector<16xi32>,
        %gather3A_192 = tpu.vector_load_idx %arg12[%shift_right_logical3A_174] : memref<10240xi32, #tpu.memory_space<vmem>>[vector<16xi32>], vector<16xi32>,
        %bitcast3A_193 = vector.bitcast %gather3A_189 : vector<16xi32> to vector<32xbf16>
        %bitcast3A_194 = vector.bitcast %gather3A_175 : vector<16xi32> to vector<32xbf16>
        %max3A_195 = arith.maximumf %bitcast3A_193, %bitcast3A_194 : vector<32xbf16>
        %bitcast3A_196 = vector.bitcast %max3A_195 : vector<32xbf16> to vector<16xi32>
        %ne3A_197 = arith.cmpi ne, %bitcast3A_196, %gather3A_189 : vector<16xi32>
        tpu.vector_store_idx %arg9[%shift_right_logical3A_174], %bitcast3A_196 masked %ne3A_197 : memref<10240xi32, #tpu.memory_space<vmem>>[vector<16xi32>], vector<16xi32>, vector<16xi1>
        %bitcast3A_198 = vector.bitcast %gather3A_190 : vector<16xi32> to vector<32xbf16>
        %bitcast3A_199 = vector.bitcast %gather3A_176 : vector<16xi32> to vector<32xbf16>
        %max3A_200 = arith.maximumf %bitcast3A_198, %bitcast3A_199 : vector<32xbf16>
        %bitcast3A_201 = vector.bitcast %max3A_200 : vector<32xbf16> to vector<16xi32>
        %ne3A_202 = arith.cmpi ne, %bitcast3A_201, %gather3A_190 : vector<16xi32>
        tpu.vector_store_idx %arg10[%shift_right_logical3A_174], %bitcast3A_201 masked %ne3A_202 : memref<10240xi32, #tpu.memory_space<vmem>>[vector<16xi32>], vector<16xi32>, vector<16xi1>
        %or3A_203 = arith.ori %ne3A_197, %ne3A_202 : vector<16xi1>
        %bitcast3A_204 = vector.bitcast %gather3A_191 : vector<16xi32> to vector<32xbf16>
        %bitcast3A_205 = vector.bitcast %gather3A_177 : vector<16xi32> to vector<32xbf16>
        %max3A_206 = arith.maximumf %bitcast3A_204, %bitcast3A_205 : vector<32xbf16>
        %bitcast3A_207 = vector.bitcast %max3A_206 : vector<32xbf16> to vector<16xi32>
        %ne3A_208 = arith.cmpi ne, %bitcast3A_207, %gather3A_191 : vector<16xi32>
        tpu.vector_store_idx %arg11[%shift_right_logical3A_174], %bitcast3A_207 masked %ne3A_208 : memref<10240xi32, #tpu.memory_space<vmem>>[vector<16xi32>], vector<16xi32>, vector<16xi1>
        %or3A_209 = arith.ori %or3A_203, %ne3A_208 : vector<16xi1>
        %bitcast3A_210 = vector.bitcast %gather3A_192 : vector<16xi32> to vector<32xbf16>
        %bitcast3A_211 = vector.bitcast %gather3A_178 : vector<16xi32> to vector<32xbf16>
        %max3A_212 = arith.maximumf %bitcast3A_210, %bitcast3A_211 : vector<32xbf16>
        %bitcast3A_213 = vector.bitcast %max3A_212 : vector<32xbf16> to vector<16xi32>
        %ne3A_214 = arith.cmpi ne, %bitcast3A_213, %gather3A_192 : vector<16xi32>
        tpu.vector_store_idx %arg12[%shift_right_logical3A_174], %bitcast3A_213 masked %ne3A_214 : memref<10240xi32, #tpu.memory_space<vmem>>[vector<16xi32>], vector<16xi32>, vector<16xi1>
        %or3A_215 = arith.ori %or3A_209, %ne3A_214 : vector<16xi1>
        %and3A_216 = arith.andi %or3A_188, %or3A_215 : vector<16xi1>
        %or3A_217 = arith.ori %and3A_164, %and3A_216 : vector<16xi1>
        %add3A_218 = arith.constant 32 : i32
        %add3A_219 = arith.addi %mul3A_123, %add3A_218 : i32
        %get3A_220 = arith.index_cast %add3A_219 : i32 to index
        %get3A_221 = tpu.vector_load %arg14[%get3A_220] {strides = array<i32>} : memref<8192xi32, #tpu.memory_space<vmem>>, vector<16xi32>,
        %and3A_222 = arith.constant 65535 : i32
        %and3A_223 = vector.broadcast %and3A_222 : i32 to vector<16xi32>
        %and3A_224 = arith.andi %get3A_221, %and3A_223 : vector<16xi32>
        %shift_right_logical3A_225 = arith.constant 16 : i32
        %shift_right_logical3A_226 = vector.broadcast %shift_right_logical3A_225 : i32 to vector<16xi32>
        %shift_right_logical3A_227 = arith.shrui %get3A_221, %shift_right_logical3A_226 : vector<16xi32>
        %gather3A_228 = tpu.vector_load_idx %arg5[%and3A_224] : memref<10240xi32, #tpu.memory_space<vmem>>[vector<16xi32>], vector<16xi32>,
        %gather3A_229 = tpu.vector_load_idx %arg6[%and3A_224] : memref<10240xi32, #tpu.memory_space<vmem>>[vector<16xi32>], vector<16xi32>,
        %gather3A_230 = tpu.vector_load_idx %arg7[%and3A_224] : memref<10240xi32, #tpu.memory_space<vmem>>[vector<16xi32>], vector<16xi32>,
        %gather3A_231 = tpu.vector_load_idx %arg8[%and3A_224] : memref<10240xi32, #tpu.memory_space<vmem>>[vector<16xi32>], vector<16xi32>,
        %broadcast_in_dim3A_232 = arith.constant true
        %broadcast_in_dim3A_233 = vector.broadcast %broadcast_in_dim3A_232 : i1 to vector<16xi1>
        %unique3A_234, %unique3A_235 = tpu.scan_count mask(%broadcast_in_dim3A_233 : vector<16xi1>) value(%shift_right_logical3A_227 : vector<16xi32>) : vector<16xi1>, vector<16xi32>
        %not3A_236 = arith.constant dense<true> : vector<16xi1>
        %not3A_237 = arith.xori %unique3A_234, %not3A_236 : vector<16xi1>
        %gt3A_238 = arith.constant 0 : i32
        %gt3A_239 = vector.broadcast %gt3A_238 : i32 to vector<16xi32>
        %gt3A_240 = arith.cmpi sgt, %unique3A_235, %gt3A_239 : vector<16xi32>
        %or3A_241 = arith.ori %not3A_237, %gt3A_240 : vector<16xi1>
        %gather3A_242 = tpu.vector_load_idx %arg9[%shift_right_logical3A_227] : memref<10240xi32, #tpu.memory_space<vmem>>[vector<16xi32>], vector<16xi32>,
        %gather3A_243 = tpu.vector_load_idx %arg10[%shift_right_logical3A_227] : memref<10240xi32, #tpu.memory_space<vmem>>[vector<16xi32>], vector<16xi32>,
        %gather3A_244 = tpu.vector_load_idx %arg11[%shift_right_logical3A_227] : memref<10240xi32, #tpu.memory_space<vmem>>[vector<16xi32>], vector<16xi32>,
        %gather3A_245 = tpu.vector_load_idx %arg12[%shift_right_logical3A_227] : memref<10240xi32, #tpu.memory_space<vmem>>[vector<16xi32>], vector<16xi32>,
        %bitcast3A_246 = vector.bitcast %gather3A_242 : vector<16xi32> to vector<32xbf16>
        %bitcast3A_247 = vector.bitcast %gather3A_228 : vector<16xi32> to vector<32xbf16>
        %max3A_248 = arith.maximumf %bitcast3A_246, %bitcast3A_247 : vector<32xbf16>
        %bitcast3A_249 = vector.bitcast %max3A_248 : vector<32xbf16> to vector<16xi32>
        %ne3A_250 = arith.cmpi ne, %bitcast3A_249, %gather3A_242 : vector<16xi32>
        tpu.vector_store_idx %arg9[%shift_right_logical3A_227], %bitcast3A_249 masked %ne3A_250 : memref<10240xi32, #tpu.memory_space<vmem>>[vector<16xi32>], vector<16xi32>, vector<16xi1>
        %bitcast3A_251 = vector.bitcast %gather3A_243 : vector<16xi32> to vector<32xbf16>
        %bitcast3A_252 = vector.bitcast %gather3A_229 : vector<16xi32> to vector<32xbf16>
        %max3A_253 = arith.maximumf %bitcast3A_251, %bitcast3A_252 : vector<32xbf16>
        %bitcast3A_254 = vector.bitcast %max3A_253 : vector<32xbf16> to vector<16xi32>
        %ne3A_255 = arith.cmpi ne, %bitcast3A_254, %gather3A_243 : vector<16xi32>
        tpu.vector_store_idx %arg10[%shift_right_logical3A_227], %bitcast3A_254 masked %ne3A_255 : memref<10240xi32, #tpu.memory_space<vmem>>[vector<16xi32>], vector<16xi32>, vector<16xi1>
        %or3A_256 = arith.ori %ne3A_250, %ne3A_255 : vector<16xi1>
        %bitcast3A_257 = vector.bitcast %gather3A_244 : vector<16xi32> to vector<32xbf16>
        %bitcast3A_258 = vector.bitcast %gather3A_230 : vector<16xi32> to vector<32xbf16>
        %max3A_259 = arith.maximumf %bitcast3A_257, %bitcast3A_258 : vector<32xbf16>
        %bitcast3A_260 = vector.bitcast %max3A_259 : vector<32xbf16> to vector<16xi32>
        %ne3A_261 = arith.cmpi ne, %bitcast3A_260, %gather3A_244 : vector<16xi32>
        tpu.vector_store_idx %arg11[%shift_right_logical3A_227], %bitcast3A_260 masked %ne3A_261 : memref<10240xi32, #tpu.memory_space<vmem>>[vector<16xi32>], vector<16xi32>, vector<16xi1>
        %or3A_262 = arith.ori %or3A_256, %ne3A_261 : vector<16xi1>
        %bitcast3A_263 = vector.bitcast %gather3A_245 : vector<16xi32> to vector<32xbf16>
        %bitcast3A_264 = vector.bitcast %gather3A_231 : vector<16xi32> to vector<32xbf16>
        %max3A_265 = arith.maximumf %bitcast3A_263, %bitcast3A_264 : vector<32xbf16>
        %bitcast3A_266 = vector.bitcast %max3A_265 : vector<32xbf16> to vector<16xi32>
        %ne3A_267 = arith.cmpi ne, %bitcast3A_266, %gather3A_245 : vector<16xi32>
        tpu.vector_store_idx %arg12[%shift_right_logical3A_227], %bitcast3A_266 masked %ne3A_267 : memref<10240xi32, #tpu.memory_space<vmem>>[vector<16xi32>], vector<16xi32>, vector<16xi1>
        %or3A_268 = arith.ori %or3A_262, %ne3A_267 : vector<16xi1>
        %and3A_269 = arith.andi %or3A_241, %or3A_268 : vector<16xi1>
        %or3A_270 = arith.ori %or3A_217, %and3A_269 : vector<16xi1>
        %add3A_271 = arith.constant 48 : i32
        %add3A_272 = arith.addi %mul3A_123, %add3A_271 : i32
        %get3A_273 = arith.index_cast %add3A_272 : i32 to index
        %get3A_274 = tpu.vector_load %arg14[%get3A_273] {strides = array<i32>} : memref<8192xi32, #tpu.memory_space<vmem>>, vector<16xi32>,
        %and3A_275 = arith.constant 65535 : i32
        %and3A_276 = vector.broadcast %and3A_275 : i32 to vector<16xi32>
        %and3A_277 = arith.andi %get3A_274, %and3A_276 : vector<16xi32>
        %shift_right_logical3A_278 = arith.constant 16 : i32
        %shift_right_logical3A_279 = vector.broadcast %shift_right_logical3A_278 : i32 to vector<16xi32>
        %shift_right_logical3A_280 = arith.shrui %get3A_274, %shift_right_logical3A_279 : vector<16xi32>
        %gather3A_281 = tpu.vector_load_idx %arg5[%and3A_277] : memref<10240xi32, #tpu.memory_space<vmem>>[vector<16xi32>], vector<16xi32>,
        %gather3A_282 = tpu.vector_load_idx %arg6[%and3A_277] : memref<10240xi32, #tpu.memory_space<vmem>>[vector<16xi32>], vector<16xi32>,
        %gather3A_283 = tpu.vector_load_idx %arg7[%and3A_277] : memref<10240xi32, #tpu.memory_space<vmem>>[vector<16xi32>], vector<16xi32>,
        %gather3A_284 = tpu.vector_load_idx %arg8[%and3A_277] : memref<10240xi32, #tpu.memory_space<vmem>>[vector<16xi32>], vector<16xi32>,
        %broadcast_in_dim3A_285 = arith.constant true
        %broadcast_in_dim3A_286 = vector.broadcast %broadcast_in_dim3A_285 : i1 to vector<16xi1>
        %unique3A_287, %unique3A_288 = tpu.scan_count mask(%broadcast_in_dim3A_286 : vector<16xi1>) value(%shift_right_logical3A_280 : vector<16xi32>) : vector<16xi1>, vector<16xi32>
        %not3A_289 = arith.constant dense<true> : vector<16xi1>
        %not3A_290 = arith.xori %unique3A_287, %not3A_289 : vector<16xi1>
        %gt3A_291 = arith.constant 0 : i32
        %gt3A_292 = vector.broadcast %gt3A_291 : i32 to vector<16xi32>
        %gt3A_293 = arith.cmpi sgt, %unique3A_288, %gt3A_292 : vector<16xi32>
        %or3A_294 = arith.ori %not3A_290, %gt3A_293 : vector<16xi1>
        %gather3A_295 = tpu.vector_load_idx %arg9[%shift_right_logical3A_280] : memref<10240xi32, #tpu.memory_space<vmem>>[vector<16xi32>], vector<16xi32>,
        %gather3A_296 = tpu.vector_load_idx %arg10[%shift_right_logical3A_280] : memref<10240xi32, #tpu.memory_space<vmem>>[vector<16xi32>], vector<16xi32>,
        %gather3A_297 = tpu.vector_load_idx %arg11[%shift_right_logical3A_280] : memref<10240xi32, #tpu.memory_space<vmem>>[vector<16xi32>], vector<16xi32>,
        %gather3A_298 = tpu.vector_load_idx %arg12[%shift_right_logical3A_280] : memref<10240xi32, #tpu.memory_space<vmem>>[vector<16xi32>], vector<16xi32>,
        %bitcast3A_299 = vector.bitcast %gather3A_295 : vector<16xi32> to vector<32xbf16>
        %bitcast3A_300 = vector.bitcast %gather3A_281 : vector<16xi32> to vector<32xbf16>
        %max3A_301 = arith.maximumf %bitcast3A_299, %bitcast3A_300 : vector<32xbf16>
        %bitcast3A_302 = vector.bitcast %max3A_301 : vector<32xbf16> to vector<16xi32>
        %ne3A_303 = arith.cmpi ne, %bitcast3A_302, %gather3A_295 : vector<16xi32>
        tpu.vector_store_idx %arg9[%shift_right_logical3A_280], %bitcast3A_302 masked %ne3A_303 : memref<10240xi32, #tpu.memory_space<vmem>>[vector<16xi32>], vector<16xi32>, vector<16xi1>
        %bitcast3A_304 = vector.bitcast %gather3A_296 : vector<16xi32> to vector<32xbf16>
        %bitcast3A_305 = vector.bitcast %gather3A_282 : vector<16xi32> to vector<32xbf16>
        %max3A_306 = arith.maximumf %bitcast3A_304, %bitcast3A_305 : vector<32xbf16>
        %bitcast3A_307 = vector.bitcast %max3A_306 : vector<32xbf16> to vector<16xi32>
        %ne3A_308 = arith.cmpi ne, %bitcast3A_307, %gather3A_296 : vector<16xi32>
        tpu.vector_store_idx %arg10[%shift_right_logical3A_280], %bitcast3A_307 masked %ne3A_308 : memref<10240xi32, #tpu.memory_space<vmem>>[vector<16xi32>], vector<16xi32>, vector<16xi1>
        %or3A_309 = arith.ori %ne3A_303, %ne3A_308 : vector<16xi1>
        %bitcast3A_310 = vector.bitcast %gather3A_297 : vector<16xi32> to vector<32xbf16>
        %bitcast3A_311 = vector.bitcast %gather3A_283 : vector<16xi32> to vector<32xbf16>
        %max3A_312 = arith.maximumf %bitcast3A_310, %bitcast3A_311 : vector<32xbf16>
        %bitcast3A_313 = vector.bitcast %max3A_312 : vector<32xbf16> to vector<16xi32>
        %ne3A_314 = arith.cmpi ne, %bitcast3A_313, %gather3A_297 : vector<16xi32>
        tpu.vector_store_idx %arg11[%shift_right_logical3A_280], %bitcast3A_313 masked %ne3A_314 : memref<10240xi32, #tpu.memory_space<vmem>>[vector<16xi32>], vector<16xi32>, vector<16xi1>
        %or3A_315 = arith.ori %or3A_309, %ne3A_314 : vector<16xi1>
        %bitcast3A_316 = vector.bitcast %gather3A_298 : vector<16xi32> to vector<32xbf16>
        %bitcast3A_317 = vector.bitcast %gather3A_284 : vector<16xi32> to vector<32xbf16>
        %max3A_318 = arith.maximumf %bitcast3A_316, %bitcast3A_317 : vector<32xbf16>
        %bitcast3A_319 = vector.bitcast %max3A_318 : vector<32xbf16> to vector<16xi32>
        %ne3A_320 = arith.cmpi ne, %bitcast3A_319, %gather3A_298 : vector<16xi32>
        tpu.vector_store_idx %arg12[%shift_right_logical3A_280], %bitcast3A_319 masked %ne3A_320 : memref<10240xi32, #tpu.memory_space<vmem>>[vector<16xi32>], vector<16xi32>, vector<16xi1>
        %or3A_321 = arith.ori %or3A_315, %ne3A_320 : vector<16xi1>
        %and3A_322 = arith.andi %or3A_294, %or3A_321 : vector<16xi1>
        %or3A_323 = arith.ori %or3A_270, %and3A_322 : vector<16xi1>
        %reduce_or3A = arith.constant 1.000000e+00 : f32
        %reduce_or3A_324 = arith.constant 0.000000e+00 : f32
        %reduce_or3A_325 = vector.broadcast %reduce_or3A : f32 to vector<16xf32>
        %reduce_or3A_326 = vector.broadcast %reduce_or3A_324 : f32 to vector<16xf32>
        %reduce_or3A_327 = arith.select %or3A_323, %reduce_or3A_325, %reduce_or3A_326 : vector<16xi1>, vector<16xf32>
        %reduce_or3A_328 = arith.constant true
        %reduce_or3A_329 = vector.broadcast %reduce_or3A_328 : i1 to vector<16xi1>
        %reduce_or3A_330 = tpu.scan <max>, %reduce_or3A_327 masked %reduce_or3A_329 : vector<16xf32>, vector<16xi1> -> vector<16xf32>
        %reduce_or3A_331 = vector.extract %reduce_or3A_330[15] : f32 from vector<16xf32>
        %reduce_or3A_332 = arith.constant 0.000000e+00 : f32
        %reduce_or3A_333 = arith.cmpf ogt, %reduce_or3A_331, %reduce_or3A_332 : f32
        %convert_element_type3A_334 = arith.extui %reduce_or3A_333 : i1 to i32
        %cond3A_335 = arith.constant 0 : i32
        %cond3A_336 = arith.cmpi ne, %convert_element_type3A_334, %cond3A_335 : i32
        scf.if %cond3A_336 {
          %add3A_337 = arith.constant 0 : i32
          %add3A_338 = arith.addi %mul3A_123, %add3A_337 : i32
          %get3A_339 = arith.index_cast %add3A_338 : i32 to index
          %get3A_340 = tpu.vector_load %arg14[%get3A_339] {strides = array<i32>} : memref<8192xi32, #tpu.memory_space<vmem>>, vector<16xi32>,
          %and3A_341 = arith.constant 65535 : i32
          %and3A_342 = vector.broadcast %and3A_341 : i32 to vector<16xi32>
          %and3A_343 = arith.andi %get3A_340, %and3A_342 : vector<16xi32>
          %shift_right_logical3A_344 = arith.constant 16 : i32
          %shift_right_logical3A_345 = vector.broadcast %shift_right_logical3A_344 : i32 to vector<16xi32>
          %shift_right_logical3A_346 = arith.shrui %get3A_340, %shift_right_logical3A_345 : vector<16xi32>
          %gather3A_347 = tpu.vector_load_idx %arg5[%and3A_343] : memref<10240xi32, #tpu.memory_space<vmem>>[vector<16xi32>], vector<16xi32>,
          %gather3A_348 = tpu.vector_load_idx %arg6[%and3A_343] : memref<10240xi32, #tpu.memory_space<vmem>>[vector<16xi32>], vector<16xi32>,
          %gather3A_349 = tpu.vector_load_idx %arg7[%and3A_343] : memref<10240xi32, #tpu.memory_space<vmem>>[vector<16xi32>], vector<16xi32>,
          %gather3A_350 = tpu.vector_load_idx %arg8[%and3A_343] : memref<10240xi32, #tpu.memory_space<vmem>>[vector<16xi32>], vector<16xi32>,
          %broadcast_in_dim3A_351 = arith.constant true
          %broadcast_in_dim3A_352 = vector.broadcast %broadcast_in_dim3A_351 : i1 to vector<16xi1>
          %unique3A_353, %unique3A_354 = tpu.scan_count mask(%broadcast_in_dim3A_352 : vector<16xi1>) value(%shift_right_logical3A_346 : vector<16xi32>) : vector<16xi1>, vector<16xi32>
          %gt3A_355 = arith.constant 0 : i32
          %gt3A_356 = vector.broadcast %gt3A_355 : i32 to vector<16xi32>
          %gt3A_357 = arith.cmpi sgt, %unique3A_354, %gt3A_356 : vector<16xi32>
          %reduce_or3A_358 = arith.constant 1.000000e+00 : f32
          %reduce_or3A_359 = arith.constant 0.000000e+00 : f32
          %reduce_or3A_360 = vector.broadcast %reduce_or3A_358 : f32 to vector<16xf32>
          %reduce_or3A_361 = vector.broadcast %reduce_or3A_359 : f32 to vector<16xf32>
          %reduce_or3A_362 = arith.select %gt3A_357, %reduce_or3A_360, %reduce_or3A_361 : vector<16xi1>, vector<16xf32>
          %reduce_or3A_363 = arith.constant true
          %reduce_or3A_364 = vector.broadcast %reduce_or3A_363 : i1 to vector<16xi1>
          %reduce_or3A_365 = tpu.scan <max>, %reduce_or3A_362 masked %reduce_or3A_364 : vector<16xf32>, vector<16xi1> -> vector<16xf32>
          %reduce_or3A_366 = vector.extract %reduce_or3A_365[15] : f32 from vector<16xf32>
          %reduce_or3A_367 = arith.constant 0.000000e+00 : f32
          %reduce_or3A_368 = arith.cmpf ogt, %reduce_or3A_366, %reduce_or3A_367 : f32
          %while3A = arith.constant true
          %while3A_369 = scf.while (%while3A_472 = %while3A) : (i1) -> i1 {
            scf.condition(%while3A_472) %while3A_472 : i1
          } do {
          ^bb0(%while3A_472: i1):
            %gather3A_473 = tpu.vector_load_idx %arg9[%shift_right_logical3A_346] : memref<10240xi32, #tpu.memory_space<vmem>>[vector<16xi32>], vector<16xi32>,
            %bitcast3A_474 = vector.bitcast %gather3A_473 : vector<16xi32> to vector<32xbf16>
            %bitcast3A_475 = vector.bitcast %gather3A_347 : vector<16xi32> to vector<32xbf16>
            %max3A_476 = arith.maximumf %bitcast3A_474, %bitcast3A_475 : vector<32xbf16>
            %bitcast3A_477 = vector.bitcast %max3A_476 : vector<32xbf16> to vector<16xi32>
            %ne3A_478 = arith.cmpi ne, %bitcast3A_477, %gather3A_473 : vector<16xi32>
            tpu.vector_store_idx %arg9[%shift_right_logical3A_346], %bitcast3A_477 masked %ne3A_478 : memref<10240xi32, #tpu.memory_space<vmem>>[vector<16xi32>], vector<16xi32>, vector<16xi1>
            %gather3A_479 = tpu.vector_load_idx %arg10[%shift_right_logical3A_346] : memref<10240xi32, #tpu.memory_space<vmem>>[vector<16xi32>], vector<16xi32>,
            %bitcast3A_480 = vector.bitcast %gather3A_479 : vector<16xi32> to vector<32xbf16>
            %bitcast3A_481 = vector.bitcast %gather3A_348 : vector<16xi32> to vector<32xbf16>
            %max3A_482 = arith.maximumf %bitcast3A_480, %bitcast3A_481 : vector<32xbf16>
            %bitcast3A_483 = vector.bitcast %max3A_482 : vector<32xbf16> to vector<16xi32>
            %ne3A_484 = arith.cmpi ne, %bitcast3A_483, %gather3A_479 : vector<16xi32>
            tpu.vector_store_idx %arg10[%shift_right_logical3A_346], %bitcast3A_483 masked %ne3A_484 : memref<10240xi32, #tpu.memory_space<vmem>>[vector<16xi32>], vector<16xi32>, vector<16xi1>
            %or3A_485 = arith.ori %ne3A_478, %ne3A_484 : vector<16xi1>
            %gather3A_486 = tpu.vector_load_idx %arg11[%shift_right_logical3A_346] : memref<10240xi32, #tpu.memory_space<vmem>>[vector<16xi32>], vector<16xi32>,
            %bitcast3A_487 = vector.bitcast %gather3A_486 : vector<16xi32> to vector<32xbf16>
            %bitcast3A_488 = vector.bitcast %gather3A_349 : vector<16xi32> to vector<32xbf16>
            %max3A_489 = arith.maximumf %bitcast3A_487, %bitcast3A_488 : vector<32xbf16>
            %bitcast3A_490 = vector.bitcast %max3A_489 : vector<32xbf16> to vector<16xi32>
            %ne3A_491 = arith.cmpi ne, %bitcast3A_490, %gather3A_486 : vector<16xi32>
            tpu.vector_store_idx %arg11[%shift_right_logical3A_346], %bitcast3A_490 masked %ne3A_491 : memref<10240xi32, #tpu.memory_space<vmem>>[vector<16xi32>], vector<16xi32>, vector<16xi1>
            %or3A_492 = arith.ori %or3A_485, %ne3A_491 : vector<16xi1>
            %gather3A_493 = tpu.vector_load_idx %arg12[%shift_right_logical3A_346] : memref<10240xi32, #tpu.memory_space<vmem>>[vector<16xi32>], vector<16xi32>,
            %bitcast3A_494 = vector.bitcast %gather3A_493 : vector<16xi32> to vector<32xbf16>
            %bitcast3A_495 = vector.bitcast %gather3A_350 : vector<16xi32> to vector<32xbf16>
            %max3A_496 = arith.maximumf %bitcast3A_494, %bitcast3A_495 : vector<32xbf16>
            %bitcast3A_497 = vector.bitcast %max3A_496 : vector<32xbf16> to vector<16xi32>
            %ne3A_498 = arith.cmpi ne, %bitcast3A_497, %gather3A_493 : vector<16xi32>
            tpu.vector_store_idx %arg12[%shift_right_logical3A_346], %bitcast3A_497 masked %ne3A_498 : memref<10240xi32, #tpu.memory_space<vmem>>[vector<16xi32>], vector<16xi32>, vector<16xi1>
            %or3A_499 = arith.ori %or3A_492, %ne3A_498 : vector<16xi1>
            %reduce_or3A_500 = arith.constant 1.000000e+00 : f32
            %reduce_or3A_501 = arith.constant 0.000000e+00 : f32
            %reduce_or3A_502 = vector.broadcast %reduce_or3A_500 : f32 to vector<16xf32>
            %reduce_or3A_503 = vector.broadcast %reduce_or3A_501 : f32 to vector<16xf32>
            %reduce_or3A_504 = arith.select %or3A_499, %reduce_or3A_502, %reduce_or3A_503 : vector<16xi1>, vector<16xf32>
            %reduce_or3A_505 = arith.constant true
            %reduce_or3A_506 = vector.broadcast %reduce_or3A_505 : i1 to vector<16xi1>
            %reduce_or3A_507 = tpu.scan <max>, %reduce_or3A_504 masked %reduce_or3A_506 : vector<16xf32>, vector<16xi1> -> vector<16xf32>
            %reduce_or3A_508 = vector.extract %reduce_or3A_507[15] : f32 from vector<16xf32>
            %reduce_or3A_509 = arith.constant 0.000000e+00 : f32
            %reduce_or3A_510 = arith.cmpf ogt, %reduce_or3A_508, %reduce_or3A_509 : f32
            %and3A_511 = arith.andi %reduce_or3A_368, %reduce_or3A_510 : i1
            scf.yield %and3A_511 : i1
          }
          %add3A_370 = arith.constant 16 : i32
          %add3A_371 = arith.addi %mul3A_123, %add3A_370 : i32
          %get3A_372 = arith.index_cast %add3A_371 : i32 to index
          %get3A_373 = tpu.vector_load %arg14[%get3A_372] {strides = array<i32>} : memref<8192xi32, #tpu.memory_space<vmem>>, vector<16xi32>,
          %and3A_374 = arith.constant 65535 : i32
          %and3A_375 = vector.broadcast %and3A_374 : i32 to vector<16xi32>
          %and3A_376 = arith.andi %get3A_373, %and3A_375 : vector<16xi32>
          %shift_right_logical3A_377 = arith.constant 16 : i32
          %shift_right_logical3A_378 = vector.broadcast %shift_right_logical3A_377 : i32 to vector<16xi32>
          %shift_right_logical3A_379 = arith.shrui %get3A_373, %shift_right_logical3A_378 : vector<16xi32>
          %gather3A_380 = tpu.vector_load_idx %arg5[%and3A_376] : memref<10240xi32, #tpu.memory_space<vmem>>[vector<16xi32>], vector<16xi32>,
          %gather3A_381 = tpu.vector_load_idx %arg6[%and3A_376] : memref<10240xi32, #tpu.memory_space<vmem>>[vector<16xi32>], vector<16xi32>,
          %gather3A_382 = tpu.vector_load_idx %arg7[%and3A_376] : memref<10240xi32, #tpu.memory_space<vmem>>[vector<16xi32>], vector<16xi32>,
          %gather3A_383 = tpu.vector_load_idx %arg8[%and3A_376] : memref<10240xi32, #tpu.memory_space<vmem>>[vector<16xi32>], vector<16xi32>,
          %broadcast_in_dim3A_384 = arith.constant true
          %broadcast_in_dim3A_385 = vector.broadcast %broadcast_in_dim3A_384 : i1 to vector<16xi1>
          %unique3A_386, %unique3A_387 = tpu.scan_count mask(%broadcast_in_dim3A_385 : vector<16xi1>) value(%shift_right_logical3A_379 : vector<16xi32>) : vector<16xi1>, vector<16xi32>
          %gt3A_388 = arith.constant 0 : i32
          %gt3A_389 = vector.broadcast %gt3A_388 : i32 to vector<16xi32>
          %gt3A_390 = arith.cmpi sgt, %unique3A_387, %gt3A_389 : vector<16xi32>
          %reduce_or3A_391 = arith.constant 1.000000e+00 : f32
          %reduce_or3A_392 = arith.constant 0.000000e+00 : f32
          %reduce_or3A_393 = vector.broadcast %reduce_or3A_391 : f32 to vector<16xf32>
          %reduce_or3A_394 = vector.broadcast %reduce_or3A_392 : f32 to vector<16xf32>
          %reduce_or3A_395 = arith.select %gt3A_390, %reduce_or3A_393, %reduce_or3A_394 : vector<16xi1>, vector<16xf32>
          %reduce_or3A_396 = arith.constant true
          %reduce_or3A_397 = vector.broadcast %reduce_or3A_396 : i1 to vector<16xi1>
          %reduce_or3A_398 = tpu.scan <max>, %reduce_or3A_395 masked %reduce_or3A_397 : vector<16xf32>, vector<16xi1> -> vector<16xf32>
          %reduce_or3A_399 = vector.extract %reduce_or3A_398[15] : f32 from vector<16xf32>
          %reduce_or3A_400 = arith.constant 0.000000e+00 : f32
          %reduce_or3A_401 = arith.cmpf ogt, %reduce_or3A_399, %reduce_or3A_400 : f32
          %while3A_402 = arith.constant true
          %while3A_403 = scf.while (%while3A_472 = %while3A_402) : (i1) -> i1 {
            scf.condition(%while3A_472) %while3A_472 : i1
          } do {
          ^bb0(%while3A_472: i1):
            %gather3A_473 = tpu.vector_load_idx %arg9[%shift_right_logical3A_379] : memref<10240xi32, #tpu.memory_space<vmem>>[vector<16xi32>], vector<16xi32>,
            %bitcast3A_474 = vector.bitcast %gather3A_473 : vector<16xi32> to vector<32xbf16>
            %bitcast3A_475 = vector.bitcast %gather3A_380 : vector<16xi32> to vector<32xbf16>
            %max3A_476 = arith.maximumf %bitcast3A_474, %bitcast3A_475 : vector<32xbf16>
            %bitcast3A_477 = vector.bitcast %max3A_476 : vector<32xbf16> to vector<16xi32>
            %ne3A_478 = arith.cmpi ne, %bitcast3A_477, %gather3A_473 : vector<16xi32>
            tpu.vector_store_idx %arg9[%shift_right_logical3A_379], %bitcast3A_477 masked %ne3A_478 : memref<10240xi32, #tpu.memory_space<vmem>>[vector<16xi32>], vector<16xi32>, vector<16xi1>
            %gather3A_479 = tpu.vector_load_idx %arg10[%shift_right_logical3A_379] : memref<10240xi32, #tpu.memory_space<vmem>>[vector<16xi32>], vector<16xi32>,
            %bitcast3A_480 = vector.bitcast %gather3A_479 : vector<16xi32> to vector<32xbf16>
            %bitcast3A_481 = vector.bitcast %gather3A_381 : vector<16xi32> to vector<32xbf16>
            %max3A_482 = arith.maximumf %bitcast3A_480, %bitcast3A_481 : vector<32xbf16>
            %bitcast3A_483 = vector.bitcast %max3A_482 : vector<32xbf16> to vector<16xi32>
            %ne3A_484 = arith.cmpi ne, %bitcast3A_483, %gather3A_479 : vector<16xi32>
            tpu.vector_store_idx %arg10[%shift_right_logical3A_379], %bitcast3A_483 masked %ne3A_484 : memref<10240xi32, #tpu.memory_space<vmem>>[vector<16xi32>], vector<16xi32>, vector<16xi1>
            %or3A_485 = arith.ori %ne3A_478, %ne3A_484 : vector<16xi1>
            %gather3A_486 = tpu.vector_load_idx %arg11[%shift_right_logical3A_379] : memref<10240xi32, #tpu.memory_space<vmem>>[vector<16xi32>], vector<16xi32>,
            %bitcast3A_487 = vector.bitcast %gather3A_486 : vector<16xi32> to vector<32xbf16>
            %bitcast3A_488 = vector.bitcast %gather3A_382 : vector<16xi32> to vector<32xbf16>
            %max3A_489 = arith.maximumf %bitcast3A_487, %bitcast3A_488 : vector<32xbf16>
            %bitcast3A_490 = vector.bitcast %max3A_489 : vector<32xbf16> to vector<16xi32>
            %ne3A_491 = arith.cmpi ne, %bitcast3A_490, %gather3A_486 : vector<16xi32>
            tpu.vector_store_idx %arg11[%shift_right_logical3A_379], %bitcast3A_490 masked %ne3A_491 : memref<10240xi32, #tpu.memory_space<vmem>>[vector<16xi32>], vector<16xi32>, vector<16xi1>
            %or3A_492 = arith.ori %or3A_485, %ne3A_491 : vector<16xi1>
            %gather3A_493 = tpu.vector_load_idx %arg12[%shift_right_logical3A_379] : memref<10240xi32, #tpu.memory_space<vmem>>[vector<16xi32>], vector<16xi32>,
            %bitcast3A_494 = vector.bitcast %gather3A_493 : vector<16xi32> to vector<32xbf16>
            %bitcast3A_495 = vector.bitcast %gather3A_383 : vector<16xi32> to vector<32xbf16>
            %max3A_496 = arith.maximumf %bitcast3A_494, %bitcast3A_495 : vector<32xbf16>
            %bitcast3A_497 = vector.bitcast %max3A_496 : vector<32xbf16> to vector<16xi32>
            %ne3A_498 = arith.cmpi ne, %bitcast3A_497, %gather3A_493 : vector<16xi32>
            tpu.vector_store_idx %arg12[%shift_right_logical3A_379], %bitcast3A_497 masked %ne3A_498 : memref<10240xi32, #tpu.memory_space<vmem>>[vector<16xi32>], vector<16xi32>, vector<16xi1>
            %or3A_499 = arith.ori %or3A_492, %ne3A_498 : vector<16xi1>
            %reduce_or3A_500 = arith.constant 1.000000e+00 : f32
            %reduce_or3A_501 = arith.constant 0.000000e+00 : f32
            %reduce_or3A_502 = vector.broadcast %reduce_or3A_500 : f32 to vector<16xf32>
            %reduce_or3A_503 = vector.broadcast %reduce_or3A_501 : f32 to vector<16xf32>
            %reduce_or3A_504 = arith.select %or3A_499, %reduce_or3A_502, %reduce_or3A_503 : vector<16xi1>, vector<16xf32>
            %reduce_or3A_505 = arith.constant true
            %reduce_or3A_506 = vector.broadcast %reduce_or3A_505 : i1 to vector<16xi1>
            %reduce_or3A_507 = tpu.scan <max>, %reduce_or3A_504 masked %reduce_or3A_506 : vector<16xf32>, vector<16xi1> -> vector<16xf32>
            %reduce_or3A_508 = vector.extract %reduce_or3A_507[15] : f32 from vector<16xf32>
            %reduce_or3A_509 = arith.constant 0.000000e+00 : f32
            %reduce_or3A_510 = arith.cmpf ogt, %reduce_or3A_508, %reduce_or3A_509 : f32
            %and3A_511 = arith.andi %reduce_or3A_401, %reduce_or3A_510 : i1
            scf.yield %and3A_511 : i1
          }
          %add3A_404 = arith.constant 32 : i32
          %add3A_405 = arith.addi %mul3A_123, %add3A_404 : i32
          %get3A_406 = arith.index_cast %add3A_405 : i32 to index
          %get3A_407 = tpu.vector_load %arg14[%get3A_406] {strides = array<i32>} : memref<8192xi32, #tpu.memory_space<vmem>>, vector<16xi32>,
          %and3A_408 = arith.constant 65535 : i32
          %and3A_409 = vector.broadcast %and3A_408 : i32 to vector<16xi32>
          %and3A_410 = arith.andi %get3A_407, %and3A_409 : vector<16xi32>
          %shift_right_logical3A_411 = arith.constant 16 : i32
          %shift_right_logical3A_412 = vector.broadcast %shift_right_logical3A_411 : i32 to vector<16xi32>
          %shift_right_logical3A_413 = arith.shrui %get3A_407, %shift_right_logical3A_412 : vector<16xi32>
          %gather3A_414 = tpu.vector_load_idx %arg5[%and3A_410] : memref<10240xi32, #tpu.memory_space<vmem>>[vector<16xi32>], vector<16xi32>,
          %gather3A_415 = tpu.vector_load_idx %arg6[%and3A_410] : memref<10240xi32, #tpu.memory_space<vmem>>[vector<16xi32>], vector<16xi32>,
          %gather3A_416 = tpu.vector_load_idx %arg7[%and3A_410] : memref<10240xi32, #tpu.memory_space<vmem>>[vector<16xi32>], vector<16xi32>,
          %gather3A_417 = tpu.vector_load_idx %arg8[%and3A_410] : memref<10240xi32, #tpu.memory_space<vmem>>[vector<16xi32>], vector<16xi32>,
          %broadcast_in_dim3A_418 = arith.constant true
          %broadcast_in_dim3A_419 = vector.broadcast %broadcast_in_dim3A_418 : i1 to vector<16xi1>
          %unique3A_420, %unique3A_421 = tpu.scan_count mask(%broadcast_in_dim3A_419 : vector<16xi1>) value(%shift_right_logical3A_413 : vector<16xi32>) : vector<16xi1>, vector<16xi32>
          %gt3A_422 = arith.constant 0 : i32
          %gt3A_423 = vector.broadcast %gt3A_422 : i32 to vector<16xi32>
          %gt3A_424 = arith.cmpi sgt, %unique3A_421, %gt3A_423 : vector<16xi32>
          %reduce_or3A_425 = arith.constant 1.000000e+00 : f32
          %reduce_or3A_426 = arith.constant 0.000000e+00 : f32
          %reduce_or3A_427 = vector.broadcast %reduce_or3A_425 : f32 to vector<16xf32>
          %reduce_or3A_428 = vector.broadcast %reduce_or3A_426 : f32 to vector<16xf32>
          %reduce_or3A_429 = arith.select %gt3A_424, %reduce_or3A_427, %reduce_or3A_428 : vector<16xi1>, vector<16xf32>
          %reduce_or3A_430 = arith.constant true
          %reduce_or3A_431 = vector.broadcast %reduce_or3A_430 : i1 to vector<16xi1>
          %reduce_or3A_432 = tpu.scan <max>, %reduce_or3A_429 masked %reduce_or3A_431 : vector<16xf32>, vector<16xi1> -> vector<16xf32>
          %reduce_or3A_433 = vector.extract %reduce_or3A_432[15] : f32 from vector<16xf32>
          %reduce_or3A_434 = arith.constant 0.000000e+00 : f32
          %reduce_or3A_435 = arith.cmpf ogt, %reduce_or3A_433, %reduce_or3A_434 : f32
          %while3A_436 = arith.constant true
          %while3A_437 = scf.while (%while3A_472 = %while3A_436) : (i1) -> i1 {
            scf.condition(%while3A_472) %while3A_472 : i1
          } do {
          ^bb0(%while3A_472: i1):
            %gather3A_473 = tpu.vector_load_idx %arg9[%shift_right_logical3A_413] : memref<10240xi32, #tpu.memory_space<vmem>>[vector<16xi32>], vector<16xi32>,
            %bitcast3A_474 = vector.bitcast %gather3A_473 : vector<16xi32> to vector<32xbf16>
            %bitcast3A_475 = vector.bitcast %gather3A_414 : vector<16xi32> to vector<32xbf16>
            %max3A_476 = arith.maximumf %bitcast3A_474, %bitcast3A_475 : vector<32xbf16>
            %bitcast3A_477 = vector.bitcast %max3A_476 : vector<32xbf16> to vector<16xi32>
            %ne3A_478 = arith.cmpi ne, %bitcast3A_477, %gather3A_473 : vector<16xi32>
            tpu.vector_store_idx %arg9[%shift_right_logical3A_413], %bitcast3A_477 masked %ne3A_478 : memref<10240xi32, #tpu.memory_space<vmem>>[vector<16xi32>], vector<16xi32>, vector<16xi1>
            %gather3A_479 = tpu.vector_load_idx %arg10[%shift_right_logical3A_413] : memref<10240xi32, #tpu.memory_space<vmem>>[vector<16xi32>], vector<16xi32>,
            %bitcast3A_480 = vector.bitcast %gather3A_479 : vector<16xi32> to vector<32xbf16>
            %bitcast3A_481 = vector.bitcast %gather3A_415 : vector<16xi32> to vector<32xbf16>
            %max3A_482 = arith.maximumf %bitcast3A_480, %bitcast3A_481 : vector<32xbf16>
            %bitcast3A_483 = vector.bitcast %max3A_482 : vector<32xbf16> to vector<16xi32>
            %ne3A_484 = arith.cmpi ne, %bitcast3A_483, %gather3A_479 : vector<16xi32>
            tpu.vector_store_idx %arg10[%shift_right_logical3A_413], %bitcast3A_483 masked %ne3A_484 : memref<10240xi32, #tpu.memory_space<vmem>>[vector<16xi32>], vector<16xi32>, vector<16xi1>
            %or3A_485 = arith.ori %ne3A_478, %ne3A_484 : vector<16xi1>
            %gather3A_486 = tpu.vector_load_idx %arg11[%shift_right_logical3A_413] : memref<10240xi32, #tpu.memory_space<vmem>>[vector<16xi32>], vector<16xi32>,
            %bitcast3A_487 = vector.bitcast %gather3A_486 : vector<16xi32> to vector<32xbf16>
            %bitcast3A_488 = vector.bitcast %gather3A_416 : vector<16xi32> to vector<32xbf16>
            %max3A_489 = arith.maximumf %bitcast3A_487, %bitcast3A_488 : vector<32xbf16>
            %bitcast3A_490 = vector.bitcast %max3A_489 : vector<32xbf16> to vector<16xi32>
            %ne3A_491 = arith.cmpi ne, %bitcast3A_490, %gather3A_486 : vector<16xi32>
            tpu.vector_store_idx %arg11[%shift_right_logical3A_413], %bitcast3A_490 masked %ne3A_491 : memref<10240xi32, #tpu.memory_space<vmem>>[vector<16xi32>], vector<16xi32>, vector<16xi1>
            %or3A_492 = arith.ori %or3A_485, %ne3A_491 : vector<16xi1>
            %gather3A_493 = tpu.vector_load_idx %arg12[%shift_right_logical3A_413] : memref<10240xi32, #tpu.memory_space<vmem>>[vector<16xi32>], vector<16xi32>,
            %bitcast3A_494 = vector.bitcast %gather3A_493 : vector<16xi32> to vector<32xbf16>
            %bitcast3A_495 = vector.bitcast %gather3A_417 : vector<16xi32> to vector<32xbf16>
            %max3A_496 = arith.maximumf %bitcast3A_494, %bitcast3A_495 : vector<32xbf16>
            %bitcast3A_497 = vector.bitcast %max3A_496 : vector<32xbf16> to vector<16xi32>
            %ne3A_498 = arith.cmpi ne, %bitcast3A_497, %gather3A_493 : vector<16xi32>
            tpu.vector_store_idx %arg12[%shift_right_logical3A_413], %bitcast3A_497 masked %ne3A_498 : memref<10240xi32, #tpu.memory_space<vmem>>[vector<16xi32>], vector<16xi32>, vector<16xi1>
            %or3A_499 = arith.ori %or3A_492, %ne3A_498 : vector<16xi1>
            %reduce_or3A_500 = arith.constant 1.000000e+00 : f32
            %reduce_or3A_501 = arith.constant 0.000000e+00 : f32
            %reduce_or3A_502 = vector.broadcast %reduce_or3A_500 : f32 to vector<16xf32>
            %reduce_or3A_503 = vector.broadcast %reduce_or3A_501 : f32 to vector<16xf32>
            %reduce_or3A_504 = arith.select %or3A_499, %reduce_or3A_502, %reduce_or3A_503 : vector<16xi1>, vector<16xf32>
            %reduce_or3A_505 = arith.constant true
            %reduce_or3A_506 = vector.broadcast %reduce_or3A_505 : i1 to vector<16xi1>
            %reduce_or3A_507 = tpu.scan <max>, %reduce_or3A_504 masked %reduce_or3A_506 : vector<16xf32>, vector<16xi1> -> vector<16xf32>
            %reduce_or3A_508 = vector.extract %reduce_or3A_507[15] : f32 from vector<16xf32>
            %reduce_or3A_509 = arith.constant 0.000000e+00 : f32
            %reduce_or3A_510 = arith.cmpf ogt, %reduce_or3A_508, %reduce_or3A_509 : f32
            %and3A_511 = arith.andi %reduce_or3A_435, %reduce_or3A_510 : i1
            scf.yield %and3A_511 : i1
          }
          %add3A_438 = arith.constant 48 : i32
          %add3A_439 = arith.addi %mul3A_123, %add3A_438 : i32
          %get3A_440 = arith.index_cast %add3A_439 : i32 to index
          %get3A_441 = tpu.vector_load %arg14[%get3A_440] {strides = array<i32>} : memref<8192xi32, #tpu.memory_space<vmem>>, vector<16xi32>,
          %and3A_442 = arith.constant 65535 : i32
          %and3A_443 = vector.broadcast %and3A_442 : i32 to vector<16xi32>
          %and3A_444 = arith.andi %get3A_441, %and3A_443 : vector<16xi32>
          %shift_right_logical3A_445 = arith.constant 16 : i32
          %shift_right_logical3A_446 = vector.broadcast %shift_right_logical3A_445 : i32 to vector<16xi32>
          %shift_right_logical3A_447 = arith.shrui %get3A_441, %shift_right_logical3A_446 : vector<16xi32>
          %gather3A_448 = tpu.vector_load_idx %arg5[%and3A_444] : memref<10240xi32, #tpu.memory_space<vmem>>[vector<16xi32>], vector<16xi32>,
          %gather3A_449 = tpu.vector_load_idx %arg6[%and3A_444] : memref<10240xi32, #tpu.memory_space<vmem>>[vector<16xi32>], vector<16xi32>,
          %gather3A_450 = tpu.vector_load_idx %arg7[%and3A_444] : memref<10240xi32, #tpu.memory_space<vmem>>[vector<16xi32>], vector<16xi32>,
          %gather3A_451 = tpu.vector_load_idx %arg8[%and3A_444] : memref<10240xi32, #tpu.memory_space<vmem>>[vector<16xi32>], vector<16xi32>,
          %broadcast_in_dim3A_452 = arith.constant true
          %broadcast_in_dim3A_453 = vector.broadcast %broadcast_in_dim3A_452 : i1 to vector<16xi1>
          %unique3A_454, %unique3A_455 = tpu.scan_count mask(%broadcast_in_dim3A_453 : vector<16xi1>) value(%shift_right_logical3A_447 : vector<16xi32>) : vector<16xi1>, vector<16xi32>
          %gt3A_456 = arith.constant 0 : i32
          %gt3A_457 = vector.broadcast %gt3A_456 : i32 to vector<16xi32>
          %gt3A_458 = arith.cmpi sgt, %unique3A_455, %gt3A_457 : vector<16xi32>
          %reduce_or3A_459 = arith.constant 1.000000e+00 : f32
          %reduce_or3A_460 = arith.constant 0.000000e+00 : f32
          %reduce_or3A_461 = vector.broadcast %reduce_or3A_459 : f32 to vector<16xf32>
          %reduce_or3A_462 = vector.broadcast %reduce_or3A_460 : f32 to vector<16xf32>
          %reduce_or3A_463 = arith.select %gt3A_458, %reduce_or3A_461, %reduce_or3A_462 : vector<16xi1>, vector<16xf32>
          %reduce_or3A_464 = arith.constant true
          %reduce_or3A_465 = vector.broadcast %reduce_or3A_464 : i1 to vector<16xi1>
          %reduce_or3A_466 = tpu.scan <max>, %reduce_or3A_463 masked %reduce_or3A_465 : vector<16xf32>, vector<16xi1> -> vector<16xf32>
          %reduce_or3A_467 = vector.extract %reduce_or3A_466[15] : f32 from vector<16xf32>
          %reduce_or3A_468 = arith.constant 0.000000e+00 : f32
          %reduce_or3A_469 = arith.cmpf ogt, %reduce_or3A_467, %reduce_or3A_468 : f32
          %while3A_470 = arith.constant true
          %while3A_471 = scf.while (%while3A_472 = %while3A_470) : (i1) -> i1 {
            scf.condition(%while3A_472) %while3A_472 : i1
          } do {
          ^bb0(%while3A_472: i1):
            %gather3A_473 = tpu.vector_load_idx %arg9[%shift_right_logical3A_447] : memref<10240xi32, #tpu.memory_space<vmem>>[vector<16xi32>], vector<16xi32>,
            %bitcast3A_474 = vector.bitcast %gather3A_473 : vector<16xi32> to vector<32xbf16>
            %bitcast3A_475 = vector.bitcast %gather3A_448 : vector<16xi32> to vector<32xbf16>
            %max3A_476 = arith.maximumf %bitcast3A_474, %bitcast3A_475 : vector<32xbf16>
            %bitcast3A_477 = vector.bitcast %max3A_476 : vector<32xbf16> to vector<16xi32>
            %ne3A_478 = arith.cmpi ne, %bitcast3A_477, %gather3A_473 : vector<16xi32>
            tpu.vector_store_idx %arg9[%shift_right_logical3A_447], %bitcast3A_477 masked %ne3A_478 : memref<10240xi32, #tpu.memory_space<vmem>>[vector<16xi32>], vector<16xi32>, vector<16xi1>
            %gather3A_479 = tpu.vector_load_idx %arg10[%shift_right_logical3A_447] : memref<10240xi32, #tpu.memory_space<vmem>>[vector<16xi32>], vector<16xi32>,
            %bitcast3A_480 = vector.bitcast %gather3A_479 : vector<16xi32> to vector<32xbf16>
            %bitcast3A_481 = vector.bitcast %gather3A_449 : vector<16xi32> to vector<32xbf16>
            %max3A_482 = arith.maximumf %bitcast3A_480, %bitcast3A_481 : vector<32xbf16>
            %bitcast3A_483 = vector.bitcast %max3A_482 : vector<32xbf16> to vector<16xi32>
            %ne3A_484 = arith.cmpi ne, %bitcast3A_483, %gather3A_479 : vector<16xi32>
            tpu.vector_store_idx %arg10[%shift_right_logical3A_447], %bitcast3A_483 masked %ne3A_484 : memref<10240xi32, #tpu.memory_space<vmem>>[vector<16xi32>], vector<16xi32>, vector<16xi1>
            %or3A_485 = arith.ori %ne3A_478, %ne3A_484 : vector<16xi1>
            %gather3A_486 = tpu.vector_load_idx %arg11[%shift_right_logical3A_447] : memref<10240xi32, #tpu.memory_space<vmem>>[vector<16xi32>], vector<16xi32>,
            %bitcast3A_487 = vector.bitcast %gather3A_486 : vector<16xi32> to vector<32xbf16>
            %bitcast3A_488 = vector.bitcast %gather3A_450 : vector<16xi32> to vector<32xbf16>
            %max3A_489 = arith.maximumf %bitcast3A_487, %bitcast3A_488 : vector<32xbf16>
            %bitcast3A_490 = vector.bitcast %max3A_489 : vector<32xbf16> to vector<16xi32>
            %ne3A_491 = arith.cmpi ne, %bitcast3A_490, %gather3A_486 : vector<16xi32>
            tpu.vector_store_idx %arg11[%shift_right_logical3A_447], %bitcast3A_490 masked %ne3A_491 : memref<10240xi32, #tpu.memory_space<vmem>>[vector<16xi32>], vector<16xi32>, vector<16xi1>
            %or3A_492 = arith.ori %or3A_485, %ne3A_491 : vector<16xi1>
            %gather3A_493 = tpu.vector_load_idx %arg12[%shift_right_logical3A_447] : memref<10240xi32, #tpu.memory_space<vmem>>[vector<16xi32>], vector<16xi32>,
            %bitcast3A_494 = vector.bitcast %gather3A_493 : vector<16xi32> to vector<32xbf16>
            %bitcast3A_495 = vector.bitcast %gather3A_451 : vector<16xi32> to vector<32xbf16>
            %max3A_496 = arith.maximumf %bitcast3A_494, %bitcast3A_495 : vector<32xbf16>
            %bitcast3A_497 = vector.bitcast %max3A_496 : vector<32xbf16> to vector<16xi32>
            %ne3A_498 = arith.cmpi ne, %bitcast3A_497, %gather3A_493 : vector<16xi32>
            tpu.vector_store_idx %arg12[%shift_right_logical3A_447], %bitcast3A_497 masked %ne3A_498 : memref<10240xi32, #tpu.memory_space<vmem>>[vector<16xi32>], vector<16xi32>, vector<16xi1>
            %or3A_499 = arith.ori %or3A_492, %ne3A_498 : vector<16xi1>
            %reduce_or3A_500 = arith.constant 1.000000e+00 : f32
            %reduce_or3A_501 = arith.constant 0.000000e+00 : f32
            %reduce_or3A_502 = vector.broadcast %reduce_or3A_500 : f32 to vector<16xf32>
            %reduce_or3A_503 = vector.broadcast %reduce_or3A_501 : f32 to vector<16xf32>
            %reduce_or3A_504 = arith.select %or3A_499, %reduce_or3A_502, %reduce_or3A_503 : vector<16xi1>, vector<16xf32>
            %reduce_or3A_505 = arith.constant true
            %reduce_or3A_506 = vector.broadcast %reduce_or3A_505 : i1 to vector<16xi1>
            %reduce_or3A_507 = tpu.scan <max>, %reduce_or3A_504 masked %reduce_or3A_506 : vector<16xf32>, vector<16xi1> -> vector<16xf32>
            %reduce_or3A_508 = vector.extract %reduce_or3A_507[15] : f32 from vector<16xf32>
            %reduce_or3A_509 = arith.constant 0.000000e+00 : f32
            %reduce_or3A_510 = arith.cmpf ogt, %reduce_or3A_508, %reduce_or3A_509 : f32
            %and3A_511 = arith.andi %reduce_or3A_469, %reduce_or3A_510 : i1
            scf.yield %and3A_511 : i1
          }
        } else {
        }
      }
      %scan3A_113 = arith.constant 128 : i32
      %add3A_114 = arith.constant 2 : i32
      %add3A_115 = arith.addi %add3A_103, %add3A_114 : i32
      %lt3A_116 = arith.constant 20 : i32
      %lt3A_117 = arith.cmpi slt, %add3A_115, %lt3A_116 : i32
      %convert_element_type3A_118 = arith.extui %lt3A_117 : i1 to i32
      %cond3A_119 = arith.constant 0 : i32
      %cond3A_120 = arith.cmpi ne, %convert_element_type3A_118, %cond3A_119 : i32
      scf.if %cond3A_120 {
        %add3A_121 = arith.addi %mul3A_36, %add3A_115 : i32
        %mul3A_122 = arith.constant 8192 : i32
        %mul3A_123 = arith.muli %add3A_121, %mul3A_122 : i32
        %dma_start3A_124 = tpu.memref_slice %arg3[%mul3A_123] : memref<327680xi32, #tpu.memory_space<hbm>> -> memref<8192xi32, #tpu.memory_space<hbm>>
        %dma_start3A_125 = tpu.memref_slice %arg3[%mul3A_123] : memref<327680xi32, #tpu.memory_space<hbm>> -> memref<8192xi32, #tpu.memory_space<hbm>>
        tpu.enqueue_dma source(%dma_start3A_125 : memref<8192xi32, #tpu.memory_space<hbm>>) target(%arg14 : memref<8192xi32, #tpu.memory_space<vmem>>) target_semaphore(%arg16 : memref<!tpu.dma_semaphore, #tpu.memory_space<semaphore_mem>>)
      } else {
      }
    }
    %scan3A_67 = arith.constant 10 : i32
    %mul3A_68 = arith.constant 64 : i32
    %mul3A_69 = arith.muli %select_n3A_30, %mul3A_68 : i32
    %mul3A_70 = arith.constant 10240 : i32
    %mul3A_71 = arith.muli %mul3A_69, %mul3A_70 : i32
    %add3A_72 = arith.addi %mul3A_71, %mul3A_34 : i32
    %add3A_73 = arith.constant 0 : i32
    %add3A_74 = arith.addi %add3A_72, %add3A_73 : i32
    "tpu.region"() ({
      %run_scoped3A = tpu.sem_alloc : memref<!tpu.dma_semaphore, #tpu.memory_space<semaphore_mem>>
      %dma_start3A_81 = tpu.memref_slice %arg4[%add3A_74] : memref<1310720xi32, #tpu.memory_space<hbm>> -> memref<10240xi32, #tpu.memory_space<hbm>>
      %dma_start3A_82 = tpu.memref_slice %arg4[%add3A_74] : memref<1310720xi32, #tpu.memory_space<hbm>> -> memref<10240xi32, #tpu.memory_space<hbm>>
      tpu.enqueue_dma source(%arg9 : memref<10240xi32, #tpu.memory_space<vmem>>) target(%dma_start3A_82 : memref<10240xi32, #tpu.memory_space<hbm>>) target_semaphore(%run_scoped3A : memref<!tpu.dma_semaphore, #tpu.memory_space<semaphore_mem>>)
      %dma_wait3A = tpu.memref_slice %arg4[%add3A_74] : memref<1310720xi32, #tpu.memory_space<hbm>> -> memref<10240xi32, #tpu.memory_space<hbm>>
      %dma_wait3A_83 = tpu.memref_slice %arg4[%add3A_74] : memref<1310720xi32, #tpu.memory_space<hbm>> -> memref<10240xi32, #tpu.memory_space<hbm>>
      tpu.wait_dma2 semaphore(%run_scoped3A : memref<!tpu.dma_semaphore, #tpu.memory_space<semaphore_mem>>) src(%arg9 : memref<10240xi32, #tpu.memory_space<vmem>>) dst(%dma_wait3A_83 : memref<10240xi32, #tpu.memory_space<hbm>>)
      tpu.yield
    }) : () -> ()
    %add3A_75 = arith.constant 10240 : i32
    %add3A_76 = arith.addi %add3A_72, %add3A_75 : i32
    "tpu.region"() ({
      %run_scoped3A = tpu.sem_alloc : memref<!tpu.dma_semaphore, #tpu.memory_space<semaphore_mem>>
      %dma_start3A_81 = tpu.memref_slice %arg4[%add3A_76] : memref<1310720xi32, #tpu.memory_space<hbm>> -> memref<10240xi32, #tpu.memory_space<hbm>>
      %dma_start3A_82 = tpu.memref_slice %arg4[%add3A_76] : memref<1310720xi32, #tpu.memory_space<hbm>> -> memref<10240xi32, #tpu.memory_space<hbm>>
      tpu.enqueue_dma source(%arg10 : memref<10240xi32, #tpu.memory_space<vmem>>) target(%dma_start3A_82 : memref<10240xi32, #tpu.memory_space<hbm>>) target_semaphore(%run_scoped3A : memref<!tpu.dma_semaphore, #tpu.memory_space<semaphore_mem>>)
      %dma_wait3A = tpu.memref_slice %arg4[%add3A_76] : memref<1310720xi32, #tpu.memory_space<hbm>> -> memref<10240xi32, #tpu.memory_space<hbm>>
      %dma_wait3A_83 = tpu.memref_slice %arg4[%add3A_76] : memref<1310720xi32, #tpu.memory_space<hbm>> -> memref<10240xi32, #tpu.memory_space<hbm>>
      tpu.wait_dma2 semaphore(%run_scoped3A : memref<!tpu.dma_semaphore, #tpu.memory_space<semaphore_mem>>) src(%arg10 : memref<10240xi32, #tpu.memory_space<vmem>>) dst(%dma_wait3A_83 : memref<10240xi32, #tpu.memory_space<hbm>>)
      tpu.yield
    }) : () -> ()
    %add3A_77 = arith.constant 20480 : i32
    %add3A_78 = arith.addi %add3A_72, %add3A_77 : i32
    "tpu.region"() ({
      %run_scoped3A = tpu.sem_alloc : memref<!tpu.dma_semaphore, #tpu.memory_space<semaphore_mem>>
      %dma_start3A_81 = tpu.memref_slice %arg4[%add3A_78] : memref<1310720xi32, #tpu.memory_space<hbm>> -> memref<10240xi32, #tpu.memory_space<hbm>>
      %dma_start3A_82 = tpu.memref_slice %arg4[%add3A_78] : memref<1310720xi32, #tpu.memory_space<hbm>> -> memref<10240xi32, #tpu.memory_space<hbm>>
      tpu.enqueue_dma source(%arg11 : memref<10240xi32, #tpu.memory_space<vmem>>) target(%dma_start3A_82 : memref<10240xi32, #tpu.memory_space<hbm>>) target_semaphore(%run_scoped3A : memref<!tpu.dma_semaphore, #tpu.memory_space<semaphore_mem>>)
      %dma_wait3A = tpu.memref_slice %arg4[%add3A_78] : memref<1310720xi32, #tpu.memory_space<hbm>> -> memref<10240xi32, #tpu.memory_space<hbm>>
      %dma_wait3A_83 = tpu.memref_slice %arg4[%add3A_78] : memref<1310720xi32, #tpu.memory_space<hbm>> -> memref<10240xi32, #tpu.memory_space<hbm>>
      tpu.wait_dma2 semaphore(%run_scoped3A : memref<!tpu.dma_semaphore, #tpu.memory_space<semaphore_mem>>) src(%arg11 : memref<10240xi32, #tpu.memory_space<vmem>>) dst(%dma_wait3A_83 : memref<10240xi32, #tpu.memory_space<hbm>>)
      tpu.yield
    }) : () -> ()
    %add3A_79 = arith.constant 30720 : i32
    %add3A_80 = arith.addi %add3A_72, %add3A_79 : i32
    "tpu.region"() ({
      %run_scoped3A = tpu.sem_alloc : memref<!tpu.dma_semaphore, #tpu.memory_space<semaphore_mem>>
      %dma_start3A_81 = tpu.memref_slice %arg4[%add3A_80] : memref<1310720xi32, #tpu.memory_space<hbm>> -> memref<10240xi32, #tpu.memory_space<hbm>>
      %dma_start3A_82 = tpu.memref_slice %arg4[%add3A_80] : memref<1310720xi32, #tpu.memory_space<hbm>> -> memref<10240xi32, #tpu.memory_space<hbm>>
      tpu.enqueue_dma source(%arg12 : memref<10240xi32, #tpu.memory_space<vmem>>) target(%dma_start3A_82 : memref<10240xi32, #tpu.memory_space<hbm>>) target_semaphore(%run_scoped3A : memref<!tpu.dma_semaphore, #tpu.memory_space<semaphore_mem>>)
      %dma_wait3A = tpu.memref_slice %arg4[%add3A_80] : memref<1310720xi32, #tpu.memory_space<hbm>> -> memref<10240xi32, #tpu.memory_space<hbm>>
      %dma_wait3A_83 = tpu.memref_slice %arg4[%add3A_80] : memref<1310720xi32, #tpu.memory_space<hbm>> -> memref<10240xi32, #tpu.memory_space<hbm>>
      tpu.wait_dma2 semaphore(%run_scoped3A : memref<!tpu.dma_semaphore, #tpu.memory_space<semaphore_mem>>) src(%arg12 : memref<10240xi32, #tpu.memory_space<vmem>>) dst(%dma_wait3A_83 : memref<10240xi32, #tpu.memory_space<hbm>>)
      tpu.yield
    }) : () -> ()
    return
  }
}

#map = affine_map<(d0, d1) -> (0)>
module attributes {stable_mosaic.version = 14 : i64} {
  func.func @segmax(%arg0: i32, %arg1: i32, %arg2: memref<655360xi32, #tpu.memory_space<hbm>>, %arg3: memref<327680xi32, #tpu.memory_space<hbm>>, %arg4: memref<1310720xi32, #tpu.memory_space<hbm>>, %arg5: memref<10240xi32, #tpu.memory_space<vmem>>, %arg6: memref<10240xi32, #tpu.memory_space<vmem>>, %arg7: memref<10240xi32, #tpu.memory_space<vmem>>, %arg8: memref<10240xi32, #tpu.memory_space<vmem>>, %arg9: memref<10240xi32, #tpu.memory_space<vmem>>, %arg10: memref<10240xi32, #tpu.memory_space<vmem>>, %arg11: memref<10240xi32, #tpu.memory_space<vmem>>, %arg12: memref<10240xi32, #tpu.memory_space<vmem>>, %arg13: memref<8192xi32, #tpu.memory_space<vmem>>, %arg14: memref<8192xi32, #tpu.memory_space<vmem>>, %arg15: memref<!tpu.dma_semaphore, #tpu.memory_space<semaphore_mem>>, %arg16: memref<!tpu.dma_semaphore, #tpu.memory_space<semaphore_mem>>) attributes {dimension_semantics = [#tpu.dimension_semantics<core_parallel>, #tpu.dimension_semantics<subcore_parallel>], iteration_bounds = array<i64: 2, 16>, scalar_prefetch = 0 : i64, scratch_operands = 12 : i64, tpu.core_type = #tpu.core_type<sc_vector_subcore>, window_params = [{transform_indices = #map}, {transform_indices = #map}, {transform_indices = #map}]} {
    %mul3A = arith.constant 2 : i32
    %mul3A_0 = arith.muli %arg1, %mul3A : i32
    %add3A = arith.addi %mul3A_0, %arg0 : i32
    %jit3A = arith.constant 2 : i32
    %div3A = arith.divsi %add3A, %jit3A : i32
    %sign3A = arith.constant 0 : i32
    %sign3A_1 = arith.cmpi sgt, %add3A, %sign3A : i32
    %sign3A_2 = arith.extui %sign3A_1 : i1 to i32
    %sign3A_3 = arith.constant 0 : i32
    %sign3A_4 = arith.cmpi slt, %add3A, %sign3A_3 : i32
    %sign3A_5 = arith.extui %sign3A_4 : i1 to i32
    %sign3A_6 = arith.subi %sign3A_2, %sign3A_5 : i32
    %sign3A_7 = arith.constant 0 : i32
    %sign3A_8 = arith.cmpi sgt, %jit3A, %sign3A_7 : i32
    %sign3A_9 = arith.extui %sign3A_8 : i1 to i32
    %sign3A_10 = arith.constant 0 : i32
    %sign3A_11 = arith.cmpi slt, %jit3A, %sign3A_10 : i32
    %sign3A_12 = arith.extui %sign3A_11 : i1 to i32
    %sign3A_13 = arith.subi %sign3A_9, %sign3A_12 : i32
    %ne3A = arith.cmpi ne, %sign3A_6, %sign3A_13 : i32
    %rem3A = arith.remsi %add3A, %jit3A : i32
    %ne3A_14 = arith.constant 0 : i32
    %ne3A_15 = arith.cmpi ne, %rem3A, %ne3A_14 : i32
    %and3A = arith.andi %ne3A, %ne3A_15 : i1
    %sub3A = arith.constant 1 : i32
    %sub3A_16 = arith.subi %div3A, %sub3A : i32
    %select_n3A = arith.select %and3A, %sub3A_16, %div3A : i32
    %jit3A_17 = arith.constant 2 : i32
    %eq3A = arith.constant 0 : i32
    %eq3A_18 = arith.cmpi eq, %jit3A_17, %eq3A : i32
    %jit3A_19 = arith.constant 1 : i32
    %select_n3A_20 = arith.select %eq3A_18, %jit3A_19, %jit3A_17 : i32
    %rem3A_21 = arith.remsi %add3A, %select_n3A_20 : i32
    %ne3A_22 = arith.constant 0 : i32
    %ne3A_23 = arith.cmpi ne, %rem3A_21, %ne3A_22 : i32
    %lt3A = arith.constant 0 : i32
    %lt3A_24 = arith.cmpi slt, %rem3A_21, %lt3A : i32
    %lt3A_25 = arith.constant 0 : i32
    %lt3A_26 = arith.cmpi slt, %select_n3A_20, %lt3A_25 : i32
    %ne3A_27 = arith.xori %lt3A_24, %lt3A_26 : i1
    %and3A_28 = arith.andi %ne3A_27, %ne3A_23 : i1
    %add3A_29 = arith.addi %rem3A_21, %select_n3A_20 : i32
    %select_n3A_30 = arith.select %and3A_28, %add3A_29, %rem3A_21 : i32
    %mul3A_31 = arith.constant 4 : i32
    %mul3A_32 = arith.muli %select_n3A, %mul3A_31 : i32
    %mul3A_33 = arith.constant 10240 : i32
    %mul3A_34 = arith.muli %mul3A_32, %mul3A_33 : i32
    %mul3A_35 = arith.constant 20 : i32
    %mul3A_36 = arith.muli %select_n3A_30, %mul3A_35 : i32
    %add3A_37 = arith.constant 0 : i32
    %add3A_38 = arith.addi %mul3A_36, %add3A_37 : i32
    %mul3A_39 = arith.constant 8192 : i32
    %mul3A_40 = arith.muli %add3A_38, %mul3A_39 : i32
    %dma_start3A = tpu.memref_slice %arg3[%mul3A_40] : memref<327680xi32, #tpu.memory_space<hbm>> -> memref<8192xi32, #tpu.memory_space<hbm>>
    %dma_start3A_41 = tpu.memref_slice %arg3[%mul3A_40] : memref<327680xi32, #tpu.memory_space<hbm>> -> memref<8192xi32, #tpu.memory_space<hbm>>
    tpu.enqueue_dma source(%dma_start3A_41 : memref<8192xi32, #tpu.memory_space<hbm>>) target(%arg13 : memref<8192xi32, #tpu.memory_space<vmem>>) target_semaphore(%arg15 : memref<!tpu.dma_semaphore, #tpu.memory_space<semaphore_mem>>)
    %add3A_42 = arith.constant 1 : i32
    %add3A_43 = arith.addi %mul3A_36, %add3A_42 : i32
    %mul3A_44 = arith.constant 8192 : i32
    %mul3A_45 = arith.muli %add3A_43, %mul3A_44 : i32
    %dma_start3A_46 = tpu.memref_slice %arg3[%mul3A_45] : memref<327680xi32, #tpu.memory_space<hbm>> -> memref<8192xi32, #tpu.memory_space<hbm>>
    %dma_start3A_47 = tpu.memref_slice %arg3[%mul3A_45] : memref<327680xi32, #tpu.memory_space<hbm>> -> memref<8192xi32, #tpu.memory_space<hbm>>
    tpu.enqueue_dma source(%dma_start3A_47 : memref<8192xi32, #tpu.memory_space<hbm>>) target(%arg14 : memref<8192xi32, #tpu.memory_space<vmem>>) target_semaphore(%arg16 : memref<!tpu.dma_semaphore, #tpu.memory_space<semaphore_mem>>)
    %add3A_48 = arith.constant 0 : i32
    %add3A_49 = arith.addi %mul3A_34, %add3A_48 : i32
    "tpu.region"() ({
      %run_scoped3A = tpu.sem_alloc : memref<!tpu.dma_semaphore, #tpu.memory_space<semaphore_mem>>
      %dma_start3A_81 = tpu.memref_slice %arg2[%add3A_49] : memref<655360xi32, #tpu.memory_space<hbm>> -> memref<10240xi32, #tpu.memory_space<hbm>>
      %dma_start3A_82 = tpu.memref_slice %arg2[%add3A_49] : memref<655360xi32, #tpu.memory_space<hbm>> -> memref<10240xi32, #tpu.memory_space<hbm>>
      tpu.enqueue_dma source(%dma_start3A_82 : memref<10240xi32, #tpu.memory_space<hbm>>) target(%arg5 : memref<10240xi32, #tpu.memory_space<vmem>>) target_semaphore(%run_scoped3A : memref<!tpu.dma_semaphore, #tpu.memory_space<semaphore_mem>>)
      %dma_wait3A = tpu.memref_slice %arg2[%add3A_49] : memref<655360xi32, #tpu.memory_space<hbm>> -> memref<10240xi32, #tpu.memory_space<hbm>>
      %dma_wait3A_83 = tpu.memref_slice %arg2[%add3A_49] : memref<655360xi32, #tpu.memory_space<hbm>> -> memref<10240xi32, #tpu.memory_space<hbm>>
      tpu.wait_dma2 semaphore(%run_scoped3A : memref<!tpu.dma_semaphore, #tpu.memory_space<semaphore_mem>>) src(%dma_wait3A_83 : memref<10240xi32, #tpu.memory_space<hbm>>) dst(%arg5 : memref<10240xi32, #tpu.memory_space<vmem>>)
      tpu.yield
    }) : () -> ()
    %add3A_50 = arith.constant 10240 : i32
    %add3A_51 = arith.addi %mul3A_34, %add3A_50 : i32
    "tpu.region"() ({
      %run_scoped3A = tpu.sem_alloc : memref<!tpu.dma_semaphore, #tpu.memory_space<semaphore_mem>>
      %dma_start3A_81 = tpu.memref_slice %arg2[%add3A_51] : memref<655360xi32, #tpu.memory_space<hbm>> -> memref<10240xi32, #tpu.memory_space<hbm>>
      %dma_start3A_82 = tpu.memref_slice %arg2[%add3A_51] : memref<655360xi32, #tpu.memory_space<hbm>> -> memref<10240xi32, #tpu.memory_space<hbm>>
      tpu.enqueue_dma source(%dma_start3A_82 : memref<10240xi32, #tpu.memory_space<hbm>>) target(%arg6 : memref<10240xi32, #tpu.memory_space<vmem>>) target_semaphore(%run_scoped3A : memref<!tpu.dma_semaphore, #tpu.memory_space<semaphore_mem>>)
      %dma_wait3A = tpu.memref_slice %arg2[%add3A_51] : memref<655360xi32, #tpu.memory_space<hbm>> -> memref<10240xi32, #tpu.memory_space<hbm>>
      %dma_wait3A_83 = tpu.memref_slice %arg2[%add3A_51] : memref<655360xi32, #tpu.memory_space<hbm>> -> memref<10240xi32, #tpu.memory_space<hbm>>
      tpu.wait_dma2 semaphore(%run_scoped3A : memref<!tpu.dma_semaphore, #tpu.memory_space<semaphore_mem>>) src(%dma_wait3A_83 : memref<10240xi32, #tpu.memory_space<hbm>>) dst(%arg6 : memref<10240xi32, #tpu.memory_space<vmem>>)
      tpu.yield
    }) : () -> ()
    %add3A_52 = arith.constant 20480 : i32
    %add3A_53 = arith.addi %mul3A_34, %add3A_52 : i32
    "tpu.region"() ({
      %run_scoped3A = tpu.sem_alloc : memref<!tpu.dma_semaphore, #tpu.memory_space<semaphore_mem>>
      %dma_start3A_81 = tpu.memref_slice %arg2[%add3A_53] : memref<655360xi32, #tpu.memory_space<hbm>> -> memref<10240xi32, #tpu.memory_space<hbm>>
      %dma_start3A_82 = tpu.memref_slice %arg2[%add3A_53] : memref<655360xi32, #tpu.memory_space<hbm>> -> memref<10240xi32, #tpu.memory_space<hbm>>
      tpu.enqueue_dma source(%dma_start3A_82 : memref<10240xi32, #tpu.memory_space<hbm>>) target(%arg7 : memref<10240xi32, #tpu.memory_space<vmem>>) target_semaphore(%run_scoped3A : memref<!tpu.dma_semaphore, #tpu.memory_space<semaphore_mem>>)
      %dma_wait3A = tpu.memref_slice %arg2[%add3A_53] : memref<655360xi32, #tpu.memory_space<hbm>> -> memref<10240xi32, #tpu.memory_space<hbm>>
      %dma_wait3A_83 = tpu.memref_slice %arg2[%add3A_53] : memref<655360xi32, #tpu.memory_space<hbm>> -> memref<10240xi32, #tpu.memory_space<hbm>>
      tpu.wait_dma2 semaphore(%run_scoped3A : memref<!tpu.dma_semaphore, #tpu.memory_space<semaphore_mem>>) src(%dma_wait3A_83 : memref<10240xi32, #tpu.memory_space<hbm>>) dst(%arg7 : memref<10240xi32, #tpu.memory_space<vmem>>)
      tpu.yield
    }) : () -> ()
    %add3A_54 = arith.constant 30720 : i32
    %add3A_55 = arith.addi %mul3A_34, %add3A_54 : i32
    "tpu.region"() ({
      %run_scoped3A = tpu.sem_alloc : memref<!tpu.dma_semaphore, #tpu.memory_space<semaphore_mem>>
      %dma_start3A_81 = tpu.memref_slice %arg2[%add3A_55] : memref<655360xi32, #tpu.memory_space<hbm>> -> memref<10240xi32, #tpu.memory_space<hbm>>
      %dma_start3A_82 = tpu.memref_slice %arg2[%add3A_55] : memref<655360xi32, #tpu.memory_space<hbm>> -> memref<10240xi32, #tpu.memory_space<hbm>>
      tpu.enqueue_dma source(%dma_start3A_82 : memref<10240xi32, #tpu.memory_space<hbm>>) target(%arg8 : memref<10240xi32, #tpu.memory_space<vmem>>) target_semaphore(%run_scoped3A : memref<!tpu.dma_semaphore, #tpu.memory_space<semaphore_mem>>)
      %dma_wait3A = tpu.memref_slice %arg2[%add3A_55] : memref<655360xi32, #tpu.memory_space<hbm>> -> memref<10240xi32, #tpu.memory_space<hbm>>
      %dma_wait3A_83 = tpu.memref_slice %arg2[%add3A_55] : memref<655360xi32, #tpu.memory_space<hbm>> -> memref<10240xi32, #tpu.memory_space<hbm>>
      tpu.wait_dma2 semaphore(%run_scoped3A : memref<!tpu.dma_semaphore, #tpu.memory_space<semaphore_mem>>) src(%dma_wait3A_83 : memref<10240xi32, #tpu.memory_space<hbm>>) dst(%arg8 : memref<10240xi32, #tpu.memory_space<vmem>>)
      tpu.yield
    }) : () -> ()
    %broadcast_in_dim3A = arith.constant -8323200 : i32
    %broadcast_in_dim3A_56 = vector.broadcast %broadcast_in_dim3A : i32 to vector<16xi32>
    %scan3A = arith.constant 0 : i32
    %scan3A_57 = arith.constant 0 : i32
    %scan3A_58 = arith.constant 640 : i32
    %scan3A_59 = arith.addi %scan3A_57, %scan3A_58 : i32
    %scan3A_60 = arith.constant 1 : i32
    scf.for %scan3A_81 = %scan3A_57 to %scan3A_59 step %scan3A_60  : i32 {
      %mul3A_82 = arith.constant 16 : i32
      %mul3A_83 = arith.muli %scan3A_81, %mul3A_82 : i32
      %swap3A = arith.index_cast %mul3A_83 : i32 to index
      %swap3A_84 = tpu.vector_load %arg9[%swap3A] {strides = array<i32>} : memref<10240xi32, #tpu.memory_space<vmem>>, vector<16xi32>,
      tpu.vector_store %arg9[%swap3A], %broadcast_in_dim3A_56 {strides = array<i32>} : memref<10240xi32, #tpu.memory_space<vmem>>, vector<16xi32>,
      %mul3A_85 = arith.constant 16 : i32
      %mul3A_86 = arith.muli %scan3A_81, %mul3A_85 : i32
      %swap3A_87 = arith.index_cast %mul3A_86 : i32 to index
      %swap3A_88 = tpu.vector_load %arg10[%swap3A_87] {strides = array<i32>} : memref<10240xi32, #tpu.memory_space<vmem>>, vector<16xi32>,
      tpu.vector_store %arg10[%swap3A_87], %broadcast_in_dim3A_56 {strides = array<i32>} : memref<10240xi32, #tpu.memory_space<vmem>>, vector<16xi32>,
      %mul3A_89 = arith.constant 16 : i32
      %mul3A_90 = arith.muli %scan3A_81, %mul3A_89 : i32
      %swap3A_91 = arith.index_cast %mul3A_90 : i32 to index
      %swap3A_92 = tpu.vector_load %arg11[%swap3A_91] {strides = array<i32>} : memref<10240xi32, #tpu.memory_space<vmem>>, vector<16xi32>,
      tpu.vector_store %arg11[%swap3A_91], %broadcast_in_dim3A_56 {strides = array<i32>} : memref<10240xi32, #tpu.memory_space<vmem>>, vector<16xi32>,
      %mul3A_93 = arith.constant 16 : i32
      %mul3A_94 = arith.muli %scan3A_81, %mul3A_93 : i32
      %swap3A_95 = arith.index_cast %mul3A_94 : i32 to index
      %swap3A_96 = tpu.vector_load %arg12[%swap3A_95] {strides = array<i32>} : memref<10240xi32, #tpu.memory_space<vmem>>, vector<16xi32>,
      tpu.vector_store %arg12[%swap3A_95], %broadcast_in_dim3A_56 {strides = array<i32>} : memref<10240xi32, #tpu.memory_space<vmem>>, vector<16xi32>,
    }
    %scan3A_61 = arith.constant 640 : i32
    %scan3A_62 = arith.constant 0 : i32
    %scan3A_63 = arith.constant 0 : i32
    %scan3A_64 = arith.constant 10 : i32
    %scan3A_65 = arith.addi %scan3A_63, %scan3A_64 : i32
    %scan3A_66 = arith.constant 1 : i32
    scf.for %scan3A_81 = %scan3A_63 to %scan3A_65 step %scan3A_66  : i32 {
      %mul3A_82 = arith.constant 2 : i32
      %mul3A_83 = arith.muli %scan3A_81, %mul3A_82 : i32
      %add3A_84 = arith.constant 0 : i32
      %add3A_85 = arith.addi %mul3A_83, %add3A_84 : i32
      %dma_wait3A = arith.constant 0 : i32
      %dma_wait3A_86 = tpu.memref_slice %arg3[%dma_wait3A] : memref<327680xi32, #tpu.memory_space<hbm>> -> memref<8192xi32, #tpu.memory_space<hbm>>
      %dma_wait3A_87 = arith.constant 0 : i32
      %dma_wait3A_88 = tpu.memref_slice %arg3[%dma_wait3A_87] : memref<327680xi32, #tpu.memory_space<hbm>> -> memref<8192xi32, #tpu.memory_space<hbm>>
      tpu.wait_dma2 semaphore(%arg15 : memref<!tpu.dma_semaphore, #tpu.memory_space<semaphore_mem>>) src(%dma_wait3A_88 : memref<8192xi32, #tpu.memory_space<hbm>>) dst(%arg13 : memref<8192xi32, #tpu.memory_space<vmem>>)
      %scan3A_89 = arith.constant 0 : i32
      %scan3A_90 = arith.constant 0 : i32
      %scan3A_91 = arith.constant 128 : i32
      %scan3A_92 = arith.addi %scan3A_90, %scan3A_91 : i32
      %scan3A_93 = arith.constant 1 : i32
      scf.for %scan3A_121 = %scan3A_90 to %scan3A_92 step %scan3A_93  : i32 {
        %mul3A_122 = arith.constant 64 : i32
        %mul3A_123 = arith.muli %scan3A_121, %mul3A_122 : i32
        %get3A = arith.index_cast %mul3A_123 : i32 to index
        %get3A_124 = tpu.vector_load %arg13[%get3A] {strides = array<i32>} : memref<8192xi32, #tpu.memory_space<vmem>>, vector<16xi32>,
        %and3A_125 = arith.constant 65535 : i32
        %and3A_126 = vector.broadcast %and3A_125 : i32 to vector<16xi32>
        %and3A_127 = arith.andi %get3A_124, %and3A_126 : vector<16xi32>
        %shift_right_logical3A = arith.constant 16 : i32
        %shift_right_logical3A_128 = vector.broadcast %shift_right_logical3A : i32 to vector<16xi32>
        %shift_right_logical3A_129 = arith.shrui %get3A_124, %shift_right_logical3A_128 : vector<16xi32>
        %gather3A = tpu.vector_load_idx %arg5[%and3A_127] : memref<10240xi32, #tpu.memory_space<vmem>>[vector<16xi32>], vector<16xi32>,
        %gather3A_130 = tpu.vector_load_idx %arg6[%and3A_127] : memref<10240xi32, #tpu.memory_space<vmem>>[vector<16xi32>], vector<16xi32>,
        %gather3A_131 = tpu.vector_load_idx %arg7[%and3A_127] : memref<10240xi32, #tpu.memory_space<vmem>>[vector<16xi32>], vector<16xi32>,
        %gather3A_132 = tpu.vector_load_idx %arg8[%and3A_127] : memref<10240xi32, #tpu.memory_space<vmem>>[vector<16xi32>], vector<16xi32>,
        %broadcast_in_dim3A_133 = arith.constant true
        %broadcast_in_dim3A_134 = vector.broadcast %broadcast_in_dim3A_133 : i1 to vector<16xi1>
        %unique3A, %unique3A_135 = tpu.scan_count mask(%broadcast_in_dim3A_134 : vector<16xi1>) value(%shift_right_logical3A_129 : vector<16xi32>) : vector<16xi1>, vector<16xi32>
        %not3A = arith.constant dense<true> : vector<16xi1>
        %not3A_136 = arith.xori %unique3A, %not3A : vector<16xi1>
        %gt3A = arith.constant 0 : i32
        %gt3A_137 = vector.broadcast %gt3A : i32 to vector<16xi32>
        %gt3A_138 = arith.cmpi sgt, %unique3A_135, %gt3A_137 : vector<16xi32>
        %or3A = arith.ori %not3A_136, %gt3A_138 : vector<16xi1>
        %gather3A_139 = tpu.vector_load_idx %arg9[%shift_right_logical3A_129] : memref<10240xi32, #tpu.memory_space<vmem>>[vector<16xi32>], vector<16xi32>,
        %gather3A_140 = tpu.vector_load_idx %arg10[%shift_right_logical3A_129] : memref<10240xi32, #tpu.memory_space<vmem>>[vector<16xi32>], vector<16xi32>,
        %gather3A_141 = tpu.vector_load_idx %arg11[%shift_right_logical3A_129] : memref<10240xi32, #tpu.memory_space<vmem>>[vector<16xi32>], vector<16xi32>,
        %gather3A_142 = tpu.vector_load_idx %arg12[%shift_right_logical3A_129] : memref<10240xi32, #tpu.memory_space<vmem>>[vector<16xi32>], vector<16xi32>,
        %bitcast3A = vector.bitcast %gather3A_139 : vector<16xi32> to vector<32xbf16>
        %bitcast3A_143 = vector.bitcast %gather3A : vector<16xi32> to vector<32xbf16>
        %max3A = arith.maximumf %bitcast3A, %bitcast3A_143 : vector<32xbf16>
        %bitcast3A_144 = vector.bitcast %max3A : vector<32xbf16> to vector<16xi32>
        %ne3A_145 = arith.cmpi ne, %bitcast3A_144, %gather3A_139 : vector<16xi32>
        tpu.vector_store_idx %arg9[%shift_right_logical3A_129], %bitcast3A_144 masked %ne3A_145 : memref<10240xi32, #tpu.memory_space<vmem>>[vector<16xi32>], vector<16xi32>, vector<16xi1>
        %bitcast3A_146 = vector.bitcast %gather3A_140 : vector<16xi32> to vector<32xbf16>
        %bitcast3A_147 = vector.bitcast %gather3A_130 : vector<16xi32> to vector<32xbf16>
        %max3A_148 = arith.maximumf %bitcast3A_146, %bitcast3A_147 : vector<32xbf16>
        %bitcast3A_149 = vector.bitcast %max3A_148 : vector<32xbf16> to vector<16xi32>
        %ne3A_150 = arith.cmpi ne, %bitcast3A_149, %gather3A_140 : vector<16xi32>
        tpu.vector_store_idx %arg10[%shift_right_logical3A_129], %bitcast3A_149 masked %ne3A_150 : memref<10240xi32, #tpu.memory_space<vmem>>[vector<16xi32>], vector<16xi32>, vector<16xi1>
        %or3A_151 = arith.ori %ne3A_145, %ne3A_150 : vector<16xi1>
        %bitcast3A_152 = vector.bitcast %gather3A_141 : vector<16xi32> to vector<32xbf16>
        %bitcast3A_153 = vector.bitcast %gather3A_131 : vector<16xi32> to vector<32xbf16>
        %max3A_154 = arith.maximumf %bitcast3A_152, %bitcast3A_153 : vector<32xbf16>
        %bitcast3A_155 = vector.bitcast %max3A_154 : vector<32xbf16> to vector<16xi32>
        %ne3A_156 = arith.cmpi ne, %bitcast3A_155, %gather3A_141 : vector<16xi32>
        tpu.vector_store_idx %arg11[%shift_right_logical3A_129], %bitcast3A_155 masked %ne3A_156 : memref<10240xi32, #tpu.memory_space<vmem>>[vector<16xi32>], vector<16xi32>, vector<16xi1>
        %or3A_157 = arith.ori %or3A_151, %ne3A_156 : vector<16xi1>
        %bitcast3A_158 = vector.bitcast %gather3A_142 : vector<16xi32> to vector<32xbf16>
        %bitcast3A_159 = vector.bitcast %gather3A_132 : vector<16xi32> to vector<32xbf16>
        %max3A_160 = arith.maximumf %bitcast3A_158, %bitcast3A_159 : vector<32xbf16>
        %bitcast3A_161 = vector.bitcast %max3A_160 : vector<32xbf16> to vector<16xi32>
        %ne3A_162 = arith.cmpi ne, %bitcast3A_161, %gather3A_142 : vector<16xi32>
        tpu.vector_store_idx %arg12[%shift_right_logical3A_129], %bitcast3A_161 masked %ne3A_162 : memref<10240xi32, #tpu.memory_space<vmem>>[vector<16xi32>], vector<16xi32>, vector<16xi1>
        %or3A_163 = arith.ori %or3A_157, %ne3A_162 : vector<16xi1>
        %and3A_164 = arith.andi %or3A, %or3A_163 : vector<16xi1>
        %add3A_165 = arith.constant 16 : i32
        %add3A_166 = arith.addi %mul3A_123, %add3A_165 : i32
        %get3A_167 = arith.index_cast %add3A_166 : i32 to index
        %get3A_168 = tpu.vector_load %arg13[%get3A_167] {strides = array<i32>} : memref<8192xi32, #tpu.memory_space<vmem>>, vector<16xi32>,
        %and3A_169 = arith.constant 65535 : i32
        %and3A_170 = vector.broadcast %and3A_169 : i32 to vector<16xi32>
        %and3A_171 = arith.andi %get3A_168, %and3A_170 : vector<16xi32>
        %shift_right_logical3A_172 = arith.constant 16 : i32
        %shift_right_logical3A_173 = vector.broadcast %shift_right_logical3A_172 : i32 to vector<16xi32>
        %shift_right_logical3A_174 = arith.shrui %get3A_168, %shift_right_logical3A_173 : vector<16xi32>
        %gather3A_175 = tpu.vector_load_idx %arg5[%and3A_171] : memref<10240xi32, #tpu.memory_space<vmem>>[vector<16xi32>], vector<16xi32>,
        %gather3A_176 = tpu.vector_load_idx %arg6[%and3A_171] : memref<10240xi32, #tpu.memory_space<vmem>>[vector<16xi32>], vector<16xi32>,
        %gather3A_177 = tpu.vector_load_idx %arg7[%and3A_171] : memref<10240xi32, #tpu.memory_space<vmem>>[vector<16xi32>], vector<16xi32>,
        %gather3A_178 = tpu.vector_load_idx %arg8[%and3A_171] : memref<10240xi32, #tpu.memory_space<vmem>>[vector<16xi32>], vector<16xi32>,
        %broadcast_in_dim3A_179 = arith.constant true
        %broadcast_in_dim3A_180 = vector.broadcast %broadcast_in_dim3A_179 : i1 to vector<16xi1>
        %unique3A_181, %unique3A_182 = tpu.scan_count mask(%broadcast_in_dim3A_180 : vector<16xi1>) value(%shift_right_logical3A_174 : vector<16xi32>) : vector<16xi1>, vector<16xi32>
        %not3A_183 = arith.constant dense<true> : vector<16xi1>
        %not3A_184 = arith.xori %unique3A_181, %not3A_183 : vector<16xi1>
        %gt3A_185 = arith.constant 0 : i32
        %gt3A_186 = vector.broadcast %gt3A_185 : i32 to vector<16xi32>
        %gt3A_187 = arith.cmpi sgt, %unique3A_182, %gt3A_186 : vector<16xi32>
        %or3A_188 = arith.ori %not3A_184, %gt3A_187 : vector<16xi1>
        %gather3A_189 = tpu.vector_load_idx %arg9[%shift_right_logical3A_174] : memref<10240xi32, #tpu.memory_space<vmem>>[vector<16xi32>], vector<16xi32>,
        %gather3A_190 = tpu.vector_load_idx %arg10[%shift_right_logical3A_174] : memref<10240xi32, #tpu.memory_space<vmem>>[vector<16xi32>], vector<16xi32>,
        %gather3A_191 = tpu.vector_load_idx %arg11[%shift_right_logical3A_174] : memref<10240xi32, #tpu.memory_space<vmem>>[vector<16xi32>], vector<16xi32>,
        %gather3A_192 = tpu.vector_load_idx %arg12[%shift_right_logical3A_174] : memref<10240xi32, #tpu.memory_space<vmem>>[vector<16xi32>], vector<16xi32>,
        %bitcast3A_193 = vector.bitcast %gather3A_189 : vector<16xi32> to vector<32xbf16>
        %bitcast3A_194 = vector.bitcast %gather3A_175 : vector<16xi32> to vector<32xbf16>
        %max3A_195 = arith.maximumf %bitcast3A_193, %bitcast3A_194 : vector<32xbf16>
        %bitcast3A_196 = vector.bitcast %max3A_195 : vector<32xbf16> to vector<16xi32>
        %ne3A_197 = arith.cmpi ne, %bitcast3A_196, %gather3A_189 : vector<16xi32>
        tpu.vector_store_idx %arg9[%shift_right_logical3A_174], %bitcast3A_196 masked %ne3A_197 : memref<10240xi32, #tpu.memory_space<vmem>>[vector<16xi32>], vector<16xi32>, vector<16xi1>
        %bitcast3A_198 = vector.bitcast %gather3A_190 : vector<16xi32> to vector<32xbf16>
        %bitcast3A_199 = vector.bitcast %gather3A_176 : vector<16xi32> to vector<32xbf16>
        %max3A_200 = arith.maximumf %bitcast3A_198, %bitcast3A_199 : vector<32xbf16>
        %bitcast3A_201 = vector.bitcast %max3A_200 : vector<32xbf16> to vector<16xi32>
        %ne3A_202 = arith.cmpi ne, %bitcast3A_201, %gather3A_190 : vector<16xi32>
        tpu.vector_store_idx %arg10[%shift_right_logical3A_174], %bitcast3A_201 masked %ne3A_202 : memref<10240xi32, #tpu.memory_space<vmem>>[vector<16xi32>], vector<16xi32>, vector<16xi1>
        %or3A_203 = arith.ori %ne3A_197, %ne3A_202 : vector<16xi1>
        %bitcast3A_204 = vector.bitcast %gather3A_191 : vector<16xi32> to vector<32xbf16>
        %bitcast3A_205 = vector.bitcast %gather3A_177 : vector<16xi32> to vector<32xbf16>
        %max3A_206 = arith.maximumf %bitcast3A_204, %bitcast3A_205 : vector<32xbf16>
        %bitcast3A_207 = vector.bitcast %max3A_206 : vector<32xbf16> to vector<16xi32>
        %ne3A_208 = arith.cmpi ne, %bitcast3A_207, %gather3A_191 : vector<16xi32>
        tpu.vector_store_idx %arg11[%shift_right_logical3A_174], %bitcast3A_207 masked %ne3A_208 : memref<10240xi32, #tpu.memory_space<vmem>>[vector<16xi32>], vector<16xi32>, vector<16xi1>
        %or3A_209 = arith.ori %or3A_203, %ne3A_208 : vector<16xi1>
        %bitcast3A_210 = vector.bitcast %gather3A_192 : vector<16xi32> to vector<32xbf16>
        %bitcast3A_211 = vector.bitcast %gather3A_178 : vector<16xi32> to vector<32xbf16>
        %max3A_212 = arith.maximumf %bitcast3A_210, %bitcast3A_211 : vector<32xbf16>
        %bitcast3A_213 = vector.bitcast %max3A_212 : vector<32xbf16> to vector<16xi32>
        %ne3A_214 = arith.cmpi ne, %bitcast3A_213, %gather3A_192 : vector<16xi32>
        tpu.vector_store_idx %arg12[%shift_right_logical3A_174], %bitcast3A_213 masked %ne3A_214 : memref<10240xi32, #tpu.memory_space<vmem>>[vector<16xi32>], vector<16xi32>, vector<16xi1>
        %or3A_215 = arith.ori %or3A_209, %ne3A_214 : vector<16xi1>
        %and3A_216 = arith.andi %or3A_188, %or3A_215 : vector<16xi1>
        %or3A_217 = arith.ori %and3A_164, %and3A_216 : vector<16xi1>
        %add3A_218 = arith.constant 32 : i32
        %add3A_219 = arith.addi %mul3A_123, %add3A_218 : i32
        %get3A_220 = arith.index_cast %add3A_219 : i32 to index
        %get3A_221 = tpu.vector_load %arg13[%get3A_220] {strides = array<i32>} : memref<8192xi32, #tpu.memory_space<vmem>>, vector<16xi32>,
        %and3A_222 = arith.constant 65535 : i32
        %and3A_223 = vector.broadcast %and3A_222 : i32 to vector<16xi32>
        %and3A_224 = arith.andi %get3A_221, %and3A_223 : vector<16xi32>
        %shift_right_logical3A_225 = arith.constant 16 : i32
        %shift_right_logical3A_226 = vector.broadcast %shift_right_logical3A_225 : i32 to vector<16xi32>
        %shift_right_logical3A_227 = arith.shrui %get3A_221, %shift_right_logical3A_226 : vector<16xi32>
        %gather3A_228 = tpu.vector_load_idx %arg5[%and3A_224] : memref<10240xi32, #tpu.memory_space<vmem>>[vector<16xi32>], vector<16xi32>,
        %gather3A_229 = tpu.vector_load_idx %arg6[%and3A_224] : memref<10240xi32, #tpu.memory_space<vmem>>[vector<16xi32>], vector<16xi32>,
        %gather3A_230 = tpu.vector_load_idx %arg7[%and3A_224] : memref<10240xi32, #tpu.memory_space<vmem>>[vector<16xi32>], vector<16xi32>,
        %gather3A_231 = tpu.vector_load_idx %arg8[%and3A_224] : memref<10240xi32, #tpu.memory_space<vmem>>[vector<16xi32>], vector<16xi32>,
        %broadcast_in_dim3A_232 = arith.constant true
        %broadcast_in_dim3A_233 = vector.broadcast %broadcast_in_dim3A_232 : i1 to vector<16xi1>
        %unique3A_234, %unique3A_235 = tpu.scan_count mask(%broadcast_in_dim3A_233 : vector<16xi1>) value(%shift_right_logical3A_227 : vector<16xi32>) : vector<16xi1>, vector<16xi32>
        %not3A_236 = arith.constant dense<true> : vector<16xi1>
        %not3A_237 = arith.xori %unique3A_234, %not3A_236 : vector<16xi1>
        %gt3A_238 = arith.constant 0 : i32
        %gt3A_239 = vector.broadcast %gt3A_238 : i32 to vector<16xi32>
        %gt3A_240 = arith.cmpi sgt, %unique3A_235, %gt3A_239 : vector<16xi32>
        %or3A_241 = arith.ori %not3A_237, %gt3A_240 : vector<16xi1>
        %gather3A_242 = tpu.vector_load_idx %arg9[%shift_right_logical3A_227] : memref<10240xi32, #tpu.memory_space<vmem>>[vector<16xi32>], vector<16xi32>,
        %gather3A_243 = tpu.vector_load_idx %arg10[%shift_right_logical3A_227] : memref<10240xi32, #tpu.memory_space<vmem>>[vector<16xi32>], vector<16xi32>,
        %gather3A_244 = tpu.vector_load_idx %arg11[%shift_right_logical3A_227] : memref<10240xi32, #tpu.memory_space<vmem>>[vector<16xi32>], vector<16xi32>,
        %gather3A_245 = tpu.vector_load_idx %arg12[%shift_right_logical3A_227] : memref<10240xi32, #tpu.memory_space<vmem>>[vector<16xi32>], vector<16xi32>,
        %bitcast3A_246 = vector.bitcast %gather3A_242 : vector<16xi32> to vector<32xbf16>
        %bitcast3A_247 = vector.bitcast %gather3A_228 : vector<16xi32> to vector<32xbf16>
        %max3A_248 = arith.maximumf %bitcast3A_246, %bitcast3A_247 : vector<32xbf16>
        %bitcast3A_249 = vector.bitcast %max3A_248 : vector<32xbf16> to vector<16xi32>
        %ne3A_250 = arith.cmpi ne, %bitcast3A_249, %gather3A_242 : vector<16xi32>
        tpu.vector_store_idx %arg9[%shift_right_logical3A_227], %bitcast3A_249 masked %ne3A_250 : memref<10240xi32, #tpu.memory_space<vmem>>[vector<16xi32>], vector<16xi32>, vector<16xi1>
        %bitcast3A_251 = vector.bitcast %gather3A_243 : vector<16xi32> to vector<32xbf16>
        %bitcast3A_252 = vector.bitcast %gather3A_229 : vector<16xi32> to vector<32xbf16>
        %max3A_253 = arith.maximumf %bitcast3A_251, %bitcast3A_252 : vector<32xbf16>
        %bitcast3A_254 = vector.bitcast %max3A_253 : vector<32xbf16> to vector<16xi32>
        %ne3A_255 = arith.cmpi ne, %bitcast3A_254, %gather3A_243 : vector<16xi32>
        tpu.vector_store_idx %arg10[%shift_right_logical3A_227], %bitcast3A_254 masked %ne3A_255 : memref<10240xi32, #tpu.memory_space<vmem>>[vector<16xi32>], vector<16xi32>, vector<16xi1>
        %or3A_256 = arith.ori %ne3A_250, %ne3A_255 : vector<16xi1>
        %bitcast3A_257 = vector.bitcast %gather3A_244 : vector<16xi32> to vector<32xbf16>
        %bitcast3A_258 = vector.bitcast %gather3A_230 : vector<16xi32> to vector<32xbf16>
        %max3A_259 = arith.maximumf %bitcast3A_257, %bitcast3A_258 : vector<32xbf16>
        %bitcast3A_260 = vector.bitcast %max3A_259 : vector<32xbf16> to vector<16xi32>
        %ne3A_261 = arith.cmpi ne, %bitcast3A_260, %gather3A_244 : vector<16xi32>
        tpu.vector_store_idx %arg11[%shift_right_logical3A_227], %bitcast3A_260 masked %ne3A_261 : memref<10240xi32, #tpu.memory_space<vmem>>[vector<16xi32>], vector<16xi32>, vector<16xi1>
        %or3A_262 = arith.ori %or3A_256, %ne3A_261 : vector<16xi1>
        %bitcast3A_263 = vector.bitcast %gather3A_245 : vector<16xi32> to vector<32xbf16>
        %bitcast3A_264 = vector.bitcast %gather3A_231 : vector<16xi32> to vector<32xbf16>
        %max3A_265 = arith.maximumf %bitcast3A_263, %bitcast3A_264 : vector<32xbf16>
        %bitcast3A_266 = vector.bitcast %max3A_265 : vector<32xbf16> to vector<16xi32>
        %ne3A_267 = arith.cmpi ne, %bitcast3A_266, %gather3A_245 : vector<16xi32>
        tpu.vector_store_idx %arg12[%shift_right_logical3A_227], %bitcast3A_266 masked %ne3A_267 : memref<10240xi32, #tpu.memory_space<vmem>>[vector<16xi32>], vector<16xi32>, vector<16xi1>
        %or3A_268 = arith.ori %or3A_262, %ne3A_267 : vector<16xi1>
        %and3A_269 = arith.andi %or3A_241, %or3A_268 : vector<16xi1>
        %or3A_270 = arith.ori %or3A_217, %and3A_269 : vector<16xi1>
        %add3A_271 = arith.constant 48 : i32
        %add3A_272 = arith.addi %mul3A_123, %add3A_271 : i32
        %get3A_273 = arith.index_cast %add3A_272 : i32 to index
        %get3A_274 = tpu.vector_load %arg13[%get3A_273] {strides = array<i32>} : memref<8192xi32, #tpu.memory_space<vmem>>, vector<16xi32>,
        %and3A_275 = arith.constant 65535 : i32
        %and3A_276 = vector.broadcast %and3A_275 : i32 to vector<16xi32>
        %and3A_277 = arith.andi %get3A_274, %and3A_276 : vector<16xi32>
        %shift_right_logical3A_278 = arith.constant 16 : i32
        %shift_right_logical3A_279 = vector.broadcast %shift_right_logical3A_278 : i32 to vector<16xi32>
        %shift_right_logical3A_280 = arith.shrui %get3A_274, %shift_right_logical3A_279 : vector<16xi32>
        %gather3A_281 = tpu.vector_load_idx %arg5[%and3A_277] : memref<10240xi32, #tpu.memory_space<vmem>>[vector<16xi32>], vector<16xi32>,
        %gather3A_282 = tpu.vector_load_idx %arg6[%and3A_277] : memref<10240xi32, #tpu.memory_space<vmem>>[vector<16xi32>], vector<16xi32>,
        %gather3A_283 = tpu.vector_load_idx %arg7[%and3A_277] : memref<10240xi32, #tpu.memory_space<vmem>>[vector<16xi32>], vector<16xi32>,
        %gather3A_284 = tpu.vector_load_idx %arg8[%and3A_277] : memref<10240xi32, #tpu.memory_space<vmem>>[vector<16xi32>], vector<16xi32>,
        %broadcast_in_dim3A_285 = arith.constant true
        %broadcast_in_dim3A_286 = vector.broadcast %broadcast_in_dim3A_285 : i1 to vector<16xi1>
        %unique3A_287, %unique3A_288 = tpu.scan_count mask(%broadcast_in_dim3A_286 : vector<16xi1>) value(%shift_right_logical3A_280 : vector<16xi32>) : vector<16xi1>, vector<16xi32>
        %not3A_289 = arith.constant dense<true> : vector<16xi1>
        %not3A_290 = arith.xori %unique3A_287, %not3A_289 : vector<16xi1>
        %gt3A_291 = arith.constant 0 : i32
        %gt3A_292 = vector.broadcast %gt3A_291 : i32 to vector<16xi32>
        %gt3A_293 = arith.cmpi sgt, %unique3A_288, %gt3A_292 : vector<16xi32>
        %or3A_294 = arith.ori %not3A_290, %gt3A_293 : vector<16xi1>
        %gather3A_295 = tpu.vector_load_idx %arg9[%shift_right_logical3A_280] : memref<10240xi32, #tpu.memory_space<vmem>>[vector<16xi32>], vector<16xi32>,
        %gather3A_296 = tpu.vector_load_idx %arg10[%shift_right_logical3A_280] : memref<10240xi32, #tpu.memory_space<vmem>>[vector<16xi32>], vector<16xi32>,
        %gather3A_297 = tpu.vector_load_idx %arg11[%shift_right_logical3A_280] : memref<10240xi32, #tpu.memory_space<vmem>>[vector<16xi32>], vector<16xi32>,
        %gather3A_298 = tpu.vector_load_idx %arg12[%shift_right_logical3A_280] : memref<10240xi32, #tpu.memory_space<vmem>>[vector<16xi32>], vector<16xi32>,
        %bitcast3A_299 = vector.bitcast %gather3A_295 : vector<16xi32> to vector<32xbf16>
        %bitcast3A_300 = vector.bitcast %gather3A_281 : vector<16xi32> to vector<32xbf16>
        %max3A_301 = arith.maximumf %bitcast3A_299, %bitcast3A_300 : vector<32xbf16>
        %bitcast3A_302 = vector.bitcast %max3A_301 : vector<32xbf16> to vector<16xi32>
        %ne3A_303 = arith.cmpi ne, %bitcast3A_302, %gather3A_295 : vector<16xi32>
        tpu.vector_store_idx %arg9[%shift_right_logical3A_280], %bitcast3A_302 masked %ne3A_303 : memref<10240xi32, #tpu.memory_space<vmem>>[vector<16xi32>], vector<16xi32>, vector<16xi1>
        %bitcast3A_304 = vector.bitcast %gather3A_296 : vector<16xi32> to vector<32xbf16>
        %bitcast3A_305 = vector.bitcast %gather3A_282 : vector<16xi32> to vector<32xbf16>
        %max3A_306 = arith.maximumf %bitcast3A_304, %bitcast3A_305 : vector<32xbf16>
        %bitcast3A_307 = vector.bitcast %max3A_306 : vector<32xbf16> to vector<16xi32>
        %ne3A_308 = arith.cmpi ne, %bitcast3A_307, %gather3A_296 : vector<16xi32>
        tpu.vector_store_idx %arg10[%shift_right_logical3A_280], %bitcast3A_307 masked %ne3A_308 : memref<10240xi32, #tpu.memory_space<vmem>>[vector<16xi32>], vector<16xi32>, vector<16xi1>
        %or3A_309 = arith.ori %ne3A_303, %ne3A_308 : vector<16xi1>
        %bitcast3A_310 = vector.bitcast %gather3A_297 : vector<16xi32> to vector<32xbf16>
        %bitcast3A_311 = vector.bitcast %gather3A_283 : vector<16xi32> to vector<32xbf16>
        %max3A_312 = arith.maximumf %bitcast3A_310, %bitcast3A_311 : vector<32xbf16>
        %bitcast3A_313 = vector.bitcast %max3A_312 : vector<32xbf16> to vector<16xi32>
        %ne3A_314 = arith.cmpi ne, %bitcast3A_313, %gather3A_297 : vector<16xi32>
        tpu.vector_store_idx %arg11[%shift_right_logical3A_280], %bitcast3A_313 masked %ne3A_314 : memref<10240xi32, #tpu.memory_space<vmem>>[vector<16xi32>], vector<16xi32>, vector<16xi1>
        %or3A_315 = arith.ori %or3A_309, %ne3A_314 : vector<16xi1>
        %bitcast3A_316 = vector.bitcast %gather3A_298 : vector<16xi32> to vector<32xbf16>
        %bitcast3A_317 = vector.bitcast %gather3A_284 : vector<16xi32> to vector<32xbf16>
        %max3A_318 = arith.maximumf %bitcast3A_316, %bitcast3A_317 : vector<32xbf16>
        %bitcast3A_319 = vector.bitcast %max3A_318 : vector<32xbf16> to vector<16xi32>
        %ne3A_320 = arith.cmpi ne, %bitcast3A_319, %gather3A_298 : vector<16xi32>
        tpu.vector_store_idx %arg12[%shift_right_logical3A_280], %bitcast3A_319 masked %ne3A_320 : memref<10240xi32, #tpu.memory_space<vmem>>[vector<16xi32>], vector<16xi32>, vector<16xi1>
        %or3A_321 = arith.ori %or3A_315, %ne3A_320 : vector<16xi1>
        %and3A_322 = arith.andi %or3A_294, %or3A_321 : vector<16xi1>
        %or3A_323 = arith.ori %or3A_270, %and3A_322 : vector<16xi1>
        %reduce_or3A = arith.constant 1.000000e+00 : f32
        %reduce_or3A_324 = arith.constant 0.000000e+00 : f32
        %reduce_or3A_325 = vector.broadcast %reduce_or3A : f32 to vector<16xf32>
        %reduce_or3A_326 = vector.broadcast %reduce_or3A_324 : f32 to vector<16xf32>
        %reduce_or3A_327 = arith.select %or3A_323, %reduce_or3A_325, %reduce_or3A_326 : vector<16xi1>, vector<16xf32>
        %reduce_or3A_328 = arith.constant true
        %reduce_or3A_329 = vector.broadcast %reduce_or3A_328 : i1 to vector<16xi1>
        %reduce_or3A_330 = tpu.scan <max>, %reduce_or3A_327 masked %reduce_or3A_329 : vector<16xf32>, vector<16xi1> -> vector<16xf32>
        %reduce_or3A_331 = vector.extract %reduce_or3A_330[15] : f32 from vector<16xf32>
        %reduce_or3A_332 = arith.constant 0.000000e+00 : f32
        %reduce_or3A_333 = arith.cmpf ogt, %reduce_or3A_331, %reduce_or3A_332 : f32
        %convert_element_type3A_334 = arith.extui %reduce_or3A_333 : i1 to i32
        %cond3A_335 = arith.constant 0 : i32
        %cond3A_336 = arith.cmpi ne, %convert_element_type3A_334, %cond3A_335 : i32
        scf.if %cond3A_336 {
          %add3A_337 = arith.constant 0 : i32
          %add3A_338 = arith.addi %mul3A_123, %add3A_337 : i32
          %get3A_339 = arith.index_cast %add3A_338 : i32 to index
          %get3A_340 = tpu.vector_load %arg13[%get3A_339] {strides = array<i32>} : memref<8192xi32, #tpu.memory_space<vmem>>, vector<16xi32>,
          %and3A_341 = arith.constant 65535 : i32
          %and3A_342 = vector.broadcast %and3A_341 : i32 to vector<16xi32>
          %and3A_343 = arith.andi %get3A_340, %and3A_342 : vector<16xi32>
          %shift_right_logical3A_344 = arith.constant 16 : i32
          %shift_right_logical3A_345 = vector.broadcast %shift_right_logical3A_344 : i32 to vector<16xi32>
          %shift_right_logical3A_346 = arith.shrui %get3A_340, %shift_right_logical3A_345 : vector<16xi32>
          %gather3A_347 = tpu.vector_load_idx %arg5[%and3A_343] : memref<10240xi32, #tpu.memory_space<vmem>>[vector<16xi32>], vector<16xi32>,
          %gather3A_348 = tpu.vector_load_idx %arg6[%and3A_343] : memref<10240xi32, #tpu.memory_space<vmem>>[vector<16xi32>], vector<16xi32>,
          %gather3A_349 = tpu.vector_load_idx %arg7[%and3A_343] : memref<10240xi32, #tpu.memory_space<vmem>>[vector<16xi32>], vector<16xi32>,
          %gather3A_350 = tpu.vector_load_idx %arg8[%and3A_343] : memref<10240xi32, #tpu.memory_space<vmem>>[vector<16xi32>], vector<16xi32>,
          %broadcast_in_dim3A_351 = arith.constant true
          %broadcast_in_dim3A_352 = vector.broadcast %broadcast_in_dim3A_351 : i1 to vector<16xi1>
          %unique3A_353, %unique3A_354 = tpu.scan_count mask(%broadcast_in_dim3A_352 : vector<16xi1>) value(%shift_right_logical3A_346 : vector<16xi32>) : vector<16xi1>, vector<16xi32>
          %gt3A_355 = arith.constant 0 : i32
          %gt3A_356 = vector.broadcast %gt3A_355 : i32 to vector<16xi32>
          %gt3A_357 = arith.cmpi sgt, %unique3A_354, %gt3A_356 : vector<16xi32>
          %reduce_or3A_358 = arith.constant 1.000000e+00 : f32
          %reduce_or3A_359 = arith.constant 0.000000e+00 : f32
          %reduce_or3A_360 = vector.broadcast %reduce_or3A_358 : f32 to vector<16xf32>
          %reduce_or3A_361 = vector.broadcast %reduce_or3A_359 : f32 to vector<16xf32>
          %reduce_or3A_362 = arith.select %gt3A_357, %reduce_or3A_360, %reduce_or3A_361 : vector<16xi1>, vector<16xf32>
          %reduce_or3A_363 = arith.constant true
          %reduce_or3A_364 = vector.broadcast %reduce_or3A_363 : i1 to vector<16xi1>
          %reduce_or3A_365 = tpu.scan <max>, %reduce_or3A_362 masked %reduce_or3A_364 : vector<16xf32>, vector<16xi1> -> vector<16xf32>
          %reduce_or3A_366 = vector.extract %reduce_or3A_365[15] : f32 from vector<16xf32>
          %reduce_or3A_367 = arith.constant 0.000000e+00 : f32
          %reduce_or3A_368 = arith.cmpf ogt, %reduce_or3A_366, %reduce_or3A_367 : f32
          %while3A = arith.constant true
          %while3A_369 = scf.while (%while3A_472 = %while3A) : (i1) -> i1 {
            scf.condition(%while3A_472) %while3A_472 : i1
          } do {
          ^bb0(%while3A_472: i1):
            %gather3A_473 = tpu.vector_load_idx %arg9[%shift_right_logical3A_346] : memref<10240xi32, #tpu.memory_space<vmem>>[vector<16xi32>], vector<16xi32>,
            %bitcast3A_474 = vector.bitcast %gather3A_473 : vector<16xi32> to vector<32xbf16>
            %bitcast3A_475 = vector.bitcast %gather3A_347 : vector<16xi32> to vector<32xbf16>
            %max3A_476 = arith.maximumf %bitcast3A_474, %bitcast3A_475 : vector<32xbf16>
            %bitcast3A_477 = vector.bitcast %max3A_476 : vector<32xbf16> to vector<16xi32>
            %ne3A_478 = arith.cmpi ne, %bitcast3A_477, %gather3A_473 : vector<16xi32>
            tpu.vector_store_idx %arg9[%shift_right_logical3A_346], %bitcast3A_477 masked %ne3A_478 : memref<10240xi32, #tpu.memory_space<vmem>>[vector<16xi32>], vector<16xi32>, vector<16xi1>
            %gather3A_479 = tpu.vector_load_idx %arg10[%shift_right_logical3A_346] : memref<10240xi32, #tpu.memory_space<vmem>>[vector<16xi32>], vector<16xi32>,
            %bitcast3A_480 = vector.bitcast %gather3A_479 : vector<16xi32> to vector<32xbf16>
            %bitcast3A_481 = vector.bitcast %gather3A_348 : vector<16xi32> to vector<32xbf16>
            %max3A_482 = arith.maximumf %bitcast3A_480, %bitcast3A_481 : vector<32xbf16>
            %bitcast3A_483 = vector.bitcast %max3A_482 : vector<32xbf16> to vector<16xi32>
            %ne3A_484 = arith.cmpi ne, %bitcast3A_483, %gather3A_479 : vector<16xi32>
            tpu.vector_store_idx %arg10[%shift_right_logical3A_346], %bitcast3A_483 masked %ne3A_484 : memref<10240xi32, #tpu.memory_space<vmem>>[vector<16xi32>], vector<16xi32>, vector<16xi1>
            %or3A_485 = arith.ori %ne3A_478, %ne3A_484 : vector<16xi1>
            %gather3A_486 = tpu.vector_load_idx %arg11[%shift_right_logical3A_346] : memref<10240xi32, #tpu.memory_space<vmem>>[vector<16xi32>], vector<16xi32>,
            %bitcast3A_487 = vector.bitcast %gather3A_486 : vector<16xi32> to vector<32xbf16>
            %bitcast3A_488 = vector.bitcast %gather3A_349 : vector<16xi32> to vector<32xbf16>
            %max3A_489 = arith.maximumf %bitcast3A_487, %bitcast3A_488 : vector<32xbf16>
            %bitcast3A_490 = vector.bitcast %max3A_489 : vector<32xbf16> to vector<16xi32>
            %ne3A_491 = arith.cmpi ne, %bitcast3A_490, %gather3A_486 : vector<16xi32>
            tpu.vector_store_idx %arg11[%shift_right_logical3A_346], %bitcast3A_490 masked %ne3A_491 : memref<10240xi32, #tpu.memory_space<vmem>>[vector<16xi32>], vector<16xi32>, vector<16xi1>
            %or3A_492 = arith.ori %or3A_485, %ne3A_491 : vector<16xi1>
            %gather3A_493 = tpu.vector_load_idx %arg12[%shift_right_logical3A_346] : memref<10240xi32, #tpu.memory_space<vmem>>[vector<16xi32>], vector<16xi32>,
            %bitcast3A_494 = vector.bitcast %gather3A_493 : vector<16xi32> to vector<32xbf16>
            %bitcast3A_495 = vector.bitcast %gather3A_350 : vector<16xi32> to vector<32xbf16>
            %max3A_496 = arith.maximumf %bitcast3A_494, %bitcast3A_495 : vector<32xbf16>
            %bitcast3A_497 = vector.bitcast %max3A_496 : vector<32xbf16> to vector<16xi32>
            %ne3A_498 = arith.cmpi ne, %bitcast3A_497, %gather3A_493 : vector<16xi32>
            tpu.vector_store_idx %arg12[%shift_right_logical3A_346], %bitcast3A_497 masked %ne3A_498 : memref<10240xi32, #tpu.memory_space<vmem>>[vector<16xi32>], vector<16xi32>, vector<16xi1>
            %or3A_499 = arith.ori %or3A_492, %ne3A_498 : vector<16xi1>
            %reduce_or3A_500 = arith.constant 1.000000e+00 : f32
            %reduce_or3A_501 = arith.constant 0.000000e+00 : f32
            %reduce_or3A_502 = vector.broadcast %reduce_or3A_500 : f32 to vector<16xf32>
            %reduce_or3A_503 = vector.broadcast %reduce_or3A_501 : f32 to vector<16xf32>
            %reduce_or3A_504 = arith.select %or3A_499, %reduce_or3A_502, %reduce_or3A_503 : vector<16xi1>, vector<16xf32>
            %reduce_or3A_505 = arith.constant true
            %reduce_or3A_506 = vector.broadcast %reduce_or3A_505 : i1 to vector<16xi1>
            %reduce_or3A_507 = tpu.scan <max>, %reduce_or3A_504 masked %reduce_or3A_506 : vector<16xf32>, vector<16xi1> -> vector<16xf32>
            %reduce_or3A_508 = vector.extract %reduce_or3A_507[15] : f32 from vector<16xf32>
            %reduce_or3A_509 = arith.constant 0.000000e+00 : f32
            %reduce_or3A_510 = arith.cmpf ogt, %reduce_or3A_508, %reduce_or3A_509 : f32
            %and3A_511 = arith.andi %reduce_or3A_368, %reduce_or3A_510 : i1
            scf.yield %and3A_511 : i1
          }
          %add3A_370 = arith.constant 16 : i32
          %add3A_371 = arith.addi %mul3A_123, %add3A_370 : i32
          %get3A_372 = arith.index_cast %add3A_371 : i32 to index
          %get3A_373 = tpu.vector_load %arg13[%get3A_372] {strides = array<i32>} : memref<8192xi32, #tpu.memory_space<vmem>>, vector<16xi32>,
          %and3A_374 = arith.constant 65535 : i32
          %and3A_375 = vector.broadcast %and3A_374 : i32 to vector<16xi32>
          %and3A_376 = arith.andi %get3A_373, %and3A_375 : vector<16xi32>
          %shift_right_logical3A_377 = arith.constant 16 : i32
          %shift_right_logical3A_378 = vector.broadcast %shift_right_logical3A_377 : i32 to vector<16xi32>
          %shift_right_logical3A_379 = arith.shrui %get3A_373, %shift_right_logical3A_378 : vector<16xi32>
          %gather3A_380 = tpu.vector_load_idx %arg5[%and3A_376] : memref<10240xi32, #tpu.memory_space<vmem>>[vector<16xi32>], vector<16xi32>,
          %gather3A_381 = tpu.vector_load_idx %arg6[%and3A_376] : memref<10240xi32, #tpu.memory_space<vmem>>[vector<16xi32>], vector<16xi32>,
          %gather3A_382 = tpu.vector_load_idx %arg7[%and3A_376] : memref<10240xi32, #tpu.memory_space<vmem>>[vector<16xi32>], vector<16xi32>,
          %gather3A_383 = tpu.vector_load_idx %arg8[%and3A_376] : memref<10240xi32, #tpu.memory_space<vmem>>[vector<16xi32>], vector<16xi32>,
          %broadcast_in_dim3A_384 = arith.constant true
          %broadcast_in_dim3A_385 = vector.broadcast %broadcast_in_dim3A_384 : i1 to vector<16xi1>
          %unique3A_386, %unique3A_387 = tpu.scan_count mask(%broadcast_in_dim3A_385 : vector<16xi1>) value(%shift_right_logical3A_379 : vector<16xi32>) : vector<16xi1>, vector<16xi32>
          %gt3A_388 = arith.constant 0 : i32
          %gt3A_389 = vector.broadcast %gt3A_388 : i32 to vector<16xi32>
          %gt3A_390 = arith.cmpi sgt, %unique3A_387, %gt3A_389 : vector<16xi32>
          %reduce_or3A_391 = arith.constant 1.000000e+00 : f32
          %reduce_or3A_392 = arith.constant 0.000000e+00 : f32
          %reduce_or3A_393 = vector.broadcast %reduce_or3A_391 : f32 to vector<16xf32>
          %reduce_or3A_394 = vector.broadcast %reduce_or3A_392 : f32 to vector<16xf32>
          %reduce_or3A_395 = arith.select %gt3A_390, %reduce_or3A_393, %reduce_or3A_394 : vector<16xi1>, vector<16xf32>
          %reduce_or3A_396 = arith.constant true
          %reduce_or3A_397 = vector.broadcast %reduce_or3A_396 : i1 to vector<16xi1>
          %reduce_or3A_398 = tpu.scan <max>, %reduce_or3A_395 masked %reduce_or3A_397 : vector<16xf32>, vector<16xi1> -> vector<16xf32>
          %reduce_or3A_399 = vector.extract %reduce_or3A_398[15] : f32 from vector<16xf32>
          %reduce_or3A_400 = arith.constant 0.000000e+00 : f32
          %reduce_or3A_401 = arith.cmpf ogt, %reduce_or3A_399, %reduce_or3A_400 : f32
          %while3A_402 = arith.constant true
          %while3A_403 = scf.while (%while3A_472 = %while3A_402) : (i1) -> i1 {
            scf.condition(%while3A_472) %while3A_472 : i1
          } do {
          ^bb0(%while3A_472: i1):
            %gather3A_473 = tpu.vector_load_idx %arg9[%shift_right_logical3A_379] : memref<10240xi32, #tpu.memory_space<vmem>>[vector<16xi32>], vector<16xi32>,
            %bitcast3A_474 = vector.bitcast %gather3A_473 : vector<16xi32> to vector<32xbf16>
            %bitcast3A_475 = vector.bitcast %gather3A_380 : vector<16xi32> to vector<32xbf16>
            %max3A_476 = arith.maximumf %bitcast3A_474, %bitcast3A_475 : vector<32xbf16>
            %bitcast3A_477 = vector.bitcast %max3A_476 : vector<32xbf16> to vector<16xi32>
            %ne3A_478 = arith.cmpi ne, %bitcast3A_477, %gather3A_473 : vector<16xi32>
            tpu.vector_store_idx %arg9[%shift_right_logical3A_379], %bitcast3A_477 masked %ne3A_478 : memref<10240xi32, #tpu.memory_space<vmem>>[vector<16xi32>], vector<16xi32>, vector<16xi1>
            %gather3A_479 = tpu.vector_load_idx %arg10[%shift_right_logical3A_379] : memref<10240xi32, #tpu.memory_space<vmem>>[vector<16xi32>], vector<16xi32>,
            %bitcast3A_480 = vector.bitcast %gather3A_479 : vector<16xi32> to vector<32xbf16>
            %bitcast3A_481 = vector.bitcast %gather3A_381 : vector<16xi32> to vector<32xbf16>
            %max3A_482 = arith.maximumf %bitcast3A_480, %bitcast3A_481 : vector<32xbf16>
            %bitcast3A_483 = vector.bitcast %max3A_482 : vector<32xbf16> to vector<16xi32>
            %ne3A_484 = arith.cmpi ne, %bitcast3A_483, %gather3A_479 : vector<16xi32>
            tpu.vector_store_idx %arg10[%shift_right_logical3A_379], %bitcast3A_483 masked %ne3A_484 : memref<10240xi32, #tpu.memory_space<vmem>>[vector<16xi32>], vector<16xi32>, vector<16xi1>
            %or3A_485 = arith.ori %ne3A_478, %ne3A_484 : vector<16xi1>
            %gather3A_486 = tpu.vector_load_idx %arg11[%shift_right_logical3A_379] : memref<10240xi32, #tpu.memory_space<vmem>>[vector<16xi32>], vector<16xi32>,
            %bitcast3A_487 = vector.bitcast %gather3A_486 : vector<16xi32> to vector<32xbf16>
            %bitcast3A_488 = vector.bitcast %gather3A_382 : vector<16xi32> to vector<32xbf16>
            %max3A_489 = arith.maximumf %bitcast3A_487, %bitcast3A_488 : vector<32xbf16>
            %bitcast3A_490 = vector.bitcast %max3A_489 : vector<32xbf16> to vector<16xi32>
            %ne3A_491 = arith.cmpi ne, %bitcast3A_490, %gather3A_486 : vector<16xi32>
            tpu.vector_store_idx %arg11[%shift_right_logical3A_379], %bitcast3A_490 masked %ne3A_491 : memref<10240xi32, #tpu.memory_space<vmem>>[vector<16xi32>], vector<16xi32>, vector<16xi1>
            %or3A_492 = arith.ori %or3A_485, %ne3A_491 : vector<16xi1>
            %gather3A_493 = tpu.vector_load_idx %arg12[%shift_right_logical3A_379] : memref<10240xi32, #tpu.memory_space<vmem>>[vector<16xi32>], vector<16xi32>,
            %bitcast3A_494 = vector.bitcast %gather3A_493 : vector<16xi32> to vector<32xbf16>
            %bitcast3A_495 = vector.bitcast %gather3A_383 : vector<16xi32> to vector<32xbf16>
            %max3A_496 = arith.maximumf %bitcast3A_494, %bitcast3A_495 : vector<32xbf16>
            %bitcast3A_497 = vector.bitcast %max3A_496 : vector<32xbf16> to vector<16xi32>
            %ne3A_498 = arith.cmpi ne, %bitcast3A_497, %gather3A_493 : vector<16xi32>
            tpu.vector_store_idx %arg12[%shift_right_logical3A_379], %bitcast3A_497 masked %ne3A_498 : memref<10240xi32, #tpu.memory_space<vmem>>[vector<16xi32>], vector<16xi32>, vector<16xi1>
            %or3A_499 = arith.ori %or3A_492, %ne3A_498 : vector<16xi1>
            %reduce_or3A_500 = arith.constant 1.000000e+00 : f32
            %reduce_or3A_501 = arith.constant 0.000000e+00 : f32
            %reduce_or3A_502 = vector.broadcast %reduce_or3A_500 : f32 to vector<16xf32>
            %reduce_or3A_503 = vector.broadcast %reduce_or3A_501 : f32 to vector<16xf32>
            %reduce_or3A_504 = arith.select %or3A_499, %reduce_or3A_502, %reduce_or3A_503 : vector<16xi1>, vector<16xf32>
            %reduce_or3A_505 = arith.constant true
            %reduce_or3A_506 = vector.broadcast %reduce_or3A_505 : i1 to vector<16xi1>
            %reduce_or3A_507 = tpu.scan <max>, %reduce_or3A_504 masked %reduce_or3A_506 : vector<16xf32>, vector<16xi1> -> vector<16xf32>
            %reduce_or3A_508 = vector.extract %reduce_or3A_507[15] : f32 from vector<16xf32>
            %reduce_or3A_509 = arith.constant 0.000000e+00 : f32
            %reduce_or3A_510 = arith.cmpf ogt, %reduce_or3A_508, %reduce_or3A_509 : f32
            %and3A_511 = arith.andi %reduce_or3A_401, %reduce_or3A_510 : i1
            scf.yield %and3A_511 : i1
          }
          %add3A_404 = arith.constant 32 : i32
          %add3A_405 = arith.addi %mul3A_123, %add3A_404 : i32
          %get3A_406 = arith.index_cast %add3A_405 : i32 to index
          %get3A_407 = tpu.vector_load %arg13[%get3A_406] {strides = array<i32>} : memref<8192xi32, #tpu.memory_space<vmem>>, vector<16xi32>,
          %and3A_408 = arith.constant 65535 : i32
          %and3A_409 = vector.broadcast %and3A_408 : i32 to vector<16xi32>
          %and3A_410 = arith.andi %get3A_407, %and3A_409 : vector<16xi32>
          %shift_right_logical3A_411 = arith.constant 16 : i32
          %shift_right_logical3A_412 = vector.broadcast %shift_right_logical3A_411 : i32 to vector<16xi32>
          %shift_right_logical3A_413 = arith.shrui %get3A_407, %shift_right_logical3A_412 : vector<16xi32>
          %gather3A_414 = tpu.vector_load_idx %arg5[%and3A_410] : memref<10240xi32, #tpu.memory_space<vmem>>[vector<16xi32>], vector<16xi32>,
          %gather3A_415 = tpu.vector_load_idx %arg6[%and3A_410] : memref<10240xi32, #tpu.memory_space<vmem>>[vector<16xi32>], vector<16xi32>,
          %gather3A_416 = tpu.vector_load_idx %arg7[%and3A_410] : memref<10240xi32, #tpu.memory_space<vmem>>[vector<16xi32>], vector<16xi32>,
          %gather3A_417 = tpu.vector_load_idx %arg8[%and3A_410] : memref<10240xi32, #tpu.memory_space<vmem>>[vector<16xi32>], vector<16xi32>,
          %broadcast_in_dim3A_418 = arith.constant true
          %broadcast_in_dim3A_419 = vector.broadcast %broadcast_in_dim3A_418 : i1 to vector<16xi1>
          %unique3A_420, %unique3A_421 = tpu.scan_count mask(%broadcast_in_dim3A_419 : vector<16xi1>) value(%shift_right_logical3A_413 : vector<16xi32>) : vector<16xi1>, vector<16xi32>
          %gt3A_422 = arith.constant 0 : i32
          %gt3A_423 = vector.broadcast %gt3A_422 : i32 to vector<16xi32>
          %gt3A_424 = arith.cmpi sgt, %unique3A_421, %gt3A_423 : vector<16xi32>
          %reduce_or3A_425 = arith.constant 1.000000e+00 : f32
          %reduce_or3A_426 = arith.constant 0.000000e+00 : f32
          %reduce_or3A_427 = vector.broadcast %reduce_or3A_425 : f32 to vector<16xf32>
          %reduce_or3A_428 = vector.broadcast %reduce_or3A_426 : f32 to vector<16xf32>
          %reduce_or3A_429 = arith.select %gt3A_424, %reduce_or3A_427, %reduce_or3A_428 : vector<16xi1>, vector<16xf32>
          %reduce_or3A_430 = arith.constant true
          %reduce_or3A_431 = vector.broadcast %reduce_or3A_430 : i1 to vector<16xi1>
          %reduce_or3A_432 = tpu.scan <max>, %reduce_or3A_429 masked %reduce_or3A_431 : vector<16xf32>, vector<16xi1> -> vector<16xf32>
          %reduce_or3A_433 = vector.extract %reduce_or3A_432[15] : f32 from vector<16xf32>
          %reduce_or3A_434 = arith.constant 0.000000e+00 : f32
          %reduce_or3A_435 = arith.cmpf ogt, %reduce_or3A_433, %reduce_or3A_434 : f32
          %while3A_436 = arith.constant true
          %while3A_437 = scf.while (%while3A_472 = %while3A_436) : (i1) -> i1 {
            scf.condition(%while3A_472) %while3A_472 : i1
          } do {
          ^bb0(%while3A_472: i1):
            %gather3A_473 = tpu.vector_load_idx %arg9[%shift_right_logical3A_413] : memref<10240xi32, #tpu.memory_space<vmem>>[vector<16xi32>], vector<16xi32>,
            %bitcast3A_474 = vector.bitcast %gather3A_473 : vector<16xi32> to vector<32xbf16>
            %bitcast3A_475 = vector.bitcast %gather3A_414 : vector<16xi32> to vector<32xbf16>
            %max3A_476 = arith.maximumf %bitcast3A_474, %bitcast3A_475 : vector<32xbf16>
            %bitcast3A_477 = vector.bitcast %max3A_476 : vector<32xbf16> to vector<16xi32>
            %ne3A_478 = arith.cmpi ne, %bitcast3A_477, %gather3A_473 : vector<16xi32>
            tpu.vector_store_idx %arg9[%shift_right_logical3A_413], %bitcast3A_477 masked %ne3A_478 : memref<10240xi32, #tpu.memory_space<vmem>>[vector<16xi32>], vector<16xi32>, vector<16xi1>
            %gather3A_479 = tpu.vector_load_idx %arg10[%shift_right_logical3A_413] : memref<10240xi32, #tpu.memory_space<vmem>>[vector<16xi32>], vector<16xi32>,
            %bitcast3A_480 = vector.bitcast %gather3A_479 : vector<16xi32> to vector<32xbf16>
            %bitcast3A_481 = vector.bitcast %gather3A_415 : vector<16xi32> to vector<32xbf16>
            %max3A_482 = arith.maximumf %bitcast3A_480, %bitcast3A_481 : vector<32xbf16>
            %bitcast3A_483 = vector.bitcast %max3A_482 : vector<32xbf16> to vector<16xi32>
            %ne3A_484 = arith.cmpi ne, %bitcast3A_483, %gather3A_479 : vector<16xi32>
            tpu.vector_store_idx %arg10[%shift_right_logical3A_413], %bitcast3A_483 masked %ne3A_484 : memref<10240xi32, #tpu.memory_space<vmem>>[vector<16xi32>], vector<16xi32>, vector<16xi1>
            %or3A_485 = arith.ori %ne3A_478, %ne3A_484 : vector<16xi1>
            %gather3A_486 = tpu.vector_load_idx %arg11[%shift_right_logical3A_413] : memref<10240xi32, #tpu.memory_space<vmem>>[vector<16xi32>], vector<16xi32>,
            %bitcast3A_487 = vector.bitcast %gather3A_486 : vector<16xi32> to vector<32xbf16>
            %bitcast3A_488 = vector.bitcast %gather3A_416 : vector<16xi32> to vector<32xbf16>
            %max3A_489 = arith.maximumf %bitcast3A_487, %bitcast3A_488 : vector<32xbf16>
            %bitcast3A_490 = vector.bitcast %max3A_489 : vector<32xbf16> to vector<16xi32>
            %ne3A_491 = arith.cmpi ne, %bitcast3A_490, %gather3A_486 : vector<16xi32>
            tpu.vector_store_idx %arg11[%shift_right_logical3A_413], %bitcast3A_490 masked %ne3A_491 : memref<10240xi32, #tpu.memory_space<vmem>>[vector<16xi32>], vector<16xi32>, vector<16xi1>
            %or3A_492 = arith.ori %or3A_485, %ne3A_491 : vector<16xi1>
            %gather3A_493 = tpu.vector_load_idx %arg12[%shift_right_logical3A_413] : memref<10240xi32, #tpu.memory_space<vmem>>[vector<16xi32>], vector<16xi32>,
            %bitcast3A_494 = vector.bitcast %gather3A_493 : vector<16xi32> to vector<32xbf16>
            %bitcast3A_495 = vector.bitcast %gather3A_417 : vector<16xi32> to vector<32xbf16>
            %max3A_496 = arith.maximumf %bitcast3A_494, %bitcast3A_495 : vector<32xbf16>
            %bitcast3A_497 = vector.bitcast %max3A_496 : vector<32xbf16> to vector<16xi32>
            %ne3A_498 = arith.cmpi ne, %bitcast3A_497, %gather3A_493 : vector<16xi32>
            tpu.vector_store_idx %arg12[%shift_right_logical3A_413], %bitcast3A_497 masked %ne3A_498 : memref<10240xi32, #tpu.memory_space<vmem>>[vector<16xi32>], vector<16xi32>, vector<16xi1>
            %or3A_499 = arith.ori %or3A_492, %ne3A_498 : vector<16xi1>
            %reduce_or3A_500 = arith.constant 1.000000e+00 : f32
            %reduce_or3A_501 = arith.constant 0.000000e+00 : f32
            %reduce_or3A_502 = vector.broadcast %reduce_or3A_500 : f32 to vector<16xf32>
            %reduce_or3A_503 = vector.broadcast %reduce_or3A_501 : f32 to vector<16xf32>
            %reduce_or3A_504 = arith.select %or3A_499, %reduce_or3A_502, %reduce_or3A_503 : vector<16xi1>, vector<16xf32>
            %reduce_or3A_505 = arith.constant true
            %reduce_or3A_506 = vector.broadcast %reduce_or3A_505 : i1 to vector<16xi1>
            %reduce_or3A_507 = tpu.scan <max>, %reduce_or3A_504 masked %reduce_or3A_506 : vector<16xf32>, vector<16xi1> -> vector<16xf32>
            %reduce_or3A_508 = vector.extract %reduce_or3A_507[15] : f32 from vector<16xf32>
            %reduce_or3A_509 = arith.constant 0.000000e+00 : f32
            %reduce_or3A_510 = arith.cmpf ogt, %reduce_or3A_508, %reduce_or3A_509 : f32
            %and3A_511 = arith.andi %reduce_or3A_435, %reduce_or3A_510 : i1
            scf.yield %and3A_511 : i1
          }
          %add3A_438 = arith.constant 48 : i32
          %add3A_439 = arith.addi %mul3A_123, %add3A_438 : i32
          %get3A_440 = arith.index_cast %add3A_439 : i32 to index
          %get3A_441 = tpu.vector_load %arg13[%get3A_440] {strides = array<i32>} : memref<8192xi32, #tpu.memory_space<vmem>>, vector<16xi32>,
          %and3A_442 = arith.constant 65535 : i32
          %and3A_443 = vector.broadcast %and3A_442 : i32 to vector<16xi32>
          %and3A_444 = arith.andi %get3A_441, %and3A_443 : vector<16xi32>
          %shift_right_logical3A_445 = arith.constant 16 : i32
          %shift_right_logical3A_446 = vector.broadcast %shift_right_logical3A_445 : i32 to vector<16xi32>
          %shift_right_logical3A_447 = arith.shrui %get3A_441, %shift_right_logical3A_446 : vector<16xi32>
          %gather3A_448 = tpu.vector_load_idx %arg5[%and3A_444] : memref<10240xi32, #tpu.memory_space<vmem>>[vector<16xi32>], vector<16xi32>,
          %gather3A_449 = tpu.vector_load_idx %arg6[%and3A_444] : memref<10240xi32, #tpu.memory_space<vmem>>[vector<16xi32>], vector<16xi32>,
          %gather3A_450 = tpu.vector_load_idx %arg7[%and3A_444] : memref<10240xi32, #tpu.memory_space<vmem>>[vector<16xi32>], vector<16xi32>,
          %gather3A_451 = tpu.vector_load_idx %arg8[%and3A_444] : memref<10240xi32, #tpu.memory_space<vmem>>[vector<16xi32>], vector<16xi32>,
          %broadcast_in_dim3A_452 = arith.constant true
          %broadcast_in_dim3A_453 = vector.broadcast %broadcast_in_dim3A_452 : i1 to vector<16xi1>
          %unique3A_454, %unique3A_455 = tpu.scan_count mask(%broadcast_in_dim3A_453 : vector<16xi1>) value(%shift_right_logical3A_447 : vector<16xi32>) : vector<16xi1>, vector<16xi32>
          %gt3A_456 = arith.constant 0 : i32
          %gt3A_457 = vector.broadcast %gt3A_456 : i32 to vector<16xi32>
          %gt3A_458 = arith.cmpi sgt, %unique3A_455, %gt3A_457 : vector<16xi32>
          %reduce_or3A_459 = arith.constant 1.000000e+00 : f32
          %reduce_or3A_460 = arith.constant 0.000000e+00 : f32
          %reduce_or3A_461 = vector.broadcast %reduce_or3A_459 : f32 to vector<16xf32>
          %reduce_or3A_462 = vector.broadcast %reduce_or3A_460 : f32 to vector<16xf32>
          %reduce_or3A_463 = arith.select %gt3A_458, %reduce_or3A_461, %reduce_or3A_462 : vector<16xi1>, vector<16xf32>
          %reduce_or3A_464 = arith.constant true
          %reduce_or3A_465 = vector.broadcast %reduce_or3A_464 : i1 to vector<16xi1>
          %reduce_or3A_466 = tpu.scan <max>, %reduce_or3A_463 masked %reduce_or3A_465 : vector<16xf32>, vector<16xi1> -> vector<16xf32>
          %reduce_or3A_467 = vector.extract %reduce_or3A_466[15] : f32 from vector<16xf32>
          %reduce_or3A_468 = arith.constant 0.000000e+00 : f32
          %reduce_or3A_469 = arith.cmpf ogt, %reduce_or3A_467, %reduce_or3A_468 : f32
          %while3A_470 = arith.constant true
          %while3A_471 = scf.while (%while3A_472 = %while3A_470) : (i1) -> i1 {
            scf.condition(%while3A_472) %while3A_472 : i1
          } do {
          ^bb0(%while3A_472: i1):
            %gather3A_473 = tpu.vector_load_idx %arg9[%shift_right_logical3A_447] : memref<10240xi32, #tpu.memory_space<vmem>>[vector<16xi32>], vector<16xi32>,
            %bitcast3A_474 = vector.bitcast %gather3A_473 : vector<16xi32> to vector<32xbf16>
            %bitcast3A_475 = vector.bitcast %gather3A_448 : vector<16xi32> to vector<32xbf16>
            %max3A_476 = arith.maximumf %bitcast3A_474, %bitcast3A_475 : vector<32xbf16>
            %bitcast3A_477 = vector.bitcast %max3A_476 : vector<32xbf16> to vector<16xi32>
            %ne3A_478 = arith.cmpi ne, %bitcast3A_477, %gather3A_473 : vector<16xi32>
            tpu.vector_store_idx %arg9[%shift_right_logical3A_447], %bitcast3A_477 masked %ne3A_478 : memref<10240xi32, #tpu.memory_space<vmem>>[vector<16xi32>], vector<16xi32>, vector<16xi1>
            %gather3A_479 = tpu.vector_load_idx %arg10[%shift_right_logical3A_447] : memref<10240xi32, #tpu.memory_space<vmem>>[vector<16xi32>], vector<16xi32>,
            %bitcast3A_480 = vector.bitcast %gather3A_479 : vector<16xi32> to vector<32xbf16>
            %bitcast3A_481 = vector.bitcast %gather3A_449 : vector<16xi32> to vector<32xbf16>
            %max3A_482 = arith.maximumf %bitcast3A_480, %bitcast3A_481 : vector<32xbf16>
            %bitcast3A_483 = vector.bitcast %max3A_482 : vector<32xbf16> to vector<16xi32>
            %ne3A_484 = arith.cmpi ne, %bitcast3A_483, %gather3A_479 : vector<16xi32>
            tpu.vector_store_idx %arg10[%shift_right_logical3A_447], %bitcast3A_483 masked %ne3A_484 : memref<10240xi32, #tpu.memory_space<vmem>>[vector<16xi32>], vector<16xi32>, vector<16xi1>
            %or3A_485 = arith.ori %ne3A_478, %ne3A_484 : vector<16xi1>
            %gather3A_486 = tpu.vector_load_idx %arg11[%shift_right_logical3A_447] : memref<10240xi32, #tpu.memory_space<vmem>>[vector<16xi32>], vector<16xi32>,
            %bitcast3A_487 = vector.bitcast %gather3A_486 : vector<16xi32> to vector<32xbf16>
            %bitcast3A_488 = vector.bitcast %gather3A_450 : vector<16xi32> to vector<32xbf16>
            %max3A_489 = arith.maximumf %bitcast3A_487, %bitcast3A_488 : vector<32xbf16>
            %bitcast3A_490 = vector.bitcast %max3A_489 : vector<32xbf16> to vector<16xi32>
            %ne3A_491 = arith.cmpi ne, %bitcast3A_490, %gather3A_486 : vector<16xi32>
            tpu.vector_store_idx %arg11[%shift_right_logical3A_447], %bitcast3A_490 masked %ne3A_491 : memref<10240xi32, #tpu.memory_space<vmem>>[vector<16xi32>], vector<16xi32>, vector<16xi1>
            %or3A_492 = arith.ori %or3A_485, %ne3A_491 : vector<16xi1>
            %gather3A_493 = tpu.vector_load_idx %arg12[%shift_right_logical3A_447] : memref<10240xi32, #tpu.memory_space<vmem>>[vector<16xi32>], vector<16xi32>,
            %bitcast3A_494 = vector.bitcast %gather3A_493 : vector<16xi32> to vector<32xbf16>
            %bitcast3A_495 = vector.bitcast %gather3A_451 : vector<16xi32> to vector<32xbf16>
            %max3A_496 = arith.maximumf %bitcast3A_494, %bitcast3A_495 : vector<32xbf16>
            %bitcast3A_497 = vector.bitcast %max3A_496 : vector<32xbf16> to vector<16xi32>
            %ne3A_498 = arith.cmpi ne, %bitcast3A_497, %gather3A_493 : vector<16xi32>
            tpu.vector_store_idx %arg12[%shift_right_logical3A_447], %bitcast3A_497 masked %ne3A_498 : memref<10240xi32, #tpu.memory_space<vmem>>[vector<16xi32>], vector<16xi32>, vector<16xi1>
            %or3A_499 = arith.ori %or3A_492, %ne3A_498 : vector<16xi1>
            %reduce_or3A_500 = arith.constant 1.000000e+00 : f32
            %reduce_or3A_501 = arith.constant 0.000000e+00 : f32
            %reduce_or3A_502 = vector.broadcast %reduce_or3A_500 : f32 to vector<16xf32>
            %reduce_or3A_503 = vector.broadcast %reduce_or3A_501 : f32 to vector<16xf32>
            %reduce_or3A_504 = arith.select %or3A_499, %reduce_or3A_502, %reduce_or3A_503 : vector<16xi1>, vector<16xf32>
            %reduce_or3A_505 = arith.constant true
            %reduce_or3A_506 = vector.broadcast %reduce_or3A_505 : i1 to vector<16xi1>
            %reduce_or3A_507 = tpu.scan <max>, %reduce_or3A_504 masked %reduce_or3A_506 : vector<16xf32>, vector<16xi1> -> vector<16xf32>
            %reduce_or3A_508 = vector.extract %reduce_or3A_507[15] : f32 from vector<16xf32>
            %reduce_or3A_509 = arith.constant 0.000000e+00 : f32
            %reduce_or3A_510 = arith.cmpf ogt, %reduce_or3A_508, %reduce_or3A_509 : f32
            %and3A_511 = arith.andi %reduce_or3A_469, %reduce_or3A_510 : i1
            scf.yield %and3A_511 : i1
          }
        } else {
        }
      }
      %scan3A_94 = arith.constant 128 : i32
      %add3A_95 = arith.constant 2 : i32
      %add3A_96 = arith.addi %add3A_85, %add3A_95 : i32
      %lt3A_97 = arith.constant 20 : i32
      %lt3A_98 = arith.cmpi slt, %add3A_96, %lt3A_97 : i32
      %convert_element_type3A = arith.extui %lt3A_98 : i1 to i32
      %cond3A = arith.constant 0 : i32
      %cond3A_99 = arith.cmpi ne, %convert_element_type3A, %cond3A : i32
      scf.if %cond3A_99 {
        %add3A_121 = arith.addi %mul3A_36, %add3A_96 : i32
        %mul3A_122 = arith.constant 8192 : i32
        %mul3A_123 = arith.muli %add3A_121, %mul3A_122 : i32
        %dma_start3A_124 = tpu.memref_slice %arg3[%mul3A_123] : memref<327680xi32, #tpu.memory_space<hbm>> -> memref<8192xi32, #tpu.memory_space<hbm>>
        %dma_start3A_125 = tpu.memref_slice %arg3[%mul3A_123] : memref<327680xi32, #tpu.memory_space<hbm>> -> memref<8192xi32, #tpu.memory_space<hbm>>
        tpu.enqueue_dma source(%dma_start3A_125 : memref<8192xi32, #tpu.memory_space<hbm>>) target(%arg13 : memref<8192xi32, #tpu.memory_space<vmem>>) target_semaphore(%arg15 : memref<!tpu.dma_semaphore, #tpu.memory_space<semaphore_mem>>)
      } else {
      }
      %mul3A_100 = arith.constant 2 : i32
      %mul3A_101 = arith.muli %scan3A_81, %mul3A_100 : i32
      %add3A_102 = arith.constant 1 : i32
      %add3A_103 = arith.addi %mul3A_101, %add3A_102 : i32
      %dma_wait3A_104 = arith.constant 0 : i32
      %dma_wait3A_105 = tpu.memref_slice %arg3[%dma_wait3A_104] : memref<327680xi32, #tpu.memory_space<hbm>> -> memref<8192xi32, #tpu.memory_space<hbm>>
      %dma_wait3A_106 = arith.constant 0 : i32
      %dma_wait3A_107 = tpu.memref_slice %arg3[%dma_wait3A_106] : memref<327680xi32, #tpu.memory_space<hbm>> -> memref<8192xi32, #tpu.memory_space<hbm>>
      tpu.wait_dma2 semaphore(%arg16 : memref<!tpu.dma_semaphore, #tpu.memory_space<semaphore_mem>>) src(%dma_wait3A_107 : memref<8192xi32, #tpu.memory_space<hbm>>) dst(%arg14 : memref<8192xi32, #tpu.memory_space<vmem>>)
      %scan3A_108 = arith.constant 0 : i32
      %scan3A_109 = arith.constant 0 : i32
      %scan3A_110 = arith.constant 128 : i32
      %scan3A_111 = arith.addi %scan3A_109, %scan3A_110 : i32
      %scan3A_112 = arith.constant 1 : i32
      scf.for %scan3A_121 = %scan3A_109 to %scan3A_111 step %scan3A_112  : i32 {
        %mul3A_122 = arith.constant 64 : i32
        %mul3A_123 = arith.muli %scan3A_121, %mul3A_122 : i32
        %get3A = arith.index_cast %mul3A_123 : i32 to index
        %get3A_124 = tpu.vector_load %arg14[%get3A] {strides = array<i32>} : memref<8192xi32, #tpu.memory_space<vmem>>, vector<16xi32>,
        %and3A_125 = arith.constant 65535 : i32
        %and3A_126 = vector.broadcast %and3A_125 : i32 to vector<16xi32>
        %and3A_127 = arith.andi %get3A_124, %and3A_126 : vector<16xi32>
        %shift_right_logical3A = arith.constant 16 : i32
        %shift_right_logical3A_128 = vector.broadcast %shift_right_logical3A : i32 to vector<16xi32>
        %shift_right_logical3A_129 = arith.shrui %get3A_124, %shift_right_logical3A_128 : vector<16xi32>
        %gather3A = tpu.vector_load_idx %arg5[%and3A_127] : memref<10240xi32, #tpu.memory_space<vmem>>[vector<16xi32>], vector<16xi32>,
        %gather3A_130 = tpu.vector_load_idx %arg6[%and3A_127] : memref<10240xi32, #tpu.memory_space<vmem>>[vector<16xi32>], vector<16xi32>,
        %gather3A_131 = tpu.vector_load_idx %arg7[%and3A_127] : memref<10240xi32, #tpu.memory_space<vmem>>[vector<16xi32>], vector<16xi32>,
        %gather3A_132 = tpu.vector_load_idx %arg8[%and3A_127] : memref<10240xi32, #tpu.memory_space<vmem>>[vector<16xi32>], vector<16xi32>,
        %broadcast_in_dim3A_133 = arith.constant true
        %broadcast_in_dim3A_134 = vector.broadcast %broadcast_in_dim3A_133 : i1 to vector<16xi1>
        %unique3A, %unique3A_135 = tpu.scan_count mask(%broadcast_in_dim3A_134 : vector<16xi1>) value(%shift_right_logical3A_129 : vector<16xi32>) : vector<16xi1>, vector<16xi32>
        %not3A = arith.constant dense<true> : vector<16xi1>
        %not3A_136 = arith.xori %unique3A, %not3A : vector<16xi1>
        %gt3A = arith.constant 0 : i32
        %gt3A_137 = vector.broadcast %gt3A : i32 to vector<16xi32>
        %gt3A_138 = arith.cmpi sgt, %unique3A_135, %gt3A_137 : vector<16xi32>
        %or3A = arith.ori %not3A_136, %gt3A_138 : vector<16xi1>
        %gather3A_139 = tpu.vector_load_idx %arg9[%shift_right_logical3A_129] : memref<10240xi32, #tpu.memory_space<vmem>>[vector<16xi32>], vector<16xi32>,
        %gather3A_140 = tpu.vector_load_idx %arg10[%shift_right_logical3A_129] : memref<10240xi32, #tpu.memory_space<vmem>>[vector<16xi32>], vector<16xi32>,
        %gather3A_141 = tpu.vector_load_idx %arg11[%shift_right_logical3A_129] : memref<10240xi32, #tpu.memory_space<vmem>>[vector<16xi32>], vector<16xi32>,
        %gather3A_142 = tpu.vector_load_idx %arg12[%shift_right_logical3A_129] : memref<10240xi32, #tpu.memory_space<vmem>>[vector<16xi32>], vector<16xi32>,
        %bitcast3A = vector.bitcast %gather3A_139 : vector<16xi32> to vector<32xbf16>
        %bitcast3A_143 = vector.bitcast %gather3A : vector<16xi32> to vector<32xbf16>
        %max3A = arith.maximumf %bitcast3A, %bitcast3A_143 : vector<32xbf16>
        %bitcast3A_144 = vector.bitcast %max3A : vector<32xbf16> to vector<16xi32>
        %ne3A_145 = arith.cmpi ne, %bitcast3A_144, %gather3A_139 : vector<16xi32>
        tpu.vector_store_idx %arg9[%shift_right_logical3A_129], %bitcast3A_144 masked %ne3A_145 : memref<10240xi32, #tpu.memory_space<vmem>>[vector<16xi32>], vector<16xi32>, vector<16xi1>
        %bitcast3A_146 = vector.bitcast %gather3A_140 : vector<16xi32> to vector<32xbf16>
        %bitcast3A_147 = vector.bitcast %gather3A_130 : vector<16xi32> to vector<32xbf16>
        %max3A_148 = arith.maximumf %bitcast3A_146, %bitcast3A_147 : vector<32xbf16>
        %bitcast3A_149 = vector.bitcast %max3A_148 : vector<32xbf16> to vector<16xi32>
        %ne3A_150 = arith.cmpi ne, %bitcast3A_149, %gather3A_140 : vector<16xi32>
        tpu.vector_store_idx %arg10[%shift_right_logical3A_129], %bitcast3A_149 masked %ne3A_150 : memref<10240xi32, #tpu.memory_space<vmem>>[vector<16xi32>], vector<16xi32>, vector<16xi1>
        %or3A_151 = arith.ori %ne3A_145, %ne3A_150 : vector<16xi1>
        %bitcast3A_152 = vector.bitcast %gather3A_141 : vector<16xi32> to vector<32xbf16>
        %bitcast3A_153 = vector.bitcast %gather3A_131 : vector<16xi32> to vector<32xbf16>
        %max3A_154 = arith.maximumf %bitcast3A_152, %bitcast3A_153 : vector<32xbf16>
        %bitcast3A_155 = vector.bitcast %max3A_154 : vector<32xbf16> to vector<16xi32>
        %ne3A_156 = arith.cmpi ne, %bitcast3A_155, %gather3A_141 : vector<16xi32>
        tpu.vector_store_idx %arg11[%shift_right_logical3A_129], %bitcast3A_155 masked %ne3A_156 : memref<10240xi32, #tpu.memory_space<vmem>>[vector<16xi32>], vector<16xi32>, vector<16xi1>
        %or3A_157 = arith.ori %or3A_151, %ne3A_156 : vector<16xi1>
        %bitcast3A_158 = vector.bitcast %gather3A_142 : vector<16xi32> to vector<32xbf16>
        %bitcast3A_159 = vector.bitcast %gather3A_132 : vector<16xi32> to vector<32xbf16>
        %max3A_160 = arith.maximumf %bitcast3A_158, %bitcast3A_159 : vector<32xbf16>
        %bitcast3A_161 = vector.bitcast %max3A_160 : vector<32xbf16> to vector<16xi32>
        %ne3A_162 = arith.cmpi ne, %bitcast3A_161, %gather3A_142 : vector<16xi32>
        tpu.vector_store_idx %arg12[%shift_right_logical3A_129], %bitcast3A_161 masked %ne3A_162 : memref<10240xi32, #tpu.memory_space<vmem>>[vector<16xi32>], vector<16xi32>, vector<16xi1>
        %or3A_163 = arith.ori %or3A_157, %ne3A_162 : vector<16xi1>
        %and3A_164 = arith.andi %or3A, %or3A_163 : vector<16xi1>
        %add3A_165 = arith.constant 16 : i32
        %add3A_166 = arith.addi %mul3A_123, %add3A_165 : i32
        %get3A_167 = arith.index_cast %add3A_166 : i32 to index
        %get3A_168 = tpu.vector_load %arg14[%get3A_167] {strides = array<i32>} : memref<8192xi32, #tpu.memory_space<vmem>>, vector<16xi32>,
        %and3A_169 = arith.constant 65535 : i32
        %and3A_170 = vector.broadcast %and3A_169 : i32 to vector<16xi32>
        %and3A_171 = arith.andi %get3A_168, %and3A_170 : vector<16xi32>
        %shift_right_logical3A_172 = arith.constant 16 : i32
        %shift_right_logical3A_173 = vector.broadcast %shift_right_logical3A_172 : i32 to vector<16xi32>
        %shift_right_logical3A_174 = arith.shrui %get3A_168, %shift_right_logical3A_173 : vector<16xi32>
        %gather3A_175 = tpu.vector_load_idx %arg5[%and3A_171] : memref<10240xi32, #tpu.memory_space<vmem>>[vector<16xi32>], vector<16xi32>,
        %gather3A_176 = tpu.vector_load_idx %arg6[%and3A_171] : memref<10240xi32, #tpu.memory_space<vmem>>[vector<16xi32>], vector<16xi32>,
        %gather3A_177 = tpu.vector_load_idx %arg7[%and3A_171] : memref<10240xi32, #tpu.memory_space<vmem>>[vector<16xi32>], vector<16xi32>,
        %gather3A_178 = tpu.vector_load_idx %arg8[%and3A_171] : memref<10240xi32, #tpu.memory_space<vmem>>[vector<16xi32>], vector<16xi32>,
        %broadcast_in_dim3A_179 = arith.constant true
        %broadcast_in_dim3A_180 = vector.broadcast %broadcast_in_dim3A_179 : i1 to vector<16xi1>
        %unique3A_181, %unique3A_182 = tpu.scan_count mask(%broadcast_in_dim3A_180 : vector<16xi1>) value(%shift_right_logical3A_174 : vector<16xi32>) : vector<16xi1>, vector<16xi32>
        %not3A_183 = arith.constant dense<true> : vector<16xi1>
        %not3A_184 = arith.xori %unique3A_181, %not3A_183 : vector<16xi1>
        %gt3A_185 = arith.constant 0 : i32
        %gt3A_186 = vector.broadcast %gt3A_185 : i32 to vector<16xi32>
        %gt3A_187 = arith.cmpi sgt, %unique3A_182, %gt3A_186 : vector<16xi32>
        %or3A_188 = arith.ori %not3A_184, %gt3A_187 : vector<16xi1>
        %gather3A_189 = tpu.vector_load_idx %arg9[%shift_right_logical3A_174] : memref<10240xi32, #tpu.memory_space<vmem>>[vector<16xi32>], vector<16xi32>,
        %gather3A_190 = tpu.vector_load_idx %arg10[%shift_right_logical3A_174] : memref<10240xi32, #tpu.memory_space<vmem>>[vector<16xi32>], vector<16xi32>,
        %gather3A_191 = tpu.vector_load_idx %arg11[%shift_right_logical3A_174] : memref<10240xi32, #tpu.memory_space<vmem>>[vector<16xi32>], vector<16xi32>,
        %gather3A_192 = tpu.vector_load_idx %arg12[%shift_right_logical3A_174] : memref<10240xi32, #tpu.memory_space<vmem>>[vector<16xi32>], vector<16xi32>,
        %bitcast3A_193 = vector.bitcast %gather3A_189 : vector<16xi32> to vector<32xbf16>
        %bitcast3A_194 = vector.bitcast %gather3A_175 : vector<16xi32> to vector<32xbf16>
        %max3A_195 = arith.maximumf %bitcast3A_193, %bitcast3A_194 : vector<32xbf16>
        %bitcast3A_196 = vector.bitcast %max3A_195 : vector<32xbf16> to vector<16xi32>
        %ne3A_197 = arith.cmpi ne, %bitcast3A_196, %gather3A_189 : vector<16xi32>
        tpu.vector_store_idx %arg9[%shift_right_logical3A_174], %bitcast3A_196 masked %ne3A_197 : memref<10240xi32, #tpu.memory_space<vmem>>[vector<16xi32>], vector<16xi32>, vector<16xi1>
        %bitcast3A_198 = vector.bitcast %gather3A_190 : vector<16xi32> to vector<32xbf16>
        %bitcast3A_199 = vector.bitcast %gather3A_176 : vector<16xi32> to vector<32xbf16>
        %max3A_200 = arith.maximumf %bitcast3A_198, %bitcast3A_199 : vector<32xbf16>
        %bitcast3A_201 = vector.bitcast %max3A_200 : vector<32xbf16> to vector<16xi32>
        %ne3A_202 = arith.cmpi ne, %bitcast3A_201, %gather3A_190 : vector<16xi32>
        tpu.vector_store_idx %arg10[%shift_right_logical3A_174], %bitcast3A_201 masked %ne3A_202 : memref<10240xi32, #tpu.memory_space<vmem>>[vector<16xi32>], vector<16xi32>, vector<16xi1>
        %or3A_203 = arith.ori %ne3A_197, %ne3A_202 : vector<16xi1>
        %bitcast3A_204 = vector.bitcast %gather3A_191 : vector<16xi32> to vector<32xbf16>
        %bitcast3A_205 = vector.bitcast %gather3A_177 : vector<16xi32> to vector<32xbf16>
        %max3A_206 = arith.maximumf %bitcast3A_204, %bitcast3A_205 : vector<32xbf16>
        %bitcast3A_207 = vector.bitcast %max3A_206 : vector<32xbf16> to vector<16xi32>
        %ne3A_208 = arith.cmpi ne, %bitcast3A_207, %gather3A_191 : vector<16xi32>
        tpu.vector_store_idx %arg11[%shift_right_logical3A_174], %bitcast3A_207 masked %ne3A_208 : memref<10240xi32, #tpu.memory_space<vmem>>[vector<16xi32>], vector<16xi32>, vector<16xi1>
        %or3A_209 = arith.ori %or3A_203, %ne3A_208 : vector<16xi1>
        %bitcast3A_210 = vector.bitcast %gather3A_192 : vector<16xi32> to vector<32xbf16>
        %bitcast3A_211 = vector.bitcast %gather3A_178 : vector<16xi32> to vector<32xbf16>
        %max3A_212 = arith.maximumf %bitcast3A_210, %bitcast3A_211 : vector<32xbf16>
        %bitcast3A_213 = vector.bitcast %max3A_212 : vector<32xbf16> to vector<16xi32>
        %ne3A_214 = arith.cmpi ne, %bitcast3A_213, %gather3A_192 : vector<16xi32>
        tpu.vector_store_idx %arg12[%shift_right_logical3A_174], %bitcast3A_213 masked %ne3A_214 : memref<10240xi32, #tpu.memory_space<vmem>>[vector<16xi32>], vector<16xi32>, vector<16xi1>
        %or3A_215 = arith.ori %or3A_209, %ne3A_214 : vector<16xi1>
        %and3A_216 = arith.andi %or3A_188, %or3A_215 : vector<16xi1>
        %or3A_217 = arith.ori %and3A_164, %and3A_216 : vector<16xi1>
        %add3A_218 = arith.constant 32 : i32
        %add3A_219 = arith.addi %mul3A_123, %add3A_218 : i32
        %get3A_220 = arith.index_cast %add3A_219 : i32 to index
        %get3A_221 = tpu.vector_load %arg14[%get3A_220] {strides = array<i32>} : memref<8192xi32, #tpu.memory_space<vmem>>, vector<16xi32>,
        %and3A_222 = arith.constant 65535 : i32
        %and3A_223 = vector.broadcast %and3A_222 : i32 to vector<16xi32>
        %and3A_224 = arith.andi %get3A_221, %and3A_223 : vector<16xi32>
        %shift_right_logical3A_225 = arith.constant 16 : i32
        %shift_right_logical3A_226 = vector.broadcast %shift_right_logical3A_225 : i32 to vector<16xi32>
        %shift_right_logical3A_227 = arith.shrui %get3A_221, %shift_right_logical3A_226 : vector<16xi32>
        %gather3A_228 = tpu.vector_load_idx %arg5[%and3A_224] : memref<10240xi32, #tpu.memory_space<vmem>>[vector<16xi32>], vector<16xi32>,
        %gather3A_229 = tpu.vector_load_idx %arg6[%and3A_224] : memref<10240xi32, #tpu.memory_space<vmem>>[vector<16xi32>], vector<16xi32>,
        %gather3A_230 = tpu.vector_load_idx %arg7[%and3A_224] : memref<10240xi32, #tpu.memory_space<vmem>>[vector<16xi32>], vector<16xi32>,
        %gather3A_231 = tpu.vector_load_idx %arg8[%and3A_224] : memref<10240xi32, #tpu.memory_space<vmem>>[vector<16xi32>], vector<16xi32>,
        %broadcast_in_dim3A_232 = arith.constant true
        %broadcast_in_dim3A_233 = vector.broadcast %broadcast_in_dim3A_232 : i1 to vector<16xi1>
        %unique3A_234, %unique3A_235 = tpu.scan_count mask(%broadcast_in_dim3A_233 : vector<16xi1>) value(%shift_right_logical3A_227 : vector<16xi32>) : vector<16xi1>, vector<16xi32>
        %not3A_236 = arith.constant dense<true> : vector<16xi1>
        %not3A_237 = arith.xori %unique3A_234, %not3A_236 : vector<16xi1>
        %gt3A_238 = arith.constant 0 : i32
        %gt3A_239 = vector.broadcast %gt3A_238 : i32 to vector<16xi32>
        %gt3A_240 = arith.cmpi sgt, %unique3A_235, %gt3A_239 : vector<16xi32>
        %or3A_241 = arith.ori %not3A_237, %gt3A_240 : vector<16xi1>
        %gather3A_242 = tpu.vector_load_idx %arg9[%shift_right_logical3A_227] : memref<10240xi32, #tpu.memory_space<vmem>>[vector<16xi32>], vector<16xi32>,
        %gather3A_243 = tpu.vector_load_idx %arg10[%shift_right_logical3A_227] : memref<10240xi32, #tpu.memory_space<vmem>>[vector<16xi32>], vector<16xi32>,
        %gather3A_244 = tpu.vector_load_idx %arg11[%shift_right_logical3A_227] : memref<10240xi32, #tpu.memory_space<vmem>>[vector<16xi32>], vector<16xi32>,
        %gather3A_245 = tpu.vector_load_idx %arg12[%shift_right_logical3A_227] : memref<10240xi32, #tpu.memory_space<vmem>>[vector<16xi32>], vector<16xi32>,
        %bitcast3A_246 = vector.bitcast %gather3A_242 : vector<16xi32> to vector<32xbf16>
        %bitcast3A_247 = vector.bitcast %gather3A_228 : vector<16xi32> to vector<32xbf16>
        %max3A_248 = arith.maximumf %bitcast3A_246, %bitcast3A_247 : vector<32xbf16>
        %bitcast3A_249 = vector.bitcast %max3A_248 : vector<32xbf16> to vector<16xi32>
        %ne3A_250 = arith.cmpi ne, %bitcast3A_249, %gather3A_242 : vector<16xi32>
        tpu.vector_store_idx %arg9[%shift_right_logical3A_227], %bitcast3A_249 masked %ne3A_250 : memref<10240xi32, #tpu.memory_space<vmem>>[vector<16xi32>], vector<16xi32>, vector<16xi1>
        %bitcast3A_251 = vector.bitcast %gather3A_243 : vector<16xi32> to vector<32xbf16>
        %bitcast3A_252 = vector.bitcast %gather3A_229 : vector<16xi32> to vector<32xbf16>
        %max3A_253 = arith.maximumf %bitcast3A_251, %bitcast3A_252 : vector<32xbf16>
        %bitcast3A_254 = vector.bitcast %max3A_253 : vector<32xbf16> to vector<16xi32>
        %ne3A_255 = arith.cmpi ne, %bitcast3A_254, %gather3A_243 : vector<16xi32>
        tpu.vector_store_idx %arg10[%shift_right_logical3A_227], %bitcast3A_254 masked %ne3A_255 : memref<10240xi32, #tpu.memory_space<vmem>>[vector<16xi32>], vector<16xi32>, vector<16xi1>
        %or3A_256 = arith.ori %ne3A_250, %ne3A_255 : vector<16xi1>
        %bitcast3A_257 = vector.bitcast %gather3A_244 : vector<16xi32> to vector<32xbf16>
        %bitcast3A_258 = vector.bitcast %gather3A_230 : vector<16xi32> to vector<32xbf16>
        %max3A_259 = arith.maximumf %bitcast3A_257, %bitcast3A_258 : vector<32xbf16>
        %bitcast3A_260 = vector.bitcast %max3A_259 : vector<32xbf16> to vector<16xi32>
        %ne3A_261 = arith.cmpi ne, %bitcast3A_260, %gather3A_244 : vector<16xi32>
        tpu.vector_store_idx %arg11[%shift_right_logical3A_227], %bitcast3A_260 masked %ne3A_261 : memref<10240xi32, #tpu.memory_space<vmem>>[vector<16xi32>], vector<16xi32>, vector<16xi1>
        %or3A_262 = arith.ori %or3A_256, %ne3A_261 : vector<16xi1>
        %bitcast3A_263 = vector.bitcast %gather3A_245 : vector<16xi32> to vector<32xbf16>
        %bitcast3A_264 = vector.bitcast %gather3A_231 : vector<16xi32> to vector<32xbf16>
        %max3A_265 = arith.maximumf %bitcast3A_263, %bitcast3A_264 : vector<32xbf16>
        %bitcast3A_266 = vector.bitcast %max3A_265 : vector<32xbf16> to vector<16xi32>
        %ne3A_267 = arith.cmpi ne, %bitcast3A_266, %gather3A_245 : vector<16xi32>
        tpu.vector_store_idx %arg12[%shift_right_logical3A_227], %bitcast3A_266 masked %ne3A_267 : memref<10240xi32, #tpu.memory_space<vmem>>[vector<16xi32>], vector<16xi32>, vector<16xi1>
        %or3A_268 = arith.ori %or3A_262, %ne3A_267 : vector<16xi1>
        %and3A_269 = arith.andi %or3A_241, %or3A_268 : vector<16xi1>
        %or3A_270 = arith.ori %or3A_217, %and3A_269 : vector<16xi1>
        %add3A_271 = arith.constant 48 : i32
        %add3A_272 = arith.addi %mul3A_123, %add3A_271 : i32
        %get3A_273 = arith.index_cast %add3A_272 : i32 to index
        %get3A_274 = tpu.vector_load %arg14[%get3A_273] {strides = array<i32>} : memref<8192xi32, #tpu.memory_space<vmem>>, vector<16xi32>,
        %and3A_275 = arith.constant 65535 : i32
        %and3A_276 = vector.broadcast %and3A_275 : i32 to vector<16xi32>
        %and3A_277 = arith.andi %get3A_274, %and3A_276 : vector<16xi32>
        %shift_right_logical3A_278 = arith.constant 16 : i32
        %shift_right_logical3A_279 = vector.broadcast %shift_right_logical3A_278 : i32 to vector<16xi32>
        %shift_right_logical3A_280 = arith.shrui %get3A_274, %shift_right_logical3A_279 : vector<16xi32>
        %gather3A_281 = tpu.vector_load_idx %arg5[%and3A_277] : memref<10240xi32, #tpu.memory_space<vmem>>[vector<16xi32>], vector<16xi32>,
        %gather3A_282 = tpu.vector_load_idx %arg6[%and3A_277] : memref<10240xi32, #tpu.memory_space<vmem>>[vector<16xi32>], vector<16xi32>,
        %gather3A_283 = tpu.vector_load_idx %arg7[%and3A_277] : memref<10240xi32, #tpu.memory_space<vmem>>[vector<16xi32>], vector<16xi32>,
        %gather3A_284 = tpu.vector_load_idx %arg8[%and3A_277] : memref<10240xi32, #tpu.memory_space<vmem>>[vector<16xi32>], vector<16xi32>,
        %broadcast_in_dim3A_285 = arith.constant true
        %broadcast_in_dim3A_286 = vector.broadcast %broadcast_in_dim3A_285 : i1 to vector<16xi1>
        %unique3A_287, %unique3A_288 = tpu.scan_count mask(%broadcast_in_dim3A_286 : vector<16xi1>) value(%shift_right_logical3A_280 : vector<16xi32>) : vector<16xi1>, vector<16xi32>
        %not3A_289 = arith.constant dense<true> : vector<16xi1>
        %not3A_290 = arith.xori %unique3A_287, %not3A_289 : vector<16xi1>
        %gt3A_291 = arith.constant 0 : i32
        %gt3A_292 = vector.broadcast %gt3A_291 : i32 to vector<16xi32>
        %gt3A_293 = arith.cmpi sgt, %unique3A_288, %gt3A_292 : vector<16xi32>
        %or3A_294 = arith.ori %not3A_290, %gt3A_293 : vector<16xi1>
        %gather3A_295 = tpu.vector_load_idx %arg9[%shift_right_logical3A_280] : memref<10240xi32, #tpu.memory_space<vmem>>[vector<16xi32>], vector<16xi32>,
        %gather3A_296 = tpu.vector_load_idx %arg10[%shift_right_logical3A_280] : memref<10240xi32, #tpu.memory_space<vmem>>[vector<16xi32>], vector<16xi32>,
        %gather3A_297 = tpu.vector_load_idx %arg11[%shift_right_logical3A_280] : memref<10240xi32, #tpu.memory_space<vmem>>[vector<16xi32>], vector<16xi32>,
        %gather3A_298 = tpu.vector_load_idx %arg12[%shift_right_logical3A_280] : memref<10240xi32, #tpu.memory_space<vmem>>[vector<16xi32>], vector<16xi32>,
        %bitcast3A_299 = vector.bitcast %gather3A_295 : vector<16xi32> to vector<32xbf16>
        %bitcast3A_300 = vector.bitcast %gather3A_281 : vector<16xi32> to vector<32xbf16>
        %max3A_301 = arith.maximumf %bitcast3A_299, %bitcast3A_300 : vector<32xbf16>
        %bitcast3A_302 = vector.bitcast %max3A_301 : vector<32xbf16> to vector<16xi32>
        %ne3A_303 = arith.cmpi ne, %bitcast3A_302, %gather3A_295 : vector<16xi32>
        tpu.vector_store_idx %arg9[%shift_right_logical3A_280], %bitcast3A_302 masked %ne3A_303 : memref<10240xi32, #tpu.memory_space<vmem>>[vector<16xi32>], vector<16xi32>, vector<16xi1>
        %bitcast3A_304 = vector.bitcast %gather3A_296 : vector<16xi32> to vector<32xbf16>
        %bitcast3A_305 = vector.bitcast %gather3A_282 : vector<16xi32> to vector<32xbf16>
        %max3A_306 = arith.maximumf %bitcast3A_304, %bitcast3A_305 : vector<32xbf16>
        %bitcast3A_307 = vector.bitcast %max3A_306 : vector<32xbf16> to vector<16xi32>
        %ne3A_308 = arith.cmpi ne, %bitcast3A_307, %gather3A_296 : vector<16xi32>
        tpu.vector_store_idx %arg10[%shift_right_logical3A_280], %bitcast3A_307 masked %ne3A_308 : memref<10240xi32, #tpu.memory_space<vmem>>[vector<16xi32>], vector<16xi32>, vector<16xi1>
        %or3A_309 = arith.ori %ne3A_303, %ne3A_308 : vector<16xi1>
        %bitcast3A_310 = vector.bitcast %gather3A_297 : vector<16xi32> to vector<32xbf16>
        %bitcast3A_311 = vector.bitcast %gather3A_283 : vector<16xi32> to vector<32xbf16>
        %max3A_312 = arith.maximumf %bitcast3A_310, %bitcast3A_311 : vector<32xbf16>
        %bitcast3A_313 = vector.bitcast %max3A_312 : vector<32xbf16> to vector<16xi32>
        %ne3A_314 = arith.cmpi ne, %bitcast3A_313, %gather3A_297 : vector<16xi32>
        tpu.vector_store_idx %arg11[%shift_right_logical3A_280], %bitcast3A_313 masked %ne3A_314 : memref<10240xi32, #tpu.memory_space<vmem>>[vector<16xi32>], vector<16xi32>, vector<16xi1>
        %or3A_315 = arith.ori %or3A_309, %ne3A_314 : vector<16xi1>
        %bitcast3A_316 = vector.bitcast %gather3A_298 : vector<16xi32> to vector<32xbf16>
        %bitcast3A_317 = vector.bitcast %gather3A_284 : vector<16xi32> to vector<32xbf16>
        %max3A_318 = arith.maximumf %bitcast3A_316, %bitcast3A_317 : vector<32xbf16>
        %bitcast3A_319 = vector.bitcast %max3A_318 : vector<32xbf16> to vector<16xi32>
        %ne3A_320 = arith.cmpi ne, %bitcast3A_319, %gather3A_298 : vector<16xi32>
        tpu.vector_store_idx %arg12[%shift_right_logical3A_280], %bitcast3A_319 masked %ne3A_320 : memref<10240xi32, #tpu.memory_space<vmem>>[vector<16xi32>], vector<16xi32>, vector<16xi1>
        %or3A_321 = arith.ori %or3A_315, %ne3A_320 : vector<16xi1>
        %and3A_322 = arith.andi %or3A_294, %or3A_321 : vector<16xi1>
        %or3A_323 = arith.ori %or3A_270, %and3A_322 : vector<16xi1>
        %reduce_or3A = arith.constant 1.000000e+00 : f32
        %reduce_or3A_324 = arith.constant 0.000000e+00 : f32
        %reduce_or3A_325 = vector.broadcast %reduce_or3A : f32 to vector<16xf32>
        %reduce_or3A_326 = vector.broadcast %reduce_or3A_324 : f32 to vector<16xf32>
        %reduce_or3A_327 = arith.select %or3A_323, %reduce_or3A_325, %reduce_or3A_326 : vector<16xi1>, vector<16xf32>
        %reduce_or3A_328 = arith.constant true
        %reduce_or3A_329 = vector.broadcast %reduce_or3A_328 : i1 to vector<16xi1>
        %reduce_or3A_330 = tpu.scan <max>, %reduce_or3A_327 masked %reduce_or3A_329 : vector<16xf32>, vector<16xi1> -> vector<16xf32>
        %reduce_or3A_331 = vector.extract %reduce_or3A_330[15] : f32 from vector<16xf32>
        %reduce_or3A_332 = arith.constant 0.000000e+00 : f32
        %reduce_or3A_333 = arith.cmpf ogt, %reduce_or3A_331, %reduce_or3A_332 : f32
        %convert_element_type3A_334 = arith.extui %reduce_or3A_333 : i1 to i32
        %cond3A_335 = arith.constant 0 : i32
        %cond3A_336 = arith.cmpi ne, %convert_element_type3A_334, %cond3A_335 : i32
        scf.if %cond3A_336 {
          %add3A_337 = arith.constant 0 : i32
          %add3A_338 = arith.addi %mul3A_123, %add3A_337 : i32
          %get3A_339 = arith.index_cast %add3A_338 : i32 to index
          %get3A_340 = tpu.vector_load %arg14[%get3A_339] {strides = array<i32>} : memref<8192xi32, #tpu.memory_space<vmem>>, vector<16xi32>,
          %and3A_341 = arith.constant 65535 : i32
          %and3A_342 = vector.broadcast %and3A_341 : i32 to vector<16xi32>
          %and3A_343 = arith.andi %get3A_340, %and3A_342 : vector<16xi32>
          %shift_right_logical3A_344 = arith.constant 16 : i32
          %shift_right_logical3A_345 = vector.broadcast %shift_right_logical3A_344 : i32 to vector<16xi32>
          %shift_right_logical3A_346 = arith.shrui %get3A_340, %shift_right_logical3A_345 : vector<16xi32>
          %gather3A_347 = tpu.vector_load_idx %arg5[%and3A_343] : memref<10240xi32, #tpu.memory_space<vmem>>[vector<16xi32>], vector<16xi32>,
          %gather3A_348 = tpu.vector_load_idx %arg6[%and3A_343] : memref<10240xi32, #tpu.memory_space<vmem>>[vector<16xi32>], vector<16xi32>,
          %gather3A_349 = tpu.vector_load_idx %arg7[%and3A_343] : memref<10240xi32, #tpu.memory_space<vmem>>[vector<16xi32>], vector<16xi32>,
          %gather3A_350 = tpu.vector_load_idx %arg8[%and3A_343] : memref<10240xi32, #tpu.memory_space<vmem>>[vector<16xi32>], vector<16xi32>,
          %broadcast_in_dim3A_351 = arith.constant true
          %broadcast_in_dim3A_352 = vector.broadcast %broadcast_in_dim3A_351 : i1 to vector<16xi1>
          %unique3A_353, %unique3A_354 = tpu.scan_count mask(%broadcast_in_dim3A_352 : vector<16xi1>) value(%shift_right_logical3A_346 : vector<16xi32>) : vector<16xi1>, vector<16xi32>
          %gt3A_355 = arith.constant 0 : i32
          %gt3A_356 = vector.broadcast %gt3A_355 : i32 to vector<16xi32>
          %gt3A_357 = arith.cmpi sgt, %unique3A_354, %gt3A_356 : vector<16xi32>
          %reduce_or3A_358 = arith.constant 1.000000e+00 : f32
          %reduce_or3A_359 = arith.constant 0.000000e+00 : f32
          %reduce_or3A_360 = vector.broadcast %reduce_or3A_358 : f32 to vector<16xf32>
          %reduce_or3A_361 = vector.broadcast %reduce_or3A_359 : f32 to vector<16xf32>
          %reduce_or3A_362 = arith.select %gt3A_357, %reduce_or3A_360, %reduce_or3A_361 : vector<16xi1>, vector<16xf32>
          %reduce_or3A_363 = arith.constant true
          %reduce_or3A_364 = vector.broadcast %reduce_or3A_363 : i1 to vector<16xi1>
          %reduce_or3A_365 = tpu.scan <max>, %reduce_or3A_362 masked %reduce_or3A_364 : vector<16xf32>, vector<16xi1> -> vector<16xf32>
          %reduce_or3A_366 = vector.extract %reduce_or3A_365[15] : f32 from vector<16xf32>
          %reduce_or3A_367 = arith.constant 0.000000e+00 : f32
          %reduce_or3A_368 = arith.cmpf ogt, %reduce_or3A_366, %reduce_or3A_367 : f32
          %while3A = arith.constant true
          %while3A_369 = scf.while (%while3A_472 = %while3A) : (i1) -> i1 {
            scf.condition(%while3A_472) %while3A_472 : i1
          } do {
          ^bb0(%while3A_472: i1):
            %gather3A_473 = tpu.vector_load_idx %arg9[%shift_right_logical3A_346] : memref<10240xi32, #tpu.memory_space<vmem>>[vector<16xi32>], vector<16xi32>,
            %bitcast3A_474 = vector.bitcast %gather3A_473 : vector<16xi32> to vector<32xbf16>
            %bitcast3A_475 = vector.bitcast %gather3A_347 : vector<16xi32> to vector<32xbf16>
            %max3A_476 = arith.maximumf %bitcast3A_474, %bitcast3A_475 : vector<32xbf16>
            %bitcast3A_477 = vector.bitcast %max3A_476 : vector<32xbf16> to vector<16xi32>
            %ne3A_478 = arith.cmpi ne, %bitcast3A_477, %gather3A_473 : vector<16xi32>
            tpu.vector_store_idx %arg9[%shift_right_logical3A_346], %bitcast3A_477 masked %ne3A_478 : memref<10240xi32, #tpu.memory_space<vmem>>[vector<16xi32>], vector<16xi32>, vector<16xi1>
            %gather3A_479 = tpu.vector_load_idx %arg10[%shift_right_logical3A_346] : memref<10240xi32, #tpu.memory_space<vmem>>[vector<16xi32>], vector<16xi32>,
            %bitcast3A_480 = vector.bitcast %gather3A_479 : vector<16xi32> to vector<32xbf16>
            %bitcast3A_481 = vector.bitcast %gather3A_348 : vector<16xi32> to vector<32xbf16>
            %max3A_482 = arith.maximumf %bitcast3A_480, %bitcast3A_481 : vector<32xbf16>
            %bitcast3A_483 = vector.bitcast %max3A_482 : vector<32xbf16> to vector<16xi32>
            %ne3A_484 = arith.cmpi ne, %bitcast3A_483, %gather3A_479 : vector<16xi32>
            tpu.vector_store_idx %arg10[%shift_right_logical3A_346], %bitcast3A_483 masked %ne3A_484 : memref<10240xi32, #tpu.memory_space<vmem>>[vector<16xi32>], vector<16xi32>, vector<16xi1>
            %or3A_485 = arith.ori %ne3A_478, %ne3A_484 : vector<16xi1>
            %gather3A_486 = tpu.vector_load_idx %arg11[%shift_right_logical3A_346] : memref<10240xi32, #tpu.memory_space<vmem>>[vector<16xi32>], vector<16xi32>,
            %bitcast3A_487 = vector.bitcast %gather3A_486 : vector<16xi32> to vector<32xbf16>
            %bitcast3A_488 = vector.bitcast %gather3A_349 : vector<16xi32> to vector<32xbf16>
            %max3A_489 = arith.maximumf %bitcast3A_487, %bitcast3A_488 : vector<32xbf16>
            %bitcast3A_490 = vector.bitcast %max3A_489 : vector<32xbf16> to vector<16xi32>
            %ne3A_491 = arith.cmpi ne, %bitcast3A_490, %gather3A_486 : vector<16xi32>
            tpu.vector_store_idx %arg11[%shift_right_logical3A_346], %bitcast3A_490 masked %ne3A_491 : memref<10240xi32, #tpu.memory_space<vmem>>[vector<16xi32>], vector<16xi32>, vector<16xi1>
            %or3A_492 = arith.ori %or3A_485, %ne3A_491 : vector<16xi1>
            %gather3A_493 = tpu.vector_load_idx %arg12[%shift_right_logical3A_346] : memref<10240xi32, #tpu.memory_space<vmem>>[vector<16xi32>], vector<16xi32>,
            %bitcast3A_494 = vector.bitcast %gather3A_493 : vector<16xi32> to vector<32xbf16>
            %bitcast3A_495 = vector.bitcast %gather3A_350 : vector<16xi32> to vector<32xbf16>
            %max3A_496 = arith.maximumf %bitcast3A_494, %bitcast3A_495 : vector<32xbf16>
            %bitcast3A_497 = vector.bitcast %max3A_496 : vector<32xbf16> to vector<16xi32>
            %ne3A_498 = arith.cmpi ne, %bitcast3A_497, %gather3A_493 : vector<16xi32>
            tpu.vector_store_idx %arg12[%shift_right_logical3A_346], %bitcast3A_497 masked %ne3A_498 : memref<10240xi32, #tpu.memory_space<vmem>>[vector<16xi32>], vector<16xi32>, vector<16xi1>
            %or3A_499 = arith.ori %or3A_492, %ne3A_498 : vector<16xi1>
            %reduce_or3A_500 = arith.constant 1.000000e+00 : f32
            %reduce_or3A_501 = arith.constant 0.000000e+00 : f32
            %reduce_or3A_502 = vector.broadcast %reduce_or3A_500 : f32 to vector<16xf32>
            %reduce_or3A_503 = vector.broadcast %reduce_or3A_501 : f32 to vector<16xf32>
            %reduce_or3A_504 = arith.select %or3A_499, %reduce_or3A_502, %reduce_or3A_503 : vector<16xi1>, vector<16xf32>
            %reduce_or3A_505 = arith.constant true
            %reduce_or3A_506 = vector.broadcast %reduce_or3A_505 : i1 to vector<16xi1>
            %reduce_or3A_507 = tpu.scan <max>, %reduce_or3A_504 masked %reduce_or3A_506 : vector<16xf32>, vector<16xi1> -> vector<16xf32>
            %reduce_or3A_508 = vector.extract %reduce_or3A_507[15] : f32 from vector<16xf32>
            %reduce_or3A_509 = arith.constant 0.000000e+00 : f32
            %reduce_or3A_510 = arith.cmpf ogt, %reduce_or3A_508, %reduce_or3A_509 : f32
            %and3A_511 = arith.andi %reduce_or3A_368, %reduce_or3A_510 : i1
            scf.yield %and3A_511 : i1
          }
          %add3A_370 = arith.constant 16 : i32
          %add3A_371 = arith.addi %mul3A_123, %add3A_370 : i32
          %get3A_372 = arith.index_cast %add3A_371 : i32 to index
          %get3A_373 = tpu.vector_load %arg14[%get3A_372] {strides = array<i32>} : memref<8192xi32, #tpu.memory_space<vmem>>, vector<16xi32>,
          %and3A_374 = arith.constant 65535 : i32
          %and3A_375 = vector.broadcast %and3A_374 : i32 to vector<16xi32>
          %and3A_376 = arith.andi %get3A_373, %and3A_375 : vector<16xi32>
          %shift_right_logical3A_377 = arith.constant 16 : i32
          %shift_right_logical3A_378 = vector.broadcast %shift_right_logical3A_377 : i32 to vector<16xi32>
          %shift_right_logical3A_379 = arith.shrui %get3A_373, %shift_right_logical3A_378 : vector<16xi32>
          %gather3A_380 = tpu.vector_load_idx %arg5[%and3A_376] : memref<10240xi32, #tpu.memory_space<vmem>>[vector<16xi32>], vector<16xi32>,
          %gather3A_381 = tpu.vector_load_idx %arg6[%and3A_376] : memref<10240xi32, #tpu.memory_space<vmem>>[vector<16xi32>], vector<16xi32>,
          %gather3A_382 = tpu.vector_load_idx %arg7[%and3A_376] : memref<10240xi32, #tpu.memory_space<vmem>>[vector<16xi32>], vector<16xi32>,
          %gather3A_383 = tpu.vector_load_idx %arg8[%and3A_376] : memref<10240xi32, #tpu.memory_space<vmem>>[vector<16xi32>], vector<16xi32>,
          %broadcast_in_dim3A_384 = arith.constant true
          %broadcast_in_dim3A_385 = vector.broadcast %broadcast_in_dim3A_384 : i1 to vector<16xi1>
          %unique3A_386, %unique3A_387 = tpu.scan_count mask(%broadcast_in_dim3A_385 : vector<16xi1>) value(%shift_right_logical3A_379 : vector<16xi32>) : vector<16xi1>, vector<16xi32>
          %gt3A_388 = arith.constant 0 : i32
          %gt3A_389 = vector.broadcast %gt3A_388 : i32 to vector<16xi32>
          %gt3A_390 = arith.cmpi sgt, %unique3A_387, %gt3A_389 : vector<16xi32>
          %reduce_or3A_391 = arith.constant 1.000000e+00 : f32
          %reduce_or3A_392 = arith.constant 0.000000e+00 : f32
          %reduce_or3A_393 = vector.broadcast %reduce_or3A_391 : f32 to vector<16xf32>
          %reduce_or3A_394 = vector.broadcast %reduce_or3A_392 : f32 to vector<16xf32>
          %reduce_or3A_395 = arith.select %gt3A_390, %reduce_or3A_393, %reduce_or3A_394 : vector<16xi1>, vector<16xf32>
          %reduce_or3A_396 = arith.constant true
          %reduce_or3A_397 = vector.broadcast %reduce_or3A_396 : i1 to vector<16xi1>
          %reduce_or3A_398 = tpu.scan <max>, %reduce_or3A_395 masked %reduce_or3A_397 : vector<16xf32>, vector<16xi1> -> vector<16xf32>
          %reduce_or3A_399 = vector.extract %reduce_or3A_398[15] : f32 from vector<16xf32>
          %reduce_or3A_400 = arith.constant 0.000000e+00 : f32
          %reduce_or3A_401 = arith.cmpf ogt, %reduce_or3A_399, %reduce_or3A_400 : f32
          %while3A_402 = arith.constant true
          %while3A_403 = scf.while (%while3A_472 = %while3A_402) : (i1) -> i1 {
            scf.condition(%while3A_472) %while3A_472 : i1
          } do {
          ^bb0(%while3A_472: i1):
            %gather3A_473 = tpu.vector_load_idx %arg9[%shift_right_logical3A_379] : memref<10240xi32, #tpu.memory_space<vmem>>[vector<16xi32>], vector<16xi32>,
            %bitcast3A_474 = vector.bitcast %gather3A_473 : vector<16xi32> to vector<32xbf16>
            %bitcast3A_475 = vector.bitcast %gather3A_380 : vector<16xi32> to vector<32xbf16>
            %max3A_476 = arith.maximumf %bitcast3A_474, %bitcast3A_475 : vector<32xbf16>
            %bitcast3A_477 = vector.bitcast %max3A_476 : vector<32xbf16> to vector<16xi32>
            %ne3A_478 = arith.cmpi ne, %bitcast3A_477, %gather3A_473 : vector<16xi32>
            tpu.vector_store_idx %arg9[%shift_right_logical3A_379], %bitcast3A_477 masked %ne3A_478 : memref<10240xi32, #tpu.memory_space<vmem>>[vector<16xi32>], vector<16xi32>, vector<16xi1>
            %gather3A_479 = tpu.vector_load_idx %arg10[%shift_right_logical3A_379] : memref<10240xi32, #tpu.memory_space<vmem>>[vector<16xi32>], vector<16xi32>,
            %bitcast3A_480 = vector.bitcast %gather3A_479 : vector<16xi32> to vector<32xbf16>
            %bitcast3A_481 = vector.bitcast %gather3A_381 : vector<16xi32> to vector<32xbf16>
            %max3A_482 = arith.maximumf %bitcast3A_480, %bitcast3A_481 : vector<32xbf16>
            %bitcast3A_483 = vector.bitcast %max3A_482 : vector<32xbf16> to vector<16xi32>
            %ne3A_484 = arith.cmpi ne, %bitcast3A_483, %gather3A_479 : vector<16xi32>
            tpu.vector_store_idx %arg10[%shift_right_logical3A_379], %bitcast3A_483 masked %ne3A_484 : memref<10240xi32, #tpu.memory_space<vmem>>[vector<16xi32>], vector<16xi32>, vector<16xi1>
            %or3A_485 = arith.ori %ne3A_478, %ne3A_484 : vector<16xi1>
            %gather3A_486 = tpu.vector_load_idx %arg11[%shift_right_logical3A_379] : memref<10240xi32, #tpu.memory_space<vmem>>[vector<16xi32>], vector<16xi32>,
            %bitcast3A_487 = vector.bitcast %gather3A_486 : vector<16xi32> to vector<32xbf16>
            %bitcast3A_488 = vector.bitcast %gather3A_382 : vector<16xi32> to vector<32xbf16>
            %max3A_489 = arith.maximumf %bitcast3A_487, %bitcast3A_488 : vector<32xbf16>
            %bitcast3A_490 = vector.bitcast %max3A_489 : vector<32xbf16> to vector<16xi32>
            %ne3A_491 = arith.cmpi ne, %bitcast3A_490, %gather3A_486 : vector<16xi32>
            tpu.vector_store_idx %arg11[%shift_right_logical3A_379], %bitcast3A_490 masked %ne3A_491 : memref<10240xi32, #tpu.memory_space<vmem>>[vector<16xi32>], vector<16xi32>, vector<16xi1>
            %or3A_492 = arith.ori %or3A_485, %ne3A_491 : vector<16xi1>
            %gather3A_493 = tpu.vector_load_idx %arg12[%shift_right_logical3A_379] : memref<10240xi32, #tpu.memory_space<vmem>>[vector<16xi32>], vector<16xi32>,
            %bitcast3A_494 = vector.bitcast %gather3A_493 : vector<16xi32> to vector<32xbf16>
            %bitcast3A_495 = vector.bitcast %gather3A_383 : vector<16xi32> to vector<32xbf16>
            %max3A_496 = arith.maximumf %bitcast3A_494, %bitcast3A_495 : vector<32xbf16>
            %bitcast3A_497 = vector.bitcast %max3A_496 : vector<32xbf16> to vector<16xi32>
            %ne3A_498 = arith.cmpi ne, %bitcast3A_497, %gather3A_493 : vector<16xi32>
            tpu.vector_store_idx %arg12[%shift_right_logical3A_379], %bitcast3A_497 masked %ne3A_498 : memref<10240xi32, #tpu.memory_space<vmem>>[vector<16xi32>], vector<16xi32>, vector<16xi1>
            %or3A_499 = arith.ori %or3A_492, %ne3A_498 : vector<16xi1>
            %reduce_or3A_500 = arith.constant 1.000000e+00 : f32
            %reduce_or3A_501 = arith.constant 0.000000e+00 : f32
            %reduce_or3A_502 = vector.broadcast %reduce_or3A_500 : f32 to vector<16xf32>
            %reduce_or3A_503 = vector.broadcast %reduce_or3A_501 : f32 to vector<16xf32>
            %reduce_or3A_504 = arith.select %or3A_499, %reduce_or3A_502, %reduce_or3A_503 : vector<16xi1>, vector<16xf32>
            %reduce_or3A_505 = arith.constant true
            %reduce_or3A_506 = vector.broadcast %reduce_or3A_505 : i1 to vector<16xi1>
            %reduce_or3A_507 = tpu.scan <max>, %reduce_or3A_504 masked %reduce_or3A_506 : vector<16xf32>, vector<16xi1> -> vector<16xf32>
            %reduce_or3A_508 = vector.extract %reduce_or3A_507[15] : f32 from vector<16xf32>
            %reduce_or3A_509 = arith.constant 0.000000e+00 : f32
            %reduce_or3A_510 = arith.cmpf ogt, %reduce_or3A_508, %reduce_or3A_509 : f32
            %and3A_511 = arith.andi %reduce_or3A_401, %reduce_or3A_510 : i1
            scf.yield %and3A_511 : i1
          }
          %add3A_404 = arith.constant 32 : i32
          %add3A_405 = arith.addi %mul3A_123, %add3A_404 : i32
          %get3A_406 = arith.index_cast %add3A_405 : i32 to index
          %get3A_407 = tpu.vector_load %arg14[%get3A_406] {strides = array<i32>} : memref<8192xi32, #tpu.memory_space<vmem>>, vector<16xi32>,
          %and3A_408 = arith.constant 65535 : i32
          %and3A_409 = vector.broadcast %and3A_408 : i32 to vector<16xi32>
          %and3A_410 = arith.andi %get3A_407, %and3A_409 : vector<16xi32>
          %shift_right_logical3A_411 = arith.constant 16 : i32
          %shift_right_logical3A_412 = vector.broadcast %shift_right_logical3A_411 : i32 to vector<16xi32>
          %shift_right_logical3A_413 = arith.shrui %get3A_407, %shift_right_logical3A_412 : vector<16xi32>
          %gather3A_414 = tpu.vector_load_idx %arg5[%and3A_410] : memref<10240xi32, #tpu.memory_space<vmem>>[vector<16xi32>], vector<16xi32>,
          %gather3A_415 = tpu.vector_load_idx %arg6[%and3A_410] : memref<10240xi32, #tpu.memory_space<vmem>>[vector<16xi32>], vector<16xi32>,
          %gather3A_416 = tpu.vector_load_idx %arg7[%and3A_410] : memref<10240xi32, #tpu.memory_space<vmem>>[vector<16xi32>], vector<16xi32>,
          %gather3A_417 = tpu.vector_load_idx %arg8[%and3A_410] : memref<10240xi32, #tpu.memory_space<vmem>>[vector<16xi32>], vector<16xi32>,
          %broadcast_in_dim3A_418 = arith.constant true
          %broadcast_in_dim3A_419 = vector.broadcast %broadcast_in_dim3A_418 : i1 to vector<16xi1>
          %unique3A_420, %unique3A_421 = tpu.scan_count mask(%broadcast_in_dim3A_419 : vector<16xi1>) value(%shift_right_logical3A_413 : vector<16xi32>) : vector<16xi1>, vector<16xi32>
          %gt3A_422 = arith.constant 0 : i32
          %gt3A_423 = vector.broadcast %gt3A_422 : i32 to vector<16xi32>
          %gt3A_424 = arith.cmpi sgt, %unique3A_421, %gt3A_423 : vector<16xi32>
          %reduce_or3A_425 = arith.constant 1.000000e+00 : f32
          %reduce_or3A_426 = arith.constant 0.000000e+00 : f32
          %reduce_or3A_427 = vector.broadcast %reduce_or3A_425 : f32 to vector<16xf32>
          %reduce_or3A_428 = vector.broadcast %reduce_or3A_426 : f32 to vector<16xf32>
          %reduce_or3A_429 = arith.select %gt3A_424, %reduce_or3A_427, %reduce_or3A_428 : vector<16xi1>, vector<16xf32>
          %reduce_or3A_430 = arith.constant true
          %reduce_or3A_431 = vector.broadcast %reduce_or3A_430 : i1 to vector<16xi1>
          %reduce_or3A_432 = tpu.scan <max>, %reduce_or3A_429 masked %reduce_or3A_431 : vector<16xf32>, vector<16xi1> -> vector<16xf32>
          %reduce_or3A_433 = vector.extract %reduce_or3A_432[15] : f32 from vector<16xf32>
          %reduce_or3A_434 = arith.constant 0.000000e+00 : f32
          %reduce_or3A_435 = arith.cmpf ogt, %reduce_or3A_433, %reduce_or3A_434 : f32
          %while3A_436 = arith.constant true
          %while3A_437 = scf.while (%while3A_472 = %while3A_436) : (i1) -> i1 {
            scf.condition(%while3A_472) %while3A_472 : i1
          } do {
          ^bb0(%while3A_472: i1):
            %gather3A_473 = tpu.vector_load_idx %arg9[%shift_right_logical3A_413] : memref<10240xi32, #tpu.memory_space<vmem>>[vector<16xi32>], vector<16xi32>,
            %bitcast3A_474 = vector.bitcast %gather3A_473 : vector<16xi32> to vector<32xbf16>
            %bitcast3A_475 = vector.bitcast %gather3A_414 : vector<16xi32> to vector<32xbf16>
            %max3A_476 = arith.maximumf %bitcast3A_474, %bitcast3A_475 : vector<32xbf16>
            %bitcast3A_477 = vector.bitcast %max3A_476 : vector<32xbf16> to vector<16xi32>
            %ne3A_478 = arith.cmpi ne, %bitcast3A_477, %gather3A_473 : vector<16xi32>
            tpu.vector_store_idx %arg9[%shift_right_logical3A_413], %bitcast3A_477 masked %ne3A_478 : memref<10240xi32, #tpu.memory_space<vmem>>[vector<16xi32>], vector<16xi32>, vector<16xi1>
            %gather3A_479 = tpu.vector_load_idx %arg10[%shift_right_logical3A_413] : memref<10240xi32, #tpu.memory_space<vmem>>[vector<16xi32>], vector<16xi32>,
            %bitcast3A_480 = vector.bitcast %gather3A_479 : vector<16xi32> to vector<32xbf16>
            %bitcast3A_481 = vector.bitcast %gather3A_415 : vector<16xi32> to vector<32xbf16>
            %max3A_482 = arith.maximumf %bitcast3A_480, %bitcast3A_481 : vector<32xbf16>
            %bitcast3A_483 = vector.bitcast %max3A_482 : vector<32xbf16> to vector<16xi32>
            %ne3A_484 = arith.cmpi ne, %bitcast3A_483, %gather3A_479 : vector<16xi32>
            tpu.vector_store_idx %arg10[%shift_right_logical3A_413], %bitcast3A_483 masked %ne3A_484 : memref<10240xi32, #tpu.memory_space<vmem>>[vector<16xi32>], vector<16xi32>, vector<16xi1>
            %or3A_485 = arith.ori %ne3A_478, %ne3A_484 : vector<16xi1>
            %gather3A_486 = tpu.vector_load_idx %arg11[%shift_right_logical3A_413] : memref<10240xi32, #tpu.memory_space<vmem>>[vector<16xi32>], vector<16xi32>,
            %bitcast3A_487 = vector.bitcast %gather3A_486 : vector<16xi32> to vector<32xbf16>
            %bitcast3A_488 = vector.bitcast %gather3A_416 : vector<16xi32> to vector<32xbf16>
            %max3A_489 = arith.maximumf %bitcast3A_487, %bitcast3A_488 : vector<32xbf16>
            %bitcast3A_490 = vector.bitcast %max3A_489 : vector<32xbf16> to vector<16xi32>
            %ne3A_491 = arith.cmpi ne, %bitcast3A_490, %gather3A_486 : vector<16xi32>
            tpu.vector_store_idx %arg11[%shift_right_logical3A_413], %bitcast3A_490 masked %ne3A_491 : memref<10240xi32, #tpu.memory_space<vmem>>[vector<16xi32>], vector<16xi32>, vector<16xi1>
            %or3A_492 = arith.ori %or3A_485, %ne3A_491 : vector<16xi1>
            %gather3A_493 = tpu.vector_load_idx %arg12[%shift_right_logical3A_413] : memref<10240xi32, #tpu.memory_space<vmem>>[vector<16xi32>], vector<16xi32>,
            %bitcast3A_494 = vector.bitcast %gather3A_493 : vector<16xi32> to vector<32xbf16>
            %bitcast3A_495 = vector.bitcast %gather3A_417 : vector<16xi32> to vector<32xbf16>
            %max3A_496 = arith.maximumf %bitcast3A_494, %bitcast3A_495 : vector<32xbf16>
            %bitcast3A_497 = vector.bitcast %max3A_496 : vector<32xbf16> to vector<16xi32>
            %ne3A_498 = arith.cmpi ne, %bitcast3A_497, %gather3A_493 : vector<16xi32>
            tpu.vector_store_idx %arg12[%shift_right_logical3A_413], %bitcast3A_497 masked %ne3A_498 : memref<10240xi32, #tpu.memory_space<vmem>>[vector<16xi32>], vector<16xi32>, vector<16xi1>
            %or3A_499 = arith.ori %or3A_492, %ne3A_498 : vector<16xi1>
            %reduce_or3A_500 = arith.constant 1.000000e+00 : f32
            %reduce_or3A_501 = arith.constant 0.000000e+00 : f32
            %reduce_or3A_502 = vector.broadcast %reduce_or3A_500 : f32 to vector<16xf32>
            %reduce_or3A_503 = vector.broadcast %reduce_or3A_501 : f32 to vector<16xf32>
            %reduce_or3A_504 = arith.select %or3A_499, %reduce_or3A_502, %reduce_or3A_503 : vector<16xi1>, vector<16xf32>
            %reduce_or3A_505 = arith.constant true
            %reduce_or3A_506 = vector.broadcast %reduce_or3A_505 : i1 to vector<16xi1>
            %reduce_or3A_507 = tpu.scan <max>, %reduce_or3A_504 masked %reduce_or3A_506 : vector<16xf32>, vector<16xi1> -> vector<16xf32>
            %reduce_or3A_508 = vector.extract %reduce_or3A_507[15] : f32 from vector<16xf32>
            %reduce_or3A_509 = arith.constant 0.000000e+00 : f32
            %reduce_or3A_510 = arith.cmpf ogt, %reduce_or3A_508, %reduce_or3A_509 : f32
            %and3A_511 = arith.andi %reduce_or3A_435, %reduce_or3A_510 : i1
            scf.yield %and3A_511 : i1
          }
          %add3A_438 = arith.constant 48 : i32
          %add3A_439 = arith.addi %mul3A_123, %add3A_438 : i32
          %get3A_440 = arith.index_cast %add3A_439 : i32 to index
          %get3A_441 = tpu.vector_load %arg14[%get3A_440] {strides = array<i32>} : memref<8192xi32, #tpu.memory_space<vmem>>, vector<16xi32>,
          %and3A_442 = arith.constant 65535 : i32
          %and3A_443 = vector.broadcast %and3A_442 : i32 to vector<16xi32>
          %and3A_444 = arith.andi %get3A_441, %and3A_443 : vector<16xi32>
          %shift_right_logical3A_445 = arith.constant 16 : i32
          %shift_right_logical3A_446 = vector.broadcast %shift_right_logical3A_445 : i32 to vector<16xi32>
          %shift_right_logical3A_447 = arith.shrui %get3A_441, %shift_right_logical3A_446 : vector<16xi32>
          %gather3A_448 = tpu.vector_load_idx %arg5[%and3A_444] : memref<10240xi32, #tpu.memory_space<vmem>>[vector<16xi32>], vector<16xi32>,
          %gather3A_449 = tpu.vector_load_idx %arg6[%and3A_444] : memref<10240xi32, #tpu.memory_space<vmem>>[vector<16xi32>], vector<16xi32>,
          %gather3A_450 = tpu.vector_load_idx %arg7[%and3A_444] : memref<10240xi32, #tpu.memory_space<vmem>>[vector<16xi32>], vector<16xi32>,
          %gather3A_451 = tpu.vector_load_idx %arg8[%and3A_444] : memref<10240xi32, #tpu.memory_space<vmem>>[vector<16xi32>], vector<16xi32>,
          %broadcast_in_dim3A_452 = arith.constant true
          %broadcast_in_dim3A_453 = vector.broadcast %broadcast_in_dim3A_452 : i1 to vector<16xi1>
          %unique3A_454, %unique3A_455 = tpu.scan_count mask(%broadcast_in_dim3A_453 : vector<16xi1>) value(%shift_right_logical3A_447 : vector<16xi32>) : vector<16xi1>, vector<16xi32>
          %gt3A_456 = arith.constant 0 : i32
          %gt3A_457 = vector.broadcast %gt3A_456 : i32 to vector<16xi32>
          %gt3A_458 = arith.cmpi sgt, %unique3A_455, %gt3A_457 : vector<16xi32>
          %reduce_or3A_459 = arith.constant 1.000000e+00 : f32
          %reduce_or3A_460 = arith.constant 0.000000e+00 : f32
          %reduce_or3A_461 = vector.broadcast %reduce_or3A_459 : f32 to vector<16xf32>
          %reduce_or3A_462 = vector.broadcast %reduce_or3A_460 : f32 to vector<16xf32>
          %reduce_or3A_463 = arith.select %gt3A_458, %reduce_or3A_461, %reduce_or3A_462 : vector<16xi1>, vector<16xf32>
          %reduce_or3A_464 = arith.constant true
          %reduce_or3A_465 = vector.broadcast %reduce_or3A_464 : i1 to vector<16xi1>
          %reduce_or3A_466 = tpu.scan <max>, %reduce_or3A_463 masked %reduce_or3A_465 : vector<16xf32>, vector<16xi1> -> vector<16xf32>
          %reduce_or3A_467 = vector.extract %reduce_or3A_466[15] : f32 from vector<16xf32>
          %reduce_or3A_468 = arith.constant 0.000000e+00 : f32
          %reduce_or3A_469 = arith.cmpf ogt, %reduce_or3A_467, %reduce_or3A_468 : f32
          %while3A_470 = arith.constant true
          %while3A_471 = scf.while (%while3A_472 = %while3A_470) : (i1) -> i1 {
            scf.condition(%while3A_472) %while3A_472 : i1
          } do {
          ^bb0(%while3A_472: i1):
            %gather3A_473 = tpu.vector_load_idx %arg9[%shift_right_logical3A_447] : memref<10240xi32, #tpu.memory_space<vmem>>[vector<16xi32>], vector<16xi32>,
            %bitcast3A_474 = vector.bitcast %gather3A_473 : vector<16xi32> to vector<32xbf16>
            %bitcast3A_475 = vector.bitcast %gather3A_448 : vector<16xi32> to vector<32xbf16>
            %max3A_476 = arith.maximumf %bitcast3A_474, %bitcast3A_475 : vector<32xbf16>
            %bitcast3A_477 = vector.bitcast %max3A_476 : vector<32xbf16> to vector<16xi32>
            %ne3A_478 = arith.cmpi ne, %bitcast3A_477, %gather3A_473 : vector<16xi32>
            tpu.vector_store_idx %arg9[%shift_right_logical3A_447], %bitcast3A_477 masked %ne3A_478 : memref<10240xi32, #tpu.memory_space<vmem>>[vector<16xi32>], vector<16xi32>, vector<16xi1>
            %gather3A_479 = tpu.vector_load_idx %arg10[%shift_right_logical3A_447] : memref<10240xi32, #tpu.memory_space<vmem>>[vector<16xi32>], vector<16xi32>,
            %bitcast3A_480 = vector.bitcast %gather3A_479 : vector<16xi32> to vector<32xbf16>
            %bitcast3A_481 = vector.bitcast %gather3A_449 : vector<16xi32> to vector<32xbf16>
            %max3A_482 = arith.maximumf %bitcast3A_480, %bitcast3A_481 : vector<32xbf16>
            %bitcast3A_483 = vector.bitcast %max3A_482 : vector<32xbf16> to vector<16xi32>
            %ne3A_484 = arith.cmpi ne, %bitcast3A_483, %gather3A_479 : vector<16xi32>
            tpu.vector_store_idx %arg10[%shift_right_logical3A_447], %bitcast3A_483 masked %ne3A_484 : memref<10240xi32, #tpu.memory_space<vmem>>[vector<16xi32>], vector<16xi32>, vector<16xi1>
            %or3A_485 = arith.ori %ne3A_478, %ne3A_484 : vector<16xi1>
            %gather3A_486 = tpu.vector_load_idx %arg11[%shift_right_logical3A_447] : memref<10240xi32, #tpu.memory_space<vmem>>[vector<16xi32>], vector<16xi32>,
            %bitcast3A_487 = vector.bitcast %gather3A_486 : vector<16xi32> to vector<32xbf16>
            %bitcast3A_488 = vector.bitcast %gather3A_450 : vector<16xi32> to vector<32xbf16>
            %max3A_489 = arith.maximumf %bitcast3A_487, %bitcast3A_488 : vector<32xbf16>
            %bitcast3A_490 = vector.bitcast %max3A_489 : vector<32xbf16> to vector<16xi32>
            %ne3A_491 = arith.cmpi ne, %bitcast3A_490, %gather3A_486 : vector<16xi32>
            tpu.vector_store_idx %arg11[%shift_right_logical3A_447], %bitcast3A_490 masked %ne3A_491 : memref<10240xi32, #tpu.memory_space<vmem>>[vector<16xi32>], vector<16xi32>, vector<16xi1>
            %or3A_492 = arith.ori %or3A_485, %ne3A_491 : vector<16xi1>
            %gather3A_493 = tpu.vector_load_idx %arg12[%shift_right_logical3A_447] : memref<10240xi32, #tpu.memory_space<vmem>>[vector<16xi32>], vector<16xi32>,
            %bitcast3A_494 = vector.bitcast %gather3A_493 : vector<16xi32> to vector<32xbf16>
            %bitcast3A_495 = vector.bitcast %gather3A_451 : vector<16xi32> to vector<32xbf16>
            %max3A_496 = arith.maximumf %bitcast3A_494, %bitcast3A_495 : vector<32xbf16>
            %bitcast3A_497 = vector.bitcast %max3A_496 : vector<32xbf16> to vector<16xi32>
            %ne3A_498 = arith.cmpi ne, %bitcast3A_497, %gather3A_493 : vector<16xi32>
            tpu.vector_store_idx %arg12[%shift_right_logical3A_447], %bitcast3A_497 masked %ne3A_498 : memref<10240xi32, #tpu.memory_space<vmem>>[vector<16xi32>], vector<16xi32>, vector<16xi1>
            %or3A_499 = arith.ori %or3A_492, %ne3A_498 : vector<16xi1>
            %reduce_or3A_500 = arith.constant 1.000000e+00 : f32
            %reduce_or3A_501 = arith.constant 0.000000e+00 : f32
            %reduce_or3A_502 = vector.broadcast %reduce_or3A_500 : f32 to vector<16xf32>
            %reduce_or3A_503 = vector.broadcast %reduce_or3A_501 : f32 to vector<16xf32>
            %reduce_or3A_504 = arith.select %or3A_499, %reduce_or3A_502, %reduce_or3A_503 : vector<16xi1>, vector<16xf32>
            %reduce_or3A_505 = arith.constant true
            %reduce_or3A_506 = vector.broadcast %reduce_or3A_505 : i1 to vector<16xi1>
            %reduce_or3A_507 = tpu.scan <max>, %reduce_or3A_504 masked %reduce_or3A_506 : vector<16xf32>, vector<16xi1> -> vector<16xf32>
            %reduce_or3A_508 = vector.extract %reduce_or3A_507[15] : f32 from vector<16xf32>
            %reduce_or3A_509 = arith.constant 0.000000e+00 : f32
            %reduce_or3A_510 = arith.cmpf ogt, %reduce_or3A_508, %reduce_or3A_509 : f32
            %and3A_511 = arith.andi %reduce_or3A_469, %reduce_or3A_510 : i1
            scf.yield %and3A_511 : i1
          }
        } else {
        }
      }
      %scan3A_113 = arith.constant 128 : i32
      %add3A_114 = arith.constant 2 : i32
      %add3A_115 = arith.addi %add3A_103, %add3A_114 : i32
      %lt3A_116 = arith.constant 20 : i32
      %lt3A_117 = arith.cmpi slt, %add3A_115, %lt3A_116 : i32
      %convert_element_type3A_118 = arith.extui %lt3A_117 : i1 to i32
      %cond3A_119 = arith.constant 0 : i32
      %cond3A_120 = arith.cmpi ne, %convert_element_type3A_118, %cond3A_119 : i32
      scf.if %cond3A_120 {
        %add3A_121 = arith.addi %mul3A_36, %add3A_115 : i32
        %mul3A_122 = arith.constant 8192 : i32
        %mul3A_123 = arith.muli %add3A_121, %mul3A_122 : i32
        %dma_start3A_124 = tpu.memref_slice %arg3[%mul3A_123] : memref<327680xi32, #tpu.memory_space<hbm>> -> memref<8192xi32, #tpu.memory_space<hbm>>
        %dma_start3A_125 = tpu.memref_slice %arg3[%mul3A_123] : memref<327680xi32, #tpu.memory_space<hbm>> -> memref<8192xi32, #tpu.memory_space<hbm>>
        tpu.enqueue_dma source(%dma_start3A_125 : memref<8192xi32, #tpu.memory_space<hbm>>) target(%arg14 : memref<8192xi32, #tpu.memory_space<vmem>>) target_semaphore(%arg16 : memref<!tpu.dma_semaphore, #tpu.memory_space<semaphore_mem>>)
      } else {
      }
    }
    %scan3A_67 = arith.constant 10 : i32
    %mul3A_68 = arith.constant 64 : i32
    %mul3A_69 = arith.muli %select_n3A_30, %mul3A_68 : i32
    %mul3A_70 = arith.constant 10240 : i32
    %mul3A_71 = arith.muli %mul3A_69, %mul3A_70 : i32
    %add3A_72 = arith.addi %mul3A_71, %mul3A_34 : i32
    %add3A_73 = arith.constant 0 : i32
    %add3A_74 = arith.addi %add3A_72, %add3A_73 : i32
    "tpu.region"() ({
      %run_scoped3A = tpu.sem_alloc : memref<!tpu.dma_semaphore, #tpu.memory_space<semaphore_mem>>
      %dma_start3A_81 = tpu.memref_slice %arg4[%add3A_74] : memref<1310720xi32, #tpu.memory_space<hbm>> -> memref<10240xi32, #tpu.memory_space<hbm>>
      %dma_start3A_82 = tpu.memref_slice %arg4[%add3A_74] : memref<1310720xi32, #tpu.memory_space<hbm>> -> memref<10240xi32, #tpu.memory_space<hbm>>
      tpu.enqueue_dma source(%arg9 : memref<10240xi32, #tpu.memory_space<vmem>>) target(%dma_start3A_82 : memref<10240xi32, #tpu.memory_space<hbm>>) target_semaphore(%run_scoped3A : memref<!tpu.dma_semaphore, #tpu.memory_space<semaphore_mem>>)
      %dma_wait3A = tpu.memref_slice %arg4[%add3A_74] : memref<1310720xi32, #tpu.memory_space<hbm>> -> memref<10240xi32, #tpu.memory_space<hbm>>
      %dma_wait3A_83 = tpu.memref_slice %arg4[%add3A_74] : memref<1310720xi32, #tpu.memory_space<hbm>> -> memref<10240xi32, #tpu.memory_space<hbm>>
      tpu.wait_dma2 semaphore(%run_scoped3A : memref<!tpu.dma_semaphore, #tpu.memory_space<semaphore_mem>>) src(%arg9 : memref<10240xi32, #tpu.memory_space<vmem>>) dst(%dma_wait3A_83 : memref<10240xi32, #tpu.memory_space<hbm>>)
      tpu.yield
    }) : () -> ()
    %add3A_75 = arith.constant 10240 : i32
    %add3A_76 = arith.addi %add3A_72, %add3A_75 : i32
    "tpu.region"() ({
      %run_scoped3A = tpu.sem_alloc : memref<!tpu.dma_semaphore, #tpu.memory_space<semaphore_mem>>
      %dma_start3A_81 = tpu.memref_slice %arg4[%add3A_76] : memref<1310720xi32, #tpu.memory_space<hbm>> -> memref<10240xi32, #tpu.memory_space<hbm>>
      %dma_start3A_82 = tpu.memref_slice %arg4[%add3A_76] : memref<1310720xi32, #tpu.memory_space<hbm>> -> memref<10240xi32, #tpu.memory_space<hbm>>
      tpu.enqueue_dma source(%arg10 : memref<10240xi32, #tpu.memory_space<vmem>>) target(%dma_start3A_82 : memref<10240xi32, #tpu.memory_space<hbm>>) target_semaphore(%run_scoped3A : memref<!tpu.dma_semaphore, #tpu.memory_space<semaphore_mem>>)
      %dma_wait3A = tpu.memref_slice %arg4[%add3A_76] : memref<1310720xi32, #tpu.memory_space<hbm>> -> memref<10240xi32, #tpu.memory_space<hbm>>
      %dma_wait3A_83 = tpu.memref_slice %arg4[%add3A_76] : memref<1310720xi32, #tpu.memory_space<hbm>> -> memref<10240xi32, #tpu.memory_space<hbm>>
      tpu.wait_dma2 semaphore(%run_scoped3A : memref<!tpu.dma_semaphore, #tpu.memory_space<semaphore_mem>>) src(%arg10 : memref<10240xi32, #tpu.memory_space<vmem>>) dst(%dma_wait3A_83 : memref<10240xi32, #tpu.memory_space<hbm>>)
      tpu.yield
    }) : () -> ()
    %add3A_77 = arith.constant 20480 : i32
    %add3A_78 = arith.addi %add3A_72, %add3A_77 : i32
    "tpu.region"() ({
      %run_scoped3A = tpu.sem_alloc : memref<!tpu.dma_semaphore, #tpu.memory_space<semaphore_mem>>
      %dma_start3A_81 = tpu.memref_slice %arg4[%add3A_78] : memref<1310720xi32, #tpu.memory_space<hbm>> -> memref<10240xi32, #tpu.memory_space<hbm>>
      %dma_start3A_82 = tpu.memref_slice %arg4[%add3A_78] : memref<1310720xi32, #tpu.memory_space<hbm>> -> memref<10240xi32, #tpu.memory_space<hbm>>
      tpu.enqueue_dma source(%arg11 : memref<10240xi32, #tpu.memory_space<vmem>>) target(%dma_start3A_82 : memref<10240xi32, #tpu.memory_space<hbm>>) target_semaphore(%run_scoped3A : memref<!tpu.dma_semaphore, #tpu.memory_space<semaphore_mem>>)
      %dma_wait3A = tpu.memref_slice %arg4[%add3A_78] : memref<1310720xi32, #tpu.memory_space<hbm>> -> memref<10240xi32, #tpu.memory_space<hbm>>
      %dma_wait3A_83 = tpu.memref_slice %arg4[%add3A_78] : memref<1310720xi32, #tpu.memory_space<hbm>> -> memref<10240xi32, #tpu.memory_space<hbm>>
      tpu.wait_dma2 semaphore(%run_scoped3A : memref<!tpu.dma_semaphore, #tpu.memory_space<semaphore_mem>>) src(%arg11 : memref<10240xi32, #tpu.memory_space<vmem>>) dst(%dma_wait3A_83 : memref<10240xi32, #tpu.memory_space<hbm>>)
      tpu.yield
    }) : () -> ()
    %add3A_79 = arith.constant 30720 : i32
    %add3A_80 = arith.addi %add3A_72, %add3A_79 : i32
    "tpu.region"() ({
      %run_scoped3A = tpu.sem_alloc : memref<!tpu.dma_semaphore, #tpu.memory_space<semaphore_mem>>
      %dma_start3A_81 = tpu.memref_slice %arg4[%add3A_80] : memref<1310720xi32, #tpu.memory_space<hbm>> -> memref<10240xi32, #tpu.memory_space<hbm>>
      %dma_start3A_82 = tpu.memref_slice %arg4[%add3A_80] : memref<1310720xi32, #tpu.memory_space<hbm>> -> memref<10240xi32, #tpu.memory_space<hbm>>
      tpu.enqueue_dma source(%arg12 : memref<10240xi32, #tpu.memory_space<vmem>>) target(%dma_start3A_82 : memref<10240xi32, #tpu.memory_space<hbm>>) target_semaphore(%run_scoped3A : memref<!tpu.dma_semaphore, #tpu.memory_space<semaphore_mem>>)
      %dma_wait3A = tpu.memref_slice %arg4[%add3A_80] : memref<1310720xi32, #tpu.memory_space<hbm>> -> memref<10240xi32, #tpu.memory_space<hbm>>
      %dma_wait3A_83 = tpu.memref_slice %arg4[%add3A_80] : memref<1310720xi32, #tpu.memory_space<hbm>> -> memref<10240xi32, #tpu.memory_space<hbm>>
      tpu.wait_dma2 semaphore(%run_scoped3A : memref<!tpu.dma_semaphore, #tpu.memory_space<semaphore_mem>>) src(%arg12 : memref<10240xi32, #tpu.memory_space<vmem>>) dst(%dma_wait3A_83 : memref<10240xi32, #tpu.memory_space<hbm>>)
      tpu.yield
    }) : () -> ()
    return
  }
}

module attributes {stable_mosaic.version = 14 : i64} {
  func.func @_tc1_body(%arg0: i32, %arg1: memref<1024x128xf32, #tpu.memory_space<vmem>>, %arg2: memref<128x128xf32, #tpu.memory_space<vmem>>, %arg3: memref<128x128xf32, #tpu.memory_space<vmem>>, %arg4: memref<128x1xf32, #tpu.memory_space<vmem>>, %arg5: memref<128x1024xf32, #tpu.memory_space<vmem>>, %arg6: memref<128x1024xf32, #tpu.memory_space<vmem>>, %arg7: memref<64x1024xi32, #tpu.memory_space<vmem>>) attributes {dimension_semantics = [#tpu.dimension_semantics<arbitrary>], iteration_bounds = array<i64: 10>, scalar_prefetch = 0 : i64, scratch_operands = 0 : i64, tpu.core_type = #tpu.core_type<tc>, window_params = [{transform_indices = @transform_0, window_bounds = array<i64: 1024, 128>}, {pipeline_mode = #tpu.pipeline_mode<synchronous>, transform_indices = @transform_1, window_bounds = array<i64: 128, 128>}, {pipeline_mode = #tpu.pipeline_mode<synchronous>, transform_indices = @transform_2, window_bounds = array<i64: 128, 128>}, {pipeline_mode = #tpu.pipeline_mode<synchronous>, transform_indices = @transform_3, window_bounds = array<i64: 128, 1>}, {transform_indices = @transform_4, window_bounds = array<i64: 128, 1024>}, {transform_indices = @transform_5, window_bounds = array<i64: 128, 1024>}, {transform_indices = @transform_6, window_bounds = array<i64: 64, 1024>}]} {
    %get3A = arith.constant 0 : index
    %get3A_0 = arith.constant 0 : index
    %get3A_1 = vector.load %arg1[%get3A, %get3A_0] : memref<1024x128xf32, #tpu.memory_space<vmem>>, vector<1024x128xf32>
    %transpose3A = tpu.transpose %get3A_1, [1, 0] : vector<1024x128xf32> -> vector<128x1024xf32>
    %swap3A = arith.constant 0 : index
    %swap3A_2 = arith.constant 0 : index
    %swap3A_3 = vector.load %arg5[%swap3A, %swap3A_2] : memref<128x1024xf32, #tpu.memory_space<vmem>>, vector<128x1024xf32>
    tpu.vector_store %arg5[%swap3A, %swap3A_2], %transpose3A {strides = array<i32>} : memref<128x1024xf32, #tpu.memory_space<vmem>>, vector<128x1024xf32>,
    %get3A_4 = arith.constant 0 : index
    %get3A_5 = arith.constant 0 : index
    %get3A_6 = vector.load %arg2[%get3A_4, %get3A_5] : memref<128x128xf32, #tpu.memory_space<vmem>>, vector<128x128xf32>
    %dot_general3A = arith.constant dense<0.000000e+00> : vector<128x1024xf32>
    %dot_general3A_7 = tpu.matmul %get3A_6, %transpose3A, %dot_general3A {dimension_numbers = #tpu.dot_dimension_numbers<[1], [0], [0], [1], [0, 0, 1, 1], [], []>, transpose_lhs_hint = false} : vector<128x128xf32>, vector<128x1024xf32>, vector<128x1024xf32> -> vector<128x1024xf32>
    %get3A_8 = arith.constant 0 : index
    %get3A_9 = arith.constant 0 : index
    %get3A_10 = vector.load %arg4[%get3A_8, %get3A_9] : memref<128x1xf32, #tpu.memory_space<vmem>>, vector<128x1xf32>
    %add3A = vector.broadcast %get3A_10 : vector<128x1xf32> to vector<128x1024xf32>
    %add3A_11 = arith.addf %dot_general3A_7, %add3A : vector<128x1024xf32>
    %swap3A_12 = arith.constant 0 : index
    %swap3A_13 = arith.constant 0 : index
    %swap3A_14 = vector.load %arg6[%swap3A_12, %swap3A_13] : memref<128x1024xf32, #tpu.memory_space<vmem>>, vector<128x1024xf32>
    tpu.vector_store %arg6[%swap3A_12, %swap3A_13], %add3A_11 {strides = array<i32>} : memref<128x1024xf32, #tpu.memory_space<vmem>>, vector<128x1024xf32>,
    %get3A_15 = arith.constant 0 : index
    %get3A_16 = arith.constant 0 : index
    %get3A_17 = vector.load %arg3[%get3A_15, %get3A_16] : memref<128x128xf32, #tpu.memory_space<vmem>>, vector<128x128xf32>
    %dot_general3A_18 = arith.constant dense<0.000000e+00> : vector<128x1024xf32>
    %dot_general3A_19 = tpu.matmul %get3A_17, %transpose3A, %dot_general3A_18 {dimension_numbers = #tpu.dot_dimension_numbers<[1], [0], [0], [1], [0, 0, 1, 1], [], []>, transpose_lhs_hint = false} : vector<128x128xf32>, vector<128x1024xf32>, vector<128x1024xf32> -> vector<128x1024xf32>
    %slice3A = vector.extract_strided_slice %dot_general3A_19 {offsets = [0, 0], sizes = [64, 1024], strides = [1, 1]} : vector<128x1024xf32> to vector<64x1024xf32>
    %slice3A_20 = vector.extract_strided_slice %dot_general3A_19 {offsets = [64, 0], sizes = [64, 1024], strides = [1, 1]} : vector<128x1024xf32> to vector<64x1024xf32>
    %convert_element_type3A = arith.truncf %slice3A : vector<64x1024xf32> to vector<64x1024xbf16>
    %bitcast_convert_type3A = tpu.bitcast %convert_element_type3A : vector<64x1024xbf16> -> vector<64x1024xi16>
    %convert_element_type3A_21 = arith.truncf %slice3A_20 : vector<64x1024xf32> to vector<64x1024xbf16>
    %bitcast_convert_type3A_22 = tpu.bitcast %convert_element_type3A_21 : vector<64x1024xbf16> -> vector<64x1024xi16>
    %convert_element_type3A_23 = arith.extui %bitcast_convert_type3A : vector<64x1024xi16> to vector<64x1024xi32>
    %convert_element_type3A_24 = arith.extui %bitcast_convert_type3A_22 : vector<64x1024xi16> to vector<64x1024xi32>
    %shift_left3A = arith.constant 16 : i32
    %shift_left3A_25 = vector.broadcast %shift_left3A : i32 to vector<64x1024xi32>
    %shift_left3A_26 = arith.shli %convert_element_type3A_24, %shift_left3A_25 : vector<64x1024xi32>
    %or3A = arith.ori %convert_element_type3A_23, %shift_left3A_26 : vector<64x1024xi32>
    %bitcast_convert_type3A_27 = tpu.bitcast %or3A : vector<64x1024xi32> -> vector<64x1024xi32>
    %swap3A_28 = arith.constant 0 : index
    %swap3A_29 = arith.constant 0 : index
    %swap3A_30 = vector.load %arg7[%swap3A_28, %swap3A_29] : memref<64x1024xi32, #tpu.memory_space<vmem>>, vector<64x1024xi32>
    tpu.vector_store %arg7[%swap3A_28, %swap3A_29], %bitcast_convert_type3A_27 {strides = array<i32>} : memref<64x1024xi32, #tpu.memory_space<vmem>>, vector<64x1024xi32>,
    return
  }
  func.func @transform_0(%arg0: i32) -> (i32, i32) {
    %c0_i32 = arith.constant 0 : i32
    %c0_i32_0 = arith.constant 0 : i32
    return %arg0, %c0_i32 : i32, i32
  }
  func.func @transform_1(%arg0: i32) -> (i32, i32) {
    %c0_i32 = arith.constant 0 : i32
    %c0_i32_0 = arith.constant 0 : i32
    %c0_i32_1 = arith.constant 0 : i32
    return %c0_i32, %c0_i32_0 : i32, i32
  }
  func.func @transform_2(%arg0: i32) -> (i32, i32) {
    %c0_i32 = arith.constant 0 : i32
    %c0_i32_0 = arith.constant 0 : i32
    %c0_i32_1 = arith.constant 0 : i32
    return %c0_i32, %c0_i32_0 : i32, i32
  }
  func.func @transform_3(%arg0: i32) -> (i32, i32) {
    %c0_i32 = arith.constant 0 : i32
    %c0_i32_0 = arith.constant 0 : i32
    %c0_i32_1 = arith.constant 0 : i32
    return %c0_i32, %c0_i32_0 : i32, i32
  }
  func.func @transform_4(%arg0: i32) -> (i32, i32) {
    %c0_i32 = arith.constant 0 : i32
    %c0_i32_0 = arith.constant 0 : i32
    return %c0_i32, %arg0 : i32, i32
  }
  func.func @transform_5(%arg0: i32) -> (i32, i32) {
    %c0_i32 = arith.constant 0 : i32
    %c0_i32_0 = arith.constant 0 : i32
    return %c0_i32, %arg0 : i32, i32
  }
  func.func @transform_6(%arg0: i32) -> (i32, i32) {
    %c0_i32 = arith.constant 0 : i32
    %c0_i32_0 = arith.constant 0 : i32
    return %c0_i32, %arg0 : i32, i32
  }
}

module attributes {stable_mosaic.version = 14 : i64} {
  func.func @_pack_edges_body(%arg0: memref<2560x128xi32, #tpu.memory_space<vmem>>, %arg1: memref<2560x128xi32, #tpu.memory_space<vmem>>, %arg2: memref<2560x128xi32, #tpu.memory_space<vmem>>) attributes {dimension_semantics = [], scalar_prefetch = 0 : i64, scratch_operands = 0 : i64, tpu.core_type = #tpu.core_type<tc>} {
    %get3A = arith.constant 0 : index
    %get3A_0 = arith.constant 0 : index
    %get3A_1 = vector.load %arg0[%get3A, %get3A_0] : memref<2560x128xi32, #tpu.memory_space<vmem>>, vector<2560x128xi32>
    %get3A_2 = arith.constant 0 : index
    %get3A_3 = arith.constant 0 : index
    %get3A_4 = vector.load %arg1[%get3A_2, %get3A_3] : memref<2560x128xi32, #tpu.memory_space<vmem>>, vector<2560x128xi32>
    %shift_left3A = arith.constant 16 : i32
    %shift_left3A_5 = vector.broadcast %shift_left3A : i32 to vector<2560x128xi32>
    %shift_left3A_6 = arith.shli %get3A_4, %shift_left3A_5 : vector<2560x128xi32>
    %or3A = arith.ori %get3A_1, %shift_left3A_6 : vector<2560x128xi32>
    %swap3A = arith.constant 0 : index
    %swap3A_7 = arith.constant 0 : index
    %swap3A_8 = vector.load %arg2[%swap3A, %swap3A_7] : memref<2560x128xi32, #tpu.memory_space<vmem>>, vector<2560x128xi32>
    tpu.vector_store %arg2[%swap3A, %swap3A_7], %or3A {strides = array<i32>} : memref<2560x128xi32, #tpu.memory_space<vmem>>, vector<2560x128xi32>,
    return
  }
}

module attributes {stable_mosaic.version = 14 : i64} {
  func.func @_tc2_body(%arg0: i32, %arg1: memref<128x1024xf32, #tpu.memory_space<vmem>>, %arg2: memref<128x1024xi32, #tpu.memory_space<vmem>>, %arg3: memref<128x1024xf32, #tpu.memory_space<vmem>>, %arg4: memref<128x128xf32, #tpu.memory_space<vmem>>, %arg5: memref<128x128xf32, #tpu.memory_space<vmem>>, %arg6: memref<128x128xf32, #tpu.memory_space<vmem>>, %arg7: memref<128x128xf32, #tpu.memory_space<vmem>>, %arg8: memref<128x1xf32, #tpu.memory_space<vmem>>, %arg9: memref<128x1024xf32, #tpu.memory_space<vmem>>, %arg10: memref<128x1024xf32, #tpu.memory_space<vmem>>, %arg11: memref<64x1024xi32, #tpu.memory_space<vmem>>) attributes {dimension_semantics = [#tpu.dimension_semantics<arbitrary>], iteration_bounds = array<i64: 10>, scalar_prefetch = 0 : i64, scratch_operands = 0 : i64, tpu.core_type = #tpu.core_type<tc>, window_params = [{transform_indices = @transform_0, window_bounds = array<i64: 128, 1024>}, {transform_indices = @transform_1, window_bounds = array<i64: 128, 1024>}, {transform_indices = @transform_2, window_bounds = array<i64: 128, 1024>}, {pipeline_mode = #tpu.pipeline_mode<synchronous>, transform_indices = @transform_3, window_bounds = array<i64: 128, 128>}, {pipeline_mode = #tpu.pipeline_mode<synchronous>, transform_indices = @transform_4, window_bounds = array<i64: 128, 128>}, {pipeline_mode = #tpu.pipeline_mode<synchronous>, transform_indices = @transform_5, window_bounds = array<i64: 128, 128>}, {pipeline_mode = #tpu.pipeline_mode<synchronous>, transform_indices = @transform_6, window_bounds = array<i64: 128, 128>}, {pipeline_mode = #tpu.pipeline_mode<synchronous>, transform_indices = @transform_7, window_bounds = array<i64: 128, 1>}, {transform_indices = @transform_8, window_bounds = array<i64: 128, 1024>}, {transform_indices = @transform_9, window_bounds = array<i64: 128, 1024>}, {transform_indices = @transform_10, window_bounds = array<i64: 64, 1024>}]} {
    %get3A = arith.constant 0 : index
    %get3A_0 = arith.constant 0 : index
    %get3A_1 = vector.load %arg2[%get3A, %get3A_0] : memref<128x1024xi32, #tpu.memory_space<vmem>>, vector<128x1024xi32>
    %get3A_2 = arith.constant 0 : index
    %get3A_3 = arith.constant 0 : index
    %get3A_4 = vector.load %arg3[%get3A_2, %get3A_3] : memref<128x1024xf32, #tpu.memory_space<vmem>>, vector<128x1024xf32>
    %slice3A = vector.extract_strided_slice %get3A_1 {offsets = [0, 0], sizes = [64, 1024], strides = [1, 1]} : vector<128x1024xi32> to vector<64x1024xi32>
    %bitcast_convert_type3A = tpu.bitcast %slice3A : vector<64x1024xi32> -> vector<64x1024xi32>
    %and3A = arith.constant 65535 : i32
    %and3A_5 = vector.broadcast %and3A : i32 to vector<64x1024xi32>
    %and3A_6 = arith.andi %bitcast_convert_type3A, %and3A_5 : vector<64x1024xi32>
    %convert_element_type3A = arith.trunci %and3A_6 : vector<64x1024xi32> to vector<64x1024xi16>
    %bitcast_convert_type3A_7 = tpu.bitcast %convert_element_type3A : vector<64x1024xi16> -> vector<64x1024xbf16>
    %convert_element_type3A_8 = arith.extf %bitcast_convert_type3A_7 : vector<64x1024xbf16> to vector<64x1024xf32>
    %shift_right_logical3A = arith.constant 16 : i32
    %shift_right_logical3A_9 = vector.broadcast %shift_right_logical3A : i32 to vector<64x1024xi32>
    %shift_right_logical3A_10 = arith.shrui %bitcast_convert_type3A, %shift_right_logical3A_9 : vector<64x1024xi32>
    %convert_element_type3A_11 = arith.trunci %shift_right_logical3A_10 : vector<64x1024xi32> to vector<64x1024xi16>
    %bitcast_convert_type3A_12 = tpu.bitcast %convert_element_type3A_11 : vector<64x1024xi16> -> vector<64x1024xbf16>
    %convert_element_type3A_13 = arith.extf %bitcast_convert_type3A_12 : vector<64x1024xbf16> to vector<64x1024xf32>
    %concatenate3A = tpu.concatenate %convert_element_type3A_8, %convert_element_type3A_13 in 0 : vector<64x1024xf32>, vector<64x1024xf32> -> vector<128x1024xf32>
    %slice3A_14 = vector.extract_strided_slice %get3A_1 {offsets = [64, 0], sizes = [64, 1024], strides = [1, 1]} : vector<128x1024xi32> to vector<64x1024xi32>
    %bitcast_convert_type3A_15 = tpu.bitcast %slice3A_14 : vector<64x1024xi32> -> vector<64x1024xi32>
    %and3A_16 = arith.constant 65535 : i32
    %and3A_17 = vector.broadcast %and3A_16 : i32 to vector<64x1024xi32>
    %and3A_18 = arith.andi %bitcast_convert_type3A_15, %and3A_17 : vector<64x1024xi32>
    %convert_element_type3A_19 = arith.trunci %and3A_18 : vector<64x1024xi32> to vector<64x1024xi16>
    %bitcast_convert_type3A_20 = tpu.bitcast %convert_element_type3A_19 : vector<64x1024xi16> -> vector<64x1024xbf16>
    %convert_element_type3A_21 = arith.extf %bitcast_convert_type3A_20 : vector<64x1024xbf16> to vector<64x1024xf32>
    %shift_right_logical3A_22 = arith.constant 16 : i32
    %shift_right_logical3A_23 = vector.broadcast %shift_right_logical3A_22 : i32 to vector<64x1024xi32>
    %shift_right_logical3A_24 = arith.shrui %bitcast_convert_type3A_15, %shift_right_logical3A_23 : vector<64x1024xi32>
    %convert_element_type3A_25 = arith.trunci %shift_right_logical3A_24 : vector<64x1024xi32> to vector<64x1024xi16>
    %bitcast_convert_type3A_26 = tpu.bitcast %convert_element_type3A_25 : vector<64x1024xi16> -> vector<64x1024xbf16>
    %convert_element_type3A_27 = arith.extf %bitcast_convert_type3A_26 : vector<64x1024xbf16> to vector<64x1024xf32>
    %concatenate3A_28 = tpu.concatenate %convert_element_type3A_21, %convert_element_type3A_27 in 0 : vector<64x1024xf32>, vector<64x1024xf32> -> vector<128x1024xf32>
    %max3A = arith.maximumf %concatenate3A, %concatenate3A_28 : vector<128x1024xf32>
    %add3A = arith.addf %get3A_4, %max3A : vector<128x1024xf32>
    %ge3A = arith.constant 0.000000e+00 : f32
    %ge3A_29 = vector.broadcast %ge3A : f32 to vector<128x1024xf32>
    %ge3A_30 = arith.cmpf oge, %add3A, %ge3A_29 : vector<128x1024xf32>
    %mul3A = arith.constant 2.000000e-01 : f32
    %mul3A_31 = vector.broadcast %mul3A : f32 to vector<128x1024xf32>
    %mul3A_32 = arith.mulf %mul3A_31, %add3A : vector<128x1024xf32>
    %select_n3A = arith.select %ge3A_30, %add3A, %mul3A_32 : vector<128x1024xi1>, vector<128x1024xf32>
    %eq3A = arith.constant 0xFF800000 : f32
    %eq3A_33 = vector.broadcast %eq3A : f32 to vector<128x1024xf32>
    %eq3A_34 = arith.cmpf oeq, %max3A, %eq3A_33 : vector<128x1024xf32>
    %jit3A = arith.constant 0.000000e+00 : f32
    %broadcast_in_dim3A = vector.broadcast %jit3A : f32 to vector<128x1024xf32>
    %select_n3A_35 = arith.select %eq3A_34, %broadcast_in_dim3A, %select_n3A : vector<128x1024xi1>, vector<128x1024xf32>
    %swap3A = arith.constant 0 : index
    %swap3A_36 = arith.constant 0 : index
    %swap3A_37 = vector.load %arg9[%swap3A, %swap3A_36] : memref<128x1024xf32, #tpu.memory_space<vmem>>, vector<128x1024xf32>
    tpu.vector_store %arg9[%swap3A, %swap3A_36], %select_n3A_35 {strides = array<i32>} : memref<128x1024xf32, #tpu.memory_space<vmem>>, vector<128x1024xf32>,
    %get3A_38 = arith.constant 0 : index
    %get3A_39 = arith.constant 0 : index
    %get3A_40 = vector.load %arg1[%get3A_38, %get3A_39] : memref<128x1024xf32, #tpu.memory_space<vmem>>, vector<128x1024xf32>
    %get3A_41 = arith.constant 0 : index
    %get3A_42 = arith.constant 0 : index
    %get3A_43 = vector.load %arg4[%get3A_41, %get3A_42] : memref<128x128xf32, #tpu.memory_space<vmem>>, vector<128x128xf32>
    %dot_general3A = arith.constant dense<0.000000e+00> : vector<128x1024xf32>
    %dot_general3A_44 = tpu.matmul %get3A_43, %get3A_40, %dot_general3A {dimension_numbers = #tpu.dot_dimension_numbers<[1], [0], [0], [1], [0, 0, 1, 1], [], []>, transpose_lhs_hint = false} : vector<128x128xf32>, vector<128x1024xf32>, vector<128x1024xf32> -> vector<128x1024xf32>
    %get3A_45 = arith.constant 0 : index
    %get3A_46 = arith.constant 0 : index
    %get3A_47 = vector.load %arg5[%get3A_45, %get3A_46] : memref<128x128xf32, #tpu.memory_space<vmem>>, vector<128x128xf32>
    %dot_general3A_48 = arith.constant dense<0.000000e+00> : vector<128x1024xf32>
    %dot_general3A_49 = tpu.matmul %get3A_47, %select_n3A_35, %dot_general3A_48 {dimension_numbers = #tpu.dot_dimension_numbers<[1], [0], [0], [1], [0, 0, 1, 1], [], []>, transpose_lhs_hint = false} : vector<128x128xf32>, vector<128x1024xf32>, vector<128x1024xf32> -> vector<128x1024xf32>
    %add3A_50 = arith.addf %dot_general3A_44, %dot_general3A_49 : vector<128x1024xf32>
    %get3A_51 = arith.constant 0 : index
    %get3A_52 = arith.constant 0 : index
    %get3A_53 = vector.load %arg8[%get3A_51, %get3A_52] : memref<128x1xf32, #tpu.memory_space<vmem>>, vector<128x1xf32>
    %add3A_54 = vector.broadcast %get3A_53 : vector<128x1xf32> to vector<128x1024xf32>
    %add3A_55 = arith.addf %add3A_50, %add3A_54 : vector<128x1024xf32>
    %swap3A_56 = arith.constant 0 : index
    %swap3A_57 = arith.constant 0 : index
    %swap3A_58 = vector.load %arg10[%swap3A_56, %swap3A_57] : memref<128x1024xf32, #tpu.memory_space<vmem>>, vector<128x1024xf32>
    tpu.vector_store %arg10[%swap3A_56, %swap3A_57], %add3A_55 {strides = array<i32>} : memref<128x1024xf32, #tpu.memory_space<vmem>>, vector<128x1024xf32>,
    %get3A_59 = arith.constant 0 : index
    %get3A_60 = arith.constant 0 : index
    %get3A_61 = vector.load %arg6[%get3A_59, %get3A_60] : memref<128x128xf32, #tpu.memory_space<vmem>>, vector<128x128xf32>
    %dot_general3A_62 = arith.constant dense<0.000000e+00> : vector<128x1024xf32>
    %dot_general3A_63 = tpu.matmul %get3A_61, %get3A_40, %dot_general3A_62 {dimension_numbers = #tpu.dot_dimension_numbers<[1], [0], [0], [1], [0, 0, 1, 1], [], []>, transpose_lhs_hint = false} : vector<128x128xf32>, vector<128x1024xf32>, vector<128x1024xf32> -> vector<128x1024xf32>
    %get3A_64 = arith.constant 0 : index
    %get3A_65 = arith.constant 0 : index
    %get3A_66 = vector.load %arg7[%get3A_64, %get3A_65] : memref<128x128xf32, #tpu.memory_space<vmem>>, vector<128x128xf32>
    %dot_general3A_67 = arith.constant dense<0.000000e+00> : vector<128x1024xf32>
    %dot_general3A_68 = tpu.matmul %get3A_66, %select_n3A_35, %dot_general3A_67 {dimension_numbers = #tpu.dot_dimension_numbers<[1], [0], [0], [1], [0, 0, 1, 1], [], []>, transpose_lhs_hint = false} : vector<128x128xf32>, vector<128x1024xf32>, vector<128x1024xf32> -> vector<128x1024xf32>
    %add3A_69 = arith.addf %dot_general3A_63, %dot_general3A_68 : vector<128x1024xf32>
    %slice3A_70 = vector.extract_strided_slice %add3A_69 {offsets = [0, 0], sizes = [64, 1024], strides = [1, 1]} : vector<128x1024xf32> to vector<64x1024xf32>
    %slice3A_71 = vector.extract_strided_slice %add3A_69 {offsets = [64, 0], sizes = [64, 1024], strides = [1, 1]} : vector<128x1024xf32> to vector<64x1024xf32>
    %convert_element_type3A_72 = arith.truncf %slice3A_70 : vector<64x1024xf32> to vector<64x1024xbf16>
    %bitcast_convert_type3A_73 = tpu.bitcast %convert_element_type3A_72 : vector<64x1024xbf16> -> vector<64x1024xi16>
    %convert_element_type3A_74 = arith.truncf %slice3A_71 : vector<64x1024xf32> to vector<64x1024xbf16>
    %bitcast_convert_type3A_75 = tpu.bitcast %convert_element_type3A_74 : vector<64x1024xbf16> -> vector<64x1024xi16>
    %convert_element_type3A_76 = arith.extui %bitcast_convert_type3A_73 : vector<64x1024xi16> to vector<64x1024xi32>
    %convert_element_type3A_77 = arith.extui %bitcast_convert_type3A_75 : vector<64x1024xi16> to vector<64x1024xi32>
    %shift_left3A = arith.constant 16 : i32
    %shift_left3A_78 = vector.broadcast %shift_left3A : i32 to vector<64x1024xi32>
    %shift_left3A_79 = arith.shli %convert_element_type3A_77, %shift_left3A_78 : vector<64x1024xi32>
    %or3A = arith.ori %convert_element_type3A_76, %shift_left3A_79 : vector<64x1024xi32>
    %bitcast_convert_type3A_80 = tpu.bitcast %or3A : vector<64x1024xi32> -> vector<64x1024xi32>
    %swap3A_81 = arith.constant 0 : index
    %swap3A_82 = arith.constant 0 : index
    %swap3A_83 = vector.load %arg11[%swap3A_81, %swap3A_82] : memref<64x1024xi32, #tpu.memory_space<vmem>>, vector<64x1024xi32>
    tpu.vector_store %arg11[%swap3A_81, %swap3A_82], %bitcast_convert_type3A_80 {strides = array<i32>} : memref<64x1024xi32, #tpu.memory_space<vmem>>, vector<64x1024xi32>,
    return
  }
  func.func @transform_0(%arg0: i32) -> (i32, i32) {
    %c0_i32 = arith.constant 0 : i32
    %c0_i32_0 = arith.constant 0 : i32
    return %c0_i32, %arg0 : i32, i32
  }
  func.func @transform_1(%arg0: i32) -> (i32, i32) {
    %c0_i32 = arith.constant 0 : i32
    %c0_i32_0 = arith.constant 0 : i32
    return %c0_i32, %arg0 : i32, i32
  }
  func.func @transform_2(%arg0: i32) -> (i32, i32) {
    %c0_i32 = arith.constant 0 : i32
    %c0_i32_0 = arith.constant 0 : i32
    return %c0_i32, %arg0 : i32, i32
  }
  func.func @transform_3(%arg0: i32) -> (i32, i32) {
    %c0_i32 = arith.constant 0 : i32
    %c0_i32_0 = arith.constant 0 : i32
    %c0_i32_1 = arith.constant 0 : i32
    return %c0_i32, %c0_i32_0 : i32, i32
  }
  func.func @transform_4(%arg0: i32) -> (i32, i32) {
    %c0_i32 = arith.constant 0 : i32
    %c0_i32_0 = arith.constant 0 : i32
    %c0_i32_1 = arith.constant 0 : i32
    return %c0_i32, %c0_i32_0 : i32, i32
  }
  func.func @transform_5(%arg0: i32) -> (i32, i32) {
    %c0_i32 = arith.constant 0 : i32
    %c0_i32_0 = arith.constant 0 : i32
    %c0_i32_1 = arith.constant 0 : i32
    return %c0_i32, %c0_i32_0 : i32, i32
  }
  func.func @transform_6(%arg0: i32) -> (i32, i32) {
    %c0_i32 = arith.constant 0 : i32
    %c0_i32_0 = arith.constant 0 : i32
    %c0_i32_1 = arith.constant 0 : i32
    return %c0_i32, %c0_i32_0 : i32, i32
  }
  func.func @transform_7(%arg0: i32) -> (i32, i32) {
    %c0_i32 = arith.constant 0 : i32
    %c0_i32_0 = arith.constant 0 : i32
    %c0_i32_1 = arith.constant 0 : i32
    return %c0_i32, %c0_i32_0 : i32, i32
  }
  func.func @transform_8(%arg0: i32) -> (i32, i32) {
    %c0_i32 = arith.constant 0 : i32
    %c0_i32_0 = arith.constant 0 : i32
    return %c0_i32, %arg0 : i32, i32
  }
  func.func @transform_9(%arg0: i32) -> (i32, i32) {
    %c0_i32 = arith.constant 0 : i32
    %c0_i32_0 = arith.constant 0 : i32
    return %c0_i32, %arg0 : i32, i32
  }
  func.func @transform_10(%arg0: i32) -> (i32, i32) {
    %c0_i32 = arith.constant 0 : i32
    %c0_i32_0 = arith.constant 0 : i32
    return %c0_i32, %arg0 : i32, i32
  }
}

module attributes {stable_mosaic.version = 14 : i64} {
  func.func @_tc3_body(%arg0: i32, %arg1: memref<128x1024xf32, #tpu.memory_space<vmem>>, %arg2: memref<128x1024xf32, #tpu.memory_space<vmem>>, %arg3: memref<128x1024xi32, #tpu.memory_space<vmem>>, %arg4: memref<128x1024xf32, #tpu.memory_space<vmem>>, %arg5: memref<128x128xf32, #tpu.memory_space<vmem>>, %arg6: memref<128x128xf32, #tpu.memory_space<vmem>>, %arg7: memref<128x128xf32, #tpu.memory_space<vmem>>, %arg8: memref<128x1xf32, #tpu.memory_space<vmem>>, %arg9: memref<1024x128xf32, #tpu.memory_space<vmem>>) attributes {dimension_semantics = [#tpu.dimension_semantics<arbitrary>], iteration_bounds = array<i64: 10>, scalar_prefetch = 0 : i64, scratch_operands = 0 : i64, tpu.core_type = #tpu.core_type<tc>, window_params = [{transform_indices = @transform_0, window_bounds = array<i64: 128, 1024>}, {transform_indices = @transform_1, window_bounds = array<i64: 128, 1024>}, {transform_indices = @transform_2, window_bounds = array<i64: 128, 1024>}, {transform_indices = @transform_3, window_bounds = array<i64: 128, 1024>}, {pipeline_mode = #tpu.pipeline_mode<synchronous>, transform_indices = @transform_4, window_bounds = array<i64: 128, 128>}, {pipeline_mode = #tpu.pipeline_mode<synchronous>, transform_indices = @transform_5, window_bounds = array<i64: 128, 128>}, {pipeline_mode = #tpu.pipeline_mode<synchronous>, transform_indices = @transform_6, window_bounds = array<i64: 128, 128>}, {pipeline_mode = #tpu.pipeline_mode<synchronous>, transform_indices = @transform_7, window_bounds = array<i64: 128, 1>}, {transform_indices = @transform_8, window_bounds = array<i64: 1024, 128>}]} {
    %get3A = arith.constant 0 : index
    %get3A_0 = arith.constant 0 : index
    %get3A_1 = vector.load %arg3[%get3A, %get3A_0] : memref<128x1024xi32, #tpu.memory_space<vmem>>, vector<128x1024xi32>
    %get3A_2 = arith.constant 0 : index
    %get3A_3 = arith.constant 0 : index
    %get3A_4 = vector.load %arg4[%get3A_2, %get3A_3] : memref<128x1024xf32, #tpu.memory_space<vmem>>, vector<128x1024xf32>
    %slice3A = vector.extract_strided_slice %get3A_1 {offsets = [0, 0], sizes = [64, 1024], strides = [1, 1]} : vector<128x1024xi32> to vector<64x1024xi32>
    %bitcast_convert_type3A = tpu.bitcast %slice3A : vector<64x1024xi32> -> vector<64x1024xi32>
    %and3A = arith.constant 65535 : i32
    %and3A_5 = vector.broadcast %and3A : i32 to vector<64x1024xi32>
    %and3A_6 = arith.andi %bitcast_convert_type3A, %and3A_5 : vector<64x1024xi32>
    %convert_element_type3A = arith.trunci %and3A_6 : vector<64x1024xi32> to vector<64x1024xi16>
    %bitcast_convert_type3A_7 = tpu.bitcast %convert_element_type3A : vector<64x1024xi16> -> vector<64x1024xbf16>
    %convert_element_type3A_8 = arith.extf %bitcast_convert_type3A_7 : vector<64x1024xbf16> to vector<64x1024xf32>
    %shift_right_logical3A = arith.constant 16 : i32
    %shift_right_logical3A_9 = vector.broadcast %shift_right_logical3A : i32 to vector<64x1024xi32>
    %shift_right_logical3A_10 = arith.shrui %bitcast_convert_type3A, %shift_right_logical3A_9 : vector<64x1024xi32>
    %convert_element_type3A_11 = arith.trunci %shift_right_logical3A_10 : vector<64x1024xi32> to vector<64x1024xi16>
    %bitcast_convert_type3A_12 = tpu.bitcast %convert_element_type3A_11 : vector<64x1024xi16> -> vector<64x1024xbf16>
    %convert_element_type3A_13 = arith.extf %bitcast_convert_type3A_12 : vector<64x1024xbf16> to vector<64x1024xf32>
    %concatenate3A = tpu.concatenate %convert_element_type3A_8, %convert_element_type3A_13 in 0 : vector<64x1024xf32>, vector<64x1024xf32> -> vector<128x1024xf32>
    %slice3A_14 = vector.extract_strided_slice %get3A_1 {offsets = [64, 0], sizes = [64, 1024], strides = [1, 1]} : vector<128x1024xi32> to vector<64x1024xi32>
    %bitcast_convert_type3A_15 = tpu.bitcast %slice3A_14 : vector<64x1024xi32> -> vector<64x1024xi32>
    %and3A_16 = arith.constant 65535 : i32
    %and3A_17 = vector.broadcast %and3A_16 : i32 to vector<64x1024xi32>
    %and3A_18 = arith.andi %bitcast_convert_type3A_15, %and3A_17 : vector<64x1024xi32>
    %convert_element_type3A_19 = arith.trunci %and3A_18 : vector<64x1024xi32> to vector<64x1024xi16>
    %bitcast_convert_type3A_20 = tpu.bitcast %convert_element_type3A_19 : vector<64x1024xi16> -> vector<64x1024xbf16>
    %convert_element_type3A_21 = arith.extf %bitcast_convert_type3A_20 : vector<64x1024xbf16> to vector<64x1024xf32>
    %shift_right_logical3A_22 = arith.constant 16 : i32
    %shift_right_logical3A_23 = vector.broadcast %shift_right_logical3A_22 : i32 to vector<64x1024xi32>
    %shift_right_logical3A_24 = arith.shrui %bitcast_convert_type3A_15, %shift_right_logical3A_23 : vector<64x1024xi32>
    %convert_element_type3A_25 = arith.trunci %shift_right_logical3A_24 : vector<64x1024xi32> to vector<64x1024xi16>
    %bitcast_convert_type3A_26 = tpu.bitcast %convert_element_type3A_25 : vector<64x1024xi16> -> vector<64x1024xbf16>
    %convert_element_type3A_27 = arith.extf %bitcast_convert_type3A_26 : vector<64x1024xbf16> to vector<64x1024xf32>
    %concatenate3A_28 = tpu.concatenate %convert_element_type3A_21, %convert_element_type3A_27 in 0 : vector<64x1024xf32>, vector<64x1024xf32> -> vector<128x1024xf32>
    %max3A = arith.maximumf %concatenate3A, %concatenate3A_28 : vector<128x1024xf32>
    %add3A = arith.addf %get3A_4, %max3A : vector<128x1024xf32>
    %ge3A = arith.constant 0.000000e+00 : f32
    %ge3A_29 = vector.broadcast %ge3A : f32 to vector<128x1024xf32>
    %ge3A_30 = arith.cmpf oge, %add3A, %ge3A_29 : vector<128x1024xf32>
    %mul3A = arith.constant 2.000000e-01 : f32
    %mul3A_31 = vector.broadcast %mul3A : f32 to vector<128x1024xf32>
    %mul3A_32 = arith.mulf %mul3A_31, %add3A : vector<128x1024xf32>
    %select_n3A = arith.select %ge3A_30, %add3A, %mul3A_32 : vector<128x1024xi1>, vector<128x1024xf32>
    %eq3A = arith.constant 0xFF800000 : f32
    %eq3A_33 = vector.broadcast %eq3A : f32 to vector<128x1024xf32>
    %eq3A_34 = arith.cmpf oeq, %max3A, %eq3A_33 : vector<128x1024xf32>
    %jit3A = arith.constant 0.000000e+00 : f32
    %broadcast_in_dim3A = vector.broadcast %jit3A : f32 to vector<128x1024xf32>
    %select_n3A_35 = arith.select %eq3A_34, %broadcast_in_dim3A, %select_n3A : vector<128x1024xi1>, vector<128x1024xf32>
    %get3A_36 = arith.constant 0 : index
    %get3A_37 = arith.constant 0 : index
    %get3A_38 = vector.load %arg1[%get3A_36, %get3A_37] : memref<128x1024xf32, #tpu.memory_space<vmem>>, vector<128x1024xf32>
    %get3A_39 = arith.constant 0 : index
    %get3A_40 = arith.constant 0 : index
    %get3A_41 = vector.load %arg5[%get3A_39, %get3A_40] : memref<128x128xf32, #tpu.memory_space<vmem>>, vector<128x128xf32>
    %dot_general3A = arith.constant dense<0.000000e+00> : vector<128x1024xf32>
    %dot_general3A_42 = tpu.matmul %get3A_41, %get3A_38, %dot_general3A {dimension_numbers = #tpu.dot_dimension_numbers<[1], [0], [0], [1], [0, 0, 1, 1], [], []>, transpose_lhs_hint = false} : vector<128x128xf32>, vector<128x1024xf32>, vector<128x1024xf32> -> vector<128x1024xf32>
    %get3A_43 = arith.constant 0 : index
    %get3A_44 = arith.constant 0 : index
    %get3A_45 = vector.load %arg6[%get3A_43, %get3A_44] : memref<128x128xf32, #tpu.memory_space<vmem>>, vector<128x128xf32>
    %get3A_46 = arith.constant 0 : index
    %get3A_47 = arith.constant 0 : index
    %get3A_48 = vector.load %arg2[%get3A_46, %get3A_47] : memref<128x1024xf32, #tpu.memory_space<vmem>>, vector<128x1024xf32>
    %dot_general3A_49 = arith.constant dense<0.000000e+00> : vector<128x1024xf32>
    %dot_general3A_50 = tpu.matmul %get3A_45, %get3A_48, %dot_general3A_49 {dimension_numbers = #tpu.dot_dimension_numbers<[1], [0], [0], [1], [0, 0, 1, 1], [], []>, transpose_lhs_hint = false} : vector<128x128xf32>, vector<128x1024xf32>, vector<128x1024xf32> -> vector<128x1024xf32>
    %add3A_51 = arith.addf %dot_general3A_42, %dot_general3A_50 : vector<128x1024xf32>
    %get3A_52 = arith.constant 0 : index
    %get3A_53 = arith.constant 0 : index
    %get3A_54 = vector.load %arg7[%get3A_52, %get3A_53] : memref<128x128xf32, #tpu.memory_space<vmem>>, vector<128x128xf32>
    %dot_general3A_55 = arith.constant dense<0.000000e+00> : vector<128x1024xf32>
    %dot_general3A_56 = tpu.matmul %get3A_54, %select_n3A_35, %dot_general3A_55 {dimension_numbers = #tpu.dot_dimension_numbers<[1], [0], [0], [1], [0, 0, 1, 1], [], []>, transpose_lhs_hint = false} : vector<128x128xf32>, vector<128x1024xf32>, vector<128x1024xf32> -> vector<128x1024xf32>
    %add3A_57 = arith.addf %add3A_51, %dot_general3A_56 : vector<128x1024xf32>
    %get3A_58 = arith.constant 0 : index
    %get3A_59 = arith.constant 0 : index
    %get3A_60 = vector.load %arg8[%get3A_58, %get3A_59] : memref<128x1xf32, #tpu.memory_space<vmem>>, vector<128x1xf32>
    %add3A_61 = vector.broadcast %get3A_60 : vector<128x1xf32> to vector<128x1024xf32>
    %add3A_62 = arith.addf %add3A_57, %add3A_61 : vector<128x1024xf32>
    %add3A_63 = arith.addf %add3A_62, %get3A_38 : vector<128x1024xf32>
    %transpose3A = tpu.transpose %add3A_63, [1, 0] : vector<128x1024xf32> -> vector<1024x128xf32>
    %swap3A = arith.constant 0 : index
    %swap3A_64 = arith.constant 0 : index
    %swap3A_65 = vector.load %arg9[%swap3A, %swap3A_64] : memref<1024x128xf32, #tpu.memory_space<vmem>>, vector<1024x128xf32>
    tpu.vector_store %arg9[%swap3A, %swap3A_64], %transpose3A {strides = array<i32>} : memref<1024x128xf32, #tpu.memory_space<vmem>>, vector<1024x128xf32>,
    return
  }
  func.func @transform_0(%arg0: i32) -> (i32, i32) {
    %c0_i32 = arith.constant 0 : i32
    %c0_i32_0 = arith.constant 0 : i32
    return %c0_i32, %arg0 : i32, i32
  }
  func.func @transform_1(%arg0: i32) -> (i32, i32) {
    %c0_i32 = arith.constant 0 : i32
    %c0_i32_0 = arith.constant 0 : i32
    return %c0_i32, %arg0 : i32, i32
  }
  func.func @transform_2(%arg0: i32) -> (i32, i32) {
    %c0_i32 = arith.constant 0 : i32
    %c0_i32_0 = arith.constant 0 : i32
    return %c0_i32, %arg0 : i32, i32
  }
  func.func @transform_3(%arg0: i32) -> (i32, i32) {
    %c0_i32 = arith.constant 0 : i32
    %c0_i32_0 = arith.constant 0 : i32
    return %c0_i32, %arg0 : i32, i32
  }
  func.func @transform_4(%arg0: i32) -> (i32, i32) {
    %c0_i32 = arith.constant 0 : i32
    %c0_i32_0 = arith.constant 0 : i32
    %c0_i32_1 = arith.constant 0 : i32
    return %c0_i32, %c0_i32_0 : i32, i32
  }
  func.func @transform_5(%arg0: i32) -> (i32, i32) {
    %c0_i32 = arith.constant 0 : i32
    %c0_i32_0 = arith.constant 0 : i32
    %c0_i32_1 = arith.constant 0 : i32
    return %c0_i32, %c0_i32_0 : i32, i32
  }
  func.func @transform_6(%arg0: i32) -> (i32, i32) {
    %c0_i32 = arith.constant 0 : i32
    %c0_i32_0 = arith.constant 0 : i32
    %c0_i32_1 = arith.constant 0 : i32
    return %c0_i32, %c0_i32_0 : i32, i32
  }
  func.func @transform_7(%arg0: i32) -> (i32, i32) {
    %c0_i32 = arith.constant 0 : i32
    %c0_i32_0 = arith.constant 0 : i32
    %c0_i32_1 = arith.constant 0 : i32
    return %c0_i32, %c0_i32_0 : i32, i32
  }
  func.func @transform_8(%arg0: i32) -> (i32, i32) {
    %c0_i32 = arith.constant 0 : i32
    %c0_i32_0 = arith.constant 0 : i32
    return %arg0, %c0_i32 : i32, i32
  }
}

</mosaic_0001>

<sc_bundles>
// kernel: kernel.11.cloned.1.call-start
scs
__scs_entry_jumppad:
0x0: {  	(pc) =	sbr.rel $0x88, $3  }
0x1: {  	(tag) =	ssettag $0x0;
	lr =	simm.s32 $0x1  }
0x2: {  	[smem:$0x3F99] =	sst lr;
	_ =	strace $0xD0000000  }
0x3: {  	_ = 	snop  }
0x4: {  	_ = 	snop  }
0x5: {  	_ = 	snop  }
0x6: {  	_ = 	snop  }
0x7: {  	_ = 	snop  }
__scs_overlays_trampoline_lowered:
0x8: {  	[smem:$0x3FA8] =	sst s0  }
0x9: {  	[smem:$0x3FA9] =	sst s1  }
0xa: {  	[smem:$0x3FAA] =	sst s2  }
0xb: {  	[smem:$0x3FAB] =	sst s3  }
0xc: {  	[smem:$0x3FAC] =	sst s4  }
0xd: {  	[smem:$0x3FAD] =	sst s5  }
0xe: {  	[smem:$0x3FAE] =	sst s6  }
0xf: {  	[smem:$0x3FAF] =	sst s7  }
0x10: {  	[smem:$0x3FB0] =	sst s8  }
0x11: {  	[smem:$0x3FB1] =	sst s9;
	s0 =	simm.s32 @!p0 $0x0  }
0x12: {  	s1 =	sld [smem:$0x3F97];
	s0 =	simm.s32 @p0 $0x1  }
0x13: {  	[smem:$0x3FB2] =	sst s0;
	s0 =	simm.s32 @!p1 $0x0  }
0x14: {  	s2 =	sld [smem:$0x3F96];
	s0 =	simm.s32 @p1 $0x1  }
0x15: {  	[smem:$0x3FB3] =	sst s0;
	s0 =	simm.s32 @!p2 $0x0  }
0x16: {  	s3 =	sld [smem:$0x3FDB];
	s0 =	simm.s32 @p2 $0x1  }
0x17: {  	s4 =	simm.s32 $0x1BF5;
	[smem:$0x3FB5] =	sst s0  }
0x18: {  	s0 =	sld [smem:$0x3F98];
	_ =	swait.ge [sflag:s4], $0x0  }
0x19: {  	s7 =	sld [smem:$0x3F99]  }
0x1a: {  	s8 =	sadd.s32 $0xFFFFE003, lr  }
0x1b: {  	s9 =	sadd.s32 $0xFFFFFEF7, lr;
	s5 =	simm.s32 $0xFFFFFFFF;
	p2 =	slt.u32 s8, $0xFFFFF086  }
0x1c: {  	p1 =	slt.u32 s9, $0xF7A;
	s5 =	simm.s32 @!p2 $0x0  }
0x1d: {  	s5 =	simm.s32 @p1 $0x1;
	p0 =	seq.s32 s7, s2  }
0x1e: {  	s7 =	smul.u32 @!p0 $0xF7A, s2;
	p2 =	seq.s32 @!p0 s5, $0x0  }
0x1f: {  	s9 =	smul.u32 $0xF7A, s1;
	s8 =	simm.s32 @!p0 $0x1BF5;
	p2 =	por !p2, p0  }
0x20: {  	[sflag:s8] =	ssyncset.s32 @!p0 $0xFFFFF086;
	s6 =	sadd.s32 @!p0 s3, s7;
	s7 =	simm.s32 @!p0 $0x108  }
0x21: {  	s3 =	sadd.s32 s3, s9;
	s6 =	sadd.s32 @!p0 $0x88, s6;
	s7 =	simm.s32 @p2 $0x1082  }
0x22: {  	[simem:s7], [sflag:s8] =	dma.local @!p0 [hbm:s6], $0xF7A  }
0x23: {  	s9 =	sor.u32 $0xD0000000, s2;
	s6 =	simm.s32 $0x108;
	_ =	swait.ge @!p0 [sflag:s8], $0x0  }
0x24: {  	s3 =	sadd.s32 $0x88, s3;
	s6 =	simm.s32 @!p1 $0x1082;
	[sflag:s4] =	ssyncset.s32 $0xFFFFF086  }
0x25: {  	[simem:s6], [sflag:s4] =	dma.local [hbm:s3], $0xF7A  }
0x26: {  	[smem:$0x3F99] =	sst s1;
	(tag) =	ssettag s2;
	_ =	strace s9  }
0x27: {  	s1 =	sld [smem:$0x3FA9]  }
0x28: {  	s2 =	sld [smem:$0x3FAA]  }
0x29: {  	s4 =	sld [smem:$0x3FAC]  }
0x2a: {  	p0 =	seq.s32 s5, $0x0;
	s5 =	sld [smem:$0x3FAD]  }
0x2b: {  	s6 =	sld [smem:$0x3FAE]  }
0x2c: {  	s7 =	sld [smem:$0x3FAF]  }
0x2d: {  	s3 =	simm.s32 $0x108;
	s8 =	sld [smem:$0x3FB0]  }
0x2e: {  	s3 =	simm.s32 @!p0 $0x1082;
	s9 =	sld [smem:$0x3FB1]  }
0x2f: {  	lr =	sadd.s32 s0, s3;
	s0 =	sld [smem:$0x3FA8]  }
0x30: {  	s3 =	sld [smem:$0x3FAB]  }
0x31: {  	[smem:$0x3FB4] =	sst s10  }
0x32: {  	s10 =	sld [smem:$0x3FB2];
	_ =	sdelay $0x3  }
0x33: {  	p0 =	seq.s32 s10, $0x1;
	s10 =	sld [smem:$0x3FB4];
	_ =	sdelay $0x3  }
0x34: {  	[smem:$0x3FB4] =	sst s10  }
0x35: {  	s10 =	sld [smem:$0x3FB3];
	_ =	sdelay $0x3  }
0x36: {  	p1 =	seq.s32 s10, $0x1;
	s10 =	sld [smem:$0x3FB4];
	_ =	sdelay $0x3  }
0x37: {  	[smem:$0x3FB4] =	sst s10  }
0x38: {  	s10 =	sld [smem:$0x3FB5]  }
0x39: {  	_ = 	snop;
	(pc) =	sbr.ind lr, $3  }
0x3a: {  	_ = 	snop  }
0x3b: {  	_ = 	snop  }
0x3c: {  	p2 =	seq.s32 s10, $0x1;
	s10 =	sld [smem:$0x3FB4]  }
0x3d: {  	_ =	shalt  }
0x3e: {  	_ =	shalt  }
0x3f: {  	_ =	shalt  }
0x40: {  	_ =	shalt  }
0x41: {  	_ =	shalt  }
0x42: {  	_ =	shalt  }
0x43: {  	_ =	shalt  }
0x44: {  	_ =	shalt  }
0x45: {  	_ =	shalt  }
0x46: {  	_ =	shalt  }
0x47: {  	_ =	shalt  }
0x48: {  	_ =	shalt  }
0x49: {  	_ =	shalt  }
0x4a: {  	_ =	shalt  }
0x4b: {  	_ =	shalt  }
0x4c: {  	_ =	shalt  }
0x4d: {  	_ =	shalt  }
0x4e: {  	_ =	shalt  }
0x4f: {  	_ =	shalt  }
0x50: {  	_ =	shalt  }
0x51: {  	_ =	shalt  }
0x52: {  	_ =	shalt  }
0x53: {  	_ =	shalt  }
0x54: {  	_ =	shalt  }
0x55: {  	_ =	shalt  }
0x56: {  	_ =	shalt  }
0x57: {  	_ =	shalt  }
0x58: {  	_ =	shalt  }
0x59: {  	_ =	shalt  }
0x5a: {  	_ =	shalt  }
0x5b: {  	_ =	shalt  }
0x5c: {  	_ =	shalt  }
0x5d: {  	_ =	shalt  }
0x5e: {  	_ =	shalt  }
0x5f: {  	_ =	shalt  }
0x60: {  	_ =	shalt  }
0x61: {  	_ =	shalt  }
0x62: {  	_ =	shalt  }
0x63: {  	_ =	shalt  }
0x64: {  	_ =	shalt  }
0x65: {  	_ =	shalt  }
0x66: {  	_ =	shalt  }
0x67: {  	_ =	shalt  }
0x68: {  	_ =	shalt  }
0x69: {  	_ =	shalt  }
0x6a: {  	_ =	shalt  }
0x6b: {  	_ =	shalt  }
0x6c: {  	_ =	shalt  }
0x6d: {  	_ =	shalt  }
0x6e: {  	_ =	shalt  }
0x6f: {  	_ =	shalt  }
0x70: {  	_ =	shalt  }
0x71: {  	_ =	shalt  }
0x72: {  	_ =	shalt  }
0x73: {  	_ =	shalt  }
0x74: {  	_ =	shalt  }
0x75: {  	_ =	shalt  }
0x76: {  	_ =	shalt  }
0x77: {  	_ =	shalt  }
0x78: {  	_ =	shalt  }
0x79: {  	_ =	shalt  }
0x7a: {  	_ =	shalt  }
0x7b: {  	_ =	shalt  }
0x7c: {  	_ =	shalt  }
0x7d: {  	_ =	shalt  }
0x7e: {  	_ =	shalt  }
0x7f: {  	_ =	shalt  }
0x80: {  	_ =	shalt  }
0x81: {  	_ =	shalt  }
0x82: {  	_ =	shalt  }
0x83: {  	_ =	shalt  }
0x84: {  	_ =	shalt  }
0x85: {  	_ =	shalt  }
0x86: {  	_ =	shalt  }
0x87: {  	_ =	shalt  }
.Lfunc_end0:
.L_simem_size_0:
called_computation.1_lowered:
.L_overlay_start_0:
0x88: {  	s2 =	sld [smem:$0x3FD9]  }
0x89: {  	s3 =	sld [smem:$0x3FFE];
	_ =	sdelay $0x1  }
0x8a: {  	s1 =	srdreg.scid  }
0x8b: {  	s0 =	sand.u32 $0x1, s1  }
0x8c: {  	s17 =	sshll.u32 s0, $0xA;
	s2 =	sadd.s32 s3, s2  }
0x8d: {  	s2 =	sadd.s32 s2, s17  }
0x8e: {  	[smem:$0x3FC0] =	sst s2  }
0x8f: {  	_ = 	snop  }
0x90: {  	s2 =	sld [smem:$0x3FD0];
	(tm) =	ssettm $0x1  }
0x91: {  	s18 =	sld [smem:$0x3FFB];
	_ =	sdelay $0x3  }
0x92: {  	_ =	strace s18  }
0x93: {  	s3 =	sld [smem:$0x3FFC];
	_ =	sdelay $0x3  }
0x94: {  	_ =	strace s3  }
0x95: {  	s3 =	sld [smem:$0x3FFD];
	_ =	sdelay $0x3  }
0x96: {  	_ =	strace s3  }
0x97: {  	_ =	strace $0x8FFFFFFF  }
0x98: {  	s19 =	sld [smem:$0x3FDB];
	_ =	sdelay $0x1  }
0x99: {  	s4 =	simm.s32 $_scs_section_size  }
0x9a: {  	s5 =	simm.s32 $_size__tile_overlayer_lowered;
	s6 =	simm.s32 $_tile_overlayer_lowered  }
0x9b: {  	s22 =	simm.s32 $0x1BFF;
	s21 =	sshll.u32 s6, $0x1;
	s3 =	sadd.s32 s4, s19  }
0x9c: {  	s7 =	simm.s32 $0x0;
	s20 =	sshll.u32 s5, $0x1;
	s5 =	sadd.s32 s21, s3  }
0x9d: {  	[timem:s7], [sflag:s22] =	dma.local [hbm:s5], s20  }
0x9e: {  	_ =	swait.ge [sflag:s22], s20  }
0x9f: {  	s4 =	ssub.s32 $0x0, s20;
	[sflag:s22] =	ssyncset.done $0x0  }
0xa0: {  	[sflag:s22] =	ssyncadd.s32 s4;
	_ =	sdelay $0x1  }
0xa1: {  	s23 =	simm.s32 $0x1B8B  }
0xa2: {  	_ =	swait.ge [sflag:s23], $0x1  }
0xa3: {  	[sflag:s23] =	ssyncset.done $0x0  }
0xa4: {  	s25 =	simm.s32 $0x1B8E;
	s24 =	sld [smem:$0x3FFE];
	[sflag:s23] =	ssyncadd.s32 $0xFFFFFFFF  }
0xa5: {  	s26 =	simm.s32 $execute0_lowered;
	[smem:$0x3FD2] =	sst s25  }
0xa6: {  	s5 =	sshll.u32 s26, $0x1;
	_ =	strace $0x80000049;
	[dreg:$0x1] =	wrdreg $0xFFFFFFFF  }
0xa7: {  	s28 =	simm.s32 $_size_execute0_lowered;
	s3 =	sadd.s32 s3, s5;
	[dreg:$0x0] =	wrdreg $0x0  }
0xa8: {  	s5 =	sshll.u32 s28, $0x1;
	[dreg:$0x2] =	wrdreg s3  }
0xa9: {  	[dreg:$0x3] =	wrdreg s5  }
0xaa: {  	[dreg:$0x4] =	wrdreg $0xC0  }
0xab: {  	_ =	task [dreg:s7], $0x5FFFF  }
0xac: {  	[dreg:$0x1] =	wrdreg $0xFFFFFFFF  }
0xad: {  	[dreg:$0x0] =	wrdreg $0x60  }
0xae: {  	[dreg:$0x2] =	wrdreg s2  }
0xaf: {  	[dreg:$0x3] =	wrdreg s24  }
0xb0: {  	[dreg:$0x4] =	wrdreg $0x9  }
0xb1: {  	_ =	task.clear_ibuf [dreg:s7], $0x5FFFF;
	_ =	strace $0x90000049  }
0xb2: {  	s29 =	simm.s32 $0x9;
	_ =	strace $0x8000004B  }
0xb3: {  	_ =	swait.ge [sflag:s29], $0x1  }
0xb4: {  	[sflag:s29] =	ssyncadd.s32 $0xFFFFFFFF  }
0xb5: {  	_ =	strace $0x9000004B  }
0xb6: {  	_ =	sfence  }
0xb7: {  	s30 =	sld [smem:$0x0];
	_ =	sdelay $0x2  }
0xb8: {  	s31 =	sshll.u32 s1, $0xD;
	s1 =	sshrl.u32 s1, $0x2  }
0xb9: {  	s3 =	sand.u32 $0x4000, s31;
	s1 =	sadd.s32 s1, s30  }
0xba: {  	s0 =	sor.u32 s3, s0;
	s1 =	sshll.u32 s1, $0x11  }
0xbb: {  	s0 =	sor.u32 s1, s0  }
0xbc: {  	s0 =	sadd.s32 $0x8F2B, s0  }
0xbd: {  	[sflag:s0] =	ssyncadd.remote.s32 $0x1  }
0xbe: {  	_ =	sfence.sel $0xFFFF  }
0xbf: {  	[dreg:$0x0] =	wrdreg $0xFFFFFFFF;
	(pc) =	sbr.abs _section_cstart, $3  }
0xc0: {  	[dreg:$0x1] =	wrdreg $0xFFFFFFFF  }
0xc1: {  	_ =	task.clear_ibuf [dreg:s7], $0x2FFFF;
	_ =	strace $0x9FFFFFFF  }
0xc2: {  	(tm) =	ssettm $0x7FFFFFFF  }
0xc3: {  	_ =	shalt  }
tec
execute0_lowered:
.L_overlay_start_1:
0x0: {  	(tag) =	ssettag $0x1  }
0x1: {  	s0 =	srdreg.scid;
	s21 =	rddreg [dreg:$0x0]  }
0x2: {  	s5 =	stileid.u32;
	s4 =	rddreg [dreg:$0x1]  }
0x3: {  	s3 =	simm.s32 $0x1;
	s2 =	simm.s32 $0x0;
	s19 =	simm.s32 $0x16000  }
0x4: {  	s20 =	simm.s32 $0x3;
	s28 =	simm.s32 $0x11800;
	s0 =	sand.u32 $0x1, s0  }
0x5: {  	s29 =	simm.s32 $0x2;
	s30 =	simm.s32 $0x0;
	s1 =	sor.u32 s0, s5  }
0x6: {  	[smem:$0x7FF] =	sst s2;
	p1 =	seq.s32 s0, $0x1;
	p0 =	seq.s32 s1, $0x0  }
0x7: {  	s16 =	sadd.s32 $0x34800, s4;
	_ =	strace $0x8000004A;
	p0 =	por !p0, !p1  }
0x8: {  	s22 =	ssub.s32 $0x2, s0;
	s7 =	smul.u32 $0x5000, s0;
	p0 =	por !p0, !p0  }
0x9: {  	s12 =	smul.u32 $0x14, s0;
	s6 =	sshrl.u32 s22, $0x1;
	s3 =	simm.s32 @!p0 $0x0  }
0xa: {  	s0 =	smul.u32 $0xA0000, s0;
	s17 =	ssub.s32 s22, s6;
	s3 =	ssub.s32 s5, s3  }
0xb: {  	s22 =	simm.s32 $0x5000;
	s10 =	smul.u32 $0xA000, s3;
	s3 =	sadd.s32 $0x2A800, s4  }
0xc: {  	s17 =	smax.u32 s17, $0x1;
	s4 =	simm.s32 $0x1;
	s5 =	sadd.s32 s3, s7  }
0xd: {  	s23 =	sshrl.u32 s10, $0x3;
	s24 =	sadd.s32 $0x400, s5;
	s8 =	sadd.s32 $0x2800, s10  }
0xe: {  	s9 =	sadd.s32 $0x5000, s10;
	s11 =	sadd.s32 $0x7800, s10;
	s0 =	sadd.s32 s0, s10  }
0xf: {  	[dreg:$0x3] =	wrdreg s24;
	s7 =	sadd.s32 s21, s23;
	s8 =	sshrl.u32 s8, $0x3  }
0x10: {  	s9 =	sshrl.u32 s9, $0x3;
	s11 =	sshrl.u32 s11, $0x3;
	s25 =	sshrl.u32 s0, $0x3  }
0x11: {  	s26 =	sadd.s32 $0x2800, s0;
	s15 =	sadd.s32 $0x5000, s0;
	s0 =	sadd.s32 $0x7800, s0  }
0x12: {  	s23 =	simm.s32 $0x7800;
	s24 =	simm.s32 $0xA000;
	s8 =	sadd.s32 s21, s8  }
.Ltmp0:
0x13: {  	s9 =	sadd.s32 s21, s9;
	s10 =	sadd.s32 s21, s11;
	(pc) =	sbr.rel .LBB2_1-.Ltmp0, $4  }
0x14: {  	s11 =	sor.u32 $0x2, s12;
	s12 =	sor.u32 $0x3, s12;
	s13 =	sadd.s32 s16, s25  }
0x15: {  	s1 =	sshrl.u32 s26, $0x3;
	s31 =	sshrl.u32 s15, $0x3;
	s0 =	sshrl.u32 s0, $0x3  }
0x16: {  	s21 =	simm.s32 $0x2800;
	s25 =	simm.s32 $0xC800;
	s26 =	simm.s32 $0xF000  }
0x17: {  	v0 =	vimm.s32 $0xFF80FF80;
	v1 =	vimm.f32 $0.0e+00;
	s14 =	sadd.s32 s16, s1;
	s15 =	sadd.s32 s16, s31;
	s16 =	sadd.s32 s16, s0  }
.LBB2_28:
0x18: {  	[hbm4b:s13+s2] =	stream.linear.scatter [tilespmem:s24], [sflag:$0x3], $0x2800, $0x38;
	[tilespmem:$0x18000] =	vst v63  }
0x19: {  	_ =	swait.ge [sflag:s20], $0x2800  }
0x1a: {  	[sflag:s20] =	ssyncset.done $0x0  }
0x1b: {  	[sflag:s20] =	ssyncadd.s32 $0xFFFFD800  }
0x1c: {  	[hbm4b:s14+s2] =	stream.linear.scatter [tilespmem:s25], [sflag:$0x3], $0x2800, $0x38;
	[tilespmem:$0x18000] =	vst v63  }
0x1d: {  	_ =	swait.ge [sflag:s20], $0x2800  }
0x1e: {  	[sflag:s20] =	ssyncset.done $0x0  }
0x1f: {  	[sflag:s20] =	ssyncadd.s32 $0xFFFFD800  }
0x20: {  	[hbm4b:s15+s2] =	stream.linear.scatter [tilespmem:s26], [sflag:$0x3], $0x2800, $0x38;
	[tilespmem:$0x18000] =	vst v63  }
0x21: {  	s30 =	sadd.s32 $0x1, s30;
	_ =	swait.ge [sflag:s20], $0x2800  }
0x22: {  	p0 =	sne.s32 s30, s17;
	[sflag:s20] =	ssyncset.done $0x0  }
.Ltmp1:
0x23: {  	[sflag:s20] =	ssyncadd.s32 $0xFFFFD800;
	(pc) =	sbr.rel @!p0 .LBB2_29-.Ltmp1, $4  }
0x24: {  	[hbm4b:s16+s2] =	stream.linear.scatter [tilespmem:s28], [sflag:$0x3], $0x2800, $0x38;
	[tilespmem:$0x18000] =	vst v63  }
0x25: {  	_ =	swait.ge [sflag:s20], $0x2800  }
0x26: {  	[sflag:s20] =	ssyncset.done $0x0  }
0x27: {  	[sflag:s20] =	ssyncadd.s32 $0xFFFFD800  }
.LBB2_1:
0x28: {  	s0 =	simm.s32 $0x14000  }
0x29: {  	[tilespmem:s0], [sflag:$0x1] =	stream.linear.gather [hbm4b:s5+s2], $0x2000, $0x38;
	[tilespmem:$0x18000] =	vst v63  }
0x2a: {  	s31 =	rddreg [dreg:$0x3]  }
0x2b: {  	[tilespmem:s19], [sflag:$0x2] =	stream.linear.gather [hbm4b:s31+s2], $0x2000, $0x38;
	[tilespmem:$0x18000] =	vst v63  }
0x2c: {  	_ = 	snop  }
0x2d: {  	[tilespmem:s2], [sflag:$0x3] =	stream.linear.gather [hbm4b:s7+s2], $0x2800, $0x38;
	[tilespmem:$0x18000] =	vst v63  }
0x2e: {  	_ =	swait.ge [sflag:s20], $0x2800  }
0x2f: {  	[sflag:s20] =	ssyncset.done $0x0  }
0x30: {  	[sflag:s20] =	ssyncadd.s32 $0xFFFFD800  }
0x31: {  	[tilespmem:s21], [sflag:$0x3] =	stream.linear.gather [hbm4b:s8+s2], $0x2800, $0x38;
	[tilespmem:$0x18000] =	vst v63  }
0x32: {  	_ =	swait.ge [sflag:s20], $0x2800  }
0x33: {  	[sflag:s20] =	ssyncset.done $0x0  }
0x34: {  	[sflag:s20] =	ssyncadd.s32 $0xFFFFD800  }
0x35: {  	[tilespmem:s22], [sflag:$0x3] =	stream.linear.gather [hbm4b:s9+s2], $0x2800, $0x38;
	[tilespmem:$0x18000] =	vst v63  }
0x36: {  	_ =	swait.ge [sflag:s20], $0x2800  }
0x37: {  	[sflag:s20] =	ssyncset.done $0x0  }
0x38: {  	[sflag:s20] =	ssyncadd.s32 $0xFFFFD800  }
0x39: {  	[tilespmem:s23], [sflag:$0x3] =	stream.linear.gather [hbm4b:s10+s2], $0x2800, $0x38;
	[tilespmem:$0x18000] =	vst v63  }
0x3a: {  	_ =	swait.ge [sflag:s20], $0x2800  }
0x3b: {  	[sflag:s20] =	ssyncset.done $0x0  }
0x3c: {  	s1 =	simm.s32 $0x40;
	s0 =	simm.s32 $0x0;
	[sflag:s20] =	ssyncadd.s32 $0xFFFFD800  }
.LBB2_2:
0x3d: {  	p0 =	sne.s32 s1, $0x9FC0;
	[tilespmem:s0+$0x11800] =	vst v0;
	s18 =	smov.u32 s1;
	s1 =	sadd.s32 $0x40, s1  }
.Ltmp2:
0x3e: {  	[tilespmem:s0+$0xF000] =	vst v0;
	(pc) =	sbr.rel @p0 .LBB2_2-.Ltmp2, $3  }
0x3f: {  	[tilespmem:s0+$0xA000] =	vst v0  }
0x40: {  	[tilespmem:s0+$0xC800] =	vst v0;
	_ =	sdelay $0x1  }
0x41: {  	s0 =	sshra.s32 s18, $0x2  }
0x42: {  	[tilespmem:s0+$0x11800] =	vst v0  }
0x43: {  	[tilespmem:s0+$0xF000] =	vst v0  }
0x44: {  	[tilespmem:s0+$0xA000] =	vst v0  }
0x45: {  	s31 =	simm.s32 $0x0;
	[tilespmem:s0+$0xC800] =	vst v0  }
.LBB2_4:
.Ltmp3:
0x46: {  	(pc) =	sbr.rel .LBB2_5-.Ltmp3, $4  }
0x47: {  	_ = 	snop  }
0x48: {  	_ =	swait.ge [sflag:s4], $0x2000  }
0x49: {  	[sflag:s4] =	ssyncset.done $0x0  }
0x4a: {  	s1 =	simm.s32 $0x0;
	[sflag:s4] =	ssyncadd.s32 $0xFFFFE000  }
.LBB2_14:
0x4b: {  	s1 =	sadd.s32 $0x1, s1  }
0x4c: {  	p0 =	sne.s32 s1, $0x80  }
.Ltmp4:
0x4d: {  	_ = 	snop;
	(pc) =	sbr.rel @!p0 .LBB2_15-.Ltmp4, $1  }
0x4e: {  	_ =	sdelay $0x3  }
.LBB2_5:
0x4f: {  	s0 =	sshll.u32 s1, $0x6  }
0x50: {  	s0 =	sand.u32 $0x3FFFFFC0, s0  }
0x51: {  	v2 =	vld [tilespmem:s0+$0x14000];
	_ =	sdelay $0x4  }
0x52: {  	v3 =	vand.u32 $0xFFFF, v2;
	_ =	sdelay $0x3  }
0x53: {  	v2 =	vshrl.u32 v2, $0x10  }
0x54: {  	v4 =	vld.idx.msk [tilespmem:v3+s2+$0x0], $0xffff  }
0x55: {  	v5 =	vld.idx.msk [tilespmem:v3+s21+$0x0], $0xffff  }
0x56: {  	v6 =	vld.idx.msk [tilespmem:v3+s22+$0x0], $0xffff  }
0x57: {  	v3 =	vld.idx.msk [tilespmem:v3+s23+$0x0], $0xffff  }
0x58: {  	v7 =	vld.idx.msk [tilespmem:v2+s24+$0x0], $0xffff  }
0x59: {  	v8 =	vld.idx.msk [tilespmem:v2+s25+$0x0], $0xffff  }
0x5a: {  	v9 =	vld.idx.msk [tilespmem:v2+s26+$0x0], $0xffff  }
0x5b: {  	v10 =	vld.idx.msk [tilespmem:v2+s28+$0x0], $0xffff;
	_ =	sdelay $0x1  }
0x5c: {  	v4 =	vmax.bf16 v7, v4  }
0x5d: {  	v5 =	vmax.bf16 v8, v5;
	vm2 =	vne.s32 v7, v4  }
0x5e: {  	v6 =	vmax.bf16 v9, v6;
	vm3 =	vne.s32 v8, v5  }
0x5f: {  	v3 =	vmax.bf16 v10, v3;
	vm1 =	vne.s32 v9, v6  }
0x60: {  	vm0 =	vne.s32 v10, v3;
	_ =	sdelay $0x2  }
0x61: {  	[tilespmem:v2+s24+$0x0] =	vst.idx.msk vm2, v4  }
0x62: {  	[tilespmem:v2+s25+$0x0] =	vst.idx.msk vm3, v5  }
0x63: {  	[tilespmem:v2+s26+$0x0] =	vst.idx.msk vm1, v6  }
0x64: {  	[tilespmem:v2+s28+$0x0] =	vst.idx.msk vm0, v3  }
0x65: {  	v3 =	vld [tilespmem:s0+$0x14010];
	_ =	sdelay $0x4  }
0x66: {  	v44 =	vand.u32 $0xFFFF, v3;
	_ =	sdelay $0x3  }
0x67: {  	v3 =	vshrl.u32 v3, $0x10  }
0x68: {  	v5 =	vld.idx.msk [tilespmem:v44+s2+$0x0], $0xffff  }
0x69: {  	v6 =	vld.idx.msk [tilespmem:v44+s21+$0x0], $0xffff  }
0x6a: {  	v45 =	vld.idx.msk [tilespmem:v44+s22+$0x0], $0xffff  }
0x6b: {  	v4 =	vld.idx.msk [tilespmem:v44+s23+$0x0], $0xffff  }
0x6c: {  	v46 =	vld.idx.msk [tilespmem:v3+s24+$0x0], $0xffff  }
0x6d: {  	v47 =	vld.idx.msk [tilespmem:v3+s25+$0x0], $0xffff  }
0x6e: {  	v48 =	vld.idx.msk [tilespmem:v3+s26+$0x0], $0xffff  }
0x6f: {  	v11 =	vld.idx.msk [tilespmem:v3+s28+$0x0], $0xffff;
	_ =	sdelay $0x1  }
0x70: {  	v5 =	vmax.bf16 v46, v5  }
0x71: {  	v6 =	vmax.bf16 v47, v6;
	vm5 =	vne.s32 v46, v5  }
0x72: {  	v7 =	vmax.bf16 v48, v45;
	vm7 =	vne.s32 v47, v6  }
0x73: {  	v4 =	vmax.bf16 v11, v4;
	vm6 =	vne.s32 v48, v7  }
0x74: {  	vm4 =	vne.s32 v11, v4;
	_ =	sdelay $0x2  }
0x75: {  	[tilespmem:v3+s24+$0x0] =	vst.idx.msk vm5, v5  }
0x76: {  	[tilespmem:v3+s25+$0x0] =	vst.idx.msk vm7, v6  }
0x77: {  	[tilespmem:v3+s26+$0x0] =	vst.idx.msk vm6, v7  }
0x78: {  	[tilespmem:v3+s28+$0x0] =	vst.idx.msk vm4, v4  }
0x79: {  	v4 =	vld [tilespmem:s0+$0x14020];
	_ =	sdelay $0x4  }
0x7a: {  	v49 =	vand.u32 $0xFFFF, v4;
	_ =	sdelay $0x3  }
0x7b: {  	v4 =	vshrl.u32 v4, $0x10  }
0x7c: {  	v6 =	vld.idx.msk [tilespmem:v49+s2+$0x0], $0xffff  }
0x7d: {  	v7 =	vld.idx.msk [tilespmem:v49+s21+$0x0], $0xffff  }
0x7e: {  	v50 =	vld.idx.msk [tilespmem:v49+s22+$0x0], $0xffff  }
0x7f: {  	v5 =	vld.idx.msk [tilespmem:v49+s23+$0x0], $0xffff  }
0x80: {  	v51 =	vld.idx.msk [tilespmem:v4+s24+$0x0], $0xffff  }
0x81: {  	v52 =	vld.idx.msk [tilespmem:v4+s25+$0x0], $0xffff  }
0x82: {  	v53 =	vld.idx.msk [tilespmem:v4+s26+$0x0], $0xffff  }
0x83: {  	v12 =	vld.idx.msk [tilespmem:v4+s28+$0x0], $0xffff;
	_ =	sdelay $0x1  }
0x84: {  	v6 =	vmax.bf16 v51, v6  }
0x85: {  	v7 =	vmax.bf16 v52, v7;
	vm8 =	vne.s32 v51, v6  }
0x86: {  	v8 =	vmax.bf16 v53, v50;
	vm11 =	vne.s32 v52, v7  }
0x87: {  	v5 =	vmax.bf16 v12, v5;
	vm9 =	vne.s32 v53, v8  }
0x88: {  	vm10 =	vne.s32 v12, v5;
	_ =	sdelay $0x2  }
0x89: {  	[tilespmem:v4+s24+$0x0] =	vst.idx.msk vm8, v6  }
0x8a: {  	[tilespmem:v4+s25+$0x0] =	vst.idx.msk vm11, v7  }
0x8b: {  	(xrf1) =	vunique.msk.u32 $0xffff, v2;
	[tilespmem:v4+s26+$0x0] =	vst.idx.msk vm9, v8  }
0x8c: {  	[tilespmem:v4+s28+$0x0] =	vst.idx.msk vm10, v5  }
0x8d: {  	(xrf1) =	vunique.msk.u32 $0xffff, v3;
	v2 =	vld [tilespmem:s0+$0x14030];
	_ =	sdelay $0x3  }
0x8e: {  	(xrf1) =	vunique.msk.u32 $0xffff, v4  }
0x8f: {  	v3 =	vshrl.u32 v2, $0x10;
	v2 =	vand.u32 $0xFFFF, v2;
	_ =	sdelay $0x3  }
0x90: {  	(xrf1) =	vunique.msk.u32 $0xffff, v3  }
0x91: {  	v54 =	vld.idx.msk [tilespmem:v2+s2+$0x0], $0xffff  }
0x92: {  	v5 =	vld.idx.msk [tilespmem:v2+s21+$0x0], $0xffff  }
0x93: {  	_, v55, vm12 =	vpop (xrf1);
	v7 =	vld.idx.msk [tilespmem:v2+s22+$0x0], $0xffff  }
0x94: {  	vm2 =	vmor vm2, vm3;
	vm3 =	vmneg vm12;
	vm12 =	vgt.s32 v55, $0x0;
	v2 =	vld.idx.msk [tilespmem:v2+s23+$0x0], $0xffff  }
0x95: {  	vm3 =	vmor vm12, vm3;
	vm1 =	vmor vm2, vm1;
	vm15 =	vmor vm5, vm7;
	_, v56, vm12 =	vpop (xrf1);
	v8 =	vld.idx.msk [tilespmem:v3+s24+$0x0], $0xffff  }
0x96: {  	vm2 =	vmor vm15, vm6;
	vm13 =	vgt.s32 v56, $0x0;
	vm5 =	vmneg vm12;
	v57 =	vld.idx.msk [tilespmem:v3+s25+$0x0], $0xffff  }
0x97: {  	vm0 =	vmor vm1, vm0;
	vm2 =	vmor vm2, vm4;
	vm14 =	vmor vm13, vm5;
	v59 =	vld.idx.msk [tilespmem:v3+s26+$0x0], $0xffff  }
0x98: {  	vm0 =	vmand vm3, vm0;
	vm1 =	vmand vm14, vm2;
	v60 =	vld.idx.msk [tilespmem:v3+s28+$0x0], $0xffff  }
0x99: {  	vm0 =	vmor vm0, vm1;
	_, v58, vm15 =	vpop (xrf1);
	vm11 =	vmor vm8, vm11  }
0x9a: {  	vm7 =	vgt.s32 v58, $0x0;
	vm12 =	vmneg vm15;
	vm1 =	vmor vm11, vm9  }
0x9b: {  	vm2 =	vmor vm7, vm12;
	vm1 =	vmor vm1, vm10  }
0x9c: {  	v4 =	vmax.bf16 v8, v54;
	v5 =	vmax.bf16 v57, v5;
	v62 =	vmax.bf16 v59, v7  }
0x9d: {  	v2 =	vmax.bf16 v60, v2;
	vm3 =	vne.s32 v8, v4;
	vm5 =	vne.s32 v57, v5  }
0x9e: {  	vm7 =	vne.s32 v59, v62;
	vm12 =	vne.s32 v60, v2;
	vm14 =	vmor vm3, vm5;
	_, v61, vm13 =	vpop (xrf1)  }
0x9f: {  	vm6 =	vmor vm14, vm7;
	vm4 =	vmneg vm13;
	vm15 =	vgt.s32 v61, $0x0  }
0xa0: {  	vm1 =	vmand vm2, vm1;
	vm14 =	vmor vm6, vm12;
	vm13 =	vmor vm15, vm4  }
0xa1: {  	vm0 =	vmor vm0, vm1;
	vm15 =	vmand vm13, vm14  }
0xa2: {  	vm0 =	vmor vm0, vm15  }
0xa3: {  	v63 =	vsel vm0, $0x3F800000, v1  }
0xa4: {  	(xrf0) =	vmax.scan.msk.f32 $0xffff, v63;
	_ =	sdelay $0x5  }
0xa5: {  	v7, _, _ =	vpop (xrf0)  }
0xa6: {  	(v2sf) =	vpush v7, $0xF;
	_ =	sdelay $0xe  }
0xa7: {  	s18 =	spop (v2sf)  }
0xa8: {  	p0 =	sgt.f32 s18, $0.0e+00  }
.Ltmp5:
0xa9: {  	_ = 	snop;
	(pc) =	sbr.rel @!p0 .LBB2_14-.Ltmp5, $4  }
0xaa: {  	[tilespmem:v3+s24+$0x0] =	vst.idx.msk vm3, v4  }
0xab: {  	[tilespmem:v3+s25+$0x0] =	vst.idx.msk vm5, v5  }
0xac: {  	[tilespmem:v3+s26+$0x0] =	vst.idx.msk vm7, v62  }
0xad: {  	[tilespmem:v3+s28+$0x0] =	vst.idx.msk vm12, v2  }
0xae: {  	v3 =	vld [tilespmem:s0+$0x14000];
	_ =	sdelay $0x4  }
0xaf: {  	v2 =	vshrl.u32 v3, $0x10  }
0xb0: {  	(xrf1) =	vunique.msk.u32 $0xffff, v2;
	_ =	sdelay $0xd  }
0xb1: {  	_, v4, _ =	vpop (xrf1)  }
0xb2: {  	vm0 =	vgt.s32 v4, $0x0  }
0xb3: {  	v4 =	vsel vm0, $0x3F800000, v1  }
0xb4: {  	(xrf0) =	vmax.scan.msk.f32 $0xffff, v4;
	_ =	sdelay $0x5  }
0xb5: {  	v4, _, _ =	vpop (xrf0)  }
0xb6: {  	(v2sf) =	vpush v4, $0xF;
	_ =	sdelay $0x7  }
0xb7: {  	v6 =	vand.u32 $0xFFFF, v3;
	_ =	sdelay $0x4  }
0xb8: {  	v3 =	vld.idx.msk [tilespmem:v6+s2+$0x0], $0xffff  }
0xb9: {  	v5 =	vld.idx.msk [tilespmem:v6+s22+$0x0], $0xffff  }
0xba: {  	v4 =	vld.idx.msk [tilespmem:v6+s21+$0x0], $0xffff;
	s18 =	spop (v2sf)  }
0xbb: {  	v6 =	vld.idx.msk [tilespmem:v6+s23+$0x0], $0xffff;
	p0 =	sgt.f32 s18, $0.0e+00  }
.LBB2_7:
0xbc: {  	v7 =	vld.idx.msk [tilespmem:v2+s24+$0x0], $0xffff;
	_ =	sdelay $0x4  }
0xbd: {  	v8 =	vmax.bf16 v7, v3  }
0xbe: {  	vm0 =	vne.s32 v7, v8;
	_ =	sdelay $0x5  }
0xbf: {  	[tilespmem:v2+s24+$0x0] =	vst.idx.msk vm0, v8  }
0xc0: {  	v7 =	vld.idx.msk [tilespmem:v2+s25+$0x0], $0xffff;
	_ =	sdelay $0x4  }
0xc1: {  	v8 =	vmax.bf16 v7, v4  }
0xc2: {  	vm1 =	vne.s32 v7, v8;
	_ =	sdelay $0x5  }
0xc3: {  	[tilespmem:v2+s25+$0x0] =	vst.idx.msk vm1, v8  }
0xc4: {  	v7 =	vld.idx.msk [tilespmem:v2+s26+$0x0], $0xffff;
	_ =	sdelay $0x4  }
0xc5: {  	v8 =	vmax.bf16 v7, v5  }
0xc6: {  	vm2 =	vne.s32 v7, v8;
	_ =	sdelay $0x5  }
0xc7: {  	[tilespmem:v2+s26+$0x0] =	vst.idx.msk vm2, v8  }
0xc8: {  	v7 =	vld.idx.msk [tilespmem:v2+s28+$0x0], $0xffff;
	_ =	sdelay $0x4  }
0xc9: {  	vm0 =	vmor vm0, vm1;
	v8 =	vmax.bf16 v7, v6  }
0xca: {  	vm0 =	vmor vm0, vm2;
	vm15 =	vne.s32 v7, v8  }
0xcb: {  	vm0 =	vmor vm0, vm15  }
0xcc: {  	v7 =	vsel vm0, $0x3F800000, v1  }
0xcd: {  	(xrf0) =	vmax.scan.msk.f32 $0xffff, v7;
	_ =	sdelay $0x5  }
0xce: {  	v7, _, _ =	vpop (xrf0)  }
0xcf: {  	(v2sf) =	vpush v7, $0xF;
	_ =	sdelay $0xe  }
0xd0: {  	s18 =	spop (v2sf)  }
0xd1: {  	p1 =	sgt.f32 @p0 s18, $0.0e+00;
	_ =	sdelay $0x1  }
0xd2: {  	p1 =	por !p0, !p1  }
.Ltmp6:
0xd3: {  	_ = 	snop;
	(pc) =	sbr.rel @!p1 .LBB2_7-.Ltmp6, $2  }
0xd4: {  	_ =	sdelay $0x2  }
0xd5: {  	[tilespmem:v2+s28+$0x0] =	vst.idx.msk vm15, v8  }
0xd6: {  	v3 =	vld [tilespmem:s0+$0x14010];
	_ =	sdelay $0x4  }
0xd7: {  	v2 =	vshrl.u32 v3, $0x10  }
0xd8: {  	(xrf1) =	vunique.msk.u32 $0xffff, v2;
	_ =	sdelay $0xd  }
0xd9: {  	_, v4, _ =	vpop (xrf1)  }
0xda: {  	vm0 =	vgt.s32 v4, $0x0  }
0xdb: {  	v4 =	vsel vm0, $0x3F800000, v1  }
0xdc: {  	(xrf0) =	vmax.scan.msk.f32 $0xffff, v4;
	_ =	sdelay $0x5  }
0xdd: {  	v4, _, _ =	vpop (xrf0)  }
0xde: {  	(v2sf) =	vpush v4, $0xF;
	_ =	sdelay $0x7  }
0xdf: {  	v6 =	vand.u32 $0xFFFF, v3;
	_ =	sdelay $0x4  }
0xe0: {  	v3 =	vld.idx.msk [tilespmem:v6+s2+$0x0], $0xffff  }
0xe1: {  	v5 =	vld.idx.msk [tilespmem:v6+s22+$0x0], $0xffff  }
0xe2: {  	v4 =	vld.idx.msk [tilespmem:v6+s21+$0x0], $0xffff;
	s18 =	spop (v2sf)  }
0xe3: {  	v6 =	vld.idx.msk [tilespmem:v6+s23+$0x0], $0xffff;
	p0 =	sgt.f32 s18, $0.0e+00  }
.LBB2_9:
0xe4: {  	v7 =	vld.idx.msk [tilespmem:v2+s24+$0x0], $0xffff;
	_ =	sdelay $0x4  }
0xe5: {  	v8 =	vmax.bf16 v7, v3  }
0xe6: {  	vm0 =	vne.s32 v7, v8;
	_ =	sdelay $0x5  }
0xe7: {  	[tilespmem:v2+s24+$0x0] =	vst.idx.msk vm0, v8  }
0xe8: {  	v7 =	vld.idx.msk [tilespmem:v2+s25+$0x0], $0xffff;
	_ =	sdelay $0x4  }
0xe9: {  	v8 =	vmax.bf16 v7, v4  }
0xea: {  	vm1 =	vne.s32 v7, v8;
	_ =	sdelay $0x5  }
0xeb: {  	[tilespmem:v2+s25+$0x0] =	vst.idx.msk vm1, v8  }
0xec: {  	v7 =	vld.idx.msk [tilespmem:v2+s26+$0x0], $0xffff;
	_ =	sdelay $0x4  }
0xed: {  	v8 =	vmax.bf16 v7, v5  }
0xee: {  	vm2 =	vne.s32 v7, v8;
	_ =	sdelay $0x5  }
0xef: {  	[tilespmem:v2+s26+$0x0] =	vst.idx.msk vm2, v8  }
0xf0: {  	v7 =	vld.idx.msk [tilespmem:v2+s28+$0x0], $0xffff;
	_ =	sdelay $0x4  }
0xf1: {  	vm0 =	vmor vm0, vm1;
	v8 =	vmax.bf16 v7, v6  }
0xf2: {  	vm0 =	vmor vm0, vm2;
	vm15 =	vne.s32 v7, v8  }
0xf3: {  	vm0 =	vmor vm0, vm15  }
0xf4: {  	v7 =	vsel vm0, $0x3F800000, v1  }
0xf5: {  	(xrf0) =	vmax.scan.msk.f32 $0xffff, v7;
	_ =	sdelay $0x5  }
0xf6: {  	v7, _, _ =	vpop (xrf0)  }
0xf7: {  	(v2sf) =	vpush v7, $0xF;
	_ =	sdelay $0xe  }
0xf8: {  	s18 =	spop (v2sf)  }
0xf9: {  	p1 =	sgt.f32 @p0 s18, $0.0e+00;
	_ =	sdelay $0x1  }
0xfa: {  	p1 =	por !p0, !p1  }
.Ltmp7:
0xfb: {  	_ = 	snop;
	(pc) =	sbr.rel @!p1 .LBB2_9-.Ltmp7, $2  }
0xfc: {  	_ =	sdelay $0x2  }
0xfd: {  	[tilespmem:v2+s28+$0x0] =	vst.idx.msk vm15, v8  }
0xfe: {  	v3 =	vld [tilespmem:s0+$0x14020];
	_ =	sdelay $0x4  }
0xff: {  	v2 =	vshrl.u32 v3, $0x10  }
0x100: {  	(xrf1) =	vunique.msk.u32 $0xffff, v2;
	_ =	sdelay $0xd  }
0x101: {  	_, v4, _ =	vpop (xrf1)  }
0x102: {  	vm0 =	vgt.s32 v4, $0x0  }
0x103: {  	v4 =	vsel vm0, $0x3F800000, v1  }
0x104: {  	(xrf0) =	vmax.scan.msk.f32 $0xffff, v4;
	_ =	sdelay $0x5  }
0x105: {  	v4, _, _ =	vpop (xrf0)  }
0x106: {  	(v2sf) =	vpush v4, $0xF;
	_ =	sdelay $0x7  }
0x107: {  	v6 =	vand.u32 $0xFFFF, v3;
	_ =	sdelay $0x4  }
0x108: {  	v3 =	vld.idx.msk [tilespmem:v6+s2+$0x0], $0xffff  }
0x109: {  	v5 =	vld.idx.msk [tilespmem:v6+s22+$0x0], $0xffff  }
0x10a: {  	v4 =	vld.idx.msk [tilespmem:v6+s21+$0x0], $0xffff;
	s18 =	spop (v2sf)  }
0x10b: {  	v6 =	vld.idx.msk [tilespmem:v6+s23+$0x0], $0xffff;
	p0 =	sgt.f32 s18, $0.0e+00  }
.LBB2_11:
0x10c: {  	v7 =	vld.idx.msk [tilespmem:v2+s24+$0x0], $0xffff;
	_ =	sdelay $0x4  }
0x10d: {  	v8 =	vmax.bf16 v7, v3  }
0x10e: {  	vm0 =	vne.s32 v7, v8;
	_ =	sdelay $0x5  }
0x10f: {  	[tilespmem:v2+s24+$0x0] =	vst.idx.msk vm0, v8  }
0x110: {  	v7 =	vld.idx.msk [tilespmem:v2+s25+$0x0], $0xffff;
	_ =	sdelay $0x4  }
0x111: {  	v8 =	vmax.bf16 v7, v4  }
0x112: {  	vm1 =	vne.s32 v7, v8;
	_ =	sdelay $0x5  }
0x113: {  	[tilespmem:v2+s25+$0x0] =	vst.idx.msk vm1, v8  }
0x114: {  	v7 =	vld.idx.msk [tilespmem:v2+s26+$0x0], $0xffff;
	_ =	sdelay $0x4  }
0x115: {  	v8 =	vmax.bf16 v7, v5  }
0x116: {  	vm2 =	vne.s32 v7, v8;
	_ =	sdelay $0x5  }
0x117: {  	[tilespmem:v2+s26+$0x0] =	vst.idx.msk vm2, v8  }
0x118: {  	v7 =	vld.idx.msk [tilespmem:v2+s28+$0x0], $0xffff;
	_ =	sdelay $0x4  }
0x119: {  	vm0 =	vmor vm0, vm1;
	v8 =	vmax.bf16 v7, v6  }
0x11a: {  	vm0 =	vmor vm0, vm2;
	vm15 =	vne.s32 v7, v8  }
0x11b: {  	vm0 =	vmor vm0, vm15  }
0x11c: {  	v7 =	vsel vm0, $0x3F800000, v1  }
0x11d: {  	(xrf0) =	vmax.scan.msk.f32 $0xffff, v7;
	_ =	sdelay $0x5  }
0x11e: {  	v7, _, _ =	vpop (xrf0)  }
0x11f: {  	(v2sf) =	vpush v7, $0xF;
	_ =	sdelay $0xe  }
0x120: {  	s18 =	spop (v2sf)  }
0x121: {  	p1 =	sgt.f32 @p0 s18, $0.0e+00;
	_ =	sdelay $0x1  }
0x122: {  	p1 =	por !p0, !p1  }
.Ltmp8:
0x123: {  	_ = 	snop;
	(pc) =	sbr.rel @!p1 .LBB2_11-.Ltmp8, $2  }
0x124: {  	_ =	sdelay $0x2  }
0x125: {  	[tilespmem:v2+s28+$0x0] =	vst.idx.msk vm15, v8  }
0x126: {  	v3 =	vld [tilespmem:s0+$0x14030];
	_ =	sdelay $0x4  }
0x127: {  	v2 =	vshrl.u32 v3, $0x10  }
0x128: {  	(xrf1) =	vunique.msk.u32 $0xffff, v2;
	_ =	sdelay $0xd  }
0x129: {  	_, v4, _ =	vpop (xrf1)  }
0x12a: {  	vm0 =	vgt.s32 v4, $0x0  }
0x12b: {  	v4 =	vsel vm0, $0x3F800000, v1  }
0x12c: {  	(xrf0) =	vmax.scan.msk.f32 $0xffff, v4;
	_ =	sdelay $0x5  }
0x12d: {  	v4, _, _ =	vpop (xrf0)  }
0x12e: {  	(v2sf) =	vpush v4, $0xF;
	_ =	sdelay $0x7  }
0x12f: {  	v6 =	vand.u32 $0xFFFF, v3;
	_ =	sdelay $0x4  }
0x130: {  	v3 =	vld.idx.msk [tilespmem:v6+s2+$0x0], $0xffff  }
0x131: {  	v5 =	vld.idx.msk [tilespmem:v6+s22+$0x0], $0xffff  }
0x132: {  	v4 =	vld.idx.msk [tilespmem:v6+s21+$0x0], $0xffff;
	s18 =	spop (v2sf)  }
0x133: {  	v6 =	vld.idx.msk [tilespmem:v6+s23+$0x0], $0xffff;
	p0 =	sgt.f32 s18, $0.0e+00  }
.LBB2_13:
0x134: {  	v7 =	vld.idx.msk [tilespmem:v2+s24+$0x0], $0xffff;
	_ =	sdelay $0x4  }
0x135: {  	v8 =	vmax.bf16 v7, v3  }
0x136: {  	vm0 =	vne.s32 v7, v8;
	_ =	sdelay $0x5  }
0x137: {  	[tilespmem:v2+s24+$0x0] =	vst.idx.msk vm0, v8  }
0x138: {  	v7 =	vld.idx.msk [tilespmem:v2+s25+$0x0], $0xffff;
	_ =	sdelay $0x4  }
0x139: {  	v8 =	vmax.bf16 v7, v4  }
0x13a: {  	vm1 =	vne.s32 v7, v8;
	_ =	sdelay $0x5  }
0x13b: {  	[tilespmem:v2+s25+$0x0] =	vst.idx.msk vm1, v8  }
0x13c: {  	v7 =	vld.idx.msk [tilespmem:v2+s26+$0x0], $0xffff;
	_ =	sdelay $0x4  }
0x13d: {  	v8 =	vmax.bf16 v7, v5  }
0x13e: {  	vm2 =	vne.s32 v7, v8;
	_ =	sdelay $0x5  }
0x13f: {  	[tilespmem:v2+s26+$0x0] =	vst.idx.msk vm2, v8  }
0x140: {  	v7 =	vld.idx.msk [tilespmem:v2+s28+$0x0], $0xffff;
	_ =	sdelay $0x4  }
0x141: {  	vm0 =	vmor vm0, vm1;
	v8 =	vmax.bf16 v7, v6  }
0x142: {  	vm0 =	vmor vm0, vm2;
	vm15 =	vne.s32 v7, v8  }
0x143: {  	vm0 =	vmor vm0, vm15  }
0x144: {  	v7 =	vsel vm0, $0x3F800000, v1  }
0x145: {  	(xrf0) =	vmax.scan.msk.f32 $0xffff, v7;
	_ =	sdelay $0x5  }
0x146: {  	v7, _, _ =	vpop (xrf0)  }
0x147: {  	(v2sf) =	vpush v7, $0xF;
	_ =	sdelay $0xe  }
0x148: {  	s0 =	spop (v2sf)  }
0x149: {  	p1 =	sgt.f32 @p0 s0, $0.0e+00;
	_ =	sdelay $0x1  }
0x14a: {  	p1 =	por !p0, !p1  }
.Ltmp9:
0x14b: {  	_ = 	snop;
	(pc) =	sbr.rel @!p1 .LBB2_13-.Ltmp9, $2  }
0x14c: {  	_ =	sdelay $0x2  }
0x14d: {  	[tilespmem:v2+s28+$0x0] =	vst.idx.msk vm15, v8  }
.Ltmp10:
0x14e: {  	_ = 	snop;
	(pc) =	sbr.rel .LBB2_14-.Ltmp10, $1  }
0x14f: {  	_ =	sdelay $0x3  }
.LBB2_15:
0x150: {  	s1 =	sshll.u32 s31, $0x1;
	p0 =	seq.s32 s31, $0x9  }
0x151: {  	s0 =	sadd.s32 @!p0 s1, s11  }
0x152: {  	s18 =	simm.s32 @!p0 $0x0;
	s0 =	sshll.u32 @!p0 s0, $0xA  }
.Ltmp11:
0x153: {  	s6 =	simm.s32 @!p0 $0x14000;
	s0 =	sadd.s32 @!p0 s3, s0;
	(pc) =	sbr.rel .LBB2_16-.Ltmp11, $4  }
0x154: {  	[tilespmem:s6], [sflag:$0x1] =	stream.linear.gather @!p0 [hbm4b:s0+s18], $0x2000, $0x38;
	[tilespmem:$0x18000] =	vst v63  }
0x155: {  	_ =	swait.ge [sflag:s29], $0x2000  }
0x156: {  	[sflag:s29] =	ssyncset.done $0x0  }
0x157: {  	s0 =	simm.s32 $0x0;
	[sflag:s29] =	ssyncadd.s32 $0xFFFFE000  }
.LBB2_25:
0x158: {  	s0 =	sadd.s32 $0x1, s0  }
0x159: {  	p1 =	sne.s32 s0, $0x80  }
.Ltmp12:
0x15a: {  	_ = 	snop;
	(pc) =	sbr.rel @!p1 .LBB2_26-.Ltmp12, $1  }
0x15b: {  	_ =	sdelay $0x3  }
.LBB2_16:
0x15c: {  	s6 =	sshll.u32 s0, $0x6  }
0x15d: {  	s18 =	sand.u32 $0x3FFFFFC0, s6  }
0x15e: {  	v2 =	vld [tilespmem:s18+$0x16000];
	_ =	sdelay $0x4  }
0x15f: {  	v3 =	vand.u32 $0xFFFF, v2;
	_ =	sdelay $0x3  }
0x160: {  	v2 =	vshrl.u32 v2, $0x10  }
0x161: {  	v4 =	vld.idx.msk [tilespmem:v3+s2+$0x0], $0xffff  }
0x162: {  	v5 =	vld.idx.msk [tilespmem:v3+s21+$0x0], $0xffff  }
0x163: {  	v6 =	vld.idx.msk [tilespmem:v3+s22+$0x0], $0xffff  }
0x164: {  	v3 =	vld.idx.msk [tilespmem:v3+s23+$0x0], $0xffff  }
0x165: {  	v7 =	vld.idx.msk [tilespmem:v2+s24+$0x0], $0xffff  }
0x166: {  	v8 =	vld.idx.msk [tilespmem:v2+s25+$0x0], $0xffff  }
0x167: {  	v9 =	vld.idx.msk [tilespmem:v2+s26+$0x0], $0xffff  }
0x168: {  	v10 =	vld.idx.msk [tilespmem:v2+s28+$0x0], $0xffff;
	_ =	sdelay $0x1  }
0x169: {  	v4 =	vmax.bf16 v7, v4  }
0x16a: {  	v5 =	vmax.bf16 v8, v5;
	vm2 =	vne.s32 v7, v4  }
0x16b: {  	v6 =	vmax.bf16 v9, v6;
	vm3 =	vne.s32 v8, v5  }
0x16c: {  	v3 =	vmax.bf16 v10, v3;
	vm1 =	vne.s32 v9, v6  }
0x16d: {  	vm0 =	vne.s32 v10, v3;
	_ =	sdelay $0x2  }
0x16e: {  	[tilespmem:v2+s24+$0x0] =	vst.idx.msk vm2, v4  }
0x16f: {  	[tilespmem:v2+s25+$0x0] =	vst.idx.msk vm3, v5  }
0x170: {  	[tilespmem:v2+s26+$0x0] =	vst.idx.msk vm1, v6  }
0x171: {  	[tilespmem:v2+s28+$0x0] =	vst.idx.msk vm0, v3  }
0x172: {  	v3 =	vld [tilespmem:s18+$0x16010];
	_ =	sdelay $0x4  }
0x173: {  	v44 =	vand.u32 $0xFFFF, v3;
	_ =	sdelay $0x3  }
0x174: {  	v3 =	vshrl.u32 v3, $0x10  }
0x175: {  	v5 =	vld.idx.msk [tilespmem:v44+s2+$0x0], $0xffff  }
0x176: {  	v6 =	vld.idx.msk [tilespmem:v44+s21+$0x0], $0xffff  }
0x177: {  	v45 =	vld.idx.msk [tilespmem:v44+s22+$0x0], $0xffff  }
0x178: {  	v4 =	vld.idx.msk [tilespmem:v44+s23+$0x0], $0xffff  }
0x179: {  	v46 =	vld.idx.msk [tilespmem:v3+s24+$0x0], $0xffff  }
0x17a: {  	v47 =	vld.idx.msk [tilespmem:v3+s25+$0x0], $0xffff  }
0x17b: {  	v48 =	vld.idx.msk [tilespmem:v3+s26+$0x0], $0xffff  }
0x17c: {  	v11 =	vld.idx.msk [tilespmem:v3+s28+$0x0], $0xffff;
	_ =	sdelay $0x1  }
0x17d: {  	v5 =	vmax.bf16 v46, v5  }
0x17e: {  	v6 =	vmax.bf16 v47, v6;
	vm5 =	vne.s32 v46, v5  }
0x17f: {  	v7 =	vmax.bf16 v48, v45;
	vm7 =	vne.s32 v47, v6  }
0x180: {  	v4 =	vmax.bf16 v11, v4;
	vm6 =	vne.s32 v48, v7  }
0x181: {  	vm4 =	vne.s32 v11, v4;
	_ =	sdelay $0x2  }
0x182: {  	[tilespmem:v3+s24+$0x0] =	vst.idx.msk vm5, v5  }
0x183: {  	[tilespmem:v3+s25+$0x0] =	vst.idx.msk vm7, v6  }
0x184: {  	[tilespmem:v3+s26+$0x0] =	vst.idx.msk vm6, v7  }
0x185: {  	[tilespmem:v3+s28+$0x0] =	vst.idx.msk vm4, v4  }
0x186: {  	v4 =	vld [tilespmem:s18+$0x16020];
	_ =	sdelay $0x4  }
0x187: {  	v49 =	vand.u32 $0xFFFF, v4;
	_ =	sdelay $0x3  }
0x188: {  	v4 =	vshrl.u32 v4, $0x10  }
0x189: {  	v6 =	vld.idx.msk [tilespmem:v49+s2+$0x0], $0xffff  }
0x18a: {  	v7 =	vld.idx.msk [tilespmem:v49+s21+$0x0], $0xffff  }
0x18b: {  	v50 =	vld.idx.msk [tilespmem:v49+s22+$0x0], $0xffff  }
0x18c: {  	v5 =	vld.idx.msk [tilespmem:v49+s23+$0x0], $0xffff  }
0x18d: {  	v51 =	vld.idx.msk [tilespmem:v4+s24+$0x0], $0xffff  }
0x18e: {  	v52 =	vld.idx.msk [tilespmem:v4+s25+$0x0], $0xffff  }
0x18f: {  	v53 =	vld.idx.msk [tilespmem:v4+s26+$0x0], $0xffff  }
0x190: {  	v12 =	vld.idx.msk [tilespmem:v4+s28+$0x0], $0xffff;
	_ =	sdelay $0x1  }
0x191: {  	v6 =	vmax.bf16 v51, v6  }
0x192: {  	v7 =	vmax.bf16 v52, v7;
	vm8 =	vne.s32 v51, v6  }
0x193: {  	v8 =	vmax.bf16 v53, v50;
	vm11 =	vne.s32 v52, v7  }
0x194: {  	v5 =	vmax.bf16 v12, v5;
	vm9 =	vne.s32 v53, v8  }
0x195: {  	vm10 =	vne.s32 v12, v5;
	_ =	sdelay $0x2  }
0x196: {  	[tilespmem:v4+s24+$0x0] =	vst.idx.msk vm8, v6  }
0x197: {  	[tilespmem:v4+s25+$0x0] =	vst.idx.msk vm11, v7  }
0x198: {  	(xrf1) =	vunique.msk.u32 $0xffff, v2;
	[tilespmem:v4+s26+$0x0] =	vst.idx.msk vm9, v8  }
0x199: {  	[tilespmem:v4+s28+$0x0] =	vst.idx.msk vm10, v5  }
0x19a: {  	(xrf1) =	vunique.msk.u32 $0xffff, v3;
	v2 =	vld [tilespmem:s18+$0x16030];
	_ =	sdelay $0x3  }
0x19b: {  	(xrf1) =	vunique.msk.u32 $0xffff, v4  }
0x19c: {  	v3 =	vshrl.u32 v2, $0x10;
	v2 =	vand.u32 $0xFFFF, v2;
	_ =	sdelay $0x3  }
0x19d: {  	(xrf1) =	vunique.msk.u32 $0xffff, v3  }
0x19e: {  	v54 =	vld.idx.msk [tilespmem:v2+s2+$0x0], $0xffff  }
0x19f: {  	v5 =	vld.idx.msk [tilespmem:v2+s21+$0x0], $0xffff  }
0x1a0: {  	_, v55, vm12 =	vpop (xrf1);
	v7 =	vld.idx.msk [tilespmem:v2+s22+$0x0], $0xffff  }
0x1a1: {  	vm2 =	vmor vm2, vm3;
	vm3 =	vmneg vm12;
	vm12 =	vgt.s32 v55, $0x0;
	v2 =	vld.idx.msk [tilespmem:v2+s23+$0x0], $0xffff  }
0x1a2: {  	vm3 =	vmor vm12, vm3;
	vm1 =	vmor vm2, vm1;
	vm15 =	vmor vm5, vm7;
	_, v56, vm12 =	vpop (xrf1);
	v8 =	vld.idx.msk [tilespmem:v3+s24+$0x0], $0xffff  }
0x1a3: {  	vm2 =	vmor vm15, vm6;
	vm13 =	vgt.s32 v56, $0x0;
	vm5 =	vmneg vm12;
	v57 =	vld.idx.msk [tilespmem:v3+s25+$0x0], $0xffff  }
0x1a4: {  	vm0 =	vmor vm1, vm0;
	vm2 =	vmor vm2, vm4;
	vm14 =	vmor vm13, vm5;
	v59 =	vld.idx.msk [tilespmem:v3+s26+$0x0], $0xffff  }
0x1a5: {  	vm0 =	vmand vm3, vm0;
	vm1 =	vmand vm14, vm2;
	v60 =	vld.idx.msk [tilespmem:v3+s28+$0x0], $0xffff  }
0x1a6: {  	vm0 =	vmor vm0, vm1;
	_, v58, vm15 =	vpop (xrf1);
	vm11 =	vmor vm8, vm11  }
0x1a7: {  	vm7 =	vgt.s32 v58, $0x0;
	vm12 =	vmneg vm15;
	vm1 =	vmor vm11, vm9  }
0x1a8: {  	vm2 =	vmor vm7, vm12;
	vm1 =	vmor vm1, vm10  }
0x1a9: {  	v4 =	vmax.bf16 v8, v54;
	v5 =	vmax.bf16 v57, v5;
	v62 =	vmax.bf16 v59, v7  }
0x1aa: {  	v2 =	vmax.bf16 v60, v2;
	vm3 =	vne.s32 v8, v4;
	vm5 =	vne.s32 v57, v5  }
0x1ab: {  	vm7 =	vne.s32 v59, v62;
	vm12 =	vne.s32 v60, v2;
	vm14 =	vmor vm3, vm5;
	_, v61, vm13 =	vpop (xrf1)  }
0x1ac: {  	vm6 =	vmor vm14, vm7;
	vm4 =	vmneg vm13;
	vm15 =	vgt.s32 v61, $0x0  }
0x1ad: {  	vm1 =	vmand vm2, vm1;
	vm14 =	vmor vm6, vm12;
	vm13 =	vmor vm15, vm4  }
0x1ae: {  	vm0 =	vmor vm0, vm1;
	vm15 =	vmand vm13, vm14  }
0x1af: {  	vm0 =	vmor vm0, vm15  }
0x1b0: {  	v63 =	vsel vm0, $0x3F800000, v1  }
0x1b1: {  	(xrf0) =	vmax.scan.msk.f32 $0xffff, v63;
	_ =	sdelay $0x5  }
0x1b2: {  	v7, _, _ =	vpop (xrf0)  }
0x1b3: {  	(v2sf) =	vpush v7, $0xF;
	_ =	sdelay $0xe  }
0x1b4: {  	s6 =	spop (v2sf)  }
0x1b5: {  	p1 =	sgt.f32 s6, $0.0e+00  }
.Ltmp13:
0x1b6: {  	_ = 	snop;
	(pc) =	sbr.rel @!p1 .LBB2_25-.Ltmp13, $4  }
0x1b7: {  	[tilespmem:v3+s24+$0x0] =	vst.idx.msk vm3, v4  }
0x1b8: {  	[tilespmem:v3+s25+$0x0] =	vst.idx.msk vm5, v5  }
0x1b9: {  	[tilespmem:v3+s26+$0x0] =	vst.idx.msk vm7, v62  }
0x1ba: {  	[tilespmem:v3+s28+$0x0] =	vst.idx.msk vm12, v2  }
0x1bb: {  	v3 =	vld [tilespmem:s18+$0x16000];
	_ =	sdelay $0x4  }
0x1bc: {  	v2 =	vshrl.u32 v3, $0x10  }
0x1bd: {  	(xrf1) =	vunique.msk.u32 $0xffff, v2;
	_ =	sdelay $0xd  }
0x1be: {  	_, v4, _ =	vpop (xrf1)  }
0x1bf: {  	vm0 =	vgt.s32 v4, $0x0  }
0x1c0: {  	v4 =	vsel vm0, $0x3F800000, v1  }
0x1c1: {  	(xrf0) =	vmax.scan.msk.f32 $0xffff, v4;
	_ =	sdelay $0x5  }
0x1c2: {  	v4, _, _ =	vpop (xrf0)  }
0x1c3: {  	(v2sf) =	vpush v4, $0xF;
	_ =	sdelay $0x7  }
0x1c4: {  	v6 =	vand.u32 $0xFFFF, v3;
	_ =	sdelay $0x4  }
0x1c5: {  	v3 =	vld.idx.msk [tilespmem:v6+s2+$0x0], $0xffff  }
0x1c6: {  	v5 =	vld.idx.msk [tilespmem:v6+s22+$0x0], $0xffff  }
0x1c7: {  	v4 =	vld.idx.msk [tilespmem:v6+s21+$0x0], $0xffff;
	s6 =	spop (v2sf)  }
0x1c8: {  	v6 =	vld.idx.msk [tilespmem:v6+s23+$0x0], $0xffff;
	p1 =	sgt.f32 s6, $0.0e+00  }
.LBB2_18:
0x1c9: {  	v7 =	vld.idx.msk [tilespmem:v2+s24+$0x0], $0xffff;
	_ =	sdelay $0x4  }
0x1ca: {  	v8 =	vmax.bf16 v7, v3  }
0x1cb: {  	vm0 =	vne.s32 v7, v8;
	_ =	sdelay $0x5  }
0x1cc: {  	[tilespmem:v2+s24+$0x0] =	vst.idx.msk vm0, v8  }
0x1cd: {  	v7 =	vld.idx.msk [tilespmem:v2+s25+$0x0], $0xffff;
	_ =	sdelay $0x4  }
0x1ce: {  	v8 =	vmax.bf16 v7, v4  }
0x1cf: {  	vm1 =	vne.s32 v7, v8;
	_ =	sdelay $0x5  }
0x1d0: {  	[tilespmem:v2+s25+$0x0] =	vst.idx.msk vm1, v8  }
0x1d1: {  	v7 =	vld.idx.msk [tilespmem:v2+s26+$0x0], $0xffff;
	_ =	sdelay $0x4  }
0x1d2: {  	v8 =	vmax.bf16 v7, v5  }
0x1d3: {  	vm2 =	vne.s32 v7, v8;
	_ =	sdelay $0x5  }
0x1d4: {  	[tilespmem:v2+s26+$0x0] =	vst.idx.msk vm2, v8  }
0x1d5: {  	v7 =	vld.idx.msk [tilespmem:v2+s28+$0x0], $0xffff;
	_ =	sdelay $0x4  }
0x1d6: {  	vm0 =	vmor vm0, vm1;
	v8 =	vmax.bf16 v7, v6  }
0x1d7: {  	vm0 =	vmor vm0, vm2;
	vm15 =	vne.s32 v7, v8  }
0x1d8: {  	vm0 =	vmor vm0, vm15  }
0x1d9: {  	v7 =	vsel vm0, $0x3F800000, v1  }
0x1da: {  	(xrf0) =	vmax.scan.msk.f32 $0xffff, v7;
	_ =	sdelay $0x5  }
0x1db: {  	v7, _, _ =	vpop (xrf0)  }
0x1dc: {  	(v2sf) =	vpush v7, $0xF;
	_ =	sdelay $0xe  }
0x1dd: {  	s6 =	spop (v2sf)  }
0x1de: {  	p2 =	sgt.f32 @p1 s6, $0.0e+00;
	_ =	sdelay $0x1  }
0x1df: {  	p2 =	por !p1, !p2  }
.Ltmp14:
0x1e0: {  	_ = 	snop;
	(pc) =	sbr.rel @!p2 .LBB2_18-.Ltmp14, $2  }
0x1e1: {  	_ =	sdelay $0x2  }
0x1e2: {  	[tilespmem:v2+s28+$0x0] =	vst.idx.msk vm15, v8  }
0x1e3: {  	v3 =	vld [tilespmem:s18+$0x16010];
	_ =	sdelay $0x4  }
0x1e4: {  	v2 =	vshrl.u32 v3, $0x10  }
0x1e5: {  	(xrf1) =	vunique.msk.u32 $0xffff, v2;
	_ =	sdelay $0xd  }
0x1e6: {  	_, v4, _ =	vpop (xrf1)  }
0x1e7: {  	vm0 =	vgt.s32 v4, $0x0  }
0x1e8: {  	v4 =	vsel vm0, $0x3F800000, v1  }
0x1e9: {  	(xrf0) =	vmax.scan.msk.f32 $0xffff, v4;
	_ =	sdelay $0x5  }
0x1ea: {  	v4, _, _ =	vpop (xrf0)  }
0x1eb: {  	(v2sf) =	vpush v4, $0xF;
	_ =	sdelay $0x7  }
0x1ec: {  	v6 =	vand.u32 $0xFFFF, v3;
	_ =	sdelay $0x4  }
0x1ed: {  	v3 =	vld.idx.msk [tilespmem:v6+s2+$0x0], $0xffff  }
0x1ee: {  	v5 =	vld.idx.msk [tilespmem:v6+s22+$0x0], $0xffff  }
0x1ef: {  	v4 =	vld.idx.msk [tilespmem:v6+s21+$0x0], $0xffff;
	s6 =	spop (v2sf)  }
0x1f0: {  	v6 =	vld.idx.msk [tilespmem:v6+s23+$0x0], $0xffff;
	p1 =	sgt.f32 s6, $0.0e+00  }
.LBB2_20:
0x1f1: {  	v7 =	vld.idx.msk [tilespmem:v2+s24+$0x0], $0xffff;
	_ =	sdelay $0x4  }
0x1f2: {  	v8 =	vmax.bf16 v7, v3  }
0x1f3: {  	vm0 =	vne.s32 v7, v8;
	_ =	sdelay $0x5  }
0x1f4: {  	[tilespmem:v2+s24+$0x0] =	vst.idx.msk vm0, v8  }
0x1f5: {  	v7 =	vld.idx.msk [tilespmem:v2+s25+$0x0], $0xffff;
	_ =	sdelay $0x4  }
0x1f6: {  	v8 =	vmax.bf16 v7, v4  }
0x1f7: {  	vm1 =	vne.s32 v7, v8;
	_ =	sdelay $0x5  }
0x1f8: {  	[tilespmem:v2+s25+$0x0] =	vst.idx.msk vm1, v8  }
0x1f9: {  	v7 =	vld.idx.msk [tilespmem:v2+s26+$0x0], $0xffff;
	_ =	sdelay $0x4  }
0x1fa: {  	v8 =	vmax.bf16 v7, v5  }
0x1fb: {  	vm2 =	vne.s32 v7, v8;
	_ =	sdelay $0x5  }
0x1fc: {  	[tilespmem:v2+s26+$0x0] =	vst.idx.msk vm2, v8  }
0x1fd: {  	v7 =	vld.idx.msk [tilespmem:v2+s28+$0x0], $0xffff;
	_ =	sdelay $0x4  }
0x1fe: {  	vm0 =	vmor vm0, vm1;
	v8 =	vmax.bf16 v7, v6  }
0x1ff: {  	vm0 =	vmor vm0, vm2;
	vm15 =	vne.s32 v7, v8  }
0x200: {  	vm0 =	vmor vm0, vm15  }
0x201: {  	v7 =	vsel vm0, $0x3F800000, v1  }
0x202: {  	(xrf0) =	vmax.scan.msk.f32 $0xffff, v7;
	_ =	sdelay $0x5  }
0x203: {  	v7, _, _ =	vpop (xrf0)  }
0x204: {  	(v2sf) =	vpush v7, $0xF;
	_ =	sdelay $0xe  }
0x205: {  	s6 =	spop (v2sf)  }
0x206: {  	p2 =	sgt.f32 @p1 s6, $0.0e+00;
	_ =	sdelay $0x1  }
0x207: {  	p2 =	por !p1, !p2  }
.Ltmp15:
0x208: {  	_ = 	snop;
	(pc) =	sbr.rel @!p2 .LBB2_20-.Ltmp15, $2  }
0x209: {  	_ =	sdelay $0x2  }
0x20a: {  	[tilespmem:v2+s28+$0x0] =	vst.idx.msk vm15, v8  }
0x20b: {  	v3 =	vld [tilespmem:s18+$0x16020];
	_ =	sdelay $0x4  }
0x20c: {  	v2 =	vshrl.u32 v3, $0x10  }
0x20d: {  	(xrf1) =	vunique.msk.u32 $0xffff, v2;
	_ =	sdelay $0xd  }
0x20e: {  	_, v4, _ =	vpop (xrf1)  }
0x20f: {  	vm0 =	vgt.s32 v4, $0x0  }
0x210: {  	v4 =	vsel vm0, $0x3F800000, v1  }
0x211: {  	(xrf0) =	vmax.scan.msk.f32 $0xffff, v4;
	_ =	sdelay $0x5  }
0x212: {  	v4, _, _ =	vpop (xrf0)  }
0x213: {  	(v2sf) =	vpush v4, $0xF;
	_ =	sdelay $0x7  }
0x214: {  	v6 =	vand.u32 $0xFFFF, v3;
	_ =	sdelay $0x4  }
0x215: {  	v3 =	vld.idx.msk [tilespmem:v6+s2+$0x0], $0xffff  }
0x216: {  	v5 =	vld.idx.msk [tilespmem:v6+s22+$0x0], $0xffff  }
0x217: {  	v4 =	vld.idx.msk [tilespmem:v6+s21+$0x0], $0xffff;
	s6 =	spop (v2sf)  }
0x218: {  	v6 =	vld.idx.msk [tilespmem:v6+s23+$0x0], $0xffff;
	p1 =	sgt.f32 s6, $0.0e+00  }
.LBB2_22:
0x219: {  	v7 =	vld.idx.msk [tilespmem:v2+s24+$0x0], $0xffff;
	_ =	sdelay $0x4  }
0x21a: {  	v8 =	vmax.bf16 v7, v3  }
0x21b: {  	vm0 =	vne.s32 v7, v8;
	_ =	sdelay $0x5  }
0x21c: {  	[tilespmem:v2+s24+$0x0] =	vst.idx.msk vm0, v8  }
0x21d: {  	v7 =	vld.idx.msk [tilespmem:v2+s25+$0x0], $0xffff;
	_ =	sdelay $0x4  }
0x21e: {  	v8 =	vmax.bf16 v7, v4  }
0x21f: {  	vm1 =	vne.s32 v7, v8;
	_ =	sdelay $0x5  }
0x220: {  	[tilespmem:v2+s25+$0x0] =	vst.idx.msk vm1, v8  }
0x221: {  	v7 =	vld.idx.msk [tilespmem:v2+s26+$0x0], $0xffff;
	_ =	sdelay $0x4  }
0x222: {  	v8 =	vmax.bf16 v7, v5  }
0x223: {  	vm2 =	vne.s32 v7, v8;
	_ =	sdelay $0x5  }
0x224: {  	[tilespmem:v2+s26+$0x0] =	vst.idx.msk vm2, v8  }
0x225: {  	v7 =	vld.idx.msk [tilespmem:v2+s28+$0x0], $0xffff;
	_ =	sdelay $0x4  }
0x226: {  	vm0 =	vmor vm0, vm1;
	v8 =	vmax.bf16 v7, v6  }
0x227: {  	vm0 =	vmor vm0, vm2;
	vm15 =	vne.s32 v7, v8  }
0x228: {  	vm0 =	vmor vm0, vm15  }
0x229: {  	v7 =	vsel vm0, $0x3F800000, v1  }
0x22a: {  	(xrf0) =	vmax.scan.msk.f32 $0xffff, v7;
	_ =	sdelay $0x5  }
0x22b: {  	v7, _, _ =	vpop (xrf0)  }
0x22c: {  	(v2sf) =	vpush v7, $0xF;
	_ =	sdelay $0xe  }
0x22d: {  	s6 =	spop (v2sf)  }
0x22e: {  	p2 =	sgt.f32 @p1 s6, $0.0e+00;
	_ =	sdelay $0x1  }
0x22f: {  	p2 =	por !p1, !p2  }
.Ltmp16:
0x230: {  	_ = 	snop;
	(pc) =	sbr.rel @!p2 .LBB2_22-.Ltmp16, $2  }
0x231: {  	_ =	sdelay $0x2  }
0x232: {  	[tilespmem:v2+s28+$0x0] =	vst.idx.msk vm15, v8  }
0x233: {  	v3 =	vld [tilespmem:s18+$0x16030];
	_ =	sdelay $0x4  }
0x234: {  	v2 =	vshrl.u32 v3, $0x10  }
0x235: {  	(xrf1) =	vunique.msk.u32 $0xffff, v2;
	_ =	sdelay $0xd  }
0x236: {  	_, v4, _ =	vpop (xrf1)  }
0x237: {  	vm0 =	vgt.s32 v4, $0x0  }
0x238: {  	v4 =	vsel vm0, $0x3F800000, v1  }
0x239: {  	(xrf0) =	vmax.scan.msk.f32 $0xffff, v4;
	_ =	sdelay $0x5  }
0x23a: {  	v4, _, _ =	vpop (xrf0)  }
0x23b: {  	(v2sf) =	vpush v4, $0xF;
	_ =	sdelay $0x7  }
0x23c: {  	v6 =	vand.u32 $0xFFFF, v3;
	_ =	sdelay $0x4  }
0x23d: {  	v3 =	vld.idx.msk [tilespmem:v6+s2+$0x0], $0xffff  }
0x23e: {  	v5 =	vld.idx.msk [tilespmem:v6+s22+$0x0], $0xffff  }
0x23f: {  	v4 =	vld.idx.msk [tilespmem:v6+s21+$0x0], $0xffff;
	s6 =	spop (v2sf)  }
0x240: {  	v6 =	vld.idx.msk [tilespmem:v6+s23+$0x0], $0xffff;
	p1 =	sgt.f32 s6, $0.0e+00  }
.LBB2_24:
0x241: {  	v7 =	vld.idx.msk [tilespmem:v2+s24+$0x0], $0xffff;
	_ =	sdelay $0x4  }
0x242: {  	v8 =	vmax.bf16 v7, v3  }
0x243: {  	vm0 =	vne.s32 v7, v8;
	_ =	sdelay $0x5  }
0x244: {  	[tilespmem:v2+s24+$0x0] =	vst.idx.msk vm0, v8  }
0x245: {  	v7 =	vld.idx.msk [tilespmem:v2+s25+$0x0], $0xffff;
	_ =	sdelay $0x4  }
0x246: {  	v8 =	vmax.bf16 v7, v4  }
0x247: {  	vm1 =	vne.s32 v7, v8;
	_ =	sdelay $0x5  }
0x248: {  	[tilespmem:v2+s25+$0x0] =	vst.idx.msk vm1, v8  }
0x249: {  	v7 =	vld.idx.msk [tilespmem:v2+s26+$0x0], $0xffff;
	_ =	sdelay $0x4  }
0x24a: {  	v8 =	vmax.bf16 v7, v5  }
0x24b: {  	vm2 =	vne.s32 v7, v8;
	_ =	sdelay $0x5  }
0x24c: {  	[tilespmem:v2+s26+$0x0] =	vst.idx.msk vm2, v8  }
0x24d: {  	v7 =	vld.idx.msk [tilespmem:v2+s28+$0x0], $0xffff;
	_ =	sdelay $0x4  }
0x24e: {  	vm0 =	vmor vm0, vm1;
	v8 =	vmax.bf16 v7, v6  }
0x24f: {  	vm0 =	vmor vm0, vm2;
	vm15 =	vne.s32 v7, v8  }
0x250: {  	vm0 =	vmor vm0, vm15  }
0x251: {  	v7 =	vsel vm0, $0x3F800000, v1  }
0x252: {  	(xrf0) =	vmax.scan.msk.f32 $0xffff, v7;
	_ =	sdelay $0x5  }
0x253: {  	v7, _, _ =	vpop (xrf0)  }
0x254: {  	(v2sf) =	vpush v7, $0xF;
	_ =	sdelay $0xe  }
0x255: {  	s6 =	spop (v2sf)  }
0x256: {  	p2 =	sgt.f32 @p1 s6, $0.0e+00;
	_ =	sdelay $0x1  }
0x257: {  	p2 =	por !p1, !p2  }
.Ltmp17:
0x258: {  	_ = 	snop;
	(pc) =	sbr.rel @!p2 .LBB2_24-.Ltmp17, $2  }
0x259: {  	_ =	sdelay $0x2  }
0x25a: {  	[tilespmem:v2+s28+$0x0] =	vst.idx.msk vm15, v8  }
.Ltmp18:
0x25b: {  	_ = 	snop;
	(pc) =	sbr.rel .LBB2_25-.Ltmp18, $1  }
0x25c: {  	_ =	sdelay $0x3  }
.LBB2_26:
.Ltmp19:
0x25d: {  	(pc) =	sbr.rel @p0 .LBB2_28-.Ltmp19, $1  }
0x25e: {  	_ =	sdelay $0x3  }
.Ltmp20:
0x25f: {  	(pc) =	sbr.rel .LBB2_4-.Ltmp20, $4  }
0x260: {  	s0 =	sadd.s32 s1, s12  }
0x261: {  	s0 =	sshll.u32 s0, $0xA  }
0x262: {  	s31 =	sadd.s32 $0x1, s31;
	s0 =	sadd.s32 s3, s0  }
0x263: {  	[tilespmem:s19], [sflag:$0x2] =	stream.linear.gather [hbm4b:s0+s2], $0x2000, $0x38;
	[tilespmem:$0x18000] =	vst v63  }
.LBB2_29:
0x264: {  	_ =	sfence.sel $0x180000  }
0x265: {  	[bflag:$0x0] =	sbarrier.arrive $0xFFFF  }
0x266: {  	_ =	strace $0x9000004A  }
0x267: {  	s0 =	stileid.u32;
	[bflag:$0x2] =	sbarrier.arrive $0xFFFF  }
0x268: {  	p0 =	sne.s32 s0, $0x0;
	s0 =	rddreg [dreg:$0x2]  }
0x269: {  	s0 =	sadd.s32 @!p0 $0x100000, s0  }
0x26a: {  	[sflag:s0] =	ssyncadd.tile.s32 @!p0 $0x1;
	_ =	shalt  }
.Lfunc_end2:
_tile_overlayer_lowered:
.L_overlay_start_2:
0x26b: {  	(tag) =	ssettag $0x2  }
0x26c: {  	s0 =	rddreg [dreg:$0x0];
	s2 =	stileid.u32  }
0x26d: {  	s1 =	rddreg [dreg:$0x1];
	p0 =	sne.s32 s2, $0x0  }
0x26e: {  	s3 =	rddreg [dreg:$0x2];
	[bflag:$0x3] =	sbarrier.arrive $0xFFFF;
	s2 =	simm.s32 @!p0 $0x1C03  }
0x26f: {  	[timem:s3], [sflag:s2] =	dma.local @!p0 [hbm:s0], s1  }
0x270: {  	s0 =	simm.s32 @!p0 $0x3  }
0x271: {  	_ =	swait.ge @!p0 [sflag:s0], s1  }
0x272: {  	s1 =	ssub.s32 @!p0 $0x0, s1;
	[sflag:s0] =	ssyncset.done @!p0 $0x0  }
0x273: {  	[sflag:s0] =	ssyncadd.s32 @!p0 s1  }
0x274: {  	[bflag:$0x3] =	sbarrier.arrive $0xFFFF  }
0x275: {  	_ =	shalt  }

// kernel: kernel.8.cloned.1.call-start
scs
__scs_entry_jumppad:
0x0: {  	(pc) =	sbr.rel $0x88, $3  }
0x1: {  	(tag) =	ssettag $0x0;
	lr =	simm.s32 $0x1  }
0x2: {  	[smem:$0x3F99] =	sst lr;
	_ =	strace $0xD0000000  }
0x3: {  	_ = 	snop  }
0x4: {  	_ = 	snop  }
0x5: {  	_ = 	snop  }
0x6: {  	_ = 	snop  }
0x7: {  	_ = 	snop  }
__scs_overlays_trampoline_lowered:
0x8: {  	[smem:$0x3FA8] =	sst s0  }
0x9: {  	[smem:$0x3FA9] =	sst s1  }
0xa: {  	[smem:$0x3FAA] =	sst s2  }
0xb: {  	[smem:$0x3FAB] =	sst s3  }
0xc: {  	[smem:$0x3FAC] =	sst s4  }
0xd: {  	[smem:$0x3FAD] =	sst s5  }
0xe: {  	[smem:$0x3FAE] =	sst s6  }
0xf: {  	[smem:$0x3FAF] =	sst s7  }
0x10: {  	[smem:$0x3FB0] =	sst s8  }
0x11: {  	[smem:$0x3FB1] =	sst s9;
	s0 =	simm.s32 @!p0 $0x0  }
0x12: {  	s1 =	sld [smem:$0x3F97];
	s0 =	simm.s32 @p0 $0x1  }
0x13: {  	[smem:$0x3FB2] =	sst s0;
	s0 =	simm.s32 @!p1 $0x0  }
0x14: {  	s2 =	sld [smem:$0x3F96];
	s0 =	simm.s32 @p1 $0x1  }
0x15: {  	[smem:$0x3FB3] =	sst s0;
	s0 =	simm.s32 @!p2 $0x0  }
0x16: {  	s3 =	sld [smem:$0x3FDB];
	s0 =	simm.s32 @p2 $0x1  }
0x17: {  	s4 =	simm.s32 $0x1BF5;
	[smem:$0x3FB5] =	sst s0  }
0x18: {  	s0 =	sld [smem:$0x3F98];
	_ =	swait.ge [sflag:s4], $0x0  }
0x19: {  	s7 =	sld [smem:$0x3F99]  }
0x1a: {  	s8 =	sadd.s32 $0xFFFFE003, lr  }
0x1b: {  	s9 =	sadd.s32 $0xFFFFFEF7, lr;
	s5 =	simm.s32 $0xFFFFFFFF;
	p2 =	slt.u32 s8, $0xFFFFF086  }
0x1c: {  	p1 =	slt.u32 s9, $0xF7A;
	s5 =	simm.s32 @!p2 $0x0  }
0x1d: {  	s5 =	simm.s32 @p1 $0x1;
	p0 =	seq.s32 s7, s2  }
0x1e: {  	s7 =	smul.u32 @!p0 $0xF7A, s2;
	p2 =	seq.s32 @!p0 s5, $0x0  }
0x1f: {  	s9 =	smul.u32 $0xF7A, s1;
	s8 =	simm.s32 @!p0 $0x1BF5;
	p2 =	por !p2, p0  }
0x20: {  	[sflag:s8] =	ssyncset.s32 @!p0 $0xFFFFF086;
	s6 =	sadd.s32 @!p0 s3, s7;
	s7 =	simm.s32 @!p0 $0x108  }
0x21: {  	s3 =	sadd.s32 s3, s9;
	s6 =	sadd.s32 @!p0 $0x88, s6;
	s7 =	simm.s32 @p2 $0x1082  }
0x22: {  	[simem:s7], [sflag:s8] =	dma.local @!p0 [hbm:s6], $0xF7A  }
0x23: {  	s9 =	sor.u32 $0xD0000000, s2;
	s6 =	simm.s32 $0x108;
	_ =	swait.ge @!p0 [sflag:s8], $0x0  }
0x24: {  	s3 =	sadd.s32 $0x88, s3;
	s6 =	simm.s32 @!p1 $0x1082;
	[sflag:s4] =	ssyncset.s32 $0xFFFFF086  }
0x25: {  	[simem:s6], [sflag:s4] =	dma.local [hbm:s3], $0xF7A  }
0x26: {  	[smem:$0x3F99] =	sst s1;
	(tag) =	ssettag s2;
	_ =	strace s9  }
0x27: {  	s1 =	sld [smem:$0x3FA9]  }
0x28: {  	s2 =	sld [smem:$0x3FAA]  }
0x29: {  	s4 =	sld [smem:$0x3FAC]  }
0x2a: {  	p0 =	seq.s32 s5, $0x0;
	s5 =	sld [smem:$0x3FAD]  }
0x2b: {  	s6 =	sld [smem:$0x3FAE]  }
0x2c: {  	s7 =	sld [smem:$0x3FAF]  }
0x2d: {  	s3 =	simm.s32 $0x108;
	s8 =	sld [smem:$0x3FB0]  }
0x2e: {  	s3 =	simm.s32 @!p0 $0x1082;
	s9 =	sld [smem:$0x3FB1]  }
0x2f: {  	lr =	sadd.s32 s0, s3;
	s0 =	sld [smem:$0x3FA8]  }
0x30: {  	s3 =	sld [smem:$0x3FAB]  }
0x31: {  	[smem:$0x3FB4] =	sst s10  }
0x32: {  	s10 =	sld [smem:$0x3FB2];
	_ =	sdelay $0x3  }
0x33: {  	p0 =	seq.s32 s10, $0x1;
	s10 =	sld [smem:$0x3FB4];
	_ =	sdelay $0x3  }
0x34: {  	[smem:$0x3FB4] =	sst s10  }
0x35: {  	s10 =	sld [smem:$0x3FB3];
	_ =	sdelay $0x3  }
0x36: {  	p1 =	seq.s32 s10, $0x1;
	s10 =	sld [smem:$0x3FB4];
	_ =	sdelay $0x3  }
0x37: {  	[smem:$0x3FB4] =	sst s10  }
0x38: {  	s10 =	sld [smem:$0x3FB5]  }
0x39: {  	_ = 	snop;
	(pc) =	sbr.ind lr, $3  }
0x3a: {  	_ = 	snop  }
0x3b: {  	_ = 	snop  }
0x3c: {  	p2 =	seq.s32 s10, $0x1;
	s10 =	sld [smem:$0x3FB4]  }
0x3d: {  	_ =	shalt  }
0x3e: {  	_ =	shalt  }
0x3f: {  	_ =	shalt  }
0x40: {  	_ =	shalt  }
0x41: {  	_ =	shalt  }
0x42: {  	_ =	shalt  }
0x43: {  	_ =	shalt  }
0x44: {  	_ =	shalt  }
0x45: {  	_ =	shalt  }
0x46: {  	_ =	shalt  }
0x47: {  	_ =	shalt  }
0x48: {  	_ =	shalt  }
0x49: {  	_ =	shalt  }
0x4a: {  	_ =	shalt  }
0x4b: {  	_ =	shalt  }
0x4c: {  	_ =	shalt  }
0x4d: {  	_ =	shalt  }
0x4e: {  	_ =	shalt  }
0x4f: {  	_ =	shalt  }
0x50: {  	_ =	shalt  }
0x51: {  	_ =	shalt  }
0x52: {  	_ =	shalt  }
0x53: {  	_ =	shalt  }
0x54: {  	_ =	shalt  }
0x55: {  	_ =	shalt  }
0x56: {  	_ =	shalt  }
0x57: {  	_ =	shalt  }
0x58: {  	_ =	shalt  }
0x59: {  	_ =	shalt  }
0x5a: {  	_ =	shalt  }
0x5b: {  	_ =	shalt  }
0x5c: {  	_ =	shalt  }
0x5d: {  	_ =	shalt  }
0x5e: {  	_ =	shalt  }
0x5f: {  	_ =	shalt  }
0x60: {  	_ =	shalt  }
0x61: {  	_ =	shalt  }
0x62: {  	_ =	shalt  }
0x63: {  	_ =	shalt  }
0x64: {  	_ =	shalt  }
0x65: {  	_ =	shalt  }
0x66: {  	_ =	shalt  }
0x67: {  	_ =	shalt  }
0x68: {  	_ =	shalt  }
0x69: {  	_ =	shalt  }
0x6a: {  	_ =	shalt  }
0x6b: {  	_ =	shalt  }
0x6c: {  	_ =	shalt  }
0x6d: {  	_ =	shalt  }
0x6e: {  	_ =	shalt  }
0x6f: {  	_ =	shalt  }
0x70: {  	_ =	shalt  }
0x71: {  	_ =	shalt  }
0x72: {  	_ =	shalt  }
0x73: {  	_ =	shalt  }
0x74: {  	_ =	shalt  }
0x75: {  	_ =	shalt  }
0x76: {  	_ =	shalt  }
0x77: {  	_ =	shalt  }
0x78: {  	_ =	shalt  }
0x79: {  	_ =	shalt  }
0x7a: {  	_ =	shalt  }
0x7b: {  	_ =	shalt  }
0x7c: {  	_ =	shalt  }
0x7d: {  	_ =	shalt  }
0x7e: {  	_ =	shalt  }
0x7f: {  	_ =	shalt  }
0x80: {  	_ =	shalt  }
0x81: {  	_ =	shalt  }
0x82: {  	_ =	shalt  }
0x83: {  	_ =	shalt  }
0x84: {  	_ =	shalt  }
0x85: {  	_ =	shalt  }
0x86: {  	_ =	shalt  }
0x87: {  	_ =	shalt  }
.Lfunc_end0:
.L_simem_size_0:
called_computation_lowered:
.L_overlay_start_0:
0x88: {  	s2 =	sld [smem:$0x3FD9]  }
0x89: {  	s3 =	sld [smem:$0x3FFE];
	_ =	sdelay $0x1  }
0x8a: {  	s1 =	srdreg.scid  }
0x8b: {  	s0 =	sand.u32 $0x1, s1  }
0x8c: {  	s17 =	sshll.u32 s0, $0xA;
	s2 =	sadd.s32 s3, s2  }
0x8d: {  	s2 =	sadd.s32 s2, s17  }
0x8e: {  	[smem:$0x3FC0] =	sst s2  }
0x8f: {  	_ = 	snop  }
0x90: {  	s2 =	sld [smem:$0x3FD0];
	(tm) =	ssettm $0x1  }
0x91: {  	s18 =	sld [smem:$0x3FFB];
	_ =	sdelay $0x3  }
0x92: {  	_ =	strace s18  }
0x93: {  	s3 =	sld [smem:$0x3FFC];
	_ =	sdelay $0x3  }
0x94: {  	_ =	strace s3  }
0x95: {  	s3 =	sld [smem:$0x3FFD];
	_ =	sdelay $0x3  }
0x96: {  	_ =	strace s3  }
0x97: {  	_ =	strace $0x8FFFFFFF  }
0x98: {  	s19 =	sld [smem:$0x3FDB];
	_ =	sdelay $0x1  }
0x99: {  	s4 =	simm.s32 $_scs_section_size  }
0x9a: {  	s5 =	simm.s32 $_size__tile_overlayer_lowered;
	s6 =	simm.s32 $_tile_overlayer_lowered  }
0x9b: {  	s22 =	simm.s32 $0x1BFF;
	s21 =	sshll.u32 s6, $0x1;
	s3 =	sadd.s32 s4, s19  }
0x9c: {  	s7 =	simm.s32 $0x0;
	s20 =	sshll.u32 s5, $0x1;
	s5 =	sadd.s32 s21, s3  }
0x9d: {  	[timem:s7], [sflag:s22] =	dma.local [hbm:s5], s20  }
0x9e: {  	_ =	swait.ge [sflag:s22], s20  }
0x9f: {  	s4 =	ssub.s32 $0x0, s20;
	[sflag:s22] =	ssyncset.done $0x0  }
0xa0: {  	[sflag:s22] =	ssyncadd.s32 s4;
	_ =	sdelay $0x1  }
0xa1: {  	s23 =	simm.s32 $0x1B8B  }
0xa2: {  	_ =	swait.ge [sflag:s23], $0x1  }
0xa3: {  	[sflag:s23] =	ssyncset.done $0x0  }
0xa4: {  	s25 =	simm.s32 $0x1B8E;
	s24 =	sld [smem:$0x3FFE];
	[sflag:s23] =	ssyncadd.s32 $0xFFFFFFFF  }
0xa5: {  	s26 =	simm.s32 $execute0_lowered;
	[smem:$0x3FD2] =	sst s25  }
0xa6: {  	s5 =	sshll.u32 s26, $0x1;
	_ =	strace $0x80000046;
	[dreg:$0x1] =	wrdreg $0xFFFFFFFF  }
0xa7: {  	s28 =	simm.s32 $_size_execute0_lowered;
	s3 =	sadd.s32 s3, s5;
	[dreg:$0x0] =	wrdreg $0x0  }
0xa8: {  	s5 =	sshll.u32 s28, $0x1;
	[dreg:$0x2] =	wrdreg s3  }
0xa9: {  	[dreg:$0x3] =	wrdreg s5  }
0xaa: {  	[dreg:$0x4] =	wrdreg $0xC0  }
0xab: {  	_ =	task [dreg:s7], $0x5FFFF  }
0xac: {  	[dreg:$0x1] =	wrdreg $0xFFFFFFFF  }
0xad: {  	[dreg:$0x0] =	wrdreg $0x60  }
0xae: {  	[dreg:$0x2] =	wrdreg s2  }
0xaf: {  	[dreg:$0x3] =	wrdreg s24  }
0xb0: {  	[dreg:$0x4] =	wrdreg $0x9  }
0xb1: {  	_ =	task.clear_ibuf [dreg:s7], $0x5FFFF;
	_ =	strace $0x90000046  }
0xb2: {  	s29 =	simm.s32 $0x9;
	_ =	strace $0x80000048  }
0xb3: {  	_ =	swait.ge [sflag:s29], $0x1  }
0xb4: {  	[sflag:s29] =	ssyncadd.s32 $0xFFFFFFFF  }
0xb5: {  	_ =	strace $0x90000048  }
0xb6: {  	_ =	sfence  }
0xb7: {  	s30 =	sld [smem:$0x0];
	_ =	sdelay $0x2  }
0xb8: {  	s31 =	sshll.u32 s1, $0xD;
	s1 =	sshrl.u32 s1, $0x2  }
0xb9: {  	s3 =	sand.u32 $0x4000, s31;
	s1 =	sadd.s32 s1, s30  }
0xba: {  	s0 =	sor.u32 s3, s0;
	s1 =	sshll.u32 s1, $0x11  }
0xbb: {  	s0 =	sor.u32 s1, s0  }
0xbc: {  	s0 =	sadd.s32 $0x8F2B, s0  }
0xbd: {  	[sflag:s0] =	ssyncadd.remote.s32 $0x1  }
0xbe: {  	_ =	sfence.sel $0xFFFF  }
0xbf: {  	[dreg:$0x0] =	wrdreg $0xFFFFFFFF;
	(pc) =	sbr.abs _section_cstart, $3  }
0xc0: {  	[dreg:$0x1] =	wrdreg $0xFFFFFFFF  }
0xc1: {  	_ =	task.clear_ibuf [dreg:s7], $0x2FFFF;
	_ =	strace $0x9FFFFFFF  }
0xc2: {  	(tm) =	ssettm $0x7FFFFFFF  }
0xc3: {  	_ =	shalt  }
tec
execute0_lowered:
.L_overlay_start_1:
0x0: {  	(tag) =	ssettag $0x1  }
0x1: {  	s0 =	srdreg.scid;
	s21 =	rddreg [dreg:$0x0]  }
0x2: {  	s5 =	stileid.u32;
	s4 =	rddreg [dreg:$0x1]  }
0x3: {  	s3 =	simm.s32 $0x1;
	s2 =	simm.s32 $0x0;
	s19 =	simm.s32 $0x16000  }
0x4: {  	s20 =	simm.s32 $0x3;
	s28 =	simm.s32 $0x11800;
	s0 =	sand.u32 $0x1, s0  }
0x5: {  	s29 =	simm.s32 $0x2;
	s30 =	simm.s32 $0x0;
	s1 =	sor.u32 s0, s5  }
0x6: {  	[smem:$0x7FF] =	sst s2;
	p1 =	seq.s32 s0, $0x1;
	p0 =	seq.s32 s1, $0x0  }
0x7: {  	s16 =	sadd.s32 $0x34800, s4;
	_ =	strace $0x80000047;
	p0 =	por !p0, !p1  }
0x8: {  	s22 =	ssub.s32 $0x2, s0;
	s7 =	smul.u32 $0x5000, s0;
	p0 =	por !p0, !p0  }
0x9: {  	s12 =	smul.u32 $0x14, s0;
	s6 =	sshrl.u32 s22, $0x1;
	s3 =	simm.s32 @!p0 $0x0  }
0xa: {  	s0 =	smul.u32 $0xA0000, s0;
	s17 =	ssub.s32 s22, s6;
	s3 =	ssub.s32 s5, s3  }
0xb: {  	s22 =	simm.s32 $0x5000;
	s10 =	smul.u32 $0xA000, s3;
	s3 =	sadd.s32 $0x2A800, s4  }
0xc: {  	s17 =	smax.u32 s17, $0x1;
	s4 =	simm.s32 $0x1;
	s5 =	sadd.s32 s3, s7  }
0xd: {  	s23 =	sshrl.u32 s10, $0x3;
	s24 =	sadd.s32 $0x400, s5;
	s8 =	sadd.s32 $0x2800, s10  }
0xe: {  	s9 =	sadd.s32 $0x5000, s10;
	s11 =	sadd.s32 $0x7800, s10;
	s0 =	sadd.s32 s0, s10  }
0xf: {  	[dreg:$0x3] =	wrdreg s24;
	s7 =	sadd.s32 s21, s23;
	s8 =	sshrl.u32 s8, $0x3  }
0x10: {  	s9 =	sshrl.u32 s9, $0x3;
	s11 =	sshrl.u32 s11, $0x3;
	s25 =	sshrl.u32 s0, $0x3  }
0x11: {  	s26 =	sadd.s32 $0x2800, s0;
	s15 =	sadd.s32 $0x5000, s0;
	s0 =	sadd.s32 $0x7800, s0  }
0x12: {  	s23 =	simm.s32 $0x7800;
	s24 =	simm.s32 $0xA000;
	s8 =	sadd.s32 s21, s8  }
.Ltmp0:
0x13: {  	s9 =	sadd.s32 s21, s9;
	s10 =	sadd.s32 s21, s11;
	(pc) =	sbr.rel .LBB2_1-.Ltmp0, $4  }
0x14: {  	s11 =	sor.u32 $0x2, s12;
	s12 =	sor.u32 $0x3, s12;
	s13 =	sadd.s32 s16, s25  }
0x15: {  	s1 =	sshrl.u32 s26, $0x3;
	s31 =	sshrl.u32 s15, $0x3;
	s0 =	sshrl.u32 s0, $0x3  }
0x16: {  	s21 =	simm.s32 $0x2800;
	s25 =	simm.s32 $0xC800;
	s26 =	simm.s32 $0xF000  }
0x17: {  	v0 =	vimm.s32 $0xFF80FF80;
	v1 =	vimm.f32 $0.0e+00;
	s14 =	sadd.s32 s16, s1;
	s15 =	sadd.s32 s16, s31;
	s16 =	sadd.s32 s16, s0  }
.LBB2_28:
0x18: {  	[hbm4b:s13+s2] =	stream.linear.scatter [tilespmem:s24], [sflag:$0x3], $0x2800, $0x38;
	[tilespmem:$0x18000] =	vst v63  }
0x19: {  	_ =	swait.ge [sflag:s20], $0x2800  }
0x1a: {  	[sflag:s20] =	ssyncset.done $0x0  }
0x1b: {  	[sflag:s20] =	ssyncadd.s32 $0xFFFFD800  }
0x1c: {  	[hbm4b:s14+s2] =	stream.linear.scatter [tilespmem:s25], [sflag:$0x3], $0x2800, $0x38;
	[tilespmem:$0x18000] =	vst v63  }
0x1d: {  	_ =	swait.ge [sflag:s20], $0x2800  }
0x1e: {  	[sflag:s20] =	ssyncset.done $0x0  }
0x1f: {  	[sflag:s20] =	ssyncadd.s32 $0xFFFFD800  }
0x20: {  	[hbm4b:s15+s2] =	stream.linear.scatter [tilespmem:s26], [sflag:$0x3], $0x2800, $0x38;
	[tilespmem:$0x18000] =	vst v63  }
0x21: {  	s30 =	sadd.s32 $0x1, s30;
	_ =	swait.ge [sflag:s20], $0x2800  }
0x22: {  	p0 =	sne.s32 s30, s17;
	[sflag:s20] =	ssyncset.done $0x0  }
.Ltmp1:
0x23: {  	[sflag:s20] =	ssyncadd.s32 $0xFFFFD800;
	(pc) =	sbr.rel @!p0 .LBB2_29-.Ltmp1, $4  }
0x24: {  	[hbm4b:s16+s2] =	stream.linear.scatter [tilespmem:s28], [sflag:$0x3], $0x2800, $0x38;
	[tilespmem:$0x18000] =	vst v63  }
0x25: {  	_ =	swait.ge [sflag:s20], $0x2800  }
0x26: {  	[sflag:s20] =	ssyncset.done $0x0  }
0x27: {  	[sflag:s20] =	ssyncadd.s32 $0xFFFFD800  }
.LBB2_1:
0x28: {  	s0 =	simm.s32 $0x14000  }
0x29: {  	[tilespmem:s0], [sflag:$0x1] =	stream.linear.gather [hbm4b:s5+s2], $0x2000, $0x38;
	[tilespmem:$0x18000] =	vst v63  }
0x2a: {  	s31 =	rddreg [dreg:$0x3]  }
0x2b: {  	[tilespmem:s19], [sflag:$0x2] =	stream.linear.gather [hbm4b:s31+s2], $0x2000, $0x38;
	[tilespmem:$0x18000] =	vst v63  }
0x2c: {  	_ = 	snop  }
0x2d: {  	[tilespmem:s2], [sflag:$0x3] =	stream.linear.gather [hbm4b:s7+s2], $0x2800, $0x38;
	[tilespmem:$0x18000] =	vst v63  }
0x2e: {  	_ =	swait.ge [sflag:s20], $0x2800  }
0x2f: {  	[sflag:s20] =	ssyncset.done $0x0  }
0x30: {  	[sflag:s20] =	ssyncadd.s32 $0xFFFFD800  }
0x31: {  	[tilespmem:s21], [sflag:$0x3] =	stream.linear.gather [hbm4b:s8+s2], $0x2800, $0x38;
	[tilespmem:$0x18000] =	vst v63  }
0x32: {  	_ =	swait.ge [sflag:s20], $0x2800  }
0x33: {  	[sflag:s20] =	ssyncset.done $0x0  }
0x34: {  	[sflag:s20] =	ssyncadd.s32 $0xFFFFD800  }
0x35: {  	[tilespmem:s22], [sflag:$0x3] =	stream.linear.gather [hbm4b:s9+s2], $0x2800, $0x38;
	[tilespmem:$0x18000] =	vst v63  }
0x36: {  	_ =	swait.ge [sflag:s20], $0x2800  }
0x37: {  	[sflag:s20] =	ssyncset.done $0x0  }
0x38: {  	[sflag:s20] =	ssyncadd.s32 $0xFFFFD800  }
0x39: {  	[tilespmem:s23], [sflag:$0x3] =	stream.linear.gather [hbm4b:s10+s2], $0x2800, $0x38;
	[tilespmem:$0x18000] =	vst v63  }
0x3a: {  	_ =	swait.ge [sflag:s20], $0x2800  }
0x3b: {  	[sflag:s20] =	ssyncset.done $0x0  }
0x3c: {  	s1 =	simm.s32 $0x40;
	s0 =	simm.s32 $0x0;
	[sflag:s20] =	ssyncadd.s32 $0xFFFFD800  }
.LBB2_2:
0x3d: {  	p0 =	sne.s32 s1, $0x9FC0;
	[tilespmem:s0+$0x11800] =	vst v0;
	s18 =	smov.u32 s1;
	s1 =	sadd.s32 $0x40, s1  }
.Ltmp2:
0x3e: {  	[tilespmem:s0+$0xF000] =	vst v0;
	(pc) =	sbr.rel @p0 .LBB2_2-.Ltmp2, $3  }
0x3f: {  	[tilespmem:s0+$0xA000] =	vst v0  }
0x40: {  	[tilespmem:s0+$0xC800] =	vst v0;
	_ =	sdelay $0x1  }
0x41: {  	s0 =	sshra.s32 s18, $0x2  }
0x42: {  	[tilespmem:s0+$0x11800] =	vst v0  }
0x43: {  	[tilespmem:s0+$0xF000] =	vst v0  }
0x44: {  	[tilespmem:s0+$0xA000] =	vst v0  }
0x45: {  	s31 =	simm.s32 $0x0;
	[tilespmem:s0+$0xC800] =	vst v0  }
.LBB2_4:
.Ltmp3:
0x46: {  	(pc) =	sbr.rel .LBB2_5-.Ltmp3, $4  }
0x47: {  	_ = 	snop  }
0x48: {  	_ =	swait.ge [sflag:s4], $0x2000  }
0x49: {  	[sflag:s4] =	ssyncset.done $0x0  }
0x4a: {  	s1 =	simm.s32 $0x0;
	[sflag:s4] =	ssyncadd.s32 $0xFFFFE000  }
.LBB2_14:
0x4b: {  	s1 =	sadd.s32 $0x1, s1  }
0x4c: {  	p0 =	sne.s32 s1, $0x80  }
.Ltmp4:
0x4d: {  	_ = 	snop;
	(pc) =	sbr.rel @!p0 .LBB2_15-.Ltmp4, $1  }
0x4e: {  	_ =	sdelay $0x3  }
.LBB2_5:
0x4f: {  	s0 =	sshll.u32 s1, $0x6  }
0x50: {  	s0 =	sand.u32 $0x3FFFFFC0, s0  }
0x51: {  	v2 =	vld [tilespmem:s0+$0x14000];
	_ =	sdelay $0x4  }
0x52: {  	v3 =	vand.u32 $0xFFFF, v2;
	_ =	sdelay $0x3  }
0x53: {  	v2 =	vshrl.u32 v2, $0x10  }
0x54: {  	v4 =	vld.idx.msk [tilespmem:v3+s2+$0x0], $0xffff  }
0x55: {  	v5 =	vld.idx.msk [tilespmem:v3+s21+$0x0], $0xffff  }
0x56: {  	v6 =	vld.idx.msk [tilespmem:v3+s22+$0x0], $0xffff  }
0x57: {  	v3 =	vld.idx.msk [tilespmem:v3+s23+$0x0], $0xffff  }
0x58: {  	v7 =	vld.idx.msk [tilespmem:v2+s24+$0x0], $0xffff  }
0x59: {  	v8 =	vld.idx.msk [tilespmem:v2+s25+$0x0], $0xffff  }
0x5a: {  	v9 =	vld.idx.msk [tilespmem:v2+s26+$0x0], $0xffff  }
0x5b: {  	v10 =	vld.idx.msk [tilespmem:v2+s28+$0x0], $0xffff;
	_ =	sdelay $0x1  }
0x5c: {  	v4 =	vmax.bf16 v7, v4  }
0x5d: {  	v5 =	vmax.bf16 v8, v5;
	vm2 =	vne.s32 v7, v4  }
0x5e: {  	v6 =	vmax.bf16 v9, v6;
	vm3 =	vne.s32 v8, v5  }
0x5f: {  	v3 =	vmax.bf16 v10, v3;
	vm1 =	vne.s32 v9, v6  }
0x60: {  	vm0 =	vne.s32 v10, v3;
	_ =	sdelay $0x2  }
0x61: {  	[tilespmem:v2+s24+$0x0] =	vst.idx.msk vm2, v4  }
0x62: {  	[tilespmem:v2+s25+$0x0] =	vst.idx.msk vm3, v5  }
0x63: {  	[tilespmem:v2+s26+$0x0] =	vst.idx.msk vm1, v6  }
0x64: {  	[tilespmem:v2+s28+$0x0] =	vst.idx.msk vm0, v3  }
0x65: {  	v3 =	vld [tilespmem:s0+$0x14010];
	_ =	sdelay $0x4  }
0x66: {  	v44 =	vand.u32 $0xFFFF, v3;
	_ =	sdelay $0x3  }
0x67: {  	v3 =	vshrl.u32 v3, $0x10  }
0x68: {  	v5 =	vld.idx.msk [tilespmem:v44+s2+$0x0], $0xffff  }
0x69: {  	v6 =	vld.idx.msk [tilespmem:v44+s21+$0x0], $0xffff  }
0x6a: {  	v45 =	vld.idx.msk [tilespmem:v44+s22+$0x0], $0xffff  }
0x6b: {  	v4 =	vld.idx.msk [tilespmem:v44+s23+$0x0], $0xffff  }
0x6c: {  	v46 =	vld.idx.msk [tilespmem:v3+s24+$0x0], $0xffff  }
0x6d: {  	v47 =	vld.idx.msk [tilespmem:v3+s25+$0x0], $0xffff  }
0x6e: {  	v48 =	vld.idx.msk [tilespmem:v3+s26+$0x0], $0xffff  }
0x6f: {  	v11 =	vld.idx.msk [tilespmem:v3+s28+$0x0], $0xffff;
	_ =	sdelay $0x1  }
0x70: {  	v5 =	vmax.bf16 v46, v5  }
0x71: {  	v6 =	vmax.bf16 v47, v6;
	vm5 =	vne.s32 v46, v5  }
0x72: {  	v7 =	vmax.bf16 v48, v45;
	vm7 =	vne.s32 v47, v6  }
0x73: {  	v4 =	vmax.bf16 v11, v4;
	vm6 =	vne.s32 v48, v7  }
0x74: {  	vm4 =	vne.s32 v11, v4;
	_ =	sdelay $0x2  }
0x75: {  	[tilespmem:v3+s24+$0x0] =	vst.idx.msk vm5, v5  }
0x76: {  	[tilespmem:v3+s25+$0x0] =	vst.idx.msk vm7, v6  }
0x77: {  	[tilespmem:v3+s26+$0x0] =	vst.idx.msk vm6, v7  }
0x78: {  	[tilespmem:v3+s28+$0x0] =	vst.idx.msk vm4, v4  }
0x79: {  	v4 =	vld [tilespmem:s0+$0x14020];
	_ =	sdelay $0x4  }
0x7a: {  	v49 =	vand.u32 $0xFFFF, v4;
	_ =	sdelay $0x3  }
0x7b: {  	v4 =	vshrl.u32 v4, $0x10  }
0x7c: {  	v6 =	vld.idx.msk [tilespmem:v49+s2+$0x0], $0xffff  }
0x7d: {  	v7 =	vld.idx.msk [tilespmem:v49+s21+$0x0], $0xffff  }
0x7e: {  	v50 =	vld.idx.msk [tilespmem:v49+s22+$0x0], $0xffff  }
0x7f: {  	v5 =	vld.idx.msk [tilespmem:v49+s23+$0x0], $0xffff  }
0x80: {  	v51 =	vld.idx.msk [tilespmem:v4+s24+$0x0], $0xffff  }
0x81: {  	v52 =	vld.idx.msk [tilespmem:v4+s25+$0x0], $0xffff  }
0x82: {  	v53 =	vld.idx.msk [tilespmem:v4+s26+$0x0], $0xffff  }
0x83: {  	v12 =	vld.idx.msk [tilespmem:v4+s28+$0x0], $0xffff;
	_ =	sdelay $0x1  }
0x84: {  	v6 =	vmax.bf16 v51, v6  }
0x85: {  	v7 =	vmax.bf16 v52, v7;
	vm8 =	vne.s32 v51, v6  }
0x86: {  	v8 =	vmax.bf16 v53, v50;
	vm11 =	vne.s32 v52, v7  }
0x87: {  	v5 =	vmax.bf16 v12, v5;
	vm9 =	vne.s32 v53, v8  }
0x88: {  	vm10 =	vne.s32 v12, v5;
	_ =	sdelay $0x2  }
0x89: {  	[tilespmem:v4+s24+$0x0] =	vst.idx.msk vm8, v6  }
0x8a: {  	[tilespmem:v4+s25+$0x0] =	vst.idx.msk vm11, v7  }
0x8b: {  	(xrf1) =	vunique.msk.u32 $0xffff, v2;
	[tilespmem:v4+s26+$0x0] =	vst.idx.msk vm9, v8  }
0x8c: {  	[tilespmem:v4+s28+$0x0] =	vst.idx.msk vm10, v5  }
0x8d: {  	(xrf1) =	vunique.msk.u32 $0xffff, v3;
	v2 =	vld [tilespmem:s0+$0x14030];
	_ =	sdelay $0x3  }
0x8e: {  	(xrf1) =	vunique.msk.u32 $0xffff, v4  }
0x8f: {  	v3 =	vshrl.u32 v2, $0x10;
	v2 =	vand.u32 $0xFFFF, v2;
	_ =	sdelay $0x3  }
0x90: {  	(xrf1) =	vunique.msk.u32 $0xffff, v3  }
0x91: {  	v54 =	vld.idx.msk [tilespmem:v2+s2+$0x0], $0xffff  }
0x92: {  	v5 =	vld.idx.msk [tilespmem:v2+s21+$0x0], $0xffff  }
0x93: {  	_, v55, vm12 =	vpop (xrf1);
	v7 =	vld.idx.msk [tilespmem:v2+s22+$0x0], $0xffff  }
0x94: {  	vm2 =	vmor vm2, vm3;
	vm3 =	vmneg vm12;
	vm12 =	vgt.s32 v55, $0x0;
	v2 =	vld.idx.msk [tilespmem:v2+s23+$0x0], $0xffff  }
0x95: {  	vm3 =	vmor vm12, vm3;
	vm1 =	vmor vm2, vm1;
	vm15 =	vmor vm5, vm7;
	_, v56, vm12 =	vpop (xrf1);
	v8 =	vld.idx.msk [tilespmem:v3+s24+$0x0], $0xffff  }
0x96: {  	vm2 =	vmor vm15, vm6;
	vm13 =	vgt.s32 v56, $0x0;
	vm5 =	vmneg vm12;
	v57 =	vld.idx.msk [tilespmem:v3+s25+$0x0], $0xffff  }
0x97: {  	vm0 =	vmor vm1, vm0;
	vm2 =	vmor vm2, vm4;
	vm14 =	vmor vm13, vm5;
	v59 =	vld.idx.msk [tilespmem:v3+s26+$0x0], $0xffff  }
0x98: {  	vm0 =	vmand vm3, vm0;
	vm1 =	vmand vm14, vm2;
	v60 =	vld.idx.msk [tilespmem:v3+s28+$0x0], $0xffff  }
0x99: {  	vm0 =	vmor vm0, vm1;
	_, v58, vm15 =	vpop (xrf1);
	vm11 =	vmor vm8, vm11  }
0x9a: {  	vm7 =	vgt.s32 v58, $0x0;
	vm12 =	vmneg vm15;
	vm1 =	vmor vm11, vm9  }
0x9b: {  	vm2 =	vmor vm7, vm12;
	vm1 =	vmor vm1, vm10  }
0x9c: {  	v4 =	vmax.bf16 v8, v54;
	v5 =	vmax.bf16 v57, v5;
	v62 =	vmax.bf16 v59, v7  }
0x9d: {  	v2 =	vmax.bf16 v60, v2;
	vm3 =	vne.s32 v8, v4;
	vm5 =	vne.s32 v57, v5  }
0x9e: {  	vm7 =	vne.s32 v59, v62;
	vm12 =	vne.s32 v60, v2;
	vm14 =	vmor vm3, vm5;
	_, v61, vm13 =	vpop (xrf1)  }
0x9f: {  	vm6 =	vmor vm14, vm7;
	vm4 =	vmneg vm13;
	vm15 =	vgt.s32 v61, $0x0  }
0xa0: {  	vm1 =	vmand vm2, vm1;
	vm14 =	vmor vm6, vm12;
	vm13 =	vmor vm15, vm4  }
0xa1: {  	vm0 =	vmor vm0, vm1;
	vm15 =	vmand vm13, vm14  }
0xa2: {  	vm0 =	vmor vm0, vm15  }
0xa3: {  	v63 =	vsel vm0, $0x3F800000, v1  }
0xa4: {  	(xrf0) =	vmax.scan.msk.f32 $0xffff, v63;
	_ =	sdelay $0x5  }
0xa5: {  	v7, _, _ =	vpop (xrf0)  }
0xa6: {  	(v2sf) =	vpush v7, $0xF;
	_ =	sdelay $0xe  }
0xa7: {  	s18 =	spop (v2sf)  }
0xa8: {  	p0 =	sgt.f32 s18, $0.0e+00  }
.Ltmp5:
0xa9: {  	_ = 	snop;
	(pc) =	sbr.rel @!p0 .LBB2_14-.Ltmp5, $4  }
0xaa: {  	[tilespmem:v3+s24+$0x0] =	vst.idx.msk vm3, v4  }
0xab: {  	[tilespmem:v3+s25+$0x0] =	vst.idx.msk vm5, v5  }
0xac: {  	[tilespmem:v3+s26+$0x0] =	vst.idx.msk vm7, v62  }
0xad: {  	[tilespmem:v3+s28+$0x0] =	vst.idx.msk vm12, v2  }
0xae: {  	v3 =	vld [tilespmem:s0+$0x14000];
	_ =	sdelay $0x4  }
0xaf: {  	v2 =	vshrl.u32 v3, $0x10  }
0xb0: {  	(xrf1) =	vunique.msk.u32 $0xffff, v2;
	_ =	sdelay $0xd  }
0xb1: {  	_, v4, _ =	vpop (xrf1)  }
0xb2: {  	vm0 =	vgt.s32 v4, $0x0  }
0xb3: {  	v4 =	vsel vm0, $0x3F800000, v1  }
0xb4: {  	(xrf0) =	vmax.scan.msk.f32 $0xffff, v4;
	_ =	sdelay $0x5  }
0xb5: {  	v4, _, _ =	vpop (xrf0)  }
0xb6: {  	(v2sf) =	vpush v4, $0xF;
	_ =	sdelay $0x7  }
0xb7: {  	v6 =	vand.u32 $0xFFFF, v3;
	_ =	sdelay $0x4  }
0xb8: {  	v3 =	vld.idx.msk [tilespmem:v6+s2+$0x0], $0xffff  }
0xb9: {  	v5 =	vld.idx.msk [tilespmem:v6+s22+$0x0], $0xffff  }
0xba: {  	v4 =	vld.idx.msk [tilespmem:v6+s21+$0x0], $0xffff;
	s18 =	spop (v2sf)  }
0xbb: {  	v6 =	vld.idx.msk [tilespmem:v6+s23+$0x0], $0xffff;
	p0 =	sgt.f32 s18, $0.0e+00  }
.LBB2_7:
0xbc: {  	v7 =	vld.idx.msk [tilespmem:v2+s24+$0x0], $0xffff;
	_ =	sdelay $0x4  }
0xbd: {  	v8 =	vmax.bf16 v7, v3  }
0xbe: {  	vm0 =	vne.s32 v7, v8;
	_ =	sdelay $0x5  }
0xbf: {  	[tilespmem:v2+s24+$0x0] =	vst.idx.msk vm0, v8  }
0xc0: {  	v7 =	vld.idx.msk [tilespmem:v2+s25+$0x0], $0xffff;
	_ =	sdelay $0x4  }
0xc1: {  	v8 =	vmax.bf16 v7, v4  }
0xc2: {  	vm1 =	vne.s32 v7, v8;
	_ =	sdelay $0x5  }
0xc3: {  	[tilespmem:v2+s25+$0x0] =	vst.idx.msk vm1, v8  }
0xc4: {  	v7 =	vld.idx.msk [tilespmem:v2+s26+$0x0], $0xffff;
	_ =	sdelay $0x4  }
0xc5: {  	v8 =	vmax.bf16 v7, v5  }
0xc6: {  	vm2 =	vne.s32 v7, v8;
	_ =	sdelay $0x5  }
0xc7: {  	[tilespmem:v2+s26+$0x0] =	vst.idx.msk vm2, v8  }
0xc8: {  	v7 =	vld.idx.msk [tilespmem:v2+s28+$0x0], $0xffff;
	_ =	sdelay $0x4  }
0xc9: {  	vm0 =	vmor vm0, vm1;
	v8 =	vmax.bf16 v7, v6  }
0xca: {  	vm0 =	vmor vm0, vm2;
	vm15 =	vne.s32 v7, v8  }
0xcb: {  	vm0 =	vmor vm0, vm15  }
0xcc: {  	v7 =	vsel vm0, $0x3F800000, v1  }
0xcd: {  	(xrf0) =	vmax.scan.msk.f32 $0xffff, v7;
	_ =	sdelay $0x5  }
0xce: {  	v7, _, _ =	vpop (xrf0)  }
0xcf: {  	(v2sf) =	vpush v7, $0xF;
	_ =	sdelay $0xe  }
0xd0: {  	s18 =	spop (v2sf)  }
0xd1: {  	p1 =	sgt.f32 @p0 s18, $0.0e+00;
	_ =	sdelay $0x1  }
0xd2: {  	p1 =	por !p0, !p1  }
.Ltmp6:
0xd3: {  	_ = 	snop;
	(pc) =	sbr.rel @!p1 .LBB2_7-.Ltmp6, $2  }
0xd4: {  	_ =	sdelay $0x2  }
0xd5: {  	[tilespmem:v2+s28+$0x0] =	vst.idx.msk vm15, v8  }
0xd6: {  	v3 =	vld [tilespmem:s0+$0x14010];
	_ =	sdelay $0x4  }
0xd7: {  	v2 =	vshrl.u32 v3, $0x10  }
0xd8: {  	(xrf1) =	vunique.msk.u32 $0xffff, v2;
	_ =	sdelay $0xd  }
0xd9: {  	_, v4, _ =	vpop (xrf1)  }
0xda: {  	vm0 =	vgt.s32 v4, $0x0  }
0xdb: {  	v4 =	vsel vm0, $0x3F800000, v1  }
0xdc: {  	(xrf0) =	vmax.scan.msk.f32 $0xffff, v4;
	_ =	sdelay $0x5  }
0xdd: {  	v4, _, _ =	vpop (xrf0)  }
0xde: {  	(v2sf) =	vpush v4, $0xF;
	_ =	sdelay $0x7  }
0xdf: {  	v6 =	vand.u32 $0xFFFF, v3;
	_ =	sdelay $0x4  }
0xe0: {  	v3 =	vld.idx.msk [tilespmem:v6+s2+$0x0], $0xffff  }
0xe1: {  	v5 =	vld.idx.msk [tilespmem:v6+s22+$0x0], $0xffff  }
0xe2: {  	v4 =	vld.idx.msk [tilespmem:v6+s21+$0x0], $0xffff;
	s18 =	spop (v2sf)  }
0xe3: {  	v6 =	vld.idx.msk [tilespmem:v6+s23+$0x0], $0xffff;
	p0 =	sgt.f32 s18, $0.0e+00  }
.LBB2_9:
0xe4: {  	v7 =	vld.idx.msk [tilespmem:v2+s24+$0x0], $0xffff;
	_ =	sdelay $0x4  }
0xe5: {  	v8 =	vmax.bf16 v7, v3  }
0xe6: {  	vm0 =	vne.s32 v7, v8;
	_ =	sdelay $0x5  }
0xe7: {  	[tilespmem:v2+s24+$0x0] =	vst.idx.msk vm0, v8  }
0xe8: {  	v7 =	vld.idx.msk [tilespmem:v2+s25+$0x0], $0xffff;
	_ =	sdelay $0x4  }
0xe9: {  	v8 =	vmax.bf16 v7, v4  }
0xea: {  	vm1 =	vne.s32 v7, v8;
	_ =	sdelay $0x5  }
0xeb: {  	[tilespmem:v2+s25+$0x0] =	vst.idx.msk vm1, v8  }
0xec: {  	v7 =	vld.idx.msk [tilespmem:v2+s26+$0x0], $0xffff;
	_ =	sdelay $0x4  }
0xed: {  	v8 =	vmax.bf16 v7, v5  }
0xee: {  	vm2 =	vne.s32 v7, v8;
	_ =	sdelay $0x5  }
0xef: {  	[tilespmem:v2+s26+$0x0] =	vst.idx.msk vm2, v8  }
0xf0: {  	v7 =	vld.idx.msk [tilespmem:v2+s28+$0x0], $0xffff;
	_ =	sdelay $0x4  }
0xf1: {  	vm0 =	vmor vm0, vm1;
	v8 =	vmax.bf16 v7, v6  }
0xf2: {  	vm0 =	vmor vm0, vm2;
	vm15 =	vne.s32 v7, v8  }
0xf3: {  	vm0 =	vmor vm0, vm15  }
0xf4: {  	v7 =	vsel vm0, $0x3F800000, v1  }
0xf5: {  	(xrf0) =	vmax.scan.msk.f32 $0xffff, v7;
	_ =	sdelay $0x5  }
0xf6: {  	v7, _, _ =	vpop (xrf0)  }
0xf7: {  	(v2sf) =	vpush v7, $0xF;
	_ =	sdelay $0xe  }
0xf8: {  	s18 =	spop (v2sf)  }
0xf9: {  	p1 =	sgt.f32 @p0 s18, $0.0e+00;
	_ =	sdelay $0x1  }
0xfa: {  	p1 =	por !p0, !p1  }
.Ltmp7:
0xfb: {  	_ = 	snop;
	(pc) =	sbr.rel @!p1 .LBB2_9-.Ltmp7, $2  }
0xfc: {  	_ =	sdelay $0x2  }
0xfd: {  	[tilespmem:v2+s28+$0x0] =	vst.idx.msk vm15, v8  }
0xfe: {  	v3 =	vld [tilespmem:s0+$0x14020];
	_ =	sdelay $0x4  }
0xff: {  	v2 =	vshrl.u32 v3, $0x10  }
0x100: {  	(xrf1) =	vunique.msk.u32 $0xffff, v2;
	_ =	sdelay $0xd  }
0x101: {  	_, v4, _ =	vpop (xrf1)  }
0x102: {  	vm0 =	vgt.s32 v4, $0x0  }
0x103: {  	v4 =	vsel vm0, $0x3F800000, v1  }
0x104: {  	(xrf0) =	vmax.scan.msk.f32 $0xffff, v4;
	_ =	sdelay $0x5  }
0x105: {  	v4, _, _ =	vpop (xrf0)  }
0x106: {  	(v2sf) =	vpush v4, $0xF;
	_ =	sdelay $0x7  }
0x107: {  	v6 =	vand.u32 $0xFFFF, v3;
	_ =	sdelay $0x4  }
0x108: {  	v3 =	vld.idx.msk [tilespmem:v6+s2+$0x0], $0xffff  }
0x109: {  	v5 =	vld.idx.msk [tilespmem:v6+s22+$0x0], $0xffff  }
0x10a: {  	v4 =	vld.idx.msk [tilespmem:v6+s21+$0x0], $0xffff;
	s18 =	spop (v2sf)  }
0x10b: {  	v6 =	vld.idx.msk [tilespmem:v6+s23+$0x0], $0xffff;
	p0 =	sgt.f32 s18, $0.0e+00  }
.LBB2_11:
0x10c: {  	v7 =	vld.idx.msk [tilespmem:v2+s24+$0x0], $0xffff;
	_ =	sdelay $0x4  }
0x10d: {  	v8 =	vmax.bf16 v7, v3  }
0x10e: {  	vm0 =	vne.s32 v7, v8;
	_ =	sdelay $0x5  }
0x10f: {  	[tilespmem:v2+s24+$0x0] =	vst.idx.msk vm0, v8  }
0x110: {  	v7 =	vld.idx.msk [tilespmem:v2+s25+$0x0], $0xffff;
	_ =	sdelay $0x4  }
0x111: {  	v8 =	vmax.bf16 v7, v4  }
0x112: {  	vm1 =	vne.s32 v7, v8;
	_ =	sdelay $0x5  }
0x113: {  	[tilespmem:v2+s25+$0x0] =	vst.idx.msk vm1, v8  }
0x114: {  	v7 =	vld.idx.msk [tilespmem:v2+s26+$0x0], $0xffff;
	_ =	sdelay $0x4  }
0x115: {  	v8 =	vmax.bf16 v7, v5  }
0x116: {  	vm2 =	vne.s32 v7, v8;
	_ =	sdelay $0x5  }
0x117: {  	[tilespmem:v2+s26+$0x0] =	vst.idx.msk vm2, v8  }
0x118: {  	v7 =	vld.idx.msk [tilespmem:v2+s28+$0x0], $0xffff;
	_ =	sdelay $0x4  }
0x119: {  	vm0 =	vmor vm0, vm1;
	v8 =	vmax.bf16 v7, v6  }
0x11a: {  	vm0 =	vmor vm0, vm2;
	vm15 =	vne.s32 v7, v8  }
0x11b: {  	vm0 =	vmor vm0, vm15  }
0x11c: {  	v7 =	vsel vm0, $0x3F800000, v1  }
0x11d: {  	(xrf0) =	vmax.scan.msk.f32 $0xffff, v7;
	_ =	sdelay $0x5  }
0x11e: {  	v7, _, _ =	vpop (xrf0)  }
0x11f: {  	(v2sf) =	vpush v7, $0xF;
	_ =	sdelay $0xe  }
0x120: {  	s18 =	spop (v2sf)  }
0x121: {  	p1 =	sgt.f32 @p0 s18, $0.0e+00;
	_ =	sdelay $0x1  }
0x122: {  	p1 =	por !p0, !p1  }
.Ltmp8:
0x123: {  	_ = 	snop;
	(pc) =	sbr.rel @!p1 .LBB2_11-.Ltmp8, $2  }
0x124: {  	_ =	sdelay $0x2  }
0x125: {  	[tilespmem:v2+s28+$0x0] =	vst.idx.msk vm15, v8  }
0x126: {  	v3 =	vld [tilespmem:s0+$0x14030];
	_ =	sdelay $0x4  }
0x127: {  	v2 =	vshrl.u32 v3, $0x10  }
0x128: {  	(xrf1) =	vunique.msk.u32 $0xffff, v2;
	_ =	sdelay $0xd  }
0x129: {  	_, v4, _ =	vpop (xrf1)  }
0x12a: {  	vm0 =	vgt.s32 v4, $0x0  }
0x12b: {  	v4 =	vsel vm0, $0x3F800000, v1  }
0x12c: {  	(xrf0) =	vmax.scan.msk.f32 $0xffff, v4;
	_ =	sdelay $0x5  }
0x12d: {  	v4, _, _ =	vpop (xrf0)  }
0x12e: {  	(v2sf) =	vpush v4, $0xF;
	_ =	sdelay $0x7  }
0x12f: {  	v6 =	vand.u32 $0xFFFF, v3;
	_ =	sdelay $0x4  }
0x130: {  	v3 =	vld.idx.msk [tilespmem:v6+s2+$0x0], $0xffff  }
0x131: {  	v5 =	vld.idx.msk [tilespmem:v6+s22+$0x0], $0xffff  }
0x132: {  	v4 =	vld.idx.msk [tilespmem:v6+s21+$0x0], $0xffff;
	s18 =	spop (v2sf)  }
0x133: {  	v6 =	vld.idx.msk [tilespmem:v6+s23+$0x0], $0xffff;
	p0 =	sgt.f32 s18, $0.0e+00  }
.LBB2_13:
0x134: {  	v7 =	vld.idx.msk [tilespmem:v2+s24+$0x0], $0xffff;
	_ =	sdelay $0x4  }
0x135: {  	v8 =	vmax.bf16 v7, v3  }
0x136: {  	vm0 =	vne.s32 v7, v8;
	_ =	sdelay $0x5  }
0x137: {  	[tilespmem:v2+s24+$0x0] =	vst.idx.msk vm0, v8  }
0x138: {  	v7 =	vld.idx.msk [tilespmem:v2+s25+$0x0], $0xffff;
	_ =	sdelay $0x4  }
0x139: {  	v8 =	vmax.bf16 v7, v4  }
0x13a: {  	vm1 =	vne.s32 v7, v8;
	_ =	sdelay $0x5  }
0x13b: {  	[tilespmem:v2+s25+$0x0] =	vst.idx.msk vm1, v8  }
0x13c: {  	v7 =	vld.idx.msk [tilespmem:v2+s26+$0x0], $0xffff;
	_ =	sdelay $0x4  }
0x13d: {  	v8 =	vmax.bf16 v7, v5  }
0x13e: {  	vm2 =	vne.s32 v7, v8;
	_ =	sdelay $0x5  }
0x13f: {  	[tilespmem:v2+s26+$0x0] =	vst.idx.msk vm2, v8  }
0x140: {  	v7 =	vld.idx.msk [tilespmem:v2+s28+$0x0], $0xffff;
	_ =	sdelay $0x4  }
0x141: {  	vm0 =	vmor vm0, vm1;
	v8 =	vmax.bf16 v7, v6  }
0x142: {  	vm0 =	vmor vm0, vm2;
	vm15 =	vne.s32 v7, v8  }
0x143: {  	vm0 =	vmor vm0, vm15  }
0x144: {  	v7 =	vsel vm0, $0x3F800000, v1  }
0x145: {  	(xrf0) =	vmax.scan.msk.f32 $0xffff, v7;
	_ =	sdelay $0x5  }
0x146: {  	v7, _, _ =	vpop (xrf0)  }
0x147: {  	(v2sf) =	vpush v7, $0xF;
	_ =	sdelay $0xe  }
0x148: {  	s0 =	spop (v2sf)  }
0x149: {  	p1 =	sgt.f32 @p0 s0, $0.0e+00;
	_ =	sdelay $0x1  }
0x14a: {  	p1 =	por !p0, !p1  }
.Ltmp9:
0x14b: {  	_ = 	snop;
	(pc) =	sbr.rel @!p1 .LBB2_13-.Ltmp9, $2  }
0x14c: {  	_ =	sdelay $0x2  }
0x14d: {  	[tilespmem:v2+s28+$0x0] =	vst.idx.msk vm15, v8  }
.Ltmp10:
0x14e: {  	_ = 	snop;
	(pc) =	sbr.rel .LBB2_14-.Ltmp10, $1  }
0x14f: {  	_ =	sdelay $0x3  }
.LBB2_15:
0x150: {  	s1 =	sshll.u32 s31, $0x1;
	p0 =	seq.s32 s31, $0x9  }
0x151: {  	s0 =	sadd.s32 @!p0 s1, s11  }
0x152: {  	s18 =	simm.s32 @!p0 $0x0;
	s0 =	sshll.u32 @!p0 s0, $0xA  }
.Ltmp11:
0x153: {  	s6 =	simm.s32 @!p0 $0x14000;
	s0 =	sadd.s32 @!p0 s3, s0;
	(pc) =	sbr.rel .LBB2_16-.Ltmp11, $4  }
0x154: {  	[tilespmem:s6], [sflag:$0x1] =	stream.linear.gather @!p0 [hbm4b:s0+s18], $0x2000, $0x38;
	[tilespmem:$0x18000] =	vst v63  }
0x155: {  	_ =	swait.ge [sflag:s29], $0x2000  }
0x156: {  	[sflag:s29] =	ssyncset.done $0x0  }
0x157: {  	s0 =	simm.s32 $0x0;
	[sflag:s29] =	ssyncadd.s32 $0xFFFFE000  }
.LBB2_25:
0x158: {  	s0 =	sadd.s32 $0x1, s0  }
0x159: {  	p1 =	sne.s32 s0, $0x80  }
.Ltmp12:
0x15a: {  	_ = 	snop;
	(pc) =	sbr.rel @!p1 .LBB2_26-.Ltmp12, $1  }
0x15b: {  	_ =	sdelay $0x3  }
.LBB2_16:
0x15c: {  	s6 =	sshll.u32 s0, $0x6  }
0x15d: {  	s18 =	sand.u32 $0x3FFFFFC0, s6  }
0x15e: {  	v2 =	vld [tilespmem:s18+$0x16000];
	_ =	sdelay $0x4  }
0x15f: {  	v3 =	vand.u32 $0xFFFF, v2;
	_ =	sdelay $0x3  }
0x160: {  	v2 =	vshrl.u32 v2, $0x10  }
0x161: {  	v4 =	vld.idx.msk [tilespmem:v3+s2+$0x0], $0xffff  }
0x162: {  	v5 =	vld.idx.msk [tilespmem:v3+s21+$0x0], $0xffff  }
0x163: {  	v6 =	vld.idx.msk [tilespmem:v3+s22+$0x0], $0xffff  }
0x164: {  	v3 =	vld.idx.msk [tilespmem:v3+s23+$0x0], $0xffff  }
0x165: {  	v7 =	vld.idx.msk [tilespmem:v2+s24+$0x0], $0xffff  }
0x166: {  	v8 =	vld.idx.msk [tilespmem:v2+s25+$0x0], $0xffff  }
0x167: {  	v9 =	vld.idx.msk [tilespmem:v2+s26+$0x0], $0xffff  }
0x168: {  	v10 =	vld.idx.msk [tilespmem:v2+s28+$0x0], $0xffff;
	_ =	sdelay $0x1  }
0x169: {  	v4 =	vmax.bf16 v7, v4  }
0x16a: {  	v5 =	vmax.bf16 v8, v5;
	vm2 =	vne.s32 v7, v4  }
0x16b: {  	v6 =	vmax.bf16 v9, v6;
	vm3 =	vne.s32 v8, v5  }
0x16c: {  	v3 =	vmax.bf16 v10, v3;
	vm1 =	vne.s32 v9, v6  }
0x16d: {  	vm0 =	vne.s32 v10, v3;
	_ =	sdelay $0x2  }
0x16e: {  	[tilespmem:v2+s24+$0x0] =	vst.idx.msk vm2, v4  }
0x16f: {  	[tilespmem:v2+s25+$0x0] =	vst.idx.msk vm3, v5  }
0x170: {  	[tilespmem:v2+s26+$0x0] =	vst.idx.msk vm1, v6  }
0x171: {  	[tilespmem:v2+s28+$0x0] =	vst.idx.msk vm0, v3  }
0x172: {  	v3 =	vld [tilespmem:s18+$0x16010];
	_ =	sdelay $0x4  }
0x173: {  	v44 =	vand.u32 $0xFFFF, v3;
	_ =	sdelay $0x3  }
0x174: {  	v3 =	vshrl.u32 v3, $0x10  }
0x175: {  	v5 =	vld.idx.msk [tilespmem:v44+s2+$0x0], $0xffff  }
0x176: {  	v6 =	vld.idx.msk [tilespmem:v44+s21+$0x0], $0xffff  }
0x177: {  	v45 =	vld.idx.msk [tilespmem:v44+s22+$0x0], $0xffff  }
0x178: {  	v4 =	vld.idx.msk [tilespmem:v44+s23+$0x0], $0xffff  }
0x179: {  	v46 =	vld.idx.msk [tilespmem:v3+s24+$0x0], $0xffff  }
0x17a: {  	v47 =	vld.idx.msk [tilespmem:v3+s25+$0x0], $0xffff  }
0x17b: {  	v48 =	vld.idx.msk [tilespmem:v3+s26+$0x0], $0xffff  }
0x17c: {  	v11 =	vld.idx.msk [tilespmem:v3+s28+$0x0], $0xffff;
	_ =	sdelay $0x1  }
0x17d: {  	v5 =	vmax.bf16 v46, v5  }
0x17e: {  	v6 =	vmax.bf16 v47, v6;
	vm5 =	vne.s32 v46, v5  }
0x17f: {  	v7 =	vmax.bf16 v48, v45;
	vm7 =	vne.s32 v47, v6  }
0x180: {  	v4 =	vmax.bf16 v11, v4;
	vm6 =	vne.s32 v48, v7  }
0x181: {  	vm4 =	vne.s32 v11, v4;
	_ =	sdelay $0x2  }
0x182: {  	[tilespmem:v3+s24+$0x0] =	vst.idx.msk vm5, v5  }
0x183: {  	[tilespmem:v3+s25+$0x0] =	vst.idx.msk vm7, v6  }
0x184: {  	[tilespmem:v3+s26+$0x0] =	vst.idx.msk vm6, v7  }
0x185: {  	[tilespmem:v3+s28+$0x0] =	vst.idx.msk vm4, v4  }
0x186: {  	v4 =	vld [tilespmem:s18+$0x16020];
	_ =	sdelay $0x4  }
0x187: {  	v49 =	vand.u32 $0xFFFF, v4;
	_ =	sdelay $0x3  }
0x188: {  	v4 =	vshrl.u32 v4, $0x10  }
0x189: {  	v6 =	vld.idx.msk [tilespmem:v49+s2+$0x0], $0xffff  }
0x18a: {  	v7 =	vld.idx.msk [tilespmem:v49+s21+$0x0], $0xffff  }
0x18b: {  	v50 =	vld.idx.msk [tilespmem:v49+s22+$0x0], $0xffff  }
0x18c: {  	v5 =	vld.idx.msk [tilespmem:v49+s23+$0x0], $0xffff  }
0x18d: {  	v51 =	vld.idx.msk [tilespmem:v4+s24+$0x0], $0xffff  }
0x18e: {  	v52 =	vld.idx.msk [tilespmem:v4+s25+$0x0], $0xffff  }
0x18f: {  	v53 =	vld.idx.msk [tilespmem:v4+s26+$0x0], $0xffff  }
0x190: {  	v12 =	vld.idx.msk [tilespmem:v4+s28+$0x0], $0xffff;
	_ =	sdelay $0x1  }
0x191: {  	v6 =	vmax.bf16 v51, v6  }
0x192: {  	v7 =	vmax.bf16 v52, v7;
	vm8 =	vne.s32 v51, v6  }
0x193: {  	v8 =	vmax.bf16 v53, v50;
	vm11 =	vne.s32 v52, v7  }
0x194: {  	v5 =	vmax.bf16 v12, v5;
	vm9 =	vne.s32 v53, v8  }
0x195: {  	vm10 =	vne.s32 v12, v5;
	_ =	sdelay $0x2  }
0x196: {  	[tilespmem:v4+s24+$0x0] =	vst.idx.msk vm8, v6  }
0x197: {  	[tilespmem:v4+s25+$0x0] =	vst.idx.msk vm11, v7  }
0x198: {  	(xrf1) =	vunique.msk.u32 $0xffff, v2;
	[tilespmem:v4+s26+$0x0] =	vst.idx.msk vm9, v8  }
0x199: {  	[tilespmem:v4+s28+$0x0] =	vst.idx.msk vm10, v5  }
0x19a: {  	(xrf1) =	vunique.msk.u32 $0xffff, v3;
	v2 =	vld [tilespmem:s18+$0x16030];
	_ =	sdelay $0x3  }
0x19b: {  	(xrf1) =	vunique.msk.u32 $0xffff, v4  }
0x19c: {  	v3 =	vshrl.u32 v2, $0x10;
	v2 =	vand.u32 $0xFFFF, v2;
	_ =	sdelay $0x3  }
0x19d: {  	(xrf1) =	vunique.msk.u32 $0xffff, v3  }
0x19e: {  	v54 =	vld.idx.msk [tilespmem:v2+s2+$0x0], $0xffff  }
0x19f: {  	v5 =	vld.idx.msk [tilespmem:v2+s21+$0x0], $0xffff  }
0x1a0: {  	_, v55, vm12 =	vpop (xrf1);
	v7 =	vld.idx.msk [tilespmem:v2+s22+$0x0], $0xffff  }
0x1a1: {  	vm2 =	vmor vm2, vm3;
	vm3 =	vmneg vm12;
	vm12 =	vgt.s32 v55, $0x0;
	v2 =	vld.idx.msk [tilespmem:v2+s23+$0x0], $0xffff  }
0x1a2: {  	vm3 =	vmor vm12, vm3;
	vm1 =	vmor vm2, vm1;
	vm15 =	vmor vm5, vm7;
	_, v56, vm12 =	vpop (xrf1);
	v8 =	vld.idx.msk [tilespmem:v3+s24+$0x0], $0xffff  }
0x1a3: {  	vm2 =	vmor vm15, vm6;
	vm13 =	vgt.s32 v56, $0x0;
	vm5 =	vmneg vm12;
	v57 =	vld.idx.msk [tilespmem:v3+s25+$0x0], $0xffff  }
0x1a4: {  	vm0 =	vmor vm1, vm0;
	vm2 =	vmor vm2, vm4;
	vm14 =	vmor vm13, vm5;
	v59 =	vld.idx.msk [tilespmem:v3+s26+$0x0], $0xffff  }
0x1a5: {  	vm0 =	vmand vm3, vm0;
	vm1 =	vmand vm14, vm2;
	v60 =	vld.idx.msk [tilespmem:v3+s28+$0x0], $0xffff  }
0x1a6: {  	vm0 =	vmor vm0, vm1;
	_, v58, vm15 =	vpop (xrf1);
	vm11 =	vmor vm8, vm11  }
0x1a7: {  	vm7 =	vgt.s32 v58, $0x0;
	vm12 =	vmneg vm15;
	vm1 =	vmor vm11, vm9  }
0x1a8: {  	vm2 =	vmor vm7, vm12;
	vm1 =	vmor vm1, vm10  }
0x1a9: {  	v4 =	vmax.bf16 v8, v54;
	v5 =	vmax.bf16 v57, v5;
	v62 =	vmax.bf16 v59, v7  }
0x1aa: {  	v2 =	vmax.bf16 v60, v2;
	vm3 =	vne.s32 v8, v4;
	vm5 =	vne.s32 v57, v5  }
0x1ab: {  	vm7 =	vne.s32 v59, v62;
	vm12 =	vne.s32 v60, v2;
	vm14 =	vmor vm3, vm5;
	_, v61, vm13 =	vpop (xrf1)  }
0x1ac: {  	vm6 =	vmor vm14, vm7;
	vm4 =	vmneg vm13;
	vm15 =	vgt.s32 v61, $0x0  }
0x1ad: {  	vm1 =	vmand vm2, vm1;
	vm14 =	vmor vm6, vm12;
	vm13 =	vmor vm15, vm4  }
0x1ae: {  	vm0 =	vmor vm0, vm1;
	vm15 =	vmand vm13, vm14  }
0x1af: {  	vm0 =	vmor vm0, vm15  }
0x1b0: {  	v63 =	vsel vm0, $0x3F800000, v1  }
0x1b1: {  	(xrf0) =	vmax.scan.msk.f32 $0xffff, v63;
	_ =	sdelay $0x5  }
0x1b2: {  	v7, _, _ =	vpop (xrf0)  }
0x1b3: {  	(v2sf) =	vpush v7, $0xF;
	_ =	sdelay $0xe  }
0x1b4: {  	s6 =	spop (v2sf)  }
0x1b5: {  	p1 =	sgt.f32 s6, $0.0e+00  }
.Ltmp13:
0x1b6: {  	_ = 	snop;
	(pc) =	sbr.rel @!p1 .LBB2_25-.Ltmp13, $4  }
0x1b7: {  	[tilespmem:v3+s24+$0x0] =	vst.idx.msk vm3, v4  }
0x1b8: {  	[tilespmem:v3+s25+$0x0] =	vst.idx.msk vm5, v5  }
0x1b9: {  	[tilespmem:v3+s26+$0x0] =	vst.idx.msk vm7, v62  }
0x1ba: {  	[tilespmem:v3+s28+$0x0] =	vst.idx.msk vm12, v2  }
0x1bb: {  	v3 =	vld [tilespmem:s18+$0x16000];
	_ =	sdelay $0x4  }
0x1bc: {  	v2 =	vshrl.u32 v3, $0x10  }
0x1bd: {  	(xrf1) =	vunique.msk.u32 $0xffff, v2;
	_ =	sdelay $0xd  }
0x1be: {  	_, v4, _ =	vpop (xrf1)  }
0x1bf: {  	vm0 =	vgt.s32 v4, $0x0  }
0x1c0: {  	v4 =	vsel vm0, $0x3F800000, v1  }
0x1c1: {  	(xrf0) =	vmax.scan.msk.f32 $0xffff, v4;
	_ =	sdelay $0x5  }
0x1c2: {  	v4, _, _ =	vpop (xrf0)  }
0x1c3: {  	(v2sf) =	vpush v4, $0xF;
	_ =	sdelay $0x7  }
0x1c4: {  	v6 =	vand.u32 $0xFFFF, v3;
	_ =	sdelay $0x4  }
0x1c5: {  	v3 =	vld.idx.msk [tilespmem:v6+s2+$0x0], $0xffff  }
0x1c6: {  	v5 =	vld.idx.msk [tilespmem:v6+s22+$0x0], $0xffff  }
0x1c7: {  	v4 =	vld.idx.msk [tilespmem:v6+s21+$0x0], $0xffff;
	s6 =	spop (v2sf)  }
0x1c8: {  	v6 =	vld.idx.msk [tilespmem:v6+s23+$0x0], $0xffff;
	p1 =	sgt.f32 s6, $0.0e+00  }
.LBB2_18:
0x1c9: {  	v7 =	vld.idx.msk [tilespmem:v2+s24+$0x0], $0xffff;
	_ =	sdelay $0x4  }
0x1ca: {  	v8 =	vmax.bf16 v7, v3  }
0x1cb: {  	vm0 =	vne.s32 v7, v8;
	_ =	sdelay $0x5  }
0x1cc: {  	[tilespmem:v2+s24+$0x0] =	vst.idx.msk vm0, v8  }
0x1cd: {  	v7 =	vld.idx.msk [tilespmem:v2+s25+$0x0], $0xffff;
	_ =	sdelay $0x4  }
0x1ce: {  	v8 =	vmax.bf16 v7, v4  }
0x1cf: {  	vm1 =	vne.s32 v7, v8;
	_ =	sdelay $0x5  }
0x1d0: {  	[tilespmem:v2+s25+$0x0] =	vst.idx.msk vm1, v8  }
0x1d1: {  	v7 =	vld.idx.msk [tilespmem:v2+s26+$0x0], $0xffff;
	_ =	sdelay $0x4  }
0x1d2: {  	v8 =	vmax.bf16 v7, v5  }
0x1d3: {  	vm2 =	vne.s32 v7, v8;
	_ =	sdelay $0x5  }
0x1d4: {  	[tilespmem:v2+s26+$0x0] =	vst.idx.msk vm2, v8  }
0x1d5: {  	v7 =	vld.idx.msk [tilespmem:v2+s28+$0x0], $0xffff;
	_ =	sdelay $0x4  }
0x1d6: {  	vm0 =	vmor vm0, vm1;
	v8 =	vmax.bf16 v7, v6  }
0x1d7: {  	vm0 =	vmor vm0, vm2;
	vm15 =	vne.s32 v7, v8  }
0x1d8: {  	vm0 =	vmor vm0, vm15  }
0x1d9: {  	v7 =	vsel vm0, $0x3F800000, v1  }
0x1da: {  	(xrf0) =	vmax.scan.msk.f32 $0xffff, v7;
	_ =	sdelay $0x5  }
0x1db: {  	v7, _, _ =	vpop (xrf0)  }
0x1dc: {  	(v2sf) =	vpush v7, $0xF;
	_ =	sdelay $0xe  }
0x1dd: {  	s6 =	spop (v2sf)  }
0x1de: {  	p2 =	sgt.f32 @p1 s6, $0.0e+00;
	_ =	sdelay $0x1  }
0x1df: {  	p2 =	por !p1, !p2  }
.Ltmp14:
0x1e0: {  	_ = 	snop;
	(pc) =	sbr.rel @!p2 .LBB2_18-.Ltmp14, $2  }
0x1e1: {  	_ =	sdelay $0x2  }
0x1e2: {  	[tilespmem:v2+s28+$0x0] =	vst.idx.msk vm15, v8  }
0x1e3: {  	v3 =	vld [tilespmem:s18+$0x16010];
	_ =	sdelay $0x4  }
0x1e4: {  	v2 =	vshrl.u32 v3, $0x10  }
0x1e5: {  	(xrf1) =	vunique.msk.u32 $0xffff, v2;
	_ =	sdelay $0xd  }
0x1e6: {  	_, v4, _ =	vpop (xrf1)  }
0x1e7: {  	vm0 =	vgt.s32 v4, $0x0  }
0x1e8: {  	v4 =	vsel vm0, $0x3F800000, v1  }
0x1e9: {  	(xrf0) =	vmax.scan.msk.f32 $0xffff, v4;
	_ =	sdelay $0x5  }
0x1ea: {  	v4, _, _ =	vpop (xrf0)  }
0x1eb: {  	(v2sf) =	vpush v4, $0xF;
	_ =	sdelay $0x7  }
0x1ec: {  	v6 =	vand.u32 $0xFFFF, v3;
	_ =	sdelay $0x4  }
0x1ed: {  	v3 =	vld.idx.msk [tilespmem:v6+s2+$0x0], $0xffff  }
0x1ee: {  	v5 =	vld.idx.msk [tilespmem:v6+s22+$0x0], $0xffff  }
0x1ef: {  	v4 =	vld.idx.msk [tilespmem:v6+s21+$0x0], $0xffff;
	s6 =	spop (v2sf)  }
0x1f0: {  	v6 =	vld.idx.msk [tilespmem:v6+s23+$0x0], $0xffff;
	p1 =	sgt.f32 s6, $0.0e+00  }
.LBB2_20:
0x1f1: {  	v7 =	vld.idx.msk [tilespmem:v2+s24+$0x0], $0xffff;
	_ =	sdelay $0x4  }
0x1f2: {  	v8 =	vmax.bf16 v7, v3  }
0x1f3: {  	vm0 =	vne.s32 v7, v8;
	_ =	sdelay $0x5  }
0x1f4: {  	[tilespmem:v2+s24+$0x0] =	vst.idx.msk vm0, v8  }
0x1f5: {  	v7 =	vld.idx.msk [tilespmem:v2+s25+$0x0], $0xffff;
	_ =	sdelay $0x4  }
0x1f6: {  	v8 =	vmax.bf16 v7, v4  }
0x1f7: {  	vm1 =	vne.s32 v7, v8;
	_ =	sdelay $0x5  }
0x1f8: {  	[tilespmem:v2+s25+$0x0] =	vst.idx.msk vm1, v8  }
0x1f9: {  	v7 =	vld.idx.msk [tilespmem:v2+s26+$0x0], $0xffff;
	_ =	sdelay $0x4  }
0x1fa: {  	v8 =	vmax.bf16 v7, v5  }
0x1fb: {  	vm2 =	vne.s32 v7, v8;
	_ =	sdelay $0x5  }
0x1fc: {  	[tilespmem:v2+s26+$0x0] =	vst.idx.msk vm2, v8  }
0x1fd: {  	v7 =	vld.idx.msk [tilespmem:v2+s28+$0x0], $0xffff;
	_ =	sdelay $0x4  }
0x1fe: {  	vm0 =	vmor vm0, vm1;
	v8 =	vmax.bf16 v7, v6  }
0x1ff: {  	vm0 =	vmor vm0, vm2;
	vm15 =	vne.s32 v7, v8  }
0x200: {  	vm0 =	vmor vm0, vm15  }
0x201: {  	v7 =	vsel vm0, $0x3F800000, v1  }
0x202: {  	(xrf0) =	vmax.scan.msk.f32 $0xffff, v7;
	_ =	sdelay $0x5  }
0x203: {  	v7, _, _ =	vpop (xrf0)  }
0x204: {  	(v2sf) =	vpush v7, $0xF;
	_ =	sdelay $0xe  }
0x205: {  	s6 =	spop (v2sf)  }
0x206: {  	p2 =	sgt.f32 @p1 s6, $0.0e+00;
	_ =	sdelay $0x1  }
0x207: {  	p2 =	por !p1, !p2  }
.Ltmp15:
0x208: {  	_ = 	snop;
	(pc) =	sbr.rel @!p2 .LBB2_20-.Ltmp15, $2  }
0x209: {  	_ =	sdelay $0x2  }
0x20a: {  	[tilespmem:v2+s28+$0x0] =	vst.idx.msk vm15, v8  }
0x20b: {  	v3 =	vld [tilespmem:s18+$0x16020];
	_ =	sdelay $0x4  }
0x20c: {  	v2 =	vshrl.u32 v3, $0x10  }
0x20d: {  	(xrf1) =	vunique.msk.u32 $0xffff, v2;
	_ =	sdelay $0xd  }
0x20e: {  	_, v4, _ =	vpop (xrf1)  }
0x20f: {  	vm0 =	vgt.s32 v4, $0x0  }
0x210: {  	v4 =	vsel vm0, $0x3F800000, v1  }
0x211: {  	(xrf0) =	vmax.scan.msk.f32 $0xffff, v4;
	_ =	sdelay $0x5  }
0x212: {  	v4, _, _ =	vpop (xrf0)  }
0x213: {  	(v2sf) =	vpush v4, $0xF;
	_ =	sdelay $0x7  }
0x214: {  	v6 =	vand.u32 $0xFFFF, v3;
	_ =	sdelay $0x4  }
0x215: {  	v3 =	vld.idx.msk [tilespmem:v6+s2+$0x0], $0xffff  }
0x216: {  	v5 =	vld.idx.msk [tilespmem:v6+s22+$0x0], $0xffff  }
0x217: {  	v4 =	vld.idx.msk [tilespmem:v6+s21+$0x0], $0xffff;
	s6 =	spop (v2sf)  }
0x218: {  	v6 =	vld.idx.msk [tilespmem:v6+s23+$0x0], $0xffff;
	p1 =	sgt.f32 s6, $0.0e+00  }
.LBB2_22:
0x219: {  	v7 =	vld.idx.msk [tilespmem:v2+s24+$0x0], $0xffff;
	_ =	sdelay $0x4  }
0x21a: {  	v8 =	vmax.bf16 v7, v3  }
0x21b: {  	vm0 =	vne.s32 v7, v8;
	_ =	sdelay $0x5  }
0x21c: {  	[tilespmem:v2+s24+$0x0] =	vst.idx.msk vm0, v8  }
0x21d: {  	v7 =	vld.idx.msk [tilespmem:v2+s25+$0x0], $0xffff;
	_ =	sdelay $0x4  }
0x21e: {  	v8 =	vmax.bf16 v7, v4  }
0x21f: {  	vm1 =	vne.s32 v7, v8;
	_ =	sdelay $0x5  }
0x220: {  	[tilespmem:v2+s25+$0x0] =	vst.idx.msk vm1, v8  }
0x221: {  	v7 =	vld.idx.msk [tilespmem:v2+s26+$0x0], $0xffff;
	_ =	sdelay $0x4  }
0x222: {  	v8 =	vmax.bf16 v7, v5  }
0x223: {  	vm2 =	vne.s32 v7, v8;
	_ =	sdelay $0x5  }
0x224: {  	[tilespmem:v2+s26+$0x0] =	vst.idx.msk vm2, v8  }
0x225: {  	v7 =	vld.idx.msk [tilespmem:v2+s28+$0x0], $0xffff;
	_ =	sdelay $0x4  }
0x226: {  	vm0 =	vmor vm0, vm1;
	v8 =	vmax.bf16 v7, v6  }
0x227: {  	vm0 =	vmor vm0, vm2;
	vm15 =	vne.s32 v7, v8  }
0x228: {  	vm0 =	vmor vm0, vm15  }
0x229: {  	v7 =	vsel vm0, $0x3F800000, v1  }
0x22a: {  	(xrf0) =	vmax.scan.msk.f32 $0xffff, v7;
	_ =	sdelay $0x5  }
0x22b: {  	v7, _, _ =	vpop (xrf0)  }
0x22c: {  	(v2sf) =	vpush v7, $0xF;
	_ =	sdelay $0xe  }
0x22d: {  	s6 =	spop (v2sf)  }
0x22e: {  	p2 =	sgt.f32 @p1 s6, $0.0e+00;
	_ =	sdelay $0x1  }
0x22f: {  	p2 =	por !p1, !p2  }
.Ltmp16:
0x230: {  	_ = 	snop;
	(pc) =	sbr.rel @!p2 .LBB2_22-.Ltmp16, $2  }
0x231: {  	_ =	sdelay $0x2  }
0x232: {  	[tilespmem:v2+s28+$0x0] =	vst.idx.msk vm15, v8  }
0x233: {  	v3 =	vld [tilespmem:s18+$0x16030];
	_ =	sdelay $0x4  }
0x234: {  	v2 =	vshrl.u32 v3, $0x10  }
0x235: {  	(xrf1) =	vunique.msk.u32 $0xffff, v2;
	_ =	sdelay $0xd  }
0x236: {  	_, v4, _ =	vpop (xrf1)  }
0x237: {  	vm0 =	vgt.s32 v4, $0x0  }
0x238: {  	v4 =	vsel vm0, $0x3F800000, v1  }
0x239: {  	(xrf0) =	vmax.scan.msk.f32 $0xffff, v4;
	_ =	sdelay $0x5  }
0x23a: {  	v4, _, _ =	vpop (xrf0)  }
0x23b: {  	(v2sf) =	vpush v4, $0xF;
	_ =	sdelay $0x7  }
0x23c: {  	v6 =	vand.u32 $0xFFFF, v3;
	_ =	sdelay $0x4  }
0x23d: {  	v3 =	vld.idx.msk [tilespmem:v6+s2+$0x0], $0xffff  }
0x23e: {  	v5 =	vld.idx.msk [tilespmem:v6+s22+$0x0], $0xffff  }
0x23f: {  	v4 =	vld.idx.msk [tilespmem:v6+s21+$0x0], $0xffff;
	s6 =	spop (v2sf)  }
0x240: {  	v6 =	vld.idx.msk [tilespmem:v6+s23+$0x0], $0xffff;
	p1 =	sgt.f32 s6, $0.0e+00  }
.LBB2_24:
0x241: {  	v7 =	vld.idx.msk [tilespmem:v2+s24+$0x0], $0xffff;
	_ =	sdelay $0x4  }
0x242: {  	v8 =	vmax.bf16 v7, v3  }
0x243: {  	vm0 =	vne.s32 v7, v8;
	_ =	sdelay $0x5  }
0x244: {  	[tilespmem:v2+s24+$0x0] =	vst.idx.msk vm0, v8  }
0x245: {  	v7 =	vld.idx.msk [tilespmem:v2+s25+$0x0], $0xffff;
	_ =	sdelay $0x4  }
0x246: {  	v8 =	vmax.bf16 v7, v4  }
0x247: {  	vm1 =	vne.s32 v7, v8;
	_ =	sdelay $0x5  }
0x248: {  	[tilespmem:v2+s25+$0x0] =	vst.idx.msk vm1, v8  }
0x249: {  	v7 =	vld.idx.msk [tilespmem:v2+s26+$0x0], $0xffff;
	_ =	sdelay $0x4  }
0x24a: {  	v8 =	vmax.bf16 v7, v5  }
0x24b: {  	vm2 =	vne.s32 v7, v8;
	_ =	sdelay $0x5  }
0x24c: {  	[tilespmem:v2+s26+$0x0] =	vst.idx.msk vm2, v8  }
0x24d: {  	v7 =	vld.idx.msk [tilespmem:v2+s28+$0x0], $0xffff;
	_ =	sdelay $0x4  }
0x24e: {  	vm0 =	vmor vm0, vm1;
	v8 =	vmax.bf16 v7, v6  }
0x24f: {  	vm0 =	vmor vm0, vm2;
	vm15 =	vne.s32 v7, v8  }
0x250: {  	vm0 =	vmor vm0, vm15  }
0x251: {  	v7 =	vsel vm0, $0x3F800000, v1  }
0x252: {  	(xrf0) =	vmax.scan.msk.f32 $0xffff, v7;
	_ =	sdelay $0x5  }
0x253: {  	v7, _, _ =	vpop (xrf0)  }
0x254: {  	(v2sf) =	vpush v7, $0xF;
	_ =	sdelay $0xe  }
0x255: {  	s6 =	spop (v2sf)  }
0x256: {  	p2 =	sgt.f32 @p1 s6, $0.0e+00;
	_ =	sdelay $0x1  }
0x257: {  	p2 =	por !p1, !p2  }
.Ltmp17:
0x258: {  	_ = 	snop;
	(pc) =	sbr.rel @!p2 .LBB2_24-.Ltmp17, $2  }
0x259: {  	_ =	sdelay $0x2  }
0x25a: {  	[tilespmem:v2+s28+$0x0] =	vst.idx.msk vm15, v8  }
.Ltmp18:
0x25b: {  	_ = 	snop;
	(pc) =	sbr.rel .LBB2_25-.Ltmp18, $1  }
0x25c: {  	_ =	sdelay $0x3  }
.LBB2_26:
.Ltmp19:
0x25d: {  	(pc) =	sbr.rel @p0 .LBB2_28-.Ltmp19, $1  }
0x25e: {  	_ =	sdelay $0x3  }
.Ltmp20:
0x25f: {  	(pc) =	sbr.rel .LBB2_4-.Ltmp20, $4  }
0x260: {  	s0 =	sadd.s32 s1, s12  }
0x261: {  	s0 =	sshll.u32 s0, $0xA  }
0x262: {  	s31 =	sadd.s32 $0x1, s31;
	s0 =	sadd.s32 s3, s0  }
0x263: {  	[tilespmem:s19], [sflag:$0x2] =	stream.linear.gather [hbm4b:s0+s2], $0x2000, $0x38;
	[tilespmem:$0x18000] =	vst v63  }
.LBB2_29:
0x264: {  	_ =	sfence.sel $0x180000  }
0x265: {  	[bflag:$0x0] =	sbarrier.arrive $0xFFFF  }
0x266: {  	_ =	strace $0x90000047  }
0x267: {  	s0 =	stileid.u32;
	[bflag:$0x2] =	sbarrier.arrive $0xFFFF  }
0x268: {  	p0 =	sne.s32 s0, $0x0;
	s0 =	rddreg [dreg:$0x2]  }
0x269: {  	s0 =	sadd.s32 @!p0 $0x100000, s0  }
0x26a: {  	[sflag:s0] =	ssyncadd.tile.s32 @!p0 $0x1;
	_ =	shalt  }
.Lfunc_end2:
_tile_overlayer_lowered:
.L_overlay_start_2:
0x26b: {  	(tag) =	ssettag $0x2  }
0x26c: {  	s0 =	rddreg [dreg:$0x0];
	s2 =	stileid.u32  }
0x26d: {  	s1 =	rddreg [dreg:$0x1];
	p0 =	sne.s32 s2, $0x0  }
0x26e: {  	s3 =	rddreg [dreg:$0x2];
	[bflag:$0x3] =	sbarrier.arrive $0xFFFF;
	s2 =	simm.s32 @!p0 $0x1C03  }
0x26f: {  	[timem:s3], [sflag:s2] =	dma.local @!p0 [hbm:s0], s1  }
0x270: {  	s0 =	simm.s32 @!p0 $0x3  }
0x271: {  	_ =	swait.ge @!p0 [sflag:s0], s1  }
0x272: {  	s1 =	ssub.s32 @!p0 $0x0, s1;
	[sflag:s0] =	ssyncset.done @!p0 $0x0  }
0x273: {  	[sflag:s0] =	ssyncadd.s32 @!p0 s1  }
0x274: {  	[bflag:$0x3] =	sbarrier.arrive $0xFFFF  }
0x275: {  	_ =	shalt  }

</sc_bundles>
